<compile_context>
chip_gen: v7x
topology: tpu7x:2x2x1
jax: 0.10.2.dev20260603
libtpu: 0.0.44.dev20260713+nightly
codegen_flags: <defaults>
</compile_context>

<pallas_src>
import functools

import jax
import jax.numpy as jnp
from jax import lax
from jax.experimental import pallas as pl
from jax.experimental.pallas import tpu as pltpu
from jax.experimental.pallas import tpu_sc as plsc

B, N, C_IN, C_OUT, DIM, KNN, UP, POSH, MULT = 2, 2048, 128, 128, 64, 20, 2, 64, 4
PPAD = 16
GD = DIM + DIM + PPAD
M_PAIRS = float(B * N * KNN)

_TP = 512


def _prep_body(keyq, upfeat, pospad,
               w_v1T, b_v1, w_v2T, b_v2, w_vsT, b_vs,
               w_kT, b_k, w_qT, b_q, w_valT, b_val, w_upT, b_up,
               g_out, q_out, id_out):
    x = keyq[...]
    key_t = x[:, :C_IN]
    query_t = x[:, C_IN:]
    dot = functools.partial(jnp.dot, preferred_element_type=jnp.float32)
    shortcut = dot(x, w_vsT[...]) + b_vs[...]
    v1 = jax.nn.relu(dot(x, w_v1T[...]) + b_v1[...])
    value = dot(v1, w_v2T[...]) + b_v2[...] + shortcut
    keyf = dot(key_t, w_kT[...]) + b_k[...]
    queryf = dot(query_t, w_qT[...]) + b_q[...]
    valuef = dot(value, w_valT[...]) + b_val[...]
    upf = dot(upfeat[...], w_upT[...]) + b_up[...]
    g_out[...] = jnp.concatenate([keyf + upf, valuef - upf], axis=1)
    q_out[...] = jnp.concatenate([queryf + upf, upf, pospad[...]], axis=1)
    id_out[...] = value


def _run_prep(keyq, upfeat_t, pospad, wdict):
    n_rows = B * N
    grid = (n_rows // _TP,)
    row_spec = lambda w: pl.BlockSpec((_TP, w), lambda i: (i, 0))
    full = lambda a: pl.BlockSpec(a.shape, lambda i: (0,) * a.ndim)
    w_ops = [wdict[k] for k in ('w_v1T', 'b_v1', 'w_v2T', 'b_v2', 'w_vsT', 'b_vs',
                                'w_kT', 'b_k', 'w_qT', 'b_q', 'w_valT', 'b_val',
                                'w_upT', 'b_up')]
    return pl.pallas_call(
        _prep_body,
        grid=grid,
        in_specs=[row_spec(2 * C_IN), row_spec(C_IN), row_spec(PPAD)] +
                 [full(w) for w in w_ops],
        compiler_params=pltpu.CompilerParams(
            dimension_semantics=("parallel",)),
        out_specs=[row_spec(2 * DIM), row_spec(GD), row_spec(C_IN)],
        out_shape=[
            jax.ShapeDtypeStruct((n_rows, 2 * DIM), jnp.float32),
            jax.ShapeDtypeStruct((n_rows, GD), jnp.float32),
            jax.ShapeDtypeStruct((n_rows, C_IN), jnp.float32),
        ],
    )(keyq, upfeat_t, pospad, *w_ops)


_TK = 1024
_KPAD = 32


def _knn_body(pos_blk, pos_all, idx_out):
    b = pl.program_id(0)
    p = pos_blk[...]
    q = pos_all[0]
    mm = jax.lax.dot_general(p, q, (((1,), (1,)), ((), ())),
                             preferred_element_type=jnp.float32)
    s_blk = jnp.sum(p * p, axis=1, keepdims=True)
    s_all = jnp.sum(q * q, axis=1, keepdims=True).T
    d = jnp.maximum((-2.0 * mm + s_blk) + s_all, 0.0)
    iota = jax.lax.broadcasted_iota(jnp.int32, (_TK, N), 1)
    key = (jax.lax.bitcast_convert_type(d, jnp.int32) & jnp.int32(-2048)) | iota
    cols = []
    off = b * N
    for _ in range(KNN):
        m = jnp.min(key, axis=1, keepdims=True)
        cols.append((m & 2047) + off)
        key = jnp.where(key == m, jnp.int32(0x7FFFFFFF), key)
    cols.append(jnp.zeros((_TK, _KPAD - KNN), jnp.int32))
    idx_out[...] = jnp.concatenate(cols, axis=1)


def _run_knn(pospad):
    pos3 = pospad.reshape(B, N, PPAD)
    grid = (B, N // _TK)
    idx = pl.pallas_call(
        _knn_body,
        grid=grid,
        in_specs=[
            pl.BlockSpec((_TK, PPAD), lambda b, i: (b * (N // _TK) + i, 0)),
            pl.BlockSpec((1, N, PPAD), lambda b, i: (b, 0, 0)),
        ],
        compiler_params=pltpu.CompilerParams(
            dimension_semantics=("parallel", "parallel")),
        out_specs=pl.BlockSpec((_TK, _KPAD), lambda b, i: (b * (N // _TK) + i, 0)),
        out_shape=jax.ShapeDtypeStruct((B * N, _KPAD), jnp.int32),
    )(pospad, pos3)
    return idx[:, :KNN].reshape(-1)


def _sc_gather(table_f, table_p, idx):
    R = idx.shape[0]
    Df = table_f.shape[1]
    Dp = table_p.shape[1]
    info = plsc.get_sparse_core_info()
    nw = info.num_cores * info.num_subcores
    per_w = R // nw
    ch = 160
    n_ch = per_w // ch
    mesh = plsc.VectorSubcoreMesh(core_axis_name="c", subcore_axis_name="s")

    @functools.partial(
        pl.kernel, mesh=mesh,
        out_type=(jax.ShapeDtypeStruct((R, Df), jnp.float32),
                  jax.ShapeDtypeStruct((R, Dp), jnp.float32)),
        scratch_types=[
            pltpu.VMEM((ch,), jnp.int32),
            pltpu.VMEM((ch,), jnp.int32),
            pltpu.VMEM((2, ch, Df), jnp.float32),
            pltpu.VMEM((2, ch, Dp), jnp.float32),
            pltpu.SemaphoreType.DMA,
            pltpu.SemaphoreType.DMA,
            pltpu.SemaphoreType.DMA,
            pltpu.SemaphoreType.DMA,
        ],
    )
    def gather_k(tf_hbm, tp_hbm, idx_hbm, of_hbm, op_hbm,
                 idx_v0, idx_v1, rf_v, rp_v, sg0, sg1, so0, so1):
        wid = lax.axis_index("s") * info.num_cores + lax.axis_index("c")
        base = wid * per_w
        sg = (sg0, sg1)
        so = (so0, so1)
        idx_v = (idx_v0, idx_v1)

        def fire(j):
            s = j % 2
            off = base + j * ch
            pltpu.sync_copy(idx_hbm.at[pl.ds(off, ch)], idx_v[s])
            pltpu.async_copy(tf_hbm.at[idx_v[s]], rf_v.at[s], sg[s])
            pltpu.async_copy(tp_hbm.at[idx_v[s]], rp_v.at[s], sg[s])

        def drain(j):
            s = j % 2
            off = base + j * ch
            pltpu.make_async_copy(tf_hbm.at[pl.ds(0, ch)], rf_v.at[s], sg[s]).wait()
            pltpu.make_async_copy(tp_hbm.at[pl.ds(0, ch)], rp_v.at[s], sg[s]).wait()
            pltpu.async_copy(rf_v.at[s], of_hbm.at[pl.ds(off, ch)], so[s])
            pltpu.async_copy(rp_v.at[s], op_hbm.at[pl.ds(off, ch)], so[s])

        def wait_out(s):
            pltpu.make_async_copy(tf_hbm.at[pl.ds(0, ch)], rf_v.at[s], so[s]).wait()
            pltpu.make_async_copy(tp_hbm.at[pl.ds(0, ch)], rp_v.at[s], so[s]).wait()

        fire(0)
        if n_ch > 1:
            fire(1)
        for j in range(n_ch):
            drain(j)
            if j + 2 < n_ch:
                wait_out(j % 2)
                fire(j + 2)
        for j in range(max(0, n_ch - 2), n_ch):
            wait_out(j % 2)

    return gather_k(table_f, table_p, idx)


_TN = 256
_RW = _TN * KNN


def _rep_k(x, c):
    return jnp.broadcast_to(x[:, None, :], (_TN, KNN, c)).reshape(_RW, c)


def _attn_body(gath, gathp, qarr, vid,
               w_p1pT, b_p1, g_p, be_p, w_p2T, b_p2,
               w_a1T, b_a1, g_a, be_a, w_at0, w_at1, b_at,
               w_endT, b_end,
               y_out, possum, poscov, a1sum, a1sq):
    phase = pl.program_id(0)
    i = pl.program_id(1)
    dot = functools.partial(jnp.dot, preferred_element_type=jnp.float32)

    gg = gath[...]
    qq = qarr[...]
    posrel = _rep_k(qq[:, 2 * DIM:], PPAD) - gathp[...][:, :PPAD]

    @pl.when(jnp.logical_and(phase == 0, i == 0))
    def _():
        possum[...] = jnp.zeros_like(possum)
        poscov[...] = jnp.zeros_like(poscov)
        a1sum[...] = jnp.zeros_like(a1sum)
        a1sq[...] = jnp.zeros_like(a1sq)

    @pl.when(phase == 0)
    def _():
        possum[0:1, :] += jnp.sum(posrel, axis=0, keepdims=True)
        poscov[...] += jax.lax.dot_general(
            posrel, posrel, (((0,), (0,)), ((), ())),
            preferred_element_type=jnp.float32)

    def compute_pe_t():
        mean3 = possum[0:1, :] / M_PAIRS
        cov = poscov[...] / M_PAIRS - jax.lax.dot_general(
            mean3, mean3, (((0,), (0,)), ((), ())),
            preferred_element_type=jnp.float32)
        mean_pe1 = dot(mean3, w_p1pT[...]) + b_p1[...]
        var_pe1 = jnp.sum(dot(cov, w_p1pT[...]) * w_p1pT[...],
                          axis=0, keepdims=True)
        pe1 = dot(posrel, w_p1pT[...]) + b_p1[...]
        peb = (pe1 - mean_pe1) * jax.lax.rsqrt(var_pe1 + 1e-5) * g_p[...] + be_p[...]
        pe = dot(jax.nn.relu(peb), w_p2T[...]) + b_p2[...]
        t = _rep_k(qq[:, :DIM], DIM) - gg[:, :DIM] + pe
        return pe, t

    @pl.when(phase == 1)
    def _():
        _, t = compute_pe_t()
        a1sum[0:1, :DIM] += jnp.sum(t, axis=0, keepdims=True)
        a1sq[...] += jax.lax.dot_general(
            t, t, (((0,), (0,)), ((), ())),
            preferred_element_type=jnp.float32)

    @pl.when(phase == 2)
    def _():
        pe, t = compute_pe_t()
        a1 = dot(t, w_a1T[...]) + b_a1[...]
        tbar = a1sum[0:1, :DIM] / M_PAIRS
        cov_t = a1sq[...] / M_PAIRS - jax.lax.dot_general(
            tbar, tbar, (((0,), (0,)), ((), ())),
            preferred_element_type=jnp.float32)
        mean_a = dot(tbar, w_a1T[...]) + b_a1[...]
        var_a = jnp.sum(dot(cov_t, w_a1T[...]) * w_a1T[...],
                        axis=0, keepdims=True)
        ab = (a1 - mean_a) * jax.lax.rsqrt(var_a + 1e-5) * g_a[...] + be_a[...]
        aa = jax.nn.relu(ab)
        val3 = (gg[:, DIM:2 * DIM] + _rep_k(qq[:, DIM:2 * DIM], DIM) + pe
                ).reshape(_TN, KNN, DIM)
        aggs = []
        for w_at_r in (w_at0, w_at1):
            a2 = (dot(aa, w_at_r[...]) + b_at[...]).reshape(_TN, KNN, DIM)
            mx = jnp.max(a2, axis=1, keepdims=True)
            e = jnp.exp(a2 - mx)
            attn = e / jnp.sum(e, axis=1, keepdims=True)
            aggs.append(jnp.sum(attn * val3, axis=1)[:, None, :])
        agg = jnp.concatenate(aggs, axis=1).reshape(2 * _TN, DIM)
        yr = dot(agg, w_endT[...]) + b_end[...]
        idrep = jnp.broadcast_to(vid[...][:, None, :],
                                 (_TN, UP, C_IN)).reshape(2 * _TN, C_IN)
        y_out[...] = yr + idrep


def _run_attn(gathered, gatheredp, qarr, vid, wdict):
    n_tiles = (B * N) // _TN
    grid = (3, n_tiles)
    row = lambda w, r: pl.BlockSpec((r, w), lambda p, i: (i, 0))
    full = lambda a: pl.BlockSpec(a.shape, lambda p, i: (0,) * a.ndim)
    w_ops = [wdict[k] for k in ('w_p1pT', 'b_p1', 'g_p', 'be_p', 'w_p2T', 'b_p2',
                                'w_a1T', 'b_a1', 'g_a', 'be_a',
                                'w_at0', 'w_at1', 'b_at', 'w_endT', 'b_end')]
    return pl.pallas_call(
        _attn_body,
        grid=grid,
        in_specs=[row(2 * DIM, _RW), row(2 * DIM, _RW), row(GD, _TN), row(C_IN, _TN)] +
                 [full(w) for w in w_ops],
        out_specs=row(C_OUT, 2 * _TN),
        out_shape=jax.ShapeDtypeStruct((B * N * UP, C_OUT), jnp.float32),
        scratch_shapes=[
            pltpu.VMEM((8, PPAD), jnp.float32),
            pltpu.VMEM((PPAD, PPAD), jnp.float32),
            pltpu.VMEM((8, DIM), jnp.float32),
            pltpu.VMEM((DIM, DIM), jnp.float32),
        ],
    )(gathered, gatheredp, qarr, vid, *w_ops)


def kernel(pos, key, query, upfeat, w_v1, b_v1, w_v2, b_v2, w_vs, b_vs,
           w_k, b_k, w_q, b_q, w_val, b_val, w_up, b_up, w_p1, b_p1, g_p, be_p,
           w_p2, b_p2, w_a1, b_a1, g_a, be_a, w_at, b_at, w_end, b_end):
    f32 = jnp.float32
    row2 = lambda v: v.reshape(1, -1).astype(f32)
    keyq = jnp.concatenate([key, query], axis=1).transpose(0, 2, 1).reshape(B * N, 2 * C_IN)
    upfeat_t = upfeat.transpose(0, 2, 1).reshape(B * N, C_IN)
    pos_t = pos.transpose(0, 2, 1).reshape(B * N, 3)
    pospad = jnp.pad(pos_t, ((0, 0), (0, PPAD - 3)))
    wprep = {
        'w_v1T': w_v1.T, 'b_v1': row2(b_v1), 'w_v2T': w_v2.T, 'b_v2': row2(b_v2),
        'w_vsT': w_vs.T, 'b_vs': row2(b_vs), 'w_kT': w_k.T, 'b_k': row2(b_k),
        'w_qT': w_q.T, 'b_q': row2(b_q), 'w_valT': w_val.T, 'b_val': row2(b_val),
        'w_upT': w_up.T, 'b_up': row2(b_up),
    }
    gtab, qarr, vid = _run_prep(keyq, upfeat_t, pospad, wprep)
    idx = _run_knn(pospad)
    pospad128 = jnp.pad(pospad, ((0, 0), (0, 2 * DIM - PPAD)))
    gathered, gatheredp = _sc_gather(gtab, pospad128, idx)
    wattn = {
        'w_p1pT': jnp.pad(w_p1, ((0, 0), (0, PPAD - 3))).T, 'b_p1': row2(b_p1),
        'g_p': row2(g_p), 'be_p': row2(be_p), 'w_p2T': w_p2.T, 'b_p2': row2(b_p2),
        'w_a1T': w_a1.T, 'b_a1': row2(b_a1), 'g_a': row2(g_a), 'be_a': row2(be_a),
        'w_at0': w_at[:, :, 0], 'w_at1': w_at[:, :, 1], 'b_at': row2(b_at),
        'w_endT': w_end.T, 'b_end': row2(b_end),
    }
    y_rows = _run_attn(gathered, gatheredp, qarr, vid, wattn)
    return y_rows.reshape(B, N * UP, C_OUT).transpose(0, 2, 1)

# --- scband reference (transcript-rebuilt; emitter-appended) ---
"""Pipeline reference for scband-up-transformer-1967095021883 (READ-ONLY COPY).

The authoritative reference and input builder live on the scoring server;
editing this copy changes nothing except your own understanding.
"""

import jax, jax.numpy as jnp
import numpy as np

B, N, C_IN, C_OUT, DIM, KNN, UP, POSH, MULT = 2, 2048, 128, 128, 64, 20, 2, 64, 4

def conv1d(x, w, b):
    return jnp.einsum('oc,bcn->bon', w, x) + b[None, :, None]

def conv2d(x, w, b):
    return jnp.einsum('oc,bcnk->bonk', w, x) + b[None, :, None, None]

def bn2d(x, g, be, eps=1e-5):
    m = jnp.mean(x, axis=(0, 2, 3), keepdims=True)
    v = jnp.var(x, axis=(0, 2, 3), keepdims=True)
    return (x - m) / jnp.sqrt(v + eps) * g[None, :, None, None] + be[None, :, None, None]

def group(feat, idx):
    # feat: (B, C, N), idx: (B, N, K) -> (B, C, N, K)
    return jax.vmap(lambda f, i: f[:, i])(feat, idx)

def knn_idx(pos_t, k):
    d = -2.0 * jnp.einsum('bnc,bmc->bnm', pos_t, pos_t)
    s = jnp.sum(pos_t ** 2, axis=-1)
    d = d + s[:, :, None] + s[:, None, :]
    return jnp.argsort(d, axis=-1)[:, :, :k]

def setup_inputs():
    rng = jax.random.key(0)
    ks = jax.random.split(rng, 20)
    w = lambda k, s: jax.random.normal(k, s, jnp.float32) * 0.05
    return {
        'pos': jax.random.normal(ks[0], (B, 3, N), jnp.float32),
        'key': jax.random.normal(ks[1], (B, C_IN, N), jnp.float32),
        'query': jax.random.normal(ks[2], (B, C_IN, N), jnp.float32),
        'upfeat': jax.random.normal(ks[3], (B, C_IN, N), jnp.float32),
        'w_v1': w(ks[4], (C_IN, 2 * C_IN)), 'b_v1': jnp.zeros((C_IN,), jnp.float32),
        'w_v2': w(ks[5], (C_IN, C_IN)), 'b_v2': jnp.zeros((C_IN,), jnp.float32),
        'w_vs': w(ks[6], (C_IN, 2 * C_IN)), 'b_vs': jnp.zeros((C_IN,), jnp.float32),
        'w_k': w(ks[7], (DIM, C_IN)), 'b_k': jnp.zeros((DIM,), jnp.float32),
        'w_q': w(ks[8], (DIM, C_IN)), 'b_q': jnp.zeros((DIM,), jnp.float32),
        'w_val': w(ks[9], (DIM, C_IN)), 'b_val': jnp.zeros((DIM,), jnp.float32),
        'w_up': w(ks[10], (DIM, C_IN)), 'b_up': jnp.zeros((DIM,), jnp.float32),
        'w_p1': w(ks[11], (POSH, 3)), 'b_p1': jnp.zeros((POSH,), jnp.float32),
        'g_p': jnp.ones((POSH,), jnp.float32), 'be_p': jnp.zeros((POSH,), jnp.float32),
        'w_p2': w(ks[12], (DIM, POSH)), 'b_p2': jnp.zeros((DIM,), jnp.float32),
        'w_a1': w(ks[13], (DIM * MULT, DIM)), 'b_a1': jnp.zeros((DIM * MULT,), jnp.float32),
        'g_a': jnp.ones((DIM * MULT,), jnp.float32), 'be_a': jnp.zeros((DIM * MULT,), jnp.float32),
        'w_at': w(ks[14], (DIM * MULT, DIM, UP)), 'b_at': jnp.zeros((DIM,), jnp.float32),
        'w_end': w(ks[15], (C_OUT, DIM)), 'b_end': jnp.zeros((C_OUT,), jnp.float32),
    }

def _forward(p):
    x = jnp.concatenate([p['key'], p['query']], axis=1)
    shortcut = conv1d(x, p['w_vs'], p['b_vs'])
    value = conv1d(jax.nn.relu(conv1d(x, p['w_v1'], p['b_v1'])), p['w_v2'], p['b_v2']) + shortcut
    identity = value
    keyf = conv1d(p['key'], p['w_k'], p['b_k'])
    queryf = conv1d(p['query'], p['w_q'], p['b_q'])
    valuef = conv1d(value, p['w_val'], p['b_val'])
    pos_t = jnp.transpose(p['pos'], (0, 2, 1))
    idx = knn_idx(pos_t, KNN)
    keyg = group(keyf, idx)
    qk_rel = queryf[:, :, :, None] - keyg
    pos_rel = p['pos'][:, :, :, None] - group(p['pos'], idx)
    pe = conv2d(pos_rel, p['w_p1'], p['b_p1'])
    pe = jax.nn.relu(bn2d(pe, p['g_p'], p['be_p']))
    pe = conv2d(pe, p['w_p2'], p['b_p2'])
    upf = conv1d(p['upfeat'], p['w_up'], p['b_up'])
    upfeat_rel = upf[:, :, :, None] - group(upf, idx)
    a = conv2d(qk_rel + pe + upfeat_rel, p['w_a1'], p['b_a1'])
    a = jax.nn.relu(bn2d(a, p['g_a'], p['be_a']))
    # ConvTranspose2d with kernel (UP,1), stride (UP,1): each input row i emits rows UP*i+r
    a = jnp.einsum('bcik,cor->boirk', a, p['w_at'])
    a = a.reshape(a.shape[0], DIM, N * UP, KNN) + p['b_at'][None, :, None, None]
    attention = jax.nn.softmax(a, axis=-1)
    val = group(valuef, idx) + pe + upfeat_rel
    val = jnp.repeat(val, UP, axis=2)
    agg = jnp.sum(attention * val, axis=-1)
    y = conv1d(agg, p['w_end'], p['b_end'])
    identity = jnp.repeat(identity, UP, axis=2)
    return y + identity

def reference(pos, key, query, upfeat,
              w_v1, b_v1, w_v2, b_v2, w_vs, b_vs,
              w_k, b_k, w_q, b_q, w_val, b_val, w_up, b_up,
              w_p1, b_p1, g_p, be_p, w_p2, b_p2,
              w_a1, b_a1, g_a, be_a, w_at, b_at,
              w_end, b_end):
    return _forward({
        'pos': pos, 'key': key, 'query': query, 'upfeat': upfeat,
        'w_v1': w_v1, 'b_v1': b_v1, 'w_v2': w_v2, 'b_v2': b_v2,
        'w_vs': w_vs, 'b_vs': b_vs,
        'w_k': w_k, 'b_k': b_k, 'w_q': w_q, 'b_q': b_q,
        'w_val': w_val, 'b_val': b_val, 'w_up': w_up, 'b_up': b_up,
        'w_p1': w_p1, 'b_p1': b_p1, 'g_p': g_p, 'be_p': be_p,
        'w_p2': w_p2, 'b_p2': b_p2,
        'w_a1': w_a1, 'b_a1': b_a1, 'g_a': g_a, 'be_a': be_a,
        'w_at': w_at, 'b_at': b_at,
        'w_end': w_end, 'b_end': b_end,
    })

if __name__ == "__main__":
    import jax
    _d = setup_inputs()
    print(jax.jit(kernel)(*tuple(_d.values())))

</pallas_src>

<mosaic_0001>
#map = affine_map<(d0, d1) -> (0, 0)>
#map1 = affine_map<(d0, d1) -> (0)>
module attributes {stable_mosaic.version = 14 : i64} {
  func.func @gather_k(%arg0: i32, %arg1: i32, %arg2: memref<4096x128xf32, #tpu.memory_space<hbm>>, %arg3: memref<4096x128xf32, #tpu.memory_space<hbm>>, %arg4: memref<81920xi32, #tpu.memory_space<hbm>>, %arg5: memref<81920x128xf32, #tpu.memory_space<hbm>>, %arg6: memref<81920x128xf32, #tpu.memory_space<hbm>>, %arg7: memref<160xi32, #tpu.memory_space<vmem>>, %arg8: memref<160xi32, #tpu.memory_space<vmem>>, %arg9: memref<2x160x128xf32, #tpu.memory_space<vmem>>, %arg10: memref<2x160x128xf32, #tpu.memory_space<vmem>>, %arg11: memref<!tpu.dma_semaphore, #tpu.memory_space<semaphore_mem>>, %arg12: memref<!tpu.dma_semaphore, #tpu.memory_space<semaphore_mem>>, %arg13: memref<!tpu.dma_semaphore, #tpu.memory_space<semaphore_mem>>, %arg14: memref<!tpu.dma_semaphore, #tpu.memory_space<semaphore_mem>>) attributes {dimension_semantics = [#tpu.dimension_semantics<core_parallel>, #tpu.dimension_semantics<subcore_parallel>], iteration_bounds = array<i64: 2, 16>, scalar_prefetch = 0 : i64, scratch_operands = 8 : i64, tpu.core_type = #tpu.core_type<sc_vector_subcore>, window_params = [{transform_indices = #map}, {transform_indices = #map}, {transform_indices = #map1}, {transform_indices = #map}, {transform_indices = #map}]} {
    %mul3A = arith.constant 2 : i32
    %mul3A_0 = arith.muli %arg1, %mul3A : i32
    %add3A = arith.addi %mul3A_0, %arg0 : i32
    %mul3A_1 = arith.constant 2560 : i32
    %mul3A_2 = arith.muli %add3A, %mul3A_1 : i32
    %add3A_3 = arith.constant 0 : i32
    %add3A_4 = arith.addi %mul3A_2, %add3A_3 : i32
    "tpu.region"() ({
      %run_scoped3A = tpu.sem_alloc : memref<!tpu.dma_semaphore, #tpu.memory_space<semaphore_mem>>
      %dma_start3A_1697 = tpu.memref_slice %arg4[%add3A_4] : memref<81920xi32, #tpu.memory_space<hbm>> -> memref<160xi32, #tpu.memory_space<hbm>>
      %dma_start3A_1698 = tpu.memref_slice %arg4[%add3A_4] : memref<81920xi32, #tpu.memory_space<hbm>> -> memref<160xi32, #tpu.memory_space<hbm>>
      tpu.enqueue_dma source(%dma_start3A_1698 : memref<160xi32, #tpu.memory_space<hbm>>) target(%arg7 : memref<160xi32, #tpu.memory_space<vmem>>) target_semaphore(%run_scoped3A : memref<!tpu.dma_semaphore, #tpu.memory_space<semaphore_mem>>)
      %dma_wait3A_1699 = tpu.memref_slice %arg4[%add3A_4] : memref<81920xi32, #tpu.memory_space<hbm>> -> memref<160xi32, #tpu.memory_space<hbm>>
      %dma_wait3A_1700 = tpu.memref_slice %arg4[%add3A_4] : memref<81920xi32, #tpu.memory_space<hbm>> -> memref<160xi32, #tpu.memory_space<hbm>>
      tpu.wait_dma2 semaphore(%run_scoped3A : memref<!tpu.dma_semaphore, #tpu.memory_space<semaphore_mem>>) src(%dma_wait3A_1700 : memref<160xi32, #tpu.memory_space<hbm>>) dst(%arg7 : memref<160xi32, #tpu.memory_space<vmem>>)
      tpu.yield
    }) : () -> ()
    %dma_start3A = arith.constant 0 : i32
    %dma_start3A_5 = arith.constant 0 : i32
    %dma_start3A_6 = arith.constant 0 : i32
    %dma_start3A_7 = tpu.memref_slice %arg9[%dma_start3A, %dma_start3A_5, %dma_start3A_6] : memref<2x160x128xf32, #tpu.memory_space<vmem>> -> memref<1x160x128xf32, #tpu.memory_space<vmem>>
    %dma_start3A_8 = tpu.memref_squeeze %dma_start3A_7 : memref<1x160x128xf32, #tpu.memory_space<vmem>> -> memref<160x128xf32, #tpu.memory_space<vmem>>
    %dma_start3A_9 = arith.constant 0 : i32
    %dma_start3A_10 = arith.constant 0 : i32
    %dma_start3A_11 = tpu.memref_slice %arg2[%dma_start3A_9, %dma_start3A_10] : memref<4096x128xf32, #tpu.memory_space<hbm>> -> memref<4096x128xf32, #tpu.memory_space<hbm>>
    tpu.enqueue_indirect_dma source(%dma_start3A_11 : memref<4096x128xf32, #tpu.memory_space<hbm>>) target(%dma_start3A_8 : memref<160x128xf32, #tpu.memory_space<vmem>>) offsets(%arg7 : memref<160xi32, #tpu.memory_space<vmem>>) semaphore(%arg11 : memref<!tpu.dma_semaphore, #tpu.memory_space<semaphore_mem>>)
    %dma_start3A_12 = arith.constant 0 : i32
    %dma_start3A_13 = arith.constant 0 : i32
    %dma_start3A_14 = arith.constant 0 : i32
    %dma_start3A_15 = tpu.memref_slice %arg10[%dma_start3A_12, %dma_start3A_13, %dma_start3A_14] : memref<2x160x128xf32, #tpu.memory_space<vmem>> -> memref<1x160x128xf32, #tpu.memory_space<vmem>>
    %dma_start3A_16 = tpu.memref_squeeze %dma_start3A_15 : memref<1x160x128xf32, #tpu.memory_space<vmem>> -> memref<160x128xf32, #tpu.memory_space<vmem>>
    %dma_start3A_17 = arith.constant 0 : i32
    %dma_start3A_18 = arith.constant 0 : i32
    %dma_start3A_19 = tpu.memref_slice %arg3[%dma_start3A_17, %dma_start3A_18] : memref<4096x128xf32, #tpu.memory_space<hbm>> -> memref<4096x128xf32, #tpu.memory_space<hbm>>
    tpu.enqueue_indirect_dma source(%dma_start3A_19 : memref<4096x128xf32, #tpu.memory_space<hbm>>) target(%dma_start3A_16 : memref<160x128xf32, #tpu.memory_space<vmem>>) offsets(%arg7 : memref<160xi32, #tpu.memory_space<vmem>>) semaphore(%arg11 : memref<!tpu.dma_semaphore, #tpu.memory_space<semaphore_mem>>)
    %add3A_20 = arith.constant 160 : i32
    %add3A_21 = arith.addi %mul3A_2, %add3A_20 : i32
    "tpu.region"() ({
      %run_scoped3A = tpu.sem_alloc : memref<!tpu.dma_semaphore, #tpu.memory_space<semaphore_mem>>
      %dma_start3A_1697 = tpu.memref_slice %arg4[%add3A_21] : memref<81920xi32, #tpu.memory_space<hbm>> -> memref<160xi32, #tpu.memory_space<hbm>>
      %dma_start3A_1698 = tpu.memref_slice %arg4[%add3A_21] : memref<81920xi32, #tpu.memory_space<hbm>> -> memref<160xi32, #tpu.memory_space<hbm>>
      tpu.enqueue_dma source(%dma_start3A_1698 : memref<160xi32, #tpu.memory_space<hbm>>) target(%arg8 : memref<160xi32, #tpu.memory_space<vmem>>) target_semaphore(%run_scoped3A : memref<!tpu.dma_semaphore, #tpu.memory_space<semaphore_mem>>)
      %dma_wait3A_1699 = tpu.memref_slice %arg4[%add3A_21] : memref<81920xi32, #tpu.memory_space<hbm>> -> memref<160xi32, #tpu.memory_space<hbm>>
      %dma_wait3A_1700 = tpu.memref_slice %arg4[%add3A_21] : memref<81920xi32, #tpu.memory_space<hbm>> -> memref<160xi32, #tpu.memory_space<hbm>>
      tpu.wait_dma2 semaphore(%run_scoped3A : memref<!tpu.dma_semaphore, #tpu.memory_space<semaphore_mem>>) src(%dma_wait3A_1700 : memref<160xi32, #tpu.memory_space<hbm>>) dst(%arg8 : memref<160xi32, #tpu.memory_space<vmem>>)
      tpu.yield
    }) : () -> ()
    %dma_start3A_22 = arith.constant 1 : i32
    %dma_start3A_23 = arith.constant 0 : i32
    %dma_start3A_24 = arith.constant 0 : i32
    %dma_start3A_25 = tpu.memref_slice %arg9[%dma_start3A_22, %dma_start3A_23, %dma_start3A_24] : memref<2x160x128xf32, #tpu.memory_space<vmem>> -> memref<1x160x128xf32, #tpu.memory_space<vmem>>
    %dma_start3A_26 = tpu.memref_squeeze %dma_start3A_25 : memref<1x160x128xf32, #tpu.memory_space<vmem>> -> memref<160x128xf32, #tpu.memory_space<vmem>>
    %dma_start3A_27 = arith.constant 0 : i32
    %dma_start3A_28 = arith.constant 0 : i32
    %dma_start3A_29 = tpu.memref_slice %arg2[%dma_start3A_27, %dma_start3A_28] : memref<4096x128xf32, #tpu.memory_space<hbm>> -> memref<4096x128xf32, #tpu.memory_space<hbm>>
    tpu.enqueue_indirect_dma source(%dma_start3A_29 : memref<4096x128xf32, #tpu.memory_space<hbm>>) target(%dma_start3A_26 : memref<160x128xf32, #tpu.memory_space<vmem>>) offsets(%arg8 : memref<160xi32, #tpu.memory_space<vmem>>) semaphore(%arg12 : memref<!tpu.dma_semaphore, #tpu.memory_space<semaphore_mem>>)
    %dma_start3A_30 = arith.constant 1 : i32
    %dma_start3A_31 = arith.constant 0 : i32
    %dma_start3A_32 = arith.constant 0 : i32
    %dma_start3A_33 = tpu.memref_slice %arg10[%dma_start3A_30, %dma_start3A_31, %dma_start3A_32] : memref<2x160x128xf32, #tpu.memory_space<vmem>> -> memref<1x160x128xf32, #tpu.memory_space<vmem>>
    %dma_start3A_34 = tpu.memref_squeeze %dma_start3A_33 : memref<1x160x128xf32, #tpu.memory_space<vmem>> -> memref<160x128xf32, #tpu.memory_space<vmem>>
    %dma_start3A_35 = arith.constant 0 : i32
    %dma_start3A_36 = arith.constant 0 : i32
    %dma_start3A_37 = tpu.memref_slice %arg3[%dma_start3A_35, %dma_start3A_36] : memref<4096x128xf32, #tpu.memory_space<hbm>> -> memref<4096x128xf32, #tpu.memory_space<hbm>>
    tpu.enqueue_indirect_dma source(%dma_start3A_37 : memref<4096x128xf32, #tpu.memory_space<hbm>>) target(%dma_start3A_34 : memref<160x128xf32, #tpu.memory_space<vmem>>) offsets(%arg8 : memref<160xi32, #tpu.memory_space<vmem>>) semaphore(%arg12 : memref<!tpu.dma_semaphore, #tpu.memory_space<semaphore_mem>>)
    %add3A_38 = arith.constant 0 : i32
    %add3A_39 = arith.addi %mul3A_2, %add3A_38 : i32
    %dma_wait3A = arith.constant 0 : i32
    %dma_wait3A_40 = arith.constant 0 : i32
    %dma_wait3A_41 = arith.constant 0 : i32
    %dma_wait3A_42 = tpu.memref_slice %arg9[%dma_wait3A, %dma_wait3A_40, %dma_wait3A_41] : memref<2x160x128xf32, #tpu.memory_space<vmem>> -> memref<1x160x128xf32, #tpu.memory_space<vmem>>
    %dma_wait3A_43 = tpu.memref_squeeze %dma_wait3A_42 : memref<1x160x128xf32, #tpu.memory_space<vmem>> -> memref<160x128xf32, #tpu.memory_space<vmem>>
    %dma_wait3A_44 = arith.constant 0 : i32
    %dma_wait3A_45 = arith.constant 0 : i32
    %dma_wait3A_46 = tpu.memref_slice %arg2[%dma_wait3A_44, %dma_wait3A_45] : memref<4096x128xf32, #tpu.memory_space<hbm>> -> memref<160x128xf32, #tpu.memory_space<hbm>>
    %dma_wait3A_47 = arith.constant 0 : i32
    %dma_wait3A_48 = arith.constant 0 : i32
    %dma_wait3A_49 = tpu.memref_slice %arg9[%dma_wait3A, %dma_wait3A_47, %dma_wait3A_48] : memref<2x160x128xf32, #tpu.memory_space<vmem>> -> memref<1x160x128xf32, #tpu.memory_space<vmem>>
    %dma_wait3A_50 = tpu.memref_squeeze %dma_wait3A_49 : memref<1x160x128xf32, #tpu.memory_space<vmem>> -> memref<160x128xf32, #tpu.memory_space<vmem>>
    %dma_wait3A_51 = arith.constant 0 : i32
    %dma_wait3A_52 = arith.constant 0 : i32
    %dma_wait3A_53 = tpu.memref_slice %arg2[%dma_wait3A_51, %dma_wait3A_52] : memref<4096x128xf32, #tpu.memory_space<hbm>> -> memref<160x128xf32, #tpu.memory_space<hbm>>
    tpu.wait_dma2 semaphore(%arg11 : memref<!tpu.dma_semaphore, #tpu.memory_space<semaphore_mem>>) src(%dma_wait3A_53 : memref<160x128xf32, #tpu.memory_space<hbm>>) dst(%dma_wait3A_50 : memref<160x128xf32, #tpu.memory_space<vmem>>)
    %dma_wait3A_54 = arith.constant 0 : i32
    %dma_wait3A_55 = arith.constant 0 : i32
    %dma_wait3A_56 = arith.constant 0 : i32
    %dma_wait3A_57 = tpu.memref_slice %arg10[%dma_wait3A_54, %dma_wait3A_55, %dma_wait3A_56] : memref<2x160x128xf32, #tpu.memory_space<vmem>> -> memref<1x160x128xf32, #tpu.memory_space<vmem>>
    %dma_wait3A_58 = tpu.memref_squeeze %dma_wait3A_57 : memref<1x160x128xf32, #tpu.memory_space<vmem>> -> memref<160x128xf32, #tpu.memory_space<vmem>>
    %dma_wait3A_59 = arith.constant 0 : i32
    %dma_wait3A_60 = arith.constant 0 : i32
    %dma_wait3A_61 = tpu.memref_slice %arg3[%dma_wait3A_59, %dma_wait3A_60] : memref<4096x128xf32, #tpu.memory_space<hbm>> -> memref<160x128xf32, #tpu.memory_space<hbm>>
    %dma_wait3A_62 = arith.constant 0 : i32
    %dma_wait3A_63 = arith.constant 0 : i32
    %dma_wait3A_64 = tpu.memref_slice %arg10[%dma_wait3A_54, %dma_wait3A_62, %dma_wait3A_63] : memref<2x160x128xf32, #tpu.memory_space<vmem>> -> memref<1x160x128xf32, #tpu.memory_space<vmem>>
    %dma_wait3A_65 = tpu.memref_squeeze %dma_wait3A_64 : memref<1x160x128xf32, #tpu.memory_space<vmem>> -> memref<160x128xf32, #tpu.memory_space<vmem>>
    %dma_wait3A_66 = arith.constant 0 : i32
    %dma_wait3A_67 = arith.constant 0 : i32
    %dma_wait3A_68 = tpu.memref_slice %arg3[%dma_wait3A_66, %dma_wait3A_67] : memref<4096x128xf32, #tpu.memory_space<hbm>> -> memref<160x128xf32, #tpu.memory_space<hbm>>
    tpu.wait_dma2 semaphore(%arg11 : memref<!tpu.dma_semaphore, #tpu.memory_space<semaphore_mem>>) src(%dma_wait3A_68 : memref<160x128xf32, #tpu.memory_space<hbm>>) dst(%dma_wait3A_65 : memref<160x128xf32, #tpu.memory_space<vmem>>)
    %dma_start3A_69 = arith.constant 0 : i32
    %dma_start3A_70 = arith.constant 0 : i32
    %dma_start3A_71 = arith.constant 0 : i32
    %dma_start3A_72 = tpu.memref_slice %arg9[%dma_start3A_69, %dma_start3A_70, %dma_start3A_71] : memref<2x160x128xf32, #tpu.memory_space<vmem>> -> memref<1x160x128xf32, #tpu.memory_space<vmem>>
    %dma_start3A_73 = tpu.memref_squeeze %dma_start3A_72 : memref<1x160x128xf32, #tpu.memory_space<vmem>> -> memref<160x128xf32, #tpu.memory_space<vmem>>
    %dma_start3A_74 = arith.constant 0 : i32
    %dma_start3A_75 = tpu.memref_slice %arg5[%add3A_39, %dma_start3A_74] : memref<81920x128xf32, #tpu.memory_space<hbm>> -> memref<160x128xf32, #tpu.memory_space<hbm>>
    %dma_start3A_76 = arith.constant 0 : i32
    %dma_start3A_77 = tpu.memref_slice %arg5[%add3A_39, %dma_start3A_76] : memref<81920x128xf32, #tpu.memory_space<hbm>> -> memref<160x128xf32, #tpu.memory_space<hbm>>
    %dma_start3A_78 = arith.constant 0 : i32
    %dma_start3A_79 = arith.constant 0 : i32
    %dma_start3A_80 = tpu.memref_slice %arg9[%dma_start3A_69, %dma_start3A_78, %dma_start3A_79] : memref<2x160x128xf32, #tpu.memory_space<vmem>> -> memref<1x160x128xf32, #tpu.memory_space<vmem>>
    %dma_start3A_81 = tpu.memref_squeeze %dma_start3A_80 : memref<1x160x128xf32, #tpu.memory_space<vmem>> -> memref<160x128xf32, #tpu.memory_space<vmem>>
    tpu.enqueue_dma source(%dma_start3A_81 : memref<160x128xf32, #tpu.memory_space<vmem>>) target(%dma_start3A_77 : memref<160x128xf32, #tpu.memory_space<hbm>>) target_semaphore(%arg13 : memref<!tpu.dma_semaphore, #tpu.memory_space<semaphore_mem>>)
    %dma_start3A_82 = arith.constant 0 : i32
    %dma_start3A_83 = arith.constant 0 : i32
    %dma_start3A_84 = arith.constant 0 : i32
    %dma_start3A_85 = tpu.memref_slice %arg10[%dma_start3A_82, %dma_start3A_83, %dma_start3A_84] : memref<2x160x128xf32, #tpu.memory_space<vmem>> -> memref<1x160x128xf32, #tpu.memory_space<vmem>>
    %dma_start3A_86 = tpu.memref_squeeze %dma_start3A_85 : memref<1x160x128xf32, #tpu.memory_space<vmem>> -> memref<160x128xf32, #tpu.memory_space<vmem>>
    %dma_start3A_87 = arith.constant 0 : i32
    %dma_start3A_88 = tpu.memref_slice %arg6[%add3A_39, %dma_start3A_87] : memref<81920x128xf32, #tpu.memory_space<hbm>> -> memref<160x128xf32, #tpu.memory_space<hbm>>
    %dma_start3A_89 = arith.constant 0 : i32
    %dma_start3A_90 = tpu.memref_slice %arg6[%add3A_39, %dma_start3A_89] : memref<81920x128xf32, #tpu.memory_space<hbm>> -> memref<160x128xf32, #tpu.memory_space<hbm>>
    %dma_start3A_91 = arith.constant 0 : i32
    %dma_start3A_92 = arith.constant 0 : i32
    %dma_start3A_93 = tpu.memref_slice %arg10[%dma_start3A_82, %dma_start3A_91, %dma_start3A_92] : memref<2x160x128xf32, #tpu.memory_space<vmem>> -> memref<1x160x128xf32, #tpu.memory_space<vmem>>
    %dma_start3A_94 = tpu.memref_squeeze %dma_start3A_93 : memref<1x160x128xf32, #tpu.memory_space<vmem>> -> memref<160x128xf32, #tpu.memory_space<vmem>>
    tpu.enqueue_dma source(%dma_start3A_94 : memref<160x128xf32, #tpu.memory_space<vmem>>) target(%dma_start3A_90 : memref<160x128xf32, #tpu.memory_space<hbm>>) target_semaphore(%arg13 : memref<!tpu.dma_semaphore, #tpu.memory_space<semaphore_mem>>)
    %dma_wait3A_95 = arith.constant 0 : i32
    %dma_wait3A_96 = arith.constant 0 : i32
    %dma_wait3A_97 = arith.constant 0 : i32
    %dma_wait3A_98 = tpu.memref_slice %arg9[%dma_wait3A_95, %dma_wait3A_96, %dma_wait3A_97] : memref<2x160x128xf32, #tpu.memory_space<vmem>> -> memref<1x160x128xf32, #tpu.memory_space<vmem>>
    %dma_wait3A_99 = tpu.memref_squeeze %dma_wait3A_98 : memref<1x160x128xf32, #tpu.memory_space<vmem>> -> memref<160x128xf32, #tpu.memory_space<vmem>>
    %dma_wait3A_100 = arith.constant 0 : i32
    %dma_wait3A_101 = arith.constant 0 : i32
    %dma_wait3A_102 = tpu.memref_slice %arg2[%dma_wait3A_100, %dma_wait3A_101] : memref<4096x128xf32, #tpu.memory_space<hbm>> -> memref<160x128xf32, #tpu.memory_space<hbm>>
    %dma_wait3A_103 = arith.constant 0 : i32
    %dma_wait3A_104 = arith.constant 0 : i32
    %dma_wait3A_105 = tpu.memref_slice %arg9[%dma_wait3A_95, %dma_wait3A_103, %dma_wait3A_104] : memref<2x160x128xf32, #tpu.memory_space<vmem>> -> memref<1x160x128xf32, #tpu.memory_space<vmem>>
    %dma_wait3A_106 = tpu.memref_squeeze %dma_wait3A_105 : memref<1x160x128xf32, #tpu.memory_space<vmem>> -> memref<160x128xf32, #tpu.memory_space<vmem>>
    %dma_wait3A_107 = arith.constant 0 : i32
    %dma_wait3A_108 = arith.constant 0 : i32
    %dma_wait3A_109 = tpu.memref_slice %arg2[%dma_wait3A_107, %dma_wait3A_108] : memref<4096x128xf32, #tpu.memory_space<hbm>> -> memref<160x128xf32, #tpu.memory_space<hbm>>
    tpu.wait_dma2 semaphore(%arg13 : memref<!tpu.dma_semaphore, #tpu.memory_space<semaphore_mem>>) src(%dma_wait3A_109 : memref<160x128xf32, #tpu.memory_space<hbm>>) dst(%dma_wait3A_106 : memref<160x128xf32, #tpu.memory_space<vmem>>)
    %dma_wait3A_110 = arith.constant 0 : i32
    %dma_wait3A_111 = arith.constant 0 : i32
    %dma_wait3A_112 = arith.constant 0 : i32
    %dma_wait3A_113 = tpu.memref_slice %arg10[%dma_wait3A_110, %dma_wait3A_111, %dma_wait3A_112] : memref<2x160x128xf32, #tpu.memory_space<vmem>> -> memref<1x160x128xf32, #tpu.memory_space<vmem>>
    %dma_wait3A_114 = tpu.memref_squeeze %dma_wait3A_113 : memref<1x160x128xf32, #tpu.memory_space<vmem>> -> memref<160x128xf32, #tpu.memory_space<vmem>>
    %dma_wait3A_115 = arith.constant 0 : i32
    %dma_wait3A_116 = arith.constant 0 : i32
    %dma_wait3A_117 = tpu.memref_slice %arg3[%dma_wait3A_115, %dma_wait3A_116] : memref<4096x128xf32, #tpu.memory_space<hbm>> -> memref<160x128xf32, #tpu.memory_space<hbm>>
    %dma_wait3A_118 = arith.constant 0 : i32
    %dma_wait3A_119 = arith.constant 0 : i32
    %dma_wait3A_120 = tpu.memref_slice %arg10[%dma_wait3A_110, %dma_wait3A_118, %dma_wait3A_119] : memref<2x160x128xf32, #tpu.memory_space<vmem>> -> memref<1x160x128xf32, #tpu.memory_space<vmem>>
    %dma_wait3A_121 = tpu.memref_squeeze %dma_wait3A_120 : memref<1x160x128xf32, #tpu.memory_space<vmem>> -> memref<160x128xf32, #tpu.memory_space<vmem>>
    %dma_wait3A_122 = arith.constant 0 : i32
    %dma_wait3A_123 = arith.constant 0 : i32
    %dma_wait3A_124 = tpu.memref_slice %arg3[%dma_wait3A_122, %dma_wait3A_123] : memref<4096x128xf32, #tpu.memory_space<hbm>> -> memref<160x128xf32, #tpu.memory_space<hbm>>
    tpu.wait_dma2 semaphore(%arg13 : memref<!tpu.dma_semaphore, #tpu.memory_space<semaphore_mem>>) src(%dma_wait3A_124 : memref<160x128xf32, #tpu.memory_space<hbm>>) dst(%dma_wait3A_121 : memref<160x128xf32, #tpu.memory_space<vmem>>)
    %add3A_125 = arith.constant 320 : i32
    %add3A_126 = arith.addi %mul3A_2, %add3A_125 : i32
    "tpu.region"() ({
      %run_scoped3A = tpu.sem_alloc : memref<!tpu.dma_semaphore, #tpu.memory_space<semaphore_mem>>
      %dma_start3A_1697 = tpu.memref_slice %arg4[%add3A_126] : memref<81920xi32, #tpu.memory_space<hbm>> -> memref<160xi32, #tpu.memory_space<hbm>>
      %dma_start3A_1698 = tpu.memref_slice %arg4[%add3A_126] : memref<81920xi32, #tpu.memory_space<hbm>> -> memref<160xi32, #tpu.memory_space<hbm>>
      tpu.enqueue_dma source(%dma_start3A_1698 : memref<160xi32, #tpu.memory_space<hbm>>) target(%arg7 : memref<160xi32, #tpu.memory_space<vmem>>) target_semaphore(%run_scoped3A : memref<!tpu.dma_semaphore, #tpu.memory_space<semaphore_mem>>)
      %dma_wait3A_1699 = tpu.memref_slice %arg4[%add3A_126] : memref<81920xi32, #tpu.memory_space<hbm>> -> memref<160xi32, #tpu.memory_space<hbm>>
      %dma_wait3A_1700 = tpu.memref_slice %arg4[%add3A_126] : memref<81920xi32, #tpu.memory_space<hbm>> -> memref<160xi32, #tpu.memory_space<hbm>>
      tpu.wait_dma2 semaphore(%run_scoped3A : memref<!tpu.dma_semaphore, #tpu.memory_space<semaphore_mem>>) src(%dma_wait3A_1700 : memref<160xi32, #tpu.memory_space<hbm>>) dst(%arg7 : memref<160xi32, #tpu.memory_space<vmem>>)
      tpu.yield
    }) : () -> ()
    %dma_start3A_127 = arith.constant 0 : i32
    %dma_start3A_128 = arith.constant 0 : i32
    %dma_start3A_129 = arith.constant 0 : i32
    %dma_start3A_130 = tpu.memref_slice %arg9[%dma_start3A_127, %dma_start3A_128, %dma_start3A_129] : memref<2x160x128xf32, #tpu.memory_space<vmem>> -> memref<1x160x128xf32, #tpu.memory_space<vmem>>
    %dma_start3A_131 = tpu.memref_squeeze %dma_start3A_130 : memref<1x160x128xf32, #tpu.memory_space<vmem>> -> memref<160x128xf32, #tpu.memory_space<vmem>>
    %dma_start3A_132 = arith.constant 0 : i32
    %dma_start3A_133 = arith.constant 0 : i32
    %dma_start3A_134 = tpu.memref_slice %arg2[%dma_start3A_132, %dma_start3A_133] : memref<4096x128xf32, #tpu.memory_space<hbm>> -> memref<4096x128xf32, #tpu.memory_space<hbm>>
    tpu.enqueue_indirect_dma source(%dma_start3A_134 : memref<4096x128xf32, #tpu.memory_space<hbm>>) target(%dma_start3A_131 : memref<160x128xf32, #tpu.memory_space<vmem>>) offsets(%arg7 : memref<160xi32, #tpu.memory_space<vmem>>) semaphore(%arg11 : memref<!tpu.dma_semaphore, #tpu.memory_space<semaphore_mem>>)
    %dma_start3A_135 = arith.constant 0 : i32
    %dma_start3A_136 = arith.constant 0 : i32
    %dma_start3A_137 = arith.constant 0 : i32
    %dma_start3A_138 = tpu.memref_slice %arg10[%dma_start3A_135, %dma_start3A_136, %dma_start3A_137] : memref<2x160x128xf32, #tpu.memory_space<vmem>> -> memref<1x160x128xf32, #tpu.memory_space<vmem>>
    %dma_start3A_139 = tpu.memref_squeeze %dma_start3A_138 : memref<1x160x128xf32, #tpu.memory_space<vmem>> -> memref<160x128xf32, #tpu.memory_space<vmem>>
    %dma_start3A_140 = arith.constant 0 : i32
    %dma_start3A_141 = arith.constant 0 : i32
    %dma_start3A_142 = tpu.memref_slice %arg3[%dma_start3A_140, %dma_start3A_141] : memref<4096x128xf32, #tpu.memory_space<hbm>> -> memref<4096x128xf32, #tpu.memory_space<hbm>>
    tpu.enqueue_indirect_dma source(%dma_start3A_142 : memref<4096x128xf32, #tpu.memory_space<hbm>>) target(%dma_start3A_139 : memref<160x128xf32, #tpu.memory_space<vmem>>) offsets(%arg7 : memref<160xi32, #tpu.memory_space<vmem>>) semaphore(%arg11 : memref<!tpu.dma_semaphore, #tpu.memory_space<semaphore_mem>>)
    %add3A_143 = arith.constant 160 : i32
    %add3A_144 = arith.addi %mul3A_2, %add3A_143 : i32
    %dma_wait3A_145 = arith.constant 1 : i32
    %dma_wait3A_146 = arith.constant 0 : i32
    %dma_wait3A_147 = arith.constant 0 : i32
    %dma_wait3A_148 = tpu.memref_slice %arg9[%dma_wait3A_145, %dma_wait3A_146, %dma_wait3A_147] : memref<2x160x128xf32, #tpu.memory_space<vmem>> -> memref<1x160x128xf32, #tpu.memory_space<vmem>>
    %dma_wait3A_149 = tpu.memref_squeeze %dma_wait3A_148 : memref<1x160x128xf32, #tpu.memory_space<vmem>> -> memref<160x128xf32, #tpu.memory_space<vmem>>
    %dma_wait3A_150 = arith.constant 0 : i32
    %dma_wait3A_151 = arith.constant 0 : i32
    %dma_wait3A_152 = tpu.memref_slice %arg2[%dma_wait3A_150, %dma_wait3A_151] : memref<4096x128xf32, #tpu.memory_space<hbm>> -> memref<160x128xf32, #tpu.memory_space<hbm>>
    %dma_wait3A_153 = arith.constant 0 : i32
    %dma_wait3A_154 = arith.constant 0 : i32
    %dma_wait3A_155 = tpu.memref_slice %arg9[%dma_wait3A_145, %dma_wait3A_153, %dma_wait3A_154] : memref<2x160x128xf32, #tpu.memory_space<vmem>> -> memref<1x160x128xf32, #tpu.memory_space<vmem>>
    %dma_wait3A_156 = tpu.memref_squeeze %dma_wait3A_155 : memref<1x160x128xf32, #tpu.memory_space<vmem>> -> memref<160x128xf32, #tpu.memory_space<vmem>>
    %dma_wait3A_157 = arith.constant 0 : i32
    %dma_wait3A_158 = arith.constant 0 : i32
    %dma_wait3A_159 = tpu.memref_slice %arg2[%dma_wait3A_157, %dma_wait3A_158] : memref<4096x128xf32, #tpu.memory_space<hbm>> -> memref<160x128xf32, #tpu.memory_space<hbm>>
    tpu.wait_dma2 semaphore(%arg12 : memref<!tpu.dma_semaphore, #tpu.memory_space<semaphore_mem>>) src(%dma_wait3A_159 : memref<160x128xf32, #tpu.memory_space<hbm>>) dst(%dma_wait3A_156 : memref<160x128xf32, #tpu.memory_space<vmem>>)
    %dma_wait3A_160 = arith.constant 1 : i32
    %dma_wait3A_161 = arith.constant 0 : i32
    %dma_wait3A_162 = arith.constant 0 : i32
    %dma_wait3A_163 = tpu.memref_slice %arg10[%dma_wait3A_160, %dma_wait3A_161, %dma_wait3A_162] : memref<2x160x128xf32, #tpu.memory_space<vmem>> -> memref<1x160x128xf32, #tpu.memory_space<vmem>>
    %dma_wait3A_164 = tpu.memref_squeeze %dma_wait3A_163 : memref<1x160x128xf32, #tpu.memory_space<vmem>> -> memref<160x128xf32, #tpu.memory_space<vmem>>
    %dma_wait3A_165 = arith.constant 0 : i32
    %dma_wait3A_166 = arith.constant 0 : i32
    %dma_wait3A_167 = tpu.memref_slice %arg3[%dma_wait3A_165, %dma_wait3A_166] : memref<4096x128xf32, #tpu.memory_space<hbm>> -> memref<160x128xf32, #tpu.memory_space<hbm>>
    %dma_wait3A_168 = arith.constant 0 : i32
    %dma_wait3A_169 = arith.constant 0 : i32
    %dma_wait3A_170 = tpu.memref_slice %arg10[%dma_wait3A_160, %dma_wait3A_168, %dma_wait3A_169] : memref<2x160x128xf32, #tpu.memory_space<vmem>> -> memref<1x160x128xf32, #tpu.memory_space<vmem>>
    %dma_wait3A_171 = tpu.memref_squeeze %dma_wait3A_170 : memref<1x160x128xf32, #tpu.memory_space<vmem>> -> memref<160x128xf32, #tpu.memory_space<vmem>>
    %dma_wait3A_172 = arith.constant 0 : i32
    %dma_wait3A_173 = arith.constant 0 : i32
    %dma_wait3A_174 = tpu.memref_slice %arg3[%dma_wait3A_172, %dma_wait3A_173] : memref<4096x128xf32, #tpu.memory_space<hbm>> -> memref<160x128xf32, #tpu.memory_space<hbm>>
    tpu.wait_dma2 semaphore(%arg12 : memref<!tpu.dma_semaphore, #tpu.memory_space<semaphore_mem>>) src(%dma_wait3A_174 : memref<160x128xf32, #tpu.memory_space<hbm>>) dst(%dma_wait3A_171 : memref<160x128xf32, #tpu.memory_space<vmem>>)
    %dma_start3A_175 = arith.constant 1 : i32
    %dma_start3A_176 = arith.constant 0 : i32
    %dma_start3A_177 = arith.constant 0 : i32
    %dma_start3A_178 = tpu.memref_slice %arg9[%dma_start3A_175, %dma_start3A_176, %dma_start3A_177] : memref<2x160x128xf32, #tpu.memory_space<vmem>> -> memref<1x160x128xf32, #tpu.memory_space<vmem>>
    %dma_start3A_179 = tpu.memref_squeeze %dma_start3A_178 : memref<1x160x128xf32, #tpu.memory_space<vmem>> -> memref<160x128xf32, #tpu.memory_space<vmem>>
    %dma_start3A_180 = arith.constant 0 : i32
    %dma_start3A_181 = tpu.memref_slice %arg5[%add3A_144, %dma_start3A_180] : memref<81920x128xf32, #tpu.memory_space<hbm>> -> memref<160x128xf32, #tpu.memory_space<hbm>>
    %dma_start3A_182 = arith.constant 0 : i32
    %dma_start3A_183 = tpu.memref_slice %arg5[%add3A_144, %dma_start3A_182] : memref<81920x128xf32, #tpu.memory_space<hbm>> -> memref<160x128xf32, #tpu.memory_space<hbm>>
    %dma_start3A_184 = arith.constant 0 : i32
    %dma_start3A_185 = arith.constant 0 : i32
    %dma_start3A_186 = tpu.memref_slice %arg9[%dma_start3A_175, %dma_start3A_184, %dma_start3A_185] : memref<2x160x128xf32, #tpu.memory_space<vmem>> -> memref<1x160x128xf32, #tpu.memory_space<vmem>>
    %dma_start3A_187 = tpu.memref_squeeze %dma_start3A_186 : memref<1x160x128xf32, #tpu.memory_space<vmem>> -> memref<160x128xf32, #tpu.memory_space<vmem>>
    tpu.enqueue_dma source(%dma_start3A_187 : memref<160x128xf32, #tpu.memory_space<vmem>>) target(%dma_start3A_183 : memref<160x128xf32, #tpu.memory_space<hbm>>) target_semaphore(%arg14 : memref<!tpu.dma_semaphore, #tpu.memory_space<semaphore_mem>>)
    %dma_start3A_188 = arith.constant 1 : i32
    %dma_start3A_189 = arith.constant 0 : i32
    %dma_start3A_190 = arith.constant 0 : i32
    %dma_start3A_191 = tpu.memref_slice %arg10[%dma_start3A_188, %dma_start3A_189, %dma_start3A_190] : memref<2x160x128xf32, #tpu.memory_space<vmem>> -> memref<1x160x128xf32, #tpu.memory_space<vmem>>
    %dma_start3A_192 = tpu.memref_squeeze %dma_start3A_191 : memref<1x160x128xf32, #tpu.memory_space<vmem>> -> memref<160x128xf32, #tpu.memory_space<vmem>>
    %dma_start3A_193 = arith.constant 0 : i32
    %dma_start3A_194 = tpu.memref_slice %arg6[%add3A_144, %dma_start3A_193] : memref<81920x128xf32, #tpu.memory_space<hbm>> -> memref<160x128xf32, #tpu.memory_space<hbm>>
    %dma_start3A_195 = arith.constant 0 : i32
    %dma_start3A_196 = tpu.memref_slice %arg6[%add3A_144, %dma_start3A_195] : memref<81920x128xf32, #tpu.memory_space<hbm>> -> memref<160x128xf32, #tpu.memory_space<hbm>>
    %dma_start3A_197 = arith.constant 0 : i32
    %dma_start3A_198 = arith.constant 0 : i32
    %dma_start3A_199 = tpu.memref_slice %arg10[%dma_start3A_188, %dma_start3A_197, %dma_start3A_198] : memref<2x160x128xf32, #tpu.memory_space<vmem>> -> memref<1x160x128xf32, #tpu.memory_space<vmem>>
    %dma_start3A_200 = tpu.memref_squeeze %dma_start3A_199 : memref<1x160x128xf32, #tpu.memory_space<vmem>> -> memref<160x128xf32, #tpu.memory_space<vmem>>
    tpu.enqueue_dma source(%dma_start3A_200 : memref<160x128xf32, #tpu.memory_space<vmem>>) target(%dma_start3A_196 : memref<160x128xf32, #tpu.memory_space<hbm>>) target_semaphore(%arg14 : memref<!tpu.dma_semaphore, #tpu.memory_space<semaphore_mem>>)
    %dma_wait3A_201 = arith.constant 1 : i32
    %dma_wait3A_202 = arith.constant 0 : i32
    %dma_wait3A_203 = arith.constant 0 : i32
    %dma_wait3A_204 = tpu.memref_slice %arg9[%dma_wait3A_201, %dma_wait3A_202, %dma_wait3A_203] : memref<2x160x128xf32, #tpu.memory_space<vmem>> -> memref<1x160x128xf32, #tpu.memory_space<vmem>>
    %dma_wait3A_205 = tpu.memref_squeeze %dma_wait3A_204 : memref<1x160x128xf32, #tpu.memory_space<vmem>> -> memref<160x128xf32, #tpu.memory_space<vmem>>
    %dma_wait3A_206 = arith.constant 0 : i32
    %dma_wait3A_207 = arith.constant 0 : i32
    %dma_wait3A_208 = tpu.memref_slice %arg2[%dma_wait3A_206, %dma_wait3A_207] : memref<4096x128xf32, #tpu.memory_space<hbm>> -> memref<160x128xf32, #tpu.memory_space<hbm>>
    %dma_wait3A_209 = arith.constant 0 : i32
    %dma_wait3A_210 = arith.constant 0 : i32
    %dma_wait3A_211 = tpu.memref_slice %arg9[%dma_wait3A_201, %dma_wait3A_209, %dma_wait3A_210] : memref<2x160x128xf32, #tpu.memory_space<vmem>> -> memref<1x160x128xf32, #tpu.memory_space<vmem>>
    %dma_wait3A_212 = tpu.memref_squeeze %dma_wait3A_211 : memref<1x160x128xf32, #tpu.memory_space<vmem>> -> memref<160x128xf32, #tpu.memory_space<vmem>>
    %dma_wait3A_213 = arith.constant 0 : i32
    %dma_wait3A_214 = arith.constant 0 : i32
    %dma_wait3A_215 = tpu.memref_slice %arg2[%dma_wait3A_213, %dma_wait3A_214] : memref<4096x128xf32, #tpu.memory_space<hbm>> -> memref<160x128xf32, #tpu.memory_space<hbm>>
    tpu.wait_dma2 semaphore(%arg14 : memref<!tpu.dma_semaphore, #tpu.memory_space<semaphore_mem>>) src(%dma_wait3A_215 : memref<160x128xf32, #tpu.memory_space<hbm>>) dst(%dma_wait3A_212 : memref<160x128xf32, #tpu.memory_space<vmem>>)
    %dma_wait3A_216 = arith.constant 1 : i32
    %dma_wait3A_217 = arith.constant 0 : i32
    %dma_wait3A_218 = arith.constant 0 : i32
    %dma_wait3A_219 = tpu.memref_slice %arg10[%dma_wait3A_216, %dma_wait3A_217, %dma_wait3A_218] : memref<2x160x128xf32, #tpu.memory_space<vmem>> -> memref<1x160x128xf32, #tpu.memory_space<vmem>>
    %dma_wait3A_220 = tpu.memref_squeeze %dma_wait3A_219 : memref<1x160x128xf32, #tpu.memory_space<vmem>> -> memref<160x128xf32, #tpu.memory_space<vmem>>
    %dma_wait3A_221 = arith.constant 0 : i32
    %dma_wait3A_222 = arith.constant 0 : i32
    %dma_wait3A_223 = tpu.memref_slice %arg3[%dma_wait3A_221, %dma_wait3A_222] : memref<4096x128xf32, #tpu.memory_space<hbm>> -> memref<160x128xf32, #tpu.memory_space<hbm>>
    %dma_wait3A_224 = arith.constant 0 : i32
    %dma_wait3A_225 = arith.constant 0 : i32
    %dma_wait3A_226 = tpu.memref_slice %arg10[%dma_wait3A_216, %dma_wait3A_224, %dma_wait3A_225] : memref<2x160x128xf32, #tpu.memory_space<vmem>> -> memref<1x160x128xf32, #tpu.memory_space<vmem>>
    %dma_wait3A_227 = tpu.memref_squeeze %dma_wait3A_226 : memref<1x160x128xf32, #tpu.memory_space<vmem>> -> memref<160x128xf32, #tpu.memory_space<vmem>>
    %dma_wait3A_228 = arith.constant 0 : i32
    %dma_wait3A_229 = arith.constant 0 : i32
    %dma_wait3A_230 = tpu.memref_slice %arg3[%dma_wait3A_228, %dma_wait3A_229] : memref<4096x128xf32, #tpu.memory_space<hbm>> -> memref<160x128xf32, #tpu.memory_space<hbm>>
    tpu.wait_dma2 semaphore(%arg14 : memref<!tpu.dma_semaphore, #tpu.memory_space<semaphore_mem>>) src(%dma_wait3A_230 : memref<160x128xf32, #tpu.memory_space<hbm>>) dst(%dma_wait3A_227 : memref<160x128xf32, #tpu.memory_space<vmem>>)
    %add3A_231 = arith.constant 480 : i32
    %add3A_232 = arith.addi %mul3A_2, %add3A_231 : i32
    "tpu.region"() ({
      %run_scoped3A = tpu.sem_alloc : memref<!tpu.dma_semaphore, #tpu.memory_space<semaphore_mem>>
      %dma_start3A_1697 = tpu.memref_slice %arg4[%add3A_232] : memref<81920xi32, #tpu.memory_space<hbm>> -> memref<160xi32, #tpu.memory_space<hbm>>
      %dma_start3A_1698 = tpu.memref_slice %arg4[%add3A_232] : memref<81920xi32, #tpu.memory_space<hbm>> -> memref<160xi32, #tpu.memory_space<hbm>>
      tpu.enqueue_dma source(%dma_start3A_1698 : memref<160xi32, #tpu.memory_space<hbm>>) target(%arg8 : memref<160xi32, #tpu.memory_space<vmem>>) target_semaphore(%run_scoped3A : memref<!tpu.dma_semaphore, #tpu.memory_space<semaphore_mem>>)
      %dma_wait3A_1699 = tpu.memref_slice %arg4[%add3A_232] : memref<81920xi32, #tpu.memory_space<hbm>> -> memref<160xi32, #tpu.memory_space<hbm>>
      %dma_wait3A_1700 = tpu.memref_slice %arg4[%add3A_232] : memref<81920xi32, #tpu.memory_space<hbm>> -> memref<160xi32, #tpu.memory_space<hbm>>
      tpu.wait_dma2 semaphore(%run_scoped3A : memref<!tpu.dma_semaphore, #tpu.memory_space<semaphore_mem>>) src(%dma_wait3A_1700 : memref<160xi32, #tpu.memory_space<hbm>>) dst(%arg8 : memref<160xi32, #tpu.memory_space<vmem>>)
      tpu.yield
    }) : () -> ()
    %dma_start3A_233 = arith.constant 1 : i32
    %dma_start3A_234 = arith.constant 0 : i32
    %dma_start3A_235 = arith.constant 0 : i32
    %dma_start3A_236 = tpu.memref_slice %arg9[%dma_start3A_233, %dma_start3A_234, %dma_start3A_235] : memref<2x160x128xf32, #tpu.memory_space<vmem>> -> memref<1x160x128xf32, #tpu.memory_space<vmem>>
    %dma_start3A_237 = tpu.memref_squeeze %dma_start3A_236 : memref<1x160x128xf32, #tpu.memory_space<vmem>> -> memref<160x128xf32, #tpu.memory_space<vmem>>
    %dma_start3A_238 = arith.constant 0 : i32
    %dma_start3A_239 = arith.constant 0 : i32
    %dma_start3A_240 = tpu.memref_slice %arg2[%dma_start3A_238, %dma_start3A_239] : memref<4096x128xf32, #tpu.memory_space<hbm>> -> memref<4096x128xf32, #tpu.memory_space<hbm>>
    tpu.enqueue_indirect_dma source(%dma_start3A_240 : memref<4096x128xf32, #tpu.memory_space<hbm>>) target(%dma_start3A_237 : memref<160x128xf32, #tpu.memory_space<vmem>>) offsets(%arg8 : memref<160xi32, #tpu.memory_space<vmem>>) semaphore(%arg12 : memref<!tpu.dma_semaphore, #tpu.memory_space<semaphore_mem>>)
    %dma_start3A_241 = arith.constant 1 : i32
    %dma_start3A_242 = arith.constant 0 : i32
    %dma_start3A_243 = arith.constant 0 : i32
    %dma_start3A_244 = tpu.memref_slice %arg10[%dma_start3A_241, %dma_start3A_242, %dma_start3A_243] : memref<2x160x128xf32, #tpu.memory_space<vmem>> -> memref<1x160x128xf32, #tpu.memory_space<vmem>>
    %dma_start3A_245 = tpu.memref_squeeze %dma_start3A_244 : memref<1x160x128xf32, #tpu.memory_space<vmem>> -> memref<160x128xf32, #tpu.memory_space<vmem>>
    %dma_start3A_246 = arith.constant 0 : i32
    %dma_start3A_247 = arith.constant 0 : i32
    %dma_start3A_248 = tpu.memref_slice %arg3[%dma_start3A_246, %dma_start3A_247] : memref<4096x128xf32, #tpu.memory_space<hbm>> -> memref<4096x128xf32, #tpu.memory_space<hbm>>
    tpu.enqueue_indirect_dma source(%dma_start3A_248 : memref<4096x128xf32, #tpu.memory_space<hbm>>) target(%dma_start3A_245 : memref<160x128xf32, #tpu.memory_space<vmem>>) offsets(%arg8 : memref<160xi32, #tpu.memory_space<vmem>>) semaphore(%arg12 : memref<!tpu.dma_semaphore, #tpu.memory_space<semaphore_mem>>)
    %add3A_249 = arith.constant 320 : i32
    %add3A_250 = arith.addi %mul3A_2, %add3A_249 : i32
    %dma_wait3A_251 = arith.constant 0 : i32
    %dma_wait3A_252 = arith.constant 0 : i32
    %dma_wait3A_253 = arith.constant 0 : i32
    %dma_wait3A_254 = tpu.memref_slice %arg9[%dma_wait3A_251, %dma_wait3A_252, %dma_wait3A_253] : memref<2x160x128xf32, #tpu.memory_space<vmem>> -> memref<1x160x128xf32, #tpu.memory_space<vmem>>
    %dma_wait3A_255 = tpu.memref_squeeze %dma_wait3A_254 : memref<1x160x128xf32, #tpu.memory_space<vmem>> -> memref<160x128xf32, #tpu.memory_space<vmem>>
    %dma_wait3A_256 = arith.constant 0 : i32
    %dma_wait3A_257 = arith.constant 0 : i32
    %dma_wait3A_258 = tpu.memref_slice %arg2[%dma_wait3A_256, %dma_wait3A_257] : memref<4096x128xf32, #tpu.memory_space<hbm>> -> memref<160x128xf32, #tpu.memory_space<hbm>>
    %dma_wait3A_259 = arith.constant 0 : i32
    %dma_wait3A_260 = arith.constant 0 : i32
    %dma_wait3A_261 = tpu.memref_slice %arg9[%dma_wait3A_251, %dma_wait3A_259, %dma_wait3A_260] : memref<2x160x128xf32, #tpu.memory_space<vmem>> -> memref<1x160x128xf32, #tpu.memory_space<vmem>>
    %dma_wait3A_262 = tpu.memref_squeeze %dma_wait3A_261 : memref<1x160x128xf32, #tpu.memory_space<vmem>> -> memref<160x128xf32, #tpu.memory_space<vmem>>
    %dma_wait3A_263 = arith.constant 0 : i32
    %dma_wait3A_264 = arith.constant 0 : i32
    %dma_wait3A_265 = tpu.memref_slice %arg2[%dma_wait3A_263, %dma_wait3A_264] : memref<4096x128xf32, #tpu.memory_space<hbm>> -> memref<160x128xf32, #tpu.memory_space<hbm>>
    tpu.wait_dma2 semaphore(%arg11 : memref<!tpu.dma_semaphore, #tpu.memory_space<semaphore_mem>>) src(%dma_wait3A_265 : memref<160x128xf32, #tpu.memory_space<hbm>>) dst(%dma_wait3A_262 : memref<160x128xf32, #tpu.memory_space<vmem>>)
    %dma_wait3A_266 = arith.constant 0 : i32
    %dma_wait3A_267 = arith.constant 0 : i32
    %dma_wait3A_268 = arith.constant 0 : i32
    %dma_wait3A_269 = tpu.memref_slice %arg10[%dma_wait3A_266, %dma_wait3A_267, %dma_wait3A_268] : memref<2x160x128xf32, #tpu.memory_space<vmem>> -> memref<1x160x128xf32, #tpu.memory_space<vmem>>
    %dma_wait3A_270 = tpu.memref_squeeze %dma_wait3A_269 : memref<1x160x128xf32, #tpu.memory_space<vmem>> -> memref<160x128xf32, #tpu.memory_space<vmem>>
    %dma_wait3A_271 = arith.constant 0 : i32
    %dma_wait3A_272 = arith.constant 0 : i32
    %dma_wait3A_273 = tpu.memref_slice %arg3[%dma_wait3A_271, %dma_wait3A_272] : memref<4096x128xf32, #tpu.memory_space<hbm>> -> memref<160x128xf32, #tpu.memory_space<hbm>>
    %dma_wait3A_274 = arith.constant 0 : i32
    %dma_wait3A_275 = arith.constant 0 : i32
    %dma_wait3A_276 = tpu.memref_slice %arg10[%dma_wait3A_266, %dma_wait3A_274, %dma_wait3A_275] : memref<2x160x128xf32, #tpu.memory_space<vmem>> -> memref<1x160x128xf32, #tpu.memory_space<vmem>>
    %dma_wait3A_277 = tpu.memref_squeeze %dma_wait3A_276 : memref<1x160x128xf32, #tpu.memory_space<vmem>> -> memref<160x128xf32, #tpu.memory_space<vmem>>
    %dma_wait3A_278 = arith.constant 0 : i32
    %dma_wait3A_279 = arith.constant 0 : i32
    %dma_wait3A_280 = tpu.memref_slice %arg3[%dma_wait3A_278, %dma_wait3A_279] : memref<4096x128xf32, #tpu.memory_space<hbm>> -> memref<160x128xf32, #tpu.memory_space<hbm>>
    tpu.wait_dma2 semaphore(%arg11 : memref<!tpu.dma_semaphore, #tpu.memory_space<semaphore_mem>>) src(%dma_wait3A_280 : memref<160x128xf32, #tpu.memory_space<hbm>>) dst(%dma_wait3A_277 : memref<160x128xf32, #tpu.memory_space<vmem>>)
    %dma_start3A_281 = arith.constant 0 : i32
    %dma_start3A_282 = arith.constant 0 : i32
    %dma_start3A_283 = arith.constant 0 : i32
    %dma_start3A_284 = tpu.memref_slice %arg9[%dma_start3A_281, %dma_start3A_282, %dma_start3A_283] : memref<2x160x128xf32, #tpu.memory_space<vmem>> -> memref<1x160x128xf32, #tpu.memory_space<vmem>>
    %dma_start3A_285 = tpu.memref_squeeze %dma_start3A_284 : memref<1x160x128xf32, #tpu.memory_space<vmem>> -> memref<160x128xf32, #tpu.memory_space<vmem>>
    %dma_start3A_286 = arith.constant 0 : i32
    %dma_start3A_287 = tpu.memref_slice %arg5[%add3A_250, %dma_start3A_286] : memref<81920x128xf32, #tpu.memory_space<hbm>> -> memref<160x128xf32, #tpu.memory_space<hbm>>
    %dma_start3A_288 = arith.constant 0 : i32
    %dma_start3A_289 = tpu.memref_slice %arg5[%add3A_250, %dma_start3A_288] : memref<81920x128xf32, #tpu.memory_space<hbm>> -> memref<160x128xf32, #tpu.memory_space<hbm>>
    %dma_start3A_290 = arith.constant 0 : i32
    %dma_start3A_291 = arith.constant 0 : i32
    %dma_start3A_292 = tpu.memref_slice %arg9[%dma_start3A_281, %dma_start3A_290, %dma_start3A_291] : memref<2x160x128xf32, #tpu.memory_space<vmem>> -> memref<1x160x128xf32, #tpu.memory_space<vmem>>
    %dma_start3A_293 = tpu.memref_squeeze %dma_start3A_292 : memref<1x160x128xf32, #tpu.memory_space<vmem>> -> memref<160x128xf32, #tpu.memory_space<vmem>>
    tpu.enqueue_dma source(%dma_start3A_293 : memref<160x128xf32, #tpu.memory_space<vmem>>) target(%dma_start3A_289 : memref<160x128xf32, #tpu.memory_space<hbm>>) target_semaphore(%arg13 : memref<!tpu.dma_semaphore, #tpu.memory_space<semaphore_mem>>)
    %dma_start3A_294 = arith.constant 0 : i32
    %dma_start3A_295 = arith.constant 0 : i32
    %dma_start3A_296 = arith.constant 0 : i32
    %dma_start3A_297 = tpu.memref_slice %arg10[%dma_start3A_294, %dma_start3A_295, %dma_start3A_296] : memref<2x160x128xf32, #tpu.memory_space<vmem>> -> memref<1x160x128xf32, #tpu.memory_space<vmem>>
    %dma_start3A_298 = tpu.memref_squeeze %dma_start3A_297 : memref<1x160x128xf32, #tpu.memory_space<vmem>> -> memref<160x128xf32, #tpu.memory_space<vmem>>
    %dma_start3A_299 = arith.constant 0 : i32
    %dma_start3A_300 = tpu.memref_slice %arg6[%add3A_250, %dma_start3A_299] : memref<81920x128xf32, #tpu.memory_space<hbm>> -> memref<160x128xf32, #tpu.memory_space<hbm>>
    %dma_start3A_301 = arith.constant 0 : i32
    %dma_start3A_302 = tpu.memref_slice %arg6[%add3A_250, %dma_start3A_301] : memref<81920x128xf32, #tpu.memory_space<hbm>> -> memref<160x128xf32, #tpu.memory_space<hbm>>
    %dma_start3A_303 = arith.constant 0 : i32
    %dma_start3A_304 = arith.constant 0 : i32
    %dma_start3A_305 = tpu.memref_slice %arg10[%dma_start3A_294, %dma_start3A_303, %dma_start3A_304] : memref<2x160x128xf32, #tpu.memory_space<vmem>> -> memref<1x160x128xf32, #tpu.memory_space<vmem>>
    %dma_start3A_306 = tpu.memref_squeeze %dma_start3A_305 : memref<1x160x128xf32, #tpu.memory_space<vmem>> -> memref<160x128xf32, #tpu.memory_space<vmem>>
    tpu.enqueue_dma source(%dma_start3A_306 : memref<160x128xf32, #tpu.memory_space<vmem>>) target(%dma_start3A_302 : memref<160x128xf32, #tpu.memory_space<hbm>>) target_semaphore(%arg13 : memref<!tpu.dma_semaphore, #tpu.memory_space<semaphore_mem>>)
    %dma_wait3A_307 = arith.constant 0 : i32
    %dma_wait3A_308 = arith.constant 0 : i32
    %dma_wait3A_309 = arith.constant 0 : i32
    %dma_wait3A_310 = tpu.memref_slice %arg9[%dma_wait3A_307, %dma_wait3A_308, %dma_wait3A_309] : memref<2x160x128xf32, #tpu.memory_space<vmem>> -> memref<1x160x128xf32, #tpu.memory_space<vmem>>
    %dma_wait3A_311 = tpu.memref_squeeze %dma_wait3A_310 : memref<1x160x128xf32, #tpu.memory_space<vmem>> -> memref<160x128xf32, #tpu.memory_space<vmem>>
    %dma_wait3A_312 = arith.constant 0 : i32
    %dma_wait3A_313 = arith.constant 0 : i32
    %dma_wait3A_314 = tpu.memref_slice %arg2[%dma_wait3A_312, %dma_wait3A_313] : memref<4096x128xf32, #tpu.memory_space<hbm>> -> memref<160x128xf32, #tpu.memory_space<hbm>>
    %dma_wait3A_315 = arith.constant 0 : i32
    %dma_wait3A_316 = arith.constant 0 : i32
    %dma_wait3A_317 = tpu.memref_slice %arg9[%dma_wait3A_307, %dma_wait3A_315, %dma_wait3A_316] : memref<2x160x128xf32, #tpu.memory_space<vmem>> -> memref<1x160x128xf32, #tpu.memory_space<vmem>>
    %dma_wait3A_318 = tpu.memref_squeeze %dma_wait3A_317 : memref<1x160x128xf32, #tpu.memory_space<vmem>> -> memref<160x128xf32, #tpu.memory_space<vmem>>
    %dma_wait3A_319 = arith.constant 0 : i32
    %dma_wait3A_320 = arith.constant 0 : i32
    %dma_wait3A_321 = tpu.memref_slice %arg2[%dma_wait3A_319, %dma_wait3A_320] : memref<4096x128xf32, #tpu.memory_space<hbm>> -> memref<160x128xf32, #tpu.memory_space<hbm>>
    tpu.wait_dma2 semaphore(%arg13 : memref<!tpu.dma_semaphore, #tpu.memory_space<semaphore_mem>>) src(%dma_wait3A_321 : memref<160x128xf32, #tpu.memory_space<hbm>>) dst(%dma_wait3A_318 : memref<160x128xf32, #tpu.memory_space<vmem>>)
    %dma_wait3A_322 = arith.constant 0 : i32
    %dma_wait3A_323 = arith.constant 0 : i32
    %dma_wait3A_324 = arith.constant 0 : i32
    %dma_wait3A_325 = tpu.memref_slice %arg10[%dma_wait3A_322, %dma_wait3A_323, %dma_wait3A_324] : memref<2x160x128xf32, #tpu.memory_space<vmem>> -> memref<1x160x128xf32, #tpu.memory_space<vmem>>
    %dma_wait3A_326 = tpu.memref_squeeze %dma_wait3A_325 : memref<1x160x128xf32, #tpu.memory_space<vmem>> -> memref<160x128xf32, #tpu.memory_space<vmem>>
    %dma_wait3A_327 = arith.constant 0 : i32
    %dma_wait3A_328 = arith.constant 0 : i32
    %dma_wait3A_329 = tpu.memref_slice %arg3[%dma_wait3A_327, %dma_wait3A_328] : memref<4096x128xf32, #tpu.memory_space<hbm>> -> memref<160x128xf32, #tpu.memory_space<hbm>>
    %dma_wait3A_330 = arith.constant 0 : i32
    %dma_wait3A_331 = arith.constant 0 : i32
    %dma_wait3A_332 = tpu.memref_slice %arg10[%dma_wait3A_322, %dma_wait3A_330, %dma_wait3A_331] : memref<2x160x128xf32, #tpu.memory_space<vmem>> -> memref<1x160x128xf32, #tpu.memory_space<vmem>>
    %dma_wait3A_333 = tpu.memref_squeeze %dma_wait3A_332 : memref<1x160x128xf32, #tpu.memory_space<vmem>> -> memref<160x128xf32, #tpu.memory_space<vmem>>
    %dma_wait3A_334 = arith.constant 0 : i32
    %dma_wait3A_335 = arith.constant 0 : i32
    %dma_wait3A_336 = tpu.memref_slice %arg3[%dma_wait3A_334, %dma_wait3A_335] : memref<4096x128xf32, #tpu.memory_space<hbm>> -> memref<160x128xf32, #tpu.memory_space<hbm>>
    tpu.wait_dma2 semaphore(%arg13 : memref<!tpu.dma_semaphore, #tpu.memory_space<semaphore_mem>>) src(%dma_wait3A_336 : memref<160x128xf32, #tpu.memory_space<hbm>>) dst(%dma_wait3A_333 : memref<160x128xf32, #tpu.memory_space<vmem>>)
    %add3A_337 = arith.constant 640 : i32
    %add3A_338 = arith.addi %mul3A_2, %add3A_337 : i32
    "tpu.region"() ({
      %run_scoped3A = tpu.sem_alloc : memref<!tpu.dma_semaphore, #tpu.memory_space<semaphore_mem>>
      %dma_start3A_1697 = tpu.memref_slice %arg4[%add3A_338] : memref<81920xi32, #tpu.memory_space<hbm>> -> memref<160xi32, #tpu.memory_space<hbm>>
      %dma_start3A_1698 = tpu.memref_slice %arg4[%add3A_338] : memref<81920xi32, #tpu.memory_space<hbm>> -> memref<160xi32, #tpu.memory_space<hbm>>
      tpu.enqueue_dma source(%dma_start3A_1698 : memref<160xi32, #tpu.memory_space<hbm>>) target(%arg7 : memref<160xi32, #tpu.memory_space<vmem>>) target_semaphore(%run_scoped3A : memref<!tpu.dma_semaphore, #tpu.memory_space<semaphore_mem>>)
      %dma_wait3A_1699 = tpu.memref_slice %arg4[%add3A_338] : memref<81920xi32, #tpu.memory_space<hbm>> -> memref<160xi32, #tpu.memory_space<hbm>>
      %dma_wait3A_1700 = tpu.memref_slice %arg4[%add3A_338] : memref<81920xi32, #tpu.memory_space<hbm>> -> memref<160xi32, #tpu.memory_space<hbm>>
      tpu.wait_dma2 semaphore(%run_scoped3A : memref<!tpu.dma_semaphore, #tpu.memory_space<semaphore_mem>>) src(%dma_wait3A_1700 : memref<160xi32, #tpu.memory_space<hbm>>) dst(%arg7 : memref<160xi32, #tpu.memory_space<vmem>>)
      tpu.yield
    }) : () -> ()
    %dma_start3A_339 = arith.constant 0 : i32
    %dma_start3A_340 = arith.constant 0 : i32
    %dma_start3A_341 = arith.constant 0 : i32
    %dma_start3A_342 = tpu.memref_slice %arg9[%dma_start3A_339, %dma_start3A_340, %dma_start3A_341] : memref<2x160x128xf32, #tpu.memory_space<vmem>> -> memref<1x160x128xf32, #tpu.memory_space<vmem>>
    %dma_start3A_343 = tpu.memref_squeeze %dma_start3A_342 : memref<1x160x128xf32, #tpu.memory_space<vmem>> -> memref<160x128xf32, #tpu.memory_space<vmem>>
    %dma_start3A_344 = arith.constant 0 : i32
    %dma_start3A_345 = arith.constant 0 : i32
    %dma_start3A_346 = tpu.memref_slice %arg2[%dma_start3A_344, %dma_start3A_345] : memref<4096x128xf32, #tpu.memory_space<hbm>> -> memref<4096x128xf32, #tpu.memory_space<hbm>>
    tpu.enqueue_indirect_dma source(%dma_start3A_346 : memref<4096x128xf32, #tpu.memory_space<hbm>>) target(%dma_start3A_343 : memref<160x128xf32, #tpu.memory_space<vmem>>) offsets(%arg7 : memref<160xi32, #tpu.memory_space<vmem>>) semaphore(%arg11 : memref<!tpu.dma_semaphore, #tpu.memory_space<semaphore_mem>>)
    %dma_start3A_347 = arith.constant 0 : i32
    %dma_start3A_348 = arith.constant 0 : i32
    %dma_start3A_349 = arith.constant 0 : i32
    %dma_start3A_350 = tpu.memref_slice %arg10[%dma_start3A_347, %dma_start3A_348, %dma_start3A_349] : memref<2x160x128xf32, #tpu.memory_space<vmem>> -> memref<1x160x128xf32, #tpu.memory_space<vmem>>
    %dma_start3A_351 = tpu.memref_squeeze %dma_start3A_350 : memref<1x160x128xf32, #tpu.memory_space<vmem>> -> memref<160x128xf32, #tpu.memory_space<vmem>>
    %dma_start3A_352 = arith.constant 0 : i32
    %dma_start3A_353 = arith.constant 0 : i32
    %dma_start3A_354 = tpu.memref_slice %arg3[%dma_start3A_352, %dma_start3A_353] : memref<4096x128xf32, #tpu.memory_space<hbm>> -> memref<4096x128xf32, #tpu.memory_space<hbm>>
    tpu.enqueue_indirect_dma source(%dma_start3A_354 : memref<4096x128xf32, #tpu.memory_space<hbm>>) target(%dma_start3A_351 : memref<160x128xf32, #tpu.memory_space<vmem>>) offsets(%arg7 : memref<160xi32, #tpu.memory_space<vmem>>) semaphore(%arg11 : memref<!tpu.dma_semaphore, #tpu.memory_space<semaphore_mem>>)
    %add3A_355 = arith.constant 480 : i32
    %add3A_356 = arith.addi %mul3A_2, %add3A_355 : i32
    %dma_wait3A_357 = arith.constant 1 : i32
    %dma_wait3A_358 = arith.constant 0 : i32
    %dma_wait3A_359 = arith.constant 0 : i32
    %dma_wait3A_360 = tpu.memref_slice %arg9[%dma_wait3A_357, %dma_wait3A_358, %dma_wait3A_359] : memref<2x160x128xf32, #tpu.memory_space<vmem>> -> memref<1x160x128xf32, #tpu.memory_space<vmem>>
    %dma_wait3A_361 = tpu.memref_squeeze %dma_wait3A_360 : memref<1x160x128xf32, #tpu.memory_space<vmem>> -> memref<160x128xf32, #tpu.memory_space<vmem>>
    %dma_wait3A_362 = arith.constant 0 : i32
    %dma_wait3A_363 = arith.constant 0 : i32
    %dma_wait3A_364 = tpu.memref_slice %arg2[%dma_wait3A_362, %dma_wait3A_363] : memref<4096x128xf32, #tpu.memory_space<hbm>> -> memref<160x128xf32, #tpu.memory_space<hbm>>
    %dma_wait3A_365 = arith.constant 0 : i32
    %dma_wait3A_366 = arith.constant 0 : i32
    %dma_wait3A_367 = tpu.memref_slice %arg9[%dma_wait3A_357, %dma_wait3A_365, %dma_wait3A_366] : memref<2x160x128xf32, #tpu.memory_space<vmem>> -> memref<1x160x128xf32, #tpu.memory_space<vmem>>
    %dma_wait3A_368 = tpu.memref_squeeze %dma_wait3A_367 : memref<1x160x128xf32, #tpu.memory_space<vmem>> -> memref<160x128xf32, #tpu.memory_space<vmem>>
    %dma_wait3A_369 = arith.constant 0 : i32
    %dma_wait3A_370 = arith.constant 0 : i32
    %dma_wait3A_371 = tpu.memref_slice %arg2[%dma_wait3A_369, %dma_wait3A_370] : memref<4096x128xf32, #tpu.memory_space<hbm>> -> memref<160x128xf32, #tpu.memory_space<hbm>>
    tpu.wait_dma2 semaphore(%arg12 : memref<!tpu.dma_semaphore, #tpu.memory_space<semaphore_mem>>) src(%dma_wait3A_371 : memref<160x128xf32, #tpu.memory_space<hbm>>) dst(%dma_wait3A_368 : memref<160x128xf32, #tpu.memory_space<vmem>>)
    %dma_wait3A_372 = arith.constant 1 : i32
    %dma_wait3A_373 = arith.constant 0 : i32
    %dma_wait3A_374 = arith.constant 0 : i32
    %dma_wait3A_375 = tpu.memref_slice %arg10[%dma_wait3A_372, %dma_wait3A_373, %dma_wait3A_374] : memref<2x160x128xf32, #tpu.memory_space<vmem>> -> memref<1x160x128xf32, #tpu.memory_space<vmem>>
    %dma_wait3A_376 = tpu.memref_squeeze %dma_wait3A_375 : memref<1x160x128xf32, #tpu.memory_space<vmem>> -> memref<160x128xf32, #tpu.memory_space<vmem>>
    %dma_wait3A_377 = arith.constant 0 : i32
    %dma_wait3A_378 = arith.constant 0 : i32
    %dma_wait3A_379 = tpu.memref_slice %arg3[%dma_wait3A_377, %dma_wait3A_378] : memref<4096x128xf32, #tpu.memory_space<hbm>> -> memref<160x128xf32, #tpu.memory_space<hbm>>
    %dma_wait3A_380 = arith.constant 0 : i32
    %dma_wait3A_381 = arith.constant 0 : i32
    %dma_wait3A_382 = tpu.memref_slice %arg10[%dma_wait3A_372, %dma_wait3A_380, %dma_wait3A_381] : memref<2x160x128xf32, #tpu.memory_space<vmem>> -> memref<1x160x128xf32, #tpu.memory_space<vmem>>
    %dma_wait3A_383 = tpu.memref_squeeze %dma_wait3A_382 : memref<1x160x128xf32, #tpu.memory_space<vmem>> -> memref<160x128xf32, #tpu.memory_space<vmem>>
    %dma_wait3A_384 = arith.constant 0 : i32
    %dma_wait3A_385 = arith.constant 0 : i32
    %dma_wait3A_386 = tpu.memref_slice %arg3[%dma_wait3A_384, %dma_wait3A_385] : memref<4096x128xf32, #tpu.memory_space<hbm>> -> memref<160x128xf32, #tpu.memory_space<hbm>>
    tpu.wait_dma2 semaphore(%arg12 : memref<!tpu.dma_semaphore, #tpu.memory_space<semaphore_mem>>) src(%dma_wait3A_386 : memref<160x128xf32, #tpu.memory_space<hbm>>) dst(%dma_wait3A_383 : memref<160x128xf32, #tpu.memory_space<vmem>>)
    %dma_start3A_387 = arith.constant 1 : i32
    %dma_start3A_388 = arith.constant 0 : i32
    %dma_start3A_389 = arith.constant 0 : i32
    %dma_start3A_390 = tpu.memref_slice %arg9[%dma_start3A_387, %dma_start3A_388, %dma_start3A_389] : memref<2x160x128xf32, #tpu.memory_space<vmem>> -> memref<1x160x128xf32, #tpu.memory_space<vmem>>
    %dma_start3A_391 = tpu.memref_squeeze %dma_start3A_390 : memref<1x160x128xf32, #tpu.memory_space<vmem>> -> memref<160x128xf32, #tpu.memory_space<vmem>>
    %dma_start3A_392 = arith.constant 0 : i32
    %dma_start3A_393 = tpu.memref_slice %arg5[%add3A_356, %dma_start3A_392] : memref<81920x128xf32, #tpu.memory_space<hbm>> -> memref<160x128xf32, #tpu.memory_space<hbm>>
    %dma_start3A_394 = arith.constant 0 : i32
    %dma_start3A_395 = tpu.memref_slice %arg5[%add3A_356, %dma_start3A_394] : memref<81920x128xf32, #tpu.memory_space<hbm>> -> memref<160x128xf32, #tpu.memory_space<hbm>>
    %dma_start3A_396 = arith.constant 0 : i32
    %dma_start3A_397 = arith.constant 0 : i32
    %dma_start3A_398 = tpu.memref_slice %arg9[%dma_start3A_387, %dma_start3A_396, %dma_start3A_397] : memref<2x160x128xf32, #tpu.memory_space<vmem>> -> memref<1x160x128xf32, #tpu.memory_space<vmem>>
    %dma_start3A_399 = tpu.memref_squeeze %dma_start3A_398 : memref<1x160x128xf32, #tpu.memory_space<vmem>> -> memref<160x128xf32, #tpu.memory_space<vmem>>
    tpu.enqueue_dma source(%dma_start3A_399 : memref<160x128xf32, #tpu.memory_space<vmem>>) target(%dma_start3A_395 : memref<160x128xf32, #tpu.memory_space<hbm>>) target_semaphore(%arg14 : memref<!tpu.dma_semaphore, #tpu.memory_space<semaphore_mem>>)
    %dma_start3A_400 = arith.constant 1 : i32
    %dma_start3A_401 = arith.constant 0 : i32
    %dma_start3A_402 = arith.constant 0 : i32
    %dma_start3A_403 = tpu.memref_slice %arg10[%dma_start3A_400, %dma_start3A_401, %dma_start3A_402] : memref<2x160x128xf32, #tpu.memory_space<vmem>> -> memref<1x160x128xf32, #tpu.memory_space<vmem>>
    %dma_start3A_404 = tpu.memref_squeeze %dma_start3A_403 : memref<1x160x128xf32, #tpu.memory_space<vmem>> -> memref<160x128xf32, #tpu.memory_space<vmem>>
    %dma_start3A_405 = arith.constant 0 : i32
    %dma_start3A_406 = tpu.memref_slice %arg6[%add3A_356, %dma_start3A_405] : memref<81920x128xf32, #tpu.memory_space<hbm>> -> memref<160x128xf32, #tpu.memory_space<hbm>>
    %dma_start3A_407 = arith.constant 0 : i32
    %dma_start3A_408 = tpu.memref_slice %arg6[%add3A_356, %dma_start3A_407] : memref<81920x128xf32, #tpu.memory_space<hbm>> -> memref<160x128xf32, #tpu.memory_space<hbm>>
    %dma_start3A_409 = arith.constant 0 : i32
    %dma_start3A_410 = arith.constant 0 : i32
    %dma_start3A_411 = tpu.memref_slice %arg10[%dma_start3A_400, %dma_start3A_409, %dma_start3A_410] : memref<2x160x128xf32, #tpu.memory_space<vmem>> -> memref<1x160x128xf32, #tpu.memory_space<vmem>>
    %dma_start3A_412 = tpu.memref_squeeze %dma_start3A_411 : memref<1x160x128xf32, #tpu.memory_space<vmem>> -> memref<160x128xf32, #tpu.memory_space<vmem>>
    tpu.enqueue_dma source(%dma_start3A_412 : memref<160x128xf32, #tpu.memory_space<vmem>>) target(%dma_start3A_408 : memref<160x128xf32, #tpu.memory_space<hbm>>) target_semaphore(%arg14 : memref<!tpu.dma_semaphore, #tpu.memory_space<semaphore_mem>>)
    %dma_wait3A_413 = arith.constant 1 : i32
    %dma_wait3A_414 = arith.constant 0 : i32
    %dma_wait3A_415 = arith.constant 0 : i32
    %dma_wait3A_416 = tpu.memref_slice %arg9[%dma_wait3A_413, %dma_wait3A_414, %dma_wait3A_415] : memref<2x160x128xf32, #tpu.memory_space<vmem>> -> memref<1x160x128xf32, #tpu.memory_space<vmem>>
    %dma_wait3A_417 = tpu.memref_squeeze %dma_wait3A_416 : memref<1x160x128xf32, #tpu.memory_space<vmem>> -> memref<160x128xf32, #tpu.memory_space<vmem>>
    %dma_wait3A_418 = arith.constant 0 : i32
    %dma_wait3A_419 = arith.constant 0 : i32
    %dma_wait3A_420 = tpu.memref_slice %arg2[%dma_wait3A_418, %dma_wait3A_419] : memref<4096x128xf32, #tpu.memory_space<hbm>> -> memref<160x128xf32, #tpu.memory_space<hbm>>
    %dma_wait3A_421 = arith.constant 0 : i32
    %dma_wait3A_422 = arith.constant 0 : i32
    %dma_wait3A_423 = tpu.memref_slice %arg9[%dma_wait3A_413, %dma_wait3A_421, %dma_wait3A_422] : memref<2x160x128xf32, #tpu.memory_space<vmem>> -> memref<1x160x128xf32, #tpu.memory_space<vmem>>
    %dma_wait3A_424 = tpu.memref_squeeze %dma_wait3A_423 : memref<1x160x128xf32, #tpu.memory_space<vmem>> -> memref<160x128xf32, #tpu.memory_space<vmem>>
    %dma_wait3A_425 = arith.constant 0 : i32
    %dma_wait3A_426 = arith.constant 0 : i32
    %dma_wait3A_427 = tpu.memref_slice %arg2[%dma_wait3A_425, %dma_wait3A_426] : memref<4096x128xf32, #tpu.memory_space<hbm>> -> memref<160x128xf32, #tpu.memory_space<hbm>>
    tpu.wait_dma2 semaphore(%arg14 : memref<!tpu.dma_semaphore, #tpu.memory_space<semaphore_mem>>) src(%dma_wait3A_427 : memref<160x128xf32, #tpu.memory_space<hbm>>) dst(%dma_wait3A_424 : memref<160x128xf32, #tpu.memory_space<vmem>>)
    %dma_wait3A_428 = arith.constant 1 : i32
    %dma_wait3A_429 = arith.constant 0 : i32
    %dma_wait3A_430 = arith.constant 0 : i32
    %dma_wait3A_431 = tpu.memref_slice %arg10[%dma_wait3A_428, %dma_wait3A_429, %dma_wait3A_430] : memref<2x160x128xf32, #tpu.memory_space<vmem>> -> memref<1x160x128xf32, #tpu.memory_space<vmem>>
    %dma_wait3A_432 = tpu.memref_squeeze %dma_wait3A_431 : memref<1x160x128xf32, #tpu.memory_space<vmem>> -> memref<160x128xf32, #tpu.memory_space<vmem>>
    %dma_wait3A_433 = arith.constant 0 : i32
    %dma_wait3A_434 = arith.constant 0 : i32
    %dma_wait3A_435 = tpu.memref_slice %arg3[%dma_wait3A_433, %dma_wait3A_434] : memref<4096x128xf32, #tpu.memory_space<hbm>> -> memref<160x128xf32, #tpu.memory_space<hbm>>
    %dma_wait3A_436 = arith.constant 0 : i32
    %dma_wait3A_437 = arith.constant 0 : i32
    %dma_wait3A_438 = tpu.memref_slice %arg10[%dma_wait3A_428, %dma_wait3A_436, %dma_wait3A_437] : memref<2x160x128xf32, #tpu.memory_space<vmem>> -> memref<1x160x128xf32, #tpu.memory_space<vmem>>
    %dma_wait3A_439 = tpu.memref_squeeze %dma_wait3A_438 : memref<1x160x128xf32, #tpu.memory_space<vmem>> -> memref<160x128xf32, #tpu.memory_space<vmem>>
    %dma_wait3A_440 = arith.constant 0 : i32
    %dma_wait3A_441 = arith.constant 0 : i32
    %dma_wait3A_442 = tpu.memref_slice %arg3[%dma_wait3A_440, %dma_wait3A_441] : memref<4096x128xf32, #tpu.memory_space<hbm>> -> memref<160x128xf32, #tpu.memory_space<hbm>>
    tpu.wait_dma2 semaphore(%arg14 : memref<!tpu.dma_semaphore, #tpu.memory_space<semaphore_mem>>) src(%dma_wait3A_442 : memref<160x128xf32, #tpu.memory_space<hbm>>) dst(%dma_wait3A_439 : memref<160x128xf32, #tpu.memory_space<vmem>>)
    %add3A_443 = arith.constant 800 : i32
    %add3A_444 = arith.addi %mul3A_2, %add3A_443 : i32
    "tpu.region"() ({
      %run_scoped3A = tpu.sem_alloc : memref<!tpu.dma_semaphore, #tpu.memory_space<semaphore_mem>>
      %dma_start3A_1697 = tpu.memref_slice %arg4[%add3A_444] : memref<81920xi32, #tpu.memory_space<hbm>> -> memref<160xi32, #tpu.memory_space<hbm>>
      %dma_start3A_1698 = tpu.memref_slice %arg4[%add3A_444] : memref<81920xi32, #tpu.memory_space<hbm>> -> memref<160xi32, #tpu.memory_space<hbm>>
      tpu.enqueue_dma source(%dma_start3A_1698 : memref<160xi32, #tpu.memory_space<hbm>>) target(%arg8 : memref<160xi32, #tpu.memory_space<vmem>>) target_semaphore(%run_scoped3A : memref<!tpu.dma_semaphore, #tpu.memory_space<semaphore_mem>>)
      %dma_wait3A_1699 = tpu.memref_slice %arg4[%add3A_444] : memref<81920xi32, #tpu.memory_space<hbm>> -> memref<160xi32, #tpu.memory_space<hbm>>
      %dma_wait3A_1700 = tpu.memref_slice %arg4[%add3A_444] : memref<81920xi32, #tpu.memory_space<hbm>> -> memref<160xi32, #tpu.memory_space<hbm>>
      tpu.wait_dma2 semaphore(%run_scoped3A : memref<!tpu.dma_semaphore, #tpu.memory_space<semaphore_mem>>) src(%dma_wait3A_1700 : memref<160xi32, #tpu.memory_space<hbm>>) dst(%arg8 : memref<160xi32, #tpu.memory_space<vmem>>)
      tpu.yield
    }) : () -> ()
    %dma_start3A_445 = arith.constant 1 : i32
    %dma_start3A_446 = arith.constant 0 : i32
    %dma_start3A_447 = arith.constant 0 : i32
    %dma_start3A_448 = tpu.memref_slice %arg9[%dma_start3A_445, %dma_start3A_446, %dma_start3A_447] : memref<2x160x128xf32, #tpu.memory_space<vmem>> -> memref<1x160x128xf32, #tpu.memory_space<vmem>>
    %dma_start3A_449 = tpu.memref_squeeze %dma_start3A_448 : memref<1x160x128xf32, #tpu.memory_space<vmem>> -> memref<160x128xf32, #tpu.memory_space<vmem>>
    %dma_start3A_450 = arith.constant 0 : i32
    %dma_start3A_451 = arith.constant 0 : i32
    %dma_start3A_452 = tpu.memref_slice %arg2[%dma_start3A_450, %dma_start3A_451] : memref<4096x128xf32, #tpu.memory_space<hbm>> -> memref<4096x128xf32, #tpu.memory_space<hbm>>
    tpu.enqueue_indirect_dma source(%dma_start3A_452 : memref<4096x128xf32, #tpu.memory_space<hbm>>) target(%dma_start3A_449 : memref<160x128xf32, #tpu.memory_space<vmem>>) offsets(%arg8 : memref<160xi32, #tpu.memory_space<vmem>>) semaphore(%arg12 : memref<!tpu.dma_semaphore, #tpu.memory_space<semaphore_mem>>)
    %dma_start3A_453 = arith.constant 1 : i32
    %dma_start3A_454 = arith.constant 0 : i32
    %dma_start3A_455 = arith.constant 0 : i32
    %dma_start3A_456 = tpu.memref_slice %arg10[%dma_start3A_453, %dma_start3A_454, %dma_start3A_455] : memref<2x160x128xf32, #tpu.memory_space<vmem>> -> memref<1x160x128xf32, #tpu.memory_space<vmem>>
    %dma_start3A_457 = tpu.memref_squeeze %dma_start3A_456 : memref<1x160x128xf32, #tpu.memory_space<vmem>> -> memref<160x128xf32, #tpu.memory_space<vmem>>
    %dma_start3A_458 = arith.constant 0 : i32
    %dma_start3A_459 = arith.constant 0 : i32
    %dma_start3A_460 = tpu.memref_slice %arg3[%dma_start3A_458, %dma_start3A_459] : memref<4096x128xf32, #tpu.memory_space<hbm>> -> memref<4096x128xf32, #tpu.memory_space<hbm>>
    tpu.enqueue_indirect_dma source(%dma_start3A_460 : memref<4096x128xf32, #tpu.memory_space<hbm>>) target(%dma_start3A_457 : memref<160x128xf32, #tpu.memory_space<vmem>>) offsets(%arg8 : memref<160xi32, #tpu.memory_space<vmem>>) semaphore(%arg12 : memref<!tpu.dma_semaphore, #tpu.memory_space<semaphore_mem>>)
    %add3A_461 = arith.constant 640 : i32
    %add3A_462 = arith.addi %mul3A_2, %add3A_461 : i32
    %dma_wait3A_463 = arith.constant 0 : i32
    %dma_wait3A_464 = arith.constant 0 : i32
    %dma_wait3A_465 = arith.constant 0 : i32
    %dma_wait3A_466 = tpu.memref_slice %arg9[%dma_wait3A_463, %dma_wait3A_464, %dma_wait3A_465] : memref<2x160x128xf32, #tpu.memory_space<vmem>> -> memref<1x160x128xf32, #tpu.memory_space<vmem>>
    %dma_wait3A_467 = tpu.memref_squeeze %dma_wait3A_466 : memref<1x160x128xf32, #tpu.memory_space<vmem>> -> memref<160x128xf32, #tpu.memory_space<vmem>>
    %dma_wait3A_468 = arith.constant 0 : i32
    %dma_wait3A_469 = arith.constant 0 : i32
    %dma_wait3A_470 = tpu.memref_slice %arg2[%dma_wait3A_468, %dma_wait3A_469] : memref<4096x128xf32, #tpu.memory_space<hbm>> -> memref<160x128xf32, #tpu.memory_space<hbm>>
    %dma_wait3A_471 = arith.constant 0 : i32
    %dma_wait3A_472 = arith.constant 0 : i32
    %dma_wait3A_473 = tpu.memref_slice %arg9[%dma_wait3A_463, %dma_wait3A_471, %dma_wait3A_472] : memref<2x160x128xf32, #tpu.memory_space<vmem>> -> memref<1x160x128xf32, #tpu.memory_space<vmem>>
    %dma_wait3A_474 = tpu.memref_squeeze %dma_wait3A_473 : memref<1x160x128xf32, #tpu.memory_space<vmem>> -> memref<160x128xf32, #tpu.memory_space<vmem>>
    %dma_wait3A_475 = arith.constant 0 : i32
    %dma_wait3A_476 = arith.constant 0 : i32
    %dma_wait3A_477 = tpu.memref_slice %arg2[%dma_wait3A_475, %dma_wait3A_476] : memref<4096x128xf32, #tpu.memory_space<hbm>> -> memref<160x128xf32, #tpu.memory_space<hbm>>
    tpu.wait_dma2 semaphore(%arg11 : memref<!tpu.dma_semaphore, #tpu.memory_space<semaphore_mem>>) src(%dma_wait3A_477 : memref<160x128xf32, #tpu.memory_space<hbm>>) dst(%dma_wait3A_474 : memref<160x128xf32, #tpu.memory_space<vmem>>)
    %dma_wait3A_478 = arith.constant 0 : i32
    %dma_wait3A_479 = arith.constant 0 : i32
    %dma_wait3A_480 = arith.constant 0 : i32
    %dma_wait3A_481 = tpu.memref_slice %arg10[%dma_wait3A_478, %dma_wait3A_479, %dma_wait3A_480] : memref<2x160x128xf32, #tpu.memory_space<vmem>> -> memref<1x160x128xf32, #tpu.memory_space<vmem>>
    %dma_wait3A_482 = tpu.memref_squeeze %dma_wait3A_481 : memref<1x160x128xf32, #tpu.memory_space<vmem>> -> memref<160x128xf32, #tpu.memory_space<vmem>>
    %dma_wait3A_483 = arith.constant 0 : i32
    %dma_wait3A_484 = arith.constant 0 : i32
    %dma_wait3A_485 = tpu.memref_slice %arg3[%dma_wait3A_483, %dma_wait3A_484] : memref<4096x128xf32, #tpu.memory_space<hbm>> -> memref<160x128xf32, #tpu.memory_space<hbm>>
    %dma_wait3A_486 = arith.constant 0 : i32
    %dma_wait3A_487 = arith.constant 0 : i32
    %dma_wait3A_488 = tpu.memref_slice %arg10[%dma_wait3A_478, %dma_wait3A_486, %dma_wait3A_487] : memref<2x160x128xf32, #tpu.memory_space<vmem>> -> memref<1x160x128xf32, #tpu.memory_space<vmem>>
    %dma_wait3A_489 = tpu.memref_squeeze %dma_wait3A_488 : memref<1x160x128xf32, #tpu.memory_space<vmem>> -> memref<160x128xf32, #tpu.memory_space<vmem>>
    %dma_wait3A_490 = arith.constant 0 : i32
    %dma_wait3A_491 = arith.constant 0 : i32
    %dma_wait3A_492 = tpu.memref_slice %arg3[%dma_wait3A_490, %dma_wait3A_491] : memref<4096x128xf32, #tpu.memory_space<hbm>> -> memref<160x128xf32, #tpu.memory_space<hbm>>
    tpu.wait_dma2 semaphore(%arg11 : memref<!tpu.dma_semaphore, #tpu.memory_space<semaphore_mem>>) src(%dma_wait3A_492 : memref<160x128xf32, #tpu.memory_space<hbm>>) dst(%dma_wait3A_489 : memref<160x128xf32, #tpu.memory_space<vmem>>)
    %dma_start3A_493 = arith.constant 0 : i32
    %dma_start3A_494 = arith.constant 0 : i32
    %dma_start3A_495 = arith.constant 0 : i32
    %dma_start3A_496 = tpu.memref_slice %arg9[%dma_start3A_493, %dma_start3A_494, %dma_start3A_495] : memref<2x160x128xf32, #tpu.memory_space<vmem>> -> memref<1x160x128xf32, #tpu.memory_space<vmem>>
    %dma_start3A_497 = tpu.memref_squeeze %dma_start3A_496 : memref<1x160x128xf32, #tpu.memory_space<vmem>> -> memref<160x128xf32, #tpu.memory_space<vmem>>
    %dma_start3A_498 = arith.constant 0 : i32
    %dma_start3A_499 = tpu.memref_slice %arg5[%add3A_462, %dma_start3A_498] : memref<81920x128xf32, #tpu.memory_space<hbm>> -> memref<160x128xf32, #tpu.memory_space<hbm>>
    %dma_start3A_500 = arith.constant 0 : i32
    %dma_start3A_501 = tpu.memref_slice %arg5[%add3A_462, %dma_start3A_500] : memref<81920x128xf32, #tpu.memory_space<hbm>> -> memref<160x128xf32, #tpu.memory_space<hbm>>
    %dma_start3A_502 = arith.constant 0 : i32
    %dma_start3A_503 = arith.constant 0 : i32
    %dma_start3A_504 = tpu.memref_slice %arg9[%dma_start3A_493, %dma_start3A_502, %dma_start3A_503] : memref<2x160x128xf32, #tpu.memory_space<vmem>> -> memref<1x160x128xf32, #tpu.memory_space<vmem>>
    %dma_start3A_505 = tpu.memref_squeeze %dma_start3A_504 : memref<1x160x128xf32, #tpu.memory_space<vmem>> -> memref<160x128xf32, #tpu.memory_space<vmem>>
    tpu.enqueue_dma source(%dma_start3A_505 : memref<160x128xf32, #tpu.memory_space<vmem>>) target(%dma_start3A_501 : memref<160x128xf32, #tpu.memory_space<hbm>>) target_semaphore(%arg13 : memref<!tpu.dma_semaphore, #tpu.memory_space<semaphore_mem>>)
    %dma_start3A_506 = arith.constant 0 : i32
    %dma_start3A_507 = arith.constant 0 : i32
    %dma_start3A_508 = arith.constant 0 : i32
    %dma_start3A_509 = tpu.memref_slice %arg10[%dma_start3A_506, %dma_start3A_507, %dma_start3A_508] : memref<2x160x128xf32, #tpu.memory_space<vmem>> -> memref<1x160x128xf32, #tpu.memory_space<vmem>>
    %dma_start3A_510 = tpu.memref_squeeze %dma_start3A_509 : memref<1x160x128xf32, #tpu.memory_space<vmem>> -> memref<160x128xf32, #tpu.memory_space<vmem>>
    %dma_start3A_511 = arith.constant 0 : i32
    %dma_start3A_512 = tpu.memref_slice %arg6[%add3A_462, %dma_start3A_511] : memref<81920x128xf32, #tpu.memory_space<hbm>> -> memref<160x128xf32, #tpu.memory_space<hbm>>
    %dma_start3A_513 = arith.constant 0 : i32
    %dma_start3A_514 = tpu.memref_slice %arg6[%add3A_462, %dma_start3A_513] : memref<81920x128xf32, #tpu.memory_space<hbm>> -> memref<160x128xf32, #tpu.memory_space<hbm>>
    %dma_start3A_515 = arith.constant 0 : i32
    %dma_start3A_516 = arith.constant 0 : i32
    %dma_start3A_517 = tpu.memref_slice %arg10[%dma_start3A_506, %dma_start3A_515, %dma_start3A_516] : memref<2x160x128xf32, #tpu.memory_space<vmem>> -> memref<1x160x128xf32, #tpu.memory_space<vmem>>
    %dma_start3A_518 = tpu.memref_squeeze %dma_start3A_517 : memref<1x160x128xf32, #tpu.memory_space<vmem>> -> memref<160x128xf32, #tpu.memory_space<vmem>>
    tpu.enqueue_dma source(%dma_start3A_518 : memref<160x128xf32, #tpu.memory_space<vmem>>) target(%dma_start3A_514 : memref<160x128xf32, #tpu.memory_space<hbm>>) target_semaphore(%arg13 : memref<!tpu.dma_semaphore, #tpu.memory_space<semaphore_mem>>)
    %dma_wait3A_519 = arith.constant 0 : i32
    %dma_wait3A_520 = arith.constant 0 : i32
    %dma_wait3A_521 = arith.constant 0 : i32
    %dma_wait3A_522 = tpu.memref_slice %arg9[%dma_wait3A_519, %dma_wait3A_520, %dma_wait3A_521] : memref<2x160x128xf32, #tpu.memory_space<vmem>> -> memref<1x160x128xf32, #tpu.memory_space<vmem>>
    %dma_wait3A_523 = tpu.memref_squeeze %dma_wait3A_522 : memref<1x160x128xf32, #tpu.memory_space<vmem>> -> memref<160x128xf32, #tpu.memory_space<vmem>>
    %dma_wait3A_524 = arith.constant 0 : i32
    %dma_wait3A_525 = arith.constant 0 : i32
    %dma_wait3A_526 = tpu.memref_slice %arg2[%dma_wait3A_524, %dma_wait3A_525] : memref<4096x128xf32, #tpu.memory_space<hbm>> -> memref<160x128xf32, #tpu.memory_space<hbm>>
    %dma_wait3A_527 = arith.constant 0 : i32
    %dma_wait3A_528 = arith.constant 0 : i32
    %dma_wait3A_529 = tpu.memref_slice %arg9[%dma_wait3A_519, %dma_wait3A_527, %dma_wait3A_528] : memref<2x160x128xf32, #tpu.memory_space<vmem>> -> memref<1x160x128xf32, #tpu.memory_space<vmem>>
    %dma_wait3A_530 = tpu.memref_squeeze %dma_wait3A_529 : memref<1x160x128xf32, #tpu.memory_space<vmem>> -> memref<160x128xf32, #tpu.memory_space<vmem>>
    %dma_wait3A_531 = arith.constant 0 : i32
    %dma_wait3A_532 = arith.constant 0 : i32
    %dma_wait3A_533 = tpu.memref_slice %arg2[%dma_wait3A_531, %dma_wait3A_532] : memref<4096x128xf32, #tpu.memory_space<hbm>> -> memref<160x128xf32, #tpu.memory_space<hbm>>
    tpu.wait_dma2 semaphore(%arg13 : memref<!tpu.dma_semaphore, #tpu.memory_space<semaphore_mem>>) src(%dma_wait3A_533 : memref<160x128xf32, #tpu.memory_space<hbm>>) dst(%dma_wait3A_530 : memref<160x128xf32, #tpu.memory_space<vmem>>)
    %dma_wait3A_534 = arith.constant 0 : i32
    %dma_wait3A_535 = arith.constant 0 : i32
    %dma_wait3A_536 = arith.constant 0 : i32
    %dma_wait3A_537 = tpu.memref_slice %arg10[%dma_wait3A_534, %dma_wait3A_535, %dma_wait3A_536] : memref<2x160x128xf32, #tpu.memory_space<vmem>> -> memref<1x160x128xf32, #tpu.memory_space<vmem>>
    %dma_wait3A_538 = tpu.memref_squeeze %dma_wait3A_537 : memref<1x160x128xf32, #tpu.memory_space<vmem>> -> memref<160x128xf32, #tpu.memory_space<vmem>>
    %dma_wait3A_539 = arith.constant 0 : i32
    %dma_wait3A_540 = arith.constant 0 : i32
    %dma_wait3A_541 = tpu.memref_slice %arg3[%dma_wait3A_539, %dma_wait3A_540] : memref<4096x128xf32, #tpu.memory_space<hbm>> -> memref<160x128xf32, #tpu.memory_space<hbm>>
    %dma_wait3A_542 = arith.constant 0 : i32
    %dma_wait3A_543 = arith.constant 0 : i32
    %dma_wait3A_544 = tpu.memref_slice %arg10[%dma_wait3A_534, %dma_wait3A_542, %dma_wait3A_543] : memref<2x160x128xf32, #tpu.memory_space<vmem>> -> memref<1x160x128xf32, #tpu.memory_space<vmem>>
    %dma_wait3A_545 = tpu.memref_squeeze %dma_wait3A_544 : memref<1x160x128xf32, #tpu.memory_space<vmem>> -> memref<160x128xf32, #tpu.memory_space<vmem>>
    %dma_wait3A_546 = arith.constant 0 : i32
    %dma_wait3A_547 = arith.constant 0 : i32
    %dma_wait3A_548 = tpu.memref_slice %arg3[%dma_wait3A_546, %dma_wait3A_547] : memref<4096x128xf32, #tpu.memory_space<hbm>> -> memref<160x128xf32, #tpu.memory_space<hbm>>
    tpu.wait_dma2 semaphore(%arg13 : memref<!tpu.dma_semaphore, #tpu.memory_space<semaphore_mem>>) src(%dma_wait3A_548 : memref<160x128xf32, #tpu.memory_space<hbm>>) dst(%dma_wait3A_545 : memref<160x128xf32, #tpu.memory_space<vmem>>)
    %add3A_549 = arith.constant 960 : i32
    %add3A_550 = arith.addi %mul3A_2, %add3A_549 : i32
    "tpu.region"() ({
      %run_scoped3A = tpu.sem_alloc : memref<!tpu.dma_semaphore, #tpu.memory_space<semaphore_mem>>
      %dma_start3A_1697 = tpu.memref_slice %arg4[%add3A_550] : memref<81920xi32, #tpu.memory_space<hbm>> -> memref<160xi32, #tpu.memory_space<hbm>>
      %dma_start3A_1698 = tpu.memref_slice %arg4[%add3A_550] : memref<81920xi32, #tpu.memory_space<hbm>> -> memref<160xi32, #tpu.memory_space<hbm>>
      tpu.enqueue_dma source(%dma_start3A_1698 : memref<160xi32, #tpu.memory_space<hbm>>) target(%arg7 : memref<160xi32, #tpu.memory_space<vmem>>) target_semaphore(%run_scoped3A : memref<!tpu.dma_semaphore, #tpu.memory_space<semaphore_mem>>)
      %dma_wait3A_1699 = tpu.memref_slice %arg4[%add3A_550] : memref<81920xi32, #tpu.memory_space<hbm>> -> memref<160xi32, #tpu.memory_space<hbm>>
      %dma_wait3A_1700 = tpu.memref_slice %arg4[%add3A_550] : memref<81920xi32, #tpu.memory_space<hbm>> -> memref<160xi32, #tpu.memory_space<hbm>>
      tpu.wait_dma2 semaphore(%run_scoped3A : memref<!tpu.dma_semaphore, #tpu.memory_space<semaphore_mem>>) src(%dma_wait3A_1700 : memref<160xi32, #tpu.memory_space<hbm>>) dst(%arg7 : memref<160xi32, #tpu.memory_space<vmem>>)
      tpu.yield
    }) : () -> ()
    %dma_start3A_551 = arith.constant 0 : i32
    %dma_start3A_552 = arith.constant 0 : i32
    %dma_start3A_553 = arith.constant 0 : i32
    %dma_start3A_554 = tpu.memref_slice %arg9[%dma_start3A_551, %dma_start3A_552, %dma_start3A_553] : memref<2x160x128xf32, #tpu.memory_space<vmem>> -> memref<1x160x128xf32, #tpu.memory_space<vmem>>
    %dma_start3A_555 = tpu.memref_squeeze %dma_start3A_554 : memref<1x160x128xf32, #tpu.memory_space<vmem>> -> memref<160x128xf32, #tpu.memory_space<vmem>>
    %dma_start3A_556 = arith.constant 0 : i32
    %dma_start3A_557 = arith.constant 0 : i32
    %dma_start3A_558 = tpu.memref_slice %arg2[%dma_start3A_556, %dma_start3A_557] : memref<4096x128xf32, #tpu.memory_space<hbm>> -> memref<4096x128xf32, #tpu.memory_space<hbm>>
    tpu.enqueue_indirect_dma source(%dma_start3A_558 : memref<4096x128xf32, #tpu.memory_space<hbm>>) target(%dma_start3A_555 : memref<160x128xf32, #tpu.memory_space<vmem>>) offsets(%arg7 : memref<160xi32, #tpu.memory_space<vmem>>) semaphore(%arg11 : memref<!tpu.dma_semaphore, #tpu.memory_space<semaphore_mem>>)
    %dma_start3A_559 = arith.constant 0 : i32
    %dma_start3A_560 = arith.constant 0 : i32
    %dma_start3A_561 = arith.constant 0 : i32
    %dma_start3A_562 = tpu.memref_slice %arg10[%dma_start3A_559, %dma_start3A_560, %dma_start3A_561] : memref<2x160x128xf32, #tpu.memory_space<vmem>> -> memref<1x160x128xf32, #tpu.memory_space<vmem>>
    %dma_start3A_563 = tpu.memref_squeeze %dma_start3A_562 : memref<1x160x128xf32, #tpu.memory_space<vmem>> -> memref<160x128xf32, #tpu.memory_space<vmem>>
    %dma_start3A_564 = arith.constant 0 : i32
    %dma_start3A_565 = arith.constant 0 : i32
    %dma_start3A_566 = tpu.memref_slice %arg3[%dma_start3A_564, %dma_start3A_565] : memref<4096x128xf32, #tpu.memory_space<hbm>> -> memref<4096x128xf32, #tpu.memory_space<hbm>>
    tpu.enqueue_indirect_dma source(%dma_start3A_566 : memref<4096x128xf32, #tpu.memory_space<hbm>>) target(%dma_start3A_563 : memref<160x128xf32, #tpu.memory_space<vmem>>) offsets(%arg7 : memref<160xi32, #tpu.memory_space<vmem>>) semaphore(%arg11 : memref<!tpu.dma_semaphore, #tpu.memory_space<semaphore_mem>>)
    %add3A_567 = arith.constant 800 : i32
    %add3A_568 = arith.addi %mul3A_2, %add3A_567 : i32
    %dma_wait3A_569 = arith.constant 1 : i32
    %dma_wait3A_570 = arith.constant 0 : i32
    %dma_wait3A_571 = arith.constant 0 : i32
    %dma_wait3A_572 = tpu.memref_slice %arg9[%dma_wait3A_569, %dma_wait3A_570, %dma_wait3A_571] : memref<2x160x128xf32, #tpu.memory_space<vmem>> -> memref<1x160x128xf32, #tpu.memory_space<vmem>>
    %dma_wait3A_573 = tpu.memref_squeeze %dma_wait3A_572 : memref<1x160x128xf32, #tpu.memory_space<vmem>> -> memref<160x128xf32, #tpu.memory_space<vmem>>
    %dma_wait3A_574 = arith.constant 0 : i32
    %dma_wait3A_575 = arith.constant 0 : i32
    %dma_wait3A_576 = tpu.memref_slice %arg2[%dma_wait3A_574, %dma_wait3A_575] : memref<4096x128xf32, #tpu.memory_space<hbm>> -> memref<160x128xf32, #tpu.memory_space<hbm>>
    %dma_wait3A_577 = arith.constant 0 : i32
    %dma_wait3A_578 = arith.constant 0 : i32
    %dma_wait3A_579 = tpu.memref_slice %arg9[%dma_wait3A_569, %dma_wait3A_577, %dma_wait3A_578] : memref<2x160x128xf32, #tpu.memory_space<vmem>> -> memref<1x160x128xf32, #tpu.memory_space<vmem>>
    %dma_wait3A_580 = tpu.memref_squeeze %dma_wait3A_579 : memref<1x160x128xf32, #tpu.memory_space<vmem>> -> memref<160x128xf32, #tpu.memory_space<vmem>>
    %dma_wait3A_581 = arith.constant 0 : i32
    %dma_wait3A_582 = arith.constant 0 : i32
    %dma_wait3A_583 = tpu.memref_slice %arg2[%dma_wait3A_581, %dma_wait3A_582] : memref<4096x128xf32, #tpu.memory_space<hbm>> -> memref<160x128xf32, #tpu.memory_space<hbm>>
    tpu.wait_dma2 semaphore(%arg12 : memref<!tpu.dma_semaphore, #tpu.memory_space<semaphore_mem>>) src(%dma_wait3A_583 : memref<160x128xf32, #tpu.memory_space<hbm>>) dst(%dma_wait3A_580 : memref<160x128xf32, #tpu.memory_space<vmem>>)
    %dma_wait3A_584 = arith.constant 1 : i32
    %dma_wait3A_585 = arith.constant 0 : i32
    %dma_wait3A_586 = arith.constant 0 : i32
    %dma_wait3A_587 = tpu.memref_slice %arg10[%dma_wait3A_584, %dma_wait3A_585, %dma_wait3A_586] : memref<2x160x128xf32, #tpu.memory_space<vmem>> -> memref<1x160x128xf32, #tpu.memory_space<vmem>>
    %dma_wait3A_588 = tpu.memref_squeeze %dma_wait3A_587 : memref<1x160x128xf32, #tpu.memory_space<vmem>> -> memref<160x128xf32, #tpu.memory_space<vmem>>
    %dma_wait3A_589 = arith.constant 0 : i32
    %dma_wait3A_590 = arith.constant 0 : i32
    %dma_wait3A_591 = tpu.memref_slice %arg3[%dma_wait3A_589, %dma_wait3A_590] : memref<4096x128xf32, #tpu.memory_space<hbm>> -> memref<160x128xf32, #tpu.memory_space<hbm>>
    %dma_wait3A_592 = arith.constant 0 : i32
    %dma_wait3A_593 = arith.constant 0 : i32
    %dma_wait3A_594 = tpu.memref_slice %arg10[%dma_wait3A_584, %dma_wait3A_592, %dma_wait3A_593] : memref<2x160x128xf32, #tpu.memory_space<vmem>> -> memref<1x160x128xf32, #tpu.memory_space<vmem>>
    %dma_wait3A_595 = tpu.memref_squeeze %dma_wait3A_594 : memref<1x160x128xf32, #tpu.memory_space<vmem>> -> memref<160x128xf32, #tpu.memory_space<vmem>>
    %dma_wait3A_596 = arith.constant 0 : i32
    %dma_wait3A_597 = arith.constant 0 : i32
    %dma_wait3A_598 = tpu.memref_slice %arg3[%dma_wait3A_596, %dma_wait3A_597] : memref<4096x128xf32, #tpu.memory_space<hbm>> -> memref<160x128xf32, #tpu.memory_space<hbm>>
    tpu.wait_dma2 semaphore(%arg12 : memref<!tpu.dma_semaphore, #tpu.memory_space<semaphore_mem>>) src(%dma_wait3A_598 : memref<160x128xf32, #tpu.memory_space<hbm>>) dst(%dma_wait3A_595 : memref<160x128xf32, #tpu.memory_space<vmem>>)
    %dma_start3A_599 = arith.constant 1 : i32
    %dma_start3A_600 = arith.constant 0 : i32
    %dma_start3A_601 = arith.constant 0 : i32
    %dma_start3A_602 = tpu.memref_slice %arg9[%dma_start3A_599, %dma_start3A_600, %dma_start3A_601] : memref<2x160x128xf32, #tpu.memory_space<vmem>> -> memref<1x160x128xf32, #tpu.memory_space<vmem>>
    %dma_start3A_603 = tpu.memref_squeeze %dma_start3A_602 : memref<1x160x128xf32, #tpu.memory_space<vmem>> -> memref<160x128xf32, #tpu.memory_space<vmem>>
    %dma_start3A_604 = arith.constant 0 : i32
    %dma_start3A_605 = tpu.memref_slice %arg5[%add3A_568, %dma_start3A_604] : memref<81920x128xf32, #tpu.memory_space<hbm>> -> memref<160x128xf32, #tpu.memory_space<hbm>>
    %dma_start3A_606 = arith.constant 0 : i32
    %dma_start3A_607 = tpu.memref_slice %arg5[%add3A_568, %dma_start3A_606] : memref<81920x128xf32, #tpu.memory_space<hbm>> -> memref<160x128xf32, #tpu.memory_space<hbm>>
    %dma_start3A_608 = arith.constant 0 : i32
    %dma_start3A_609 = arith.constant 0 : i32
    %dma_start3A_610 = tpu.memref_slice %arg9[%dma_start3A_599, %dma_start3A_608, %dma_start3A_609] : memref<2x160x128xf32, #tpu.memory_space<vmem>> -> memref<1x160x128xf32, #tpu.memory_space<vmem>>
    %dma_start3A_611 = tpu.memref_squeeze %dma_start3A_610 : memref<1x160x128xf32, #tpu.memory_space<vmem>> -> memref<160x128xf32, #tpu.memory_space<vmem>>
    tpu.enqueue_dma source(%dma_start3A_611 : memref<160x128xf32, #tpu.memory_space<vmem>>) target(%dma_start3A_607 : memref<160x128xf32, #tpu.memory_space<hbm>>) target_semaphore(%arg14 : memref<!tpu.dma_semaphore, #tpu.memory_space<semaphore_mem>>)
    %dma_start3A_612 = arith.constant 1 : i32
    %dma_start3A_613 = arith.constant 0 : i32
    %dma_start3A_614 = arith.constant 0 : i32
    %dma_start3A_615 = tpu.memref_slice %arg10[%dma_start3A_612, %dma_start3A_613, %dma_start3A_614] : memref<2x160x128xf32, #tpu.memory_space<vmem>> -> memref<1x160x128xf32, #tpu.memory_space<vmem>>
    %dma_start3A_616 = tpu.memref_squeeze %dma_start3A_615 : memref<1x160x128xf32, #tpu.memory_space<vmem>> -> memref<160x128xf32, #tpu.memory_space<vmem>>
    %dma_start3A_617 = arith.constant 0 : i32
    %dma_start3A_618 = tpu.memref_slice %arg6[%add3A_568, %dma_start3A_617] : memref<81920x128xf32, #tpu.memory_space<hbm>> -> memref<160x128xf32, #tpu.memory_space<hbm>>
    %dma_start3A_619 = arith.constant 0 : i32
    %dma_start3A_620 = tpu.memref_slice %arg6[%add3A_568, %dma_start3A_619] : memref<81920x128xf32, #tpu.memory_space<hbm>> -> memref<160x128xf32, #tpu.memory_space<hbm>>
    %dma_start3A_621 = arith.constant 0 : i32
    %dma_start3A_622 = arith.constant 0 : i32
    %dma_start3A_623 = tpu.memref_slice %arg10[%dma_start3A_612, %dma_start3A_621, %dma_start3A_622] : memref<2x160x128xf32, #tpu.memory_space<vmem>> -> memref<1x160x128xf32, #tpu.memory_space<vmem>>
    %dma_start3A_624 = tpu.memref_squeeze %dma_start3A_623 : memref<1x160x128xf32, #tpu.memory_space<vmem>> -> memref<160x128xf32, #tpu.memory_space<vmem>>
    tpu.enqueue_dma source(%dma_start3A_624 : memref<160x128xf32, #tpu.memory_space<vmem>>) target(%dma_start3A_620 : memref<160x128xf32, #tpu.memory_space<hbm>>) target_semaphore(%arg14 : memref<!tpu.dma_semaphore, #tpu.memory_space<semaphore_mem>>)
    %dma_wait3A_625 = arith.constant 1 : i32
    %dma_wait3A_626 = arith.constant 0 : i32
    %dma_wait3A_627 = arith.constant 0 : i32
    %dma_wait3A_628 = tpu.memref_slice %arg9[%dma_wait3A_625, %dma_wait3A_626, %dma_wait3A_627] : memref<2x160x128xf32, #tpu.memory_space<vmem>> -> memref<1x160x128xf32, #tpu.memory_space<vmem>>
    %dma_wait3A_629 = tpu.memref_squeeze %dma_wait3A_628 : memref<1x160x128xf32, #tpu.memory_space<vmem>> -> memref<160x128xf32, #tpu.memory_space<vmem>>
    %dma_wait3A_630 = arith.constant 0 : i32
    %dma_wait3A_631 = arith.constant 0 : i32
    %dma_wait3A_632 = tpu.memref_slice %arg2[%dma_wait3A_630, %dma_wait3A_631] : memref<4096x128xf32, #tpu.memory_space<hbm>> -> memref<160x128xf32, #tpu.memory_space<hbm>>
    %dma_wait3A_633 = arith.constant 0 : i32
    %dma_wait3A_634 = arith.constant 0 : i32
    %dma_wait3A_635 = tpu.memref_slice %arg9[%dma_wait3A_625, %dma_wait3A_633, %dma_wait3A_634] : memref<2x160x128xf32, #tpu.memory_space<vmem>> -> memref<1x160x128xf32, #tpu.memory_space<vmem>>
    %dma_wait3A_636 = tpu.memref_squeeze %dma_wait3A_635 : memref<1x160x128xf32, #tpu.memory_space<vmem>> -> memref<160x128xf32, #tpu.memory_space<vmem>>
    %dma_wait3A_637 = arith.constant 0 : i32
    %dma_wait3A_638 = arith.constant 0 : i32
    %dma_wait3A_639 = tpu.memref_slice %arg2[%dma_wait3A_637, %dma_wait3A_638] : memref<4096x128xf32, #tpu.memory_space<hbm>> -> memref<160x128xf32, #tpu.memory_space<hbm>>
    tpu.wait_dma2 semaphore(%arg14 : memref<!tpu.dma_semaphore, #tpu.memory_space<semaphore_mem>>) src(%dma_wait3A_639 : memref<160x128xf32, #tpu.memory_space<hbm>>) dst(%dma_wait3A_636 : memref<160x128xf32, #tpu.memory_space<vmem>>)
    %dma_wait3A_640 = arith.constant 1 : i32
    %dma_wait3A_641 = arith.constant 0 : i32
    %dma_wait3A_642 = arith.constant 0 : i32
    %dma_wait3A_643 = tpu.memref_slice %arg10[%dma_wait3A_640, %dma_wait3A_641, %dma_wait3A_642] : memref<2x160x128xf32, #tpu.memory_space<vmem>> -> memref<1x160x128xf32, #tpu.memory_space<vmem>>
    %dma_wait3A_644 = tpu.memref_squeeze %dma_wait3A_643 : memref<1x160x128xf32, #tpu.memory_space<vmem>> -> memref<160x128xf32, #tpu.memory_space<vmem>>
    %dma_wait3A_645 = arith.constant 0 : i32
    %dma_wait3A_646 = arith.constant 0 : i32
    %dma_wait3A_647 = tpu.memref_slice %arg3[%dma_wait3A_645, %dma_wait3A_646] : memref<4096x128xf32, #tpu.memory_space<hbm>> -> memref<160x128xf32, #tpu.memory_space<hbm>>
    %dma_wait3A_648 = arith.constant 0 : i32
    %dma_wait3A_649 = arith.constant 0 : i32
    %dma_wait3A_650 = tpu.memref_slice %arg10[%dma_wait3A_640, %dma_wait3A_648, %dma_wait3A_649] : memref<2x160x128xf32, #tpu.memory_space<vmem>> -> memref<1x160x128xf32, #tpu.memory_space<vmem>>
    %dma_wait3A_651 = tpu.memref_squeeze %dma_wait3A_650 : memref<1x160x128xf32, #tpu.memory_space<vmem>> -> memref<160x128xf32, #tpu.memory_space<vmem>>
    %dma_wait3A_652 = arith.constant 0 : i32
    %dma_wait3A_653 = arith.constant 0 : i32
    %dma_wait3A_654 = tpu.memref_slice %arg3[%dma_wait3A_652, %dma_wait3A_653] : memref<4096x128xf32, #tpu.memory_space<hbm>> -> memref<160x128xf32, #tpu.memory_space<hbm>>
    tpu.wait_dma2 semaphore(%arg14 : memref<!tpu.dma_semaphore, #tpu.memory_space<semaphore_mem>>) src(%dma_wait3A_654 : memref<160x128xf32, #tpu.memory_space<hbm>>) dst(%dma_wait3A_651 : memref<160x128xf32, #tpu.memory_space<vmem>>)
    %add3A_655 = arith.constant 1120 : i32
    %add3A_656 = arith.addi %mul3A_2, %add3A_655 : i32
    "tpu.region"() ({
      %run_scoped3A = tpu.sem_alloc : memref<!tpu.dma_semaphore, #tpu.memory_space<semaphore_mem>>
      %dma_start3A_1697 = tpu.memref_slice %arg4[%add3A_656] : memref<81920xi32, #tpu.memory_space<hbm>> -> memref<160xi32, #tpu.memory_space<hbm>>
      %dma_start3A_1698 = tpu.memref_slice %arg4[%add3A_656] : memref<81920xi32, #tpu.memory_space<hbm>> -> memref<160xi32, #tpu.memory_space<hbm>>
      tpu.enqueue_dma source(%dma_start3A_1698 : memref<160xi32, #tpu.memory_space<hbm>>) target(%arg8 : memref<160xi32, #tpu.memory_space<vmem>>) target_semaphore(%run_scoped3A : memref<!tpu.dma_semaphore, #tpu.memory_space<semaphore_mem>>)
      %dma_wait3A_1699 = tpu.memref_slice %arg4[%add3A_656] : memref<81920xi32, #tpu.memory_space<hbm>> -> memref<160xi32, #tpu.memory_space<hbm>>
      %dma_wait3A_1700 = tpu.memref_slice %arg4[%add3A_656] : memref<81920xi32, #tpu.memory_space<hbm>> -> memref<160xi32, #tpu.memory_space<hbm>>
      tpu.wait_dma2 semaphore(%run_scoped3A : memref<!tpu.dma_semaphore, #tpu.memory_space<semaphore_mem>>) src(%dma_wait3A_1700 : memref<160xi32, #tpu.memory_space<hbm>>) dst(%arg8 : memref<160xi32, #tpu.memory_space<vmem>>)
      tpu.yield
    }) : () -> ()
    %dma_start3A_657 = arith.constant 1 : i32
    %dma_start3A_658 = arith.constant 0 : i32
    %dma_start3A_659 = arith.constant 0 : i32
    %dma_start3A_660 = tpu.memref_slice %arg9[%dma_start3A_657, %dma_start3A_658, %dma_start3A_659] : memref<2x160x128xf32, #tpu.memory_space<vmem>> -> memref<1x160x128xf32, #tpu.memory_space<vmem>>
    %dma_start3A_661 = tpu.memref_squeeze %dma_start3A_660 : memref<1x160x128xf32, #tpu.memory_space<vmem>> -> memref<160x128xf32, #tpu.memory_space<vmem>>
    %dma_start3A_662 = arith.constant 0 : i32
    %dma_start3A_663 = arith.constant 0 : i32
    %dma_start3A_664 = tpu.memref_slice %arg2[%dma_start3A_662, %dma_start3A_663] : memref<4096x128xf32, #tpu.memory_space<hbm>> -> memref<4096x128xf32, #tpu.memory_space<hbm>>
    tpu.enqueue_indirect_dma source(%dma_start3A_664 : memref<4096x128xf32, #tpu.memory_space<hbm>>) target(%dma_start3A_661 : memref<160x128xf32, #tpu.memory_space<vmem>>) offsets(%arg8 : memref<160xi32, #tpu.memory_space<vmem>>) semaphore(%arg12 : memref<!tpu.dma_semaphore, #tpu.memory_space<semaphore_mem>>)
    %dma_start3A_665 = arith.constant 1 : i32
    %dma_start3A_666 = arith.constant 0 : i32
    %dma_start3A_667 = arith.constant 0 : i32
    %dma_start3A_668 = tpu.memref_slice %arg10[%dma_start3A_665, %dma_start3A_666, %dma_start3A_667] : memref<2x160x128xf32, #tpu.memory_space<vmem>> -> memref<1x160x128xf32, #tpu.memory_space<vmem>>
    %dma_start3A_669 = tpu.memref_squeeze %dma_start3A_668 : memref<1x160x128xf32, #tpu.memory_space<vmem>> -> memref<160x128xf32, #tpu.memory_space<vmem>>
    %dma_start3A_670 = arith.constant 0 : i32
    %dma_start3A_671 = arith.constant 0 : i32
    %dma_start3A_672 = tpu.memref_slice %arg3[%dma_start3A_670, %dma_start3A_671] : memref<4096x128xf32, #tpu.memory_space<hbm>> -> memref<4096x128xf32, #tpu.memory_space<hbm>>
    tpu.enqueue_indirect_dma source(%dma_start3A_672 : memref<4096x128xf32, #tpu.memory_space<hbm>>) target(%dma_start3A_669 : memref<160x128xf32, #tpu.memory_space<vmem>>) offsets(%arg8 : memref<160xi32, #tpu.memory_space<vmem>>) semaphore(%arg12 : memref<!tpu.dma_semaphore, #tpu.memory_space<semaphore_mem>>)
    %add3A_673 = arith.constant 960 : i32
    %add3A_674 = arith.addi %mul3A_2, %add3A_673 : i32
    %dma_wait3A_675 = arith.constant 0 : i32
    %dma_wait3A_676 = arith.constant 0 : i32
    %dma_wait3A_677 = arith.constant 0 : i32
    %dma_wait3A_678 = tpu.memref_slice %arg9[%dma_wait3A_675, %dma_wait3A_676, %dma_wait3A_677] : memref<2x160x128xf32, #tpu.memory_space<vmem>> -> memref<1x160x128xf32, #tpu.memory_space<vmem>>
    %dma_wait3A_679 = tpu.memref_squeeze %dma_wait3A_678 : memref<1x160x128xf32, #tpu.memory_space<vmem>> -> memref<160x128xf32, #tpu.memory_space<vmem>>
    %dma_wait3A_680 = arith.constant 0 : i32
    %dma_wait3A_681 = arith.constant 0 : i32
    %dma_wait3A_682 = tpu.memref_slice %arg2[%dma_wait3A_680, %dma_wait3A_681] : memref<4096x128xf32, #tpu.memory_space<hbm>> -> memref<160x128xf32, #tpu.memory_space<hbm>>
    %dma_wait3A_683 = arith.constant 0 : i32
    %dma_wait3A_684 = arith.constant 0 : i32
    %dma_wait3A_685 = tpu.memref_slice %arg9[%dma_wait3A_675, %dma_wait3A_683, %dma_wait3A_684] : memref<2x160x128xf32, #tpu.memory_space<vmem>> -> memref<1x160x128xf32, #tpu.memory_space<vmem>>
    %dma_wait3A_686 = tpu.memref_squeeze %dma_wait3A_685 : memref<1x160x128xf32, #tpu.memory_space<vmem>> -> memref<160x128xf32, #tpu.memory_space<vmem>>
    %dma_wait3A_687 = arith.constant 0 : i32
    %dma_wait3A_688 = arith.constant 0 : i32
    %dma_wait3A_689 = tpu.memref_slice %arg2[%dma_wait3A_687, %dma_wait3A_688] : memref<4096x128xf32, #tpu.memory_space<hbm>> -> memref<160x128xf32, #tpu.memory_space<hbm>>
    tpu.wait_dma2 semaphore(%arg11 : memref<!tpu.dma_semaphore, #tpu.memory_space<semaphore_mem>>) src(%dma_wait3A_689 : memref<160x128xf32, #tpu.memory_space<hbm>>) dst(%dma_wait3A_686 : memref<160x128xf32, #tpu.memory_space<vmem>>)
    %dma_wait3A_690 = arith.constant 0 : i32
    %dma_wait3A_691 = arith.constant 0 : i32
    %dma_wait3A_692 = arith.constant 0 : i32
    %dma_wait3A_693 = tpu.memref_slice %arg10[%dma_wait3A_690, %dma_wait3A_691, %dma_wait3A_692] : memref<2x160x128xf32, #tpu.memory_space<vmem>> -> memref<1x160x128xf32, #tpu.memory_space<vmem>>
    %dma_wait3A_694 = tpu.memref_squeeze %dma_wait3A_693 : memref<1x160x128xf32, #tpu.memory_space<vmem>> -> memref<160x128xf32, #tpu.memory_space<vmem>>
    %dma_wait3A_695 = arith.constant 0 : i32
    %dma_wait3A_696 = arith.constant 0 : i32
    %dma_wait3A_697 = tpu.memref_slice %arg3[%dma_wait3A_695, %dma_wait3A_696] : memref<4096x128xf32, #tpu.memory_space<hbm>> -> memref<160x128xf32, #tpu.memory_space<hbm>>
    %dma_wait3A_698 = arith.constant 0 : i32
    %dma_wait3A_699 = arith.constant 0 : i32
    %dma_wait3A_700 = tpu.memref_slice %arg10[%dma_wait3A_690, %dma_wait3A_698, %dma_wait3A_699] : memref<2x160x128xf32, #tpu.memory_space<vmem>> -> memref<1x160x128xf32, #tpu.memory_space<vmem>>
    %dma_wait3A_701 = tpu.memref_squeeze %dma_wait3A_700 : memref<1x160x128xf32, #tpu.memory_space<vmem>> -> memref<160x128xf32, #tpu.memory_space<vmem>>
    %dma_wait3A_702 = arith.constant 0 : i32
    %dma_wait3A_703 = arith.constant 0 : i32
    %dma_wait3A_704 = tpu.memref_slice %arg3[%dma_wait3A_702, %dma_wait3A_703] : memref<4096x128xf32, #tpu.memory_space<hbm>> -> memref<160x128xf32, #tpu.memory_space<hbm>>
    tpu.wait_dma2 semaphore(%arg11 : memref<!tpu.dma_semaphore, #tpu.memory_space<semaphore_mem>>) src(%dma_wait3A_704 : memref<160x128xf32, #tpu.memory_space<hbm>>) dst(%dma_wait3A_701 : memref<160x128xf32, #tpu.memory_space<vmem>>)
    %dma_start3A_705 = arith.constant 0 : i32
    %dma_start3A_706 = arith.constant 0 : i32
    %dma_start3A_707 = arith.constant 0 : i32
    %dma_start3A_708 = tpu.memref_slice %arg9[%dma_start3A_705, %dma_start3A_706, %dma_start3A_707] : memref<2x160x128xf32, #tpu.memory_space<vmem>> -> memref<1x160x128xf32, #tpu.memory_space<vmem>>
    %dma_start3A_709 = tpu.memref_squeeze %dma_start3A_708 : memref<1x160x128xf32, #tpu.memory_space<vmem>> -> memref<160x128xf32, #tpu.memory_space<vmem>>
    %dma_start3A_710 = arith.constant 0 : i32
    %dma_start3A_711 = tpu.memref_slice %arg5[%add3A_674, %dma_start3A_710] : memref<81920x128xf32, #tpu.memory_space<hbm>> -> memref<160x128xf32, #tpu.memory_space<hbm>>
    %dma_start3A_712 = arith.constant 0 : i32
    %dma_start3A_713 = tpu.memref_slice %arg5[%add3A_674, %dma_start3A_712] : memref<81920x128xf32, #tpu.memory_space<hbm>> -> memref<160x128xf32, #tpu.memory_space<hbm>>
    %dma_start3A_714 = arith.constant 0 : i32
    %dma_start3A_715 = arith.constant 0 : i32
    %dma_start3A_716 = tpu.memref_slice %arg9[%dma_start3A_705, %dma_start3A_714, %dma_start3A_715] : memref<2x160x128xf32, #tpu.memory_space<vmem>> -> memref<1x160x128xf32, #tpu.memory_space<vmem>>
    %dma_start3A_717 = tpu.memref_squeeze %dma_start3A_716 : memref<1x160x128xf32, #tpu.memory_space<vmem>> -> memref<160x128xf32, #tpu.memory_space<vmem>>
    tpu.enqueue_dma source(%dma_start3A_717 : memref<160x128xf32, #tpu.memory_space<vmem>>) target(%dma_start3A_713 : memref<160x128xf32, #tpu.memory_space<hbm>>) target_semaphore(%arg13 : memref<!tpu.dma_semaphore, #tpu.memory_space<semaphore_mem>>)
    %dma_start3A_718 = arith.constant 0 : i32
    %dma_start3A_719 = arith.constant 0 : i32
    %dma_start3A_720 = arith.constant 0 : i32
    %dma_start3A_721 = tpu.memref_slice %arg10[%dma_start3A_718, %dma_start3A_719, %dma_start3A_720] : memref<2x160x128xf32, #tpu.memory_space<vmem>> -> memref<1x160x128xf32, #tpu.memory_space<vmem>>
    %dma_start3A_722 = tpu.memref_squeeze %dma_start3A_721 : memref<1x160x128xf32, #tpu.memory_space<vmem>> -> memref<160x128xf32, #tpu.memory_space<vmem>>
    %dma_start3A_723 = arith.constant 0 : i32
    %dma_start3A_724 = tpu.memref_slice %arg6[%add3A_674, %dma_start3A_723] : memref<81920x128xf32, #tpu.memory_space<hbm>> -> memref<160x128xf32, #tpu.memory_space<hbm>>
    %dma_start3A_725 = arith.constant 0 : i32
    %dma_start3A_726 = tpu.memref_slice %arg6[%add3A_674, %dma_start3A_725] : memref<81920x128xf32, #tpu.memory_space<hbm>> -> memref<160x128xf32, #tpu.memory_space<hbm>>
    %dma_start3A_727 = arith.constant 0 : i32
    %dma_start3A_728 = arith.constant 0 : i32
    %dma_start3A_729 = tpu.memref_slice %arg10[%dma_start3A_718, %dma_start3A_727, %dma_start3A_728] : memref<2x160x128xf32, #tpu.memory_space<vmem>> -> memref<1x160x128xf32, #tpu.memory_space<vmem>>
    %dma_start3A_730 = tpu.memref_squeeze %dma_start3A_729 : memref<1x160x128xf32, #tpu.memory_space<vmem>> -> memref<160x128xf32, #tpu.memory_space<vmem>>
    tpu.enqueue_dma source(%dma_start3A_730 : memref<160x128xf32, #tpu.memory_space<vmem>>) target(%dma_start3A_726 : memref<160x128xf32, #tpu.memory_space<hbm>>) target_semaphore(%arg13 : memref<!tpu.dma_semaphore, #tpu.memory_space<semaphore_mem>>)
    %dma_wait3A_731 = arith.constant 0 : i32
    %dma_wait3A_732 = arith.constant 0 : i32
    %dma_wait3A_733 = arith.constant 0 : i32
    %dma_wait3A_734 = tpu.memref_slice %arg9[%dma_wait3A_731, %dma_wait3A_732, %dma_wait3A_733] : memref<2x160x128xf32, #tpu.memory_space<vmem>> -> memref<1x160x128xf32, #tpu.memory_space<vmem>>
    %dma_wait3A_735 = tpu.memref_squeeze %dma_wait3A_734 : memref<1x160x128xf32, #tpu.memory_space<vmem>> -> memref<160x128xf32, #tpu.memory_space<vmem>>
    %dma_wait3A_736 = arith.constant 0 : i32
    %dma_wait3A_737 = arith.constant 0 : i32
    %dma_wait3A_738 = tpu.memref_slice %arg2[%dma_wait3A_736, %dma_wait3A_737] : memref<4096x128xf32, #tpu.memory_space<hbm>> -> memref<160x128xf32, #tpu.memory_space<hbm>>
    %dma_wait3A_739 = arith.constant 0 : i32
    %dma_wait3A_740 = arith.constant 0 : i32
    %dma_wait3A_741 = tpu.memref_slice %arg9[%dma_wait3A_731, %dma_wait3A_739, %dma_wait3A_740] : memref<2x160x128xf32, #tpu.memory_space<vmem>> -> memref<1x160x128xf32, #tpu.memory_space<vmem>>
    %dma_wait3A_742 = tpu.memref_squeeze %dma_wait3A_741 : memref<1x160x128xf32, #tpu.memory_space<vmem>> -> memref<160x128xf32, #tpu.memory_space<vmem>>
    %dma_wait3A_743 = arith.constant 0 : i32
    %dma_wait3A_744 = arith.constant 0 : i32
    %dma_wait3A_745 = tpu.memref_slice %arg2[%dma_wait3A_743, %dma_wait3A_744] : memref<4096x128xf32, #tpu.memory_space<hbm>> -> memref<160x128xf32, #tpu.memory_space<hbm>>
    tpu.wait_dma2 semaphore(%arg13 : memref<!tpu.dma_semaphore, #tpu.memory_space<semaphore_mem>>) src(%dma_wait3A_745 : memref<160x128xf32, #tpu.memory_space<hbm>>) dst(%dma_wait3A_742 : memref<160x128xf32, #tpu.memory_space<vmem>>)
    %dma_wait3A_746 = arith.constant 0 : i32
    %dma_wait3A_747 = arith.constant 0 : i32
    %dma_wait3A_748 = arith.constant 0 : i32
    %dma_wait3A_749 = tpu.memref_slice %arg10[%dma_wait3A_746, %dma_wait3A_747, %dma_wait3A_748] : memref<2x160x128xf32, #tpu.memory_space<vmem>> -> memref<1x160x128xf32, #tpu.memory_space<vmem>>
    %dma_wait3A_750 = tpu.memref_squeeze %dma_wait3A_749 : memref<1x160x128xf32, #tpu.memory_space<vmem>> -> memref<160x128xf32, #tpu.memory_space<vmem>>
    %dma_wait3A_751 = arith.constant 0 : i32
    %dma_wait3A_752 = arith.constant 0 : i32
    %dma_wait3A_753 = tpu.memref_slice %arg3[%dma_wait3A_751, %dma_wait3A_752] : memref<4096x128xf32, #tpu.memory_space<hbm>> -> memref<160x128xf32, #tpu.memory_space<hbm>>
    %dma_wait3A_754 = arith.constant 0 : i32
    %dma_wait3A_755 = arith.constant 0 : i32
    %dma_wait3A_756 = tpu.memref_slice %arg10[%dma_wait3A_746, %dma_wait3A_754, %dma_wait3A_755] : memref<2x160x128xf32, #tpu.memory_space<vmem>> -> memref<1x160x128xf32, #tpu.memory_space<vmem>>
    %dma_wait3A_757 = tpu.memref_squeeze %dma_wait3A_756 : memref<1x160x128xf32, #tpu.memory_space<vmem>> -> memref<160x128xf32, #tpu.memory_space<vmem>>
    %dma_wait3A_758 = arith.constant 0 : i32
    %dma_wait3A_759 = arith.constant 0 : i32
    %dma_wait3A_760 = tpu.memref_slice %arg3[%dma_wait3A_758, %dma_wait3A_759] : memref<4096x128xf32, #tpu.memory_space<hbm>> -> memref<160x128xf32, #tpu.memory_space<hbm>>
    tpu.wait_dma2 semaphore(%arg13 : memref<!tpu.dma_semaphore, #tpu.memory_space<semaphore_mem>>) src(%dma_wait3A_760 : memref<160x128xf32, #tpu.memory_space<hbm>>) dst(%dma_wait3A_757 : memref<160x128xf32, #tpu.memory_space<vmem>>)
    %add3A_761 = arith.constant 1280 : i32
    %add3A_762 = arith.addi %mul3A_2, %add3A_761 : i32
    "tpu.region"() ({
      %run_scoped3A = tpu.sem_alloc : memref<!tpu.dma_semaphore, #tpu.memory_space<semaphore_mem>>
      %dma_start3A_1697 = tpu.memref_slice %arg4[%add3A_762] : memref<81920xi32, #tpu.memory_space<hbm>> -> memref<160xi32, #tpu.memory_space<hbm>>
      %dma_start3A_1698 = tpu.memref_slice %arg4[%add3A_762] : memref<81920xi32, #tpu.memory_space<hbm>> -> memref<160xi32, #tpu.memory_space<hbm>>
      tpu.enqueue_dma source(%dma_start3A_1698 : memref<160xi32, #tpu.memory_space<hbm>>) target(%arg7 : memref<160xi32, #tpu.memory_space<vmem>>) target_semaphore(%run_scoped3A : memref<!tpu.dma_semaphore, #tpu.memory_space<semaphore_mem>>)
      %dma_wait3A_1699 = tpu.memref_slice %arg4[%add3A_762] : memref<81920xi32, #tpu.memory_space<hbm>> -> memref<160xi32, #tpu.memory_space<hbm>>
      %dma_wait3A_1700 = tpu.memref_slice %arg4[%add3A_762] : memref<81920xi32, #tpu.memory_space<hbm>> -> memref<160xi32, #tpu.memory_space<hbm>>
      tpu.wait_dma2 semaphore(%run_scoped3A : memref<!tpu.dma_semaphore, #tpu.memory_space<semaphore_mem>>) src(%dma_wait3A_1700 : memref<160xi32, #tpu.memory_space<hbm>>) dst(%arg7 : memref<160xi32, #tpu.memory_space<vmem>>)
      tpu.yield
    }) : () -> ()
    %dma_start3A_763 = arith.constant 0 : i32
    %dma_start3A_764 = arith.constant 0 : i32
    %dma_start3A_765 = arith.constant 0 : i32
    %dma_start3A_766 = tpu.memref_slice %arg9[%dma_start3A_763, %dma_start3A_764, %dma_start3A_765] : memref<2x160x128xf32, #tpu.memory_space<vmem>> -> memref<1x160x128xf32, #tpu.memory_space<vmem>>
    %dma_start3A_767 = tpu.memref_squeeze %dma_start3A_766 : memref<1x160x128xf32, #tpu.memory_space<vmem>> -> memref<160x128xf32, #tpu.memory_space<vmem>>
    %dma_start3A_768 = arith.constant 0 : i32
    %dma_start3A_769 = arith.constant 0 : i32
    %dma_start3A_770 = tpu.memref_slice %arg2[%dma_start3A_768, %dma_start3A_769] : memref<4096x128xf32, #tpu.memory_space<hbm>> -> memref<4096x128xf32, #tpu.memory_space<hbm>>
    tpu.enqueue_indirect_dma source(%dma_start3A_770 : memref<4096x128xf32, #tpu.memory_space<hbm>>) target(%dma_start3A_767 : memref<160x128xf32, #tpu.memory_space<vmem>>) offsets(%arg7 : memref<160xi32, #tpu.memory_space<vmem>>) semaphore(%arg11 : memref<!tpu.dma_semaphore, #tpu.memory_space<semaphore_mem>>)
    %dma_start3A_771 = arith.constant 0 : i32
    %dma_start3A_772 = arith.constant 0 : i32
    %dma_start3A_773 = arith.constant 0 : i32
    %dma_start3A_774 = tpu.memref_slice %arg10[%dma_start3A_771, %dma_start3A_772, %dma_start3A_773] : memref<2x160x128xf32, #tpu.memory_space<vmem>> -> memref<1x160x128xf32, #tpu.memory_space<vmem>>
    %dma_start3A_775 = tpu.memref_squeeze %dma_start3A_774 : memref<1x160x128xf32, #tpu.memory_space<vmem>> -> memref<160x128xf32, #tpu.memory_space<vmem>>
    %dma_start3A_776 = arith.constant 0 : i32
    %dma_start3A_777 = arith.constant 0 : i32
    %dma_start3A_778 = tpu.memref_slice %arg3[%dma_start3A_776, %dma_start3A_777] : memref<4096x128xf32, #tpu.memory_space<hbm>> -> memref<4096x128xf32, #tpu.memory_space<hbm>>
    tpu.enqueue_indirect_dma source(%dma_start3A_778 : memref<4096x128xf32, #tpu.memory_space<hbm>>) target(%dma_start3A_775 : memref<160x128xf32, #tpu.memory_space<vmem>>) offsets(%arg7 : memref<160xi32, #tpu.memory_space<vmem>>) semaphore(%arg11 : memref<!tpu.dma_semaphore, #tpu.memory_space<semaphore_mem>>)
    %add3A_779 = arith.constant 1120 : i32
    %add3A_780 = arith.addi %mul3A_2, %add3A_779 : i32
    %dma_wait3A_781 = arith.constant 1 : i32
    %dma_wait3A_782 = arith.constant 0 : i32
    %dma_wait3A_783 = arith.constant 0 : i32
    %dma_wait3A_784 = tpu.memref_slice %arg9[%dma_wait3A_781, %dma_wait3A_782, %dma_wait3A_783] : memref<2x160x128xf32, #tpu.memory_space<vmem>> -> memref<1x160x128xf32, #tpu.memory_space<vmem>>
    %dma_wait3A_785 = tpu.memref_squeeze %dma_wait3A_784 : memref<1x160x128xf32, #tpu.memory_space<vmem>> -> memref<160x128xf32, #tpu.memory_space<vmem>>
    %dma_wait3A_786 = arith.constant 0 : i32
    %dma_wait3A_787 = arith.constant 0 : i32
    %dma_wait3A_788 = tpu.memref_slice %arg2[%dma_wait3A_786, %dma_wait3A_787] : memref<4096x128xf32, #tpu.memory_space<hbm>> -> memref<160x128xf32, #tpu.memory_space<hbm>>
    %dma_wait3A_789 = arith.constant 0 : i32
    %dma_wait3A_790 = arith.constant 0 : i32
    %dma_wait3A_791 = tpu.memref_slice %arg9[%dma_wait3A_781, %dma_wait3A_789, %dma_wait3A_790] : memref<2x160x128xf32, #tpu.memory_space<vmem>> -> memref<1x160x128xf32, #tpu.memory_space<vmem>>
    %dma_wait3A_792 = tpu.memref_squeeze %dma_wait3A_791 : memref<1x160x128xf32, #tpu.memory_space<vmem>> -> memref<160x128xf32, #tpu.memory_space<vmem>>
    %dma_wait3A_793 = arith.constant 0 : i32
    %dma_wait3A_794 = arith.constant 0 : i32
    %dma_wait3A_795 = tpu.memref_slice %arg2[%dma_wait3A_793, %dma_wait3A_794] : memref<4096x128xf32, #tpu.memory_space<hbm>> -> memref<160x128xf32, #tpu.memory_space<hbm>>
    tpu.wait_dma2 semaphore(%arg12 : memref<!tpu.dma_semaphore, #tpu.memory_space<semaphore_mem>>) src(%dma_wait3A_795 : memref<160x128xf32, #tpu.memory_space<hbm>>) dst(%dma_wait3A_792 : memref<160x128xf32, #tpu.memory_space<vmem>>)
    %dma_wait3A_796 = arith.constant 1 : i32
    %dma_wait3A_797 = arith.constant 0 : i32
    %dma_wait3A_798 = arith.constant 0 : i32
    %dma_wait3A_799 = tpu.memref_slice %arg10[%dma_wait3A_796, %dma_wait3A_797, %dma_wait3A_798] : memref<2x160x128xf32, #tpu.memory_space<vmem>> -> memref<1x160x128xf32, #tpu.memory_space<vmem>>
    %dma_wait3A_800 = tpu.memref_squeeze %dma_wait3A_799 : memref<1x160x128xf32, #tpu.memory_space<vmem>> -> memref<160x128xf32, #tpu.memory_space<vmem>>
    %dma_wait3A_801 = arith.constant 0 : i32
    %dma_wait3A_802 = arith.constant 0 : i32
    %dma_wait3A_803 = tpu.memref_slice %arg3[%dma_wait3A_801, %dma_wait3A_802] : memref<4096x128xf32, #tpu.memory_space<hbm>> -> memref<160x128xf32, #tpu.memory_space<hbm>>
    %dma_wait3A_804 = arith.constant 0 : i32
    %dma_wait3A_805 = arith.constant 0 : i32
    %dma_wait3A_806 = tpu.memref_slice %arg10[%dma_wait3A_796, %dma_wait3A_804, %dma_wait3A_805] : memref<2x160x128xf32, #tpu.memory_space<vmem>> -> memref<1x160x128xf32, #tpu.memory_space<vmem>>
    %dma_wait3A_807 = tpu.memref_squeeze %dma_wait3A_806 : memref<1x160x128xf32, #tpu.memory_space<vmem>> -> memref<160x128xf32, #tpu.memory_space<vmem>>
    %dma_wait3A_808 = arith.constant 0 : i32
    %dma_wait3A_809 = arith.constant 0 : i32
    %dma_wait3A_810 = tpu.memref_slice %arg3[%dma_wait3A_808, %dma_wait3A_809] : memref<4096x128xf32, #tpu.memory_space<hbm>> -> memref<160x128xf32, #tpu.memory_space<hbm>>
    tpu.wait_dma2 semaphore(%arg12 : memref<!tpu.dma_semaphore, #tpu.memory_space<semaphore_mem>>) src(%dma_wait3A_810 : memref<160x128xf32, #tpu.memory_space<hbm>>) dst(%dma_wait3A_807 : memref<160x128xf32, #tpu.memory_space<vmem>>)
    %dma_start3A_811 = arith.constant 1 : i32
    %dma_start3A_812 = arith.constant 0 : i32
    %dma_start3A_813 = arith.constant 0 : i32
    %dma_start3A_814 = tpu.memref_slice %arg9[%dma_start3A_811, %dma_start3A_812, %dma_start3A_813] : memref<2x160x128xf32, #tpu.memory_space<vmem>> -> memref<1x160x128xf32, #tpu.memory_space<vmem>>
    %dma_start3A_815 = tpu.memref_squeeze %dma_start3A_814 : memref<1x160x128xf32, #tpu.memory_space<vmem>> -> memref<160x128xf32, #tpu.memory_space<vmem>>
    %dma_start3A_816 = arith.constant 0 : i32
    %dma_start3A_817 = tpu.memref_slice %arg5[%add3A_780, %dma_start3A_816] : memref<81920x128xf32, #tpu.memory_space<hbm>> -> memref<160x128xf32, #tpu.memory_space<hbm>>
    %dma_start3A_818 = arith.constant 0 : i32
    %dma_start3A_819 = tpu.memref_slice %arg5[%add3A_780, %dma_start3A_818] : memref<81920x128xf32, #tpu.memory_space<hbm>> -> memref<160x128xf32, #tpu.memory_space<hbm>>
    %dma_start3A_820 = arith.constant 0 : i32
    %dma_start3A_821 = arith.constant 0 : i32
    %dma_start3A_822 = tpu.memref_slice %arg9[%dma_start3A_811, %dma_start3A_820, %dma_start3A_821] : memref<2x160x128xf32, #tpu.memory_space<vmem>> -> memref<1x160x128xf32, #tpu.memory_space<vmem>>
    %dma_start3A_823 = tpu.memref_squeeze %dma_start3A_822 : memref<1x160x128xf32, #tpu.memory_space<vmem>> -> memref<160x128xf32, #tpu.memory_space<vmem>>
    tpu.enqueue_dma source(%dma_start3A_823 : memref<160x128xf32, #tpu.memory_space<vmem>>) target(%dma_start3A_819 : memref<160x128xf32, #tpu.memory_space<hbm>>) target_semaphore(%arg14 : memref<!tpu.dma_semaphore, #tpu.memory_space<semaphore_mem>>)
    %dma_start3A_824 = arith.constant 1 : i32
    %dma_start3A_825 = arith.constant 0 : i32
    %dma_start3A_826 = arith.constant 0 : i32
    %dma_start3A_827 = tpu.memref_slice %arg10[%dma_start3A_824, %dma_start3A_825, %dma_start3A_826] : memref<2x160x128xf32, #tpu.memory_space<vmem>> -> memref<1x160x128xf32, #tpu.memory_space<vmem>>
    %dma_start3A_828 = tpu.memref_squeeze %dma_start3A_827 : memref<1x160x128xf32, #tpu.memory_space<vmem>> -> memref<160x128xf32, #tpu.memory_space<vmem>>
    %dma_start3A_829 = arith.constant 0 : i32
    %dma_start3A_830 = tpu.memref_slice %arg6[%add3A_780, %dma_start3A_829] : memref<81920x128xf32, #tpu.memory_space<hbm>> -> memref<160x128xf32, #tpu.memory_space<hbm>>
    %dma_start3A_831 = arith.constant 0 : i32
    %dma_start3A_832 = tpu.memref_slice %arg6[%add3A_780, %dma_start3A_831] : memref<81920x128xf32, #tpu.memory_space<hbm>> -> memref<160x128xf32, #tpu.memory_space<hbm>>
    %dma_start3A_833 = arith.constant 0 : i32
    %dma_start3A_834 = arith.constant 0 : i32
    %dma_start3A_835 = tpu.memref_slice %arg10[%dma_start3A_824, %dma_start3A_833, %dma_start3A_834] : memref<2x160x128xf32, #tpu.memory_space<vmem>> -> memref<1x160x128xf32, #tpu.memory_space<vmem>>
    %dma_start3A_836 = tpu.memref_squeeze %dma_start3A_835 : memref<1x160x128xf32, #tpu.memory_space<vmem>> -> memref<160x128xf32, #tpu.memory_space<vmem>>
    tpu.enqueue_dma source(%dma_start3A_836 : memref<160x128xf32, #tpu.memory_space<vmem>>) target(%dma_start3A_832 : memref<160x128xf32, #tpu.memory_space<hbm>>) target_semaphore(%arg14 : memref<!tpu.dma_semaphore, #tpu.memory_space<semaphore_mem>>)
    %dma_wait3A_837 = arith.constant 1 : i32
    %dma_wait3A_838 = arith.constant 0 : i32
    %dma_wait3A_839 = arith.constant 0 : i32
    %dma_wait3A_840 = tpu.memref_slice %arg9[%dma_wait3A_837, %dma_wait3A_838, %dma_wait3A_839] : memref<2x160x128xf32, #tpu.memory_space<vmem>> -> memref<1x160x128xf32, #tpu.memory_space<vmem>>
    %dma_wait3A_841 = tpu.memref_squeeze %dma_wait3A_840 : memref<1x160x128xf32, #tpu.memory_space<vmem>> -> memref<160x128xf32, #tpu.memory_space<vmem>>
    %dma_wait3A_842 = arith.constant 0 : i32
    %dma_wait3A_843 = arith.constant 0 : i32
    %dma_wait3A_844 = tpu.memref_slice %arg2[%dma_wait3A_842, %dma_wait3A_843] : memref<4096x128xf32, #tpu.memory_space<hbm>> -> memref<160x128xf32, #tpu.memory_space<hbm>>
    %dma_wait3A_845 = arith.constant 0 : i32
    %dma_wait3A_846 = arith.constant 0 : i32
    %dma_wait3A_847 = tpu.memref_slice %arg9[%dma_wait3A_837, %dma_wait3A_845, %dma_wait3A_846] : memref<2x160x128xf32, #tpu.memory_space<vmem>> -> memref<1x160x128xf32, #tpu.memory_space<vmem>>
    %dma_wait3A_848 = tpu.memref_squeeze %dma_wait3A_847 : memref<1x160x128xf32, #tpu.memory_space<vmem>> -> memref<160x128xf32, #tpu.memory_space<vmem>>
    %dma_wait3A_849 = arith.constant 0 : i32
    %dma_wait3A_850 = arith.constant 0 : i32
    %dma_wait3A_851 = tpu.memref_slice %arg2[%dma_wait3A_849, %dma_wait3A_850] : memref<4096x128xf32, #tpu.memory_space<hbm>> -> memref<160x128xf32, #tpu.memory_space<hbm>>
    tpu.wait_dma2 semaphore(%arg14 : memref<!tpu.dma_semaphore, #tpu.memory_space<semaphore_mem>>) src(%dma_wait3A_851 : memref<160x128xf32, #tpu.memory_space<hbm>>) dst(%dma_wait3A_848 : memref<160x128xf32, #tpu.memory_space<vmem>>)
    %dma_wait3A_852 = arith.constant 1 : i32
    %dma_wait3A_853 = arith.constant 0 : i32
    %dma_wait3A_854 = arith.constant 0 : i32
    %dma_wait3A_855 = tpu.memref_slice %arg10[%dma_wait3A_852, %dma_wait3A_853, %dma_wait3A_854] : memref<2x160x128xf32, #tpu.memory_space<vmem>> -> memref<1x160x128xf32, #tpu.memory_space<vmem>>
    %dma_wait3A_856 = tpu.memref_squeeze %dma_wait3A_855 : memref<1x160x128xf32, #tpu.memory_space<vmem>> -> memref<160x128xf32, #tpu.memory_space<vmem>>
    %dma_wait3A_857 = arith.constant 0 : i32
    %dma_wait3A_858 = arith.constant 0 : i32
    %dma_wait3A_859 = tpu.memref_slice %arg3[%dma_wait3A_857, %dma_wait3A_858] : memref<4096x128xf32, #tpu.memory_space<hbm>> -> memref<160x128xf32, #tpu.memory_space<hbm>>
    %dma_wait3A_860 = arith.constant 0 : i32
    %dma_wait3A_861 = arith.constant 0 : i32
    %dma_wait3A_862 = tpu.memref_slice %arg10[%dma_wait3A_852, %dma_wait3A_860, %dma_wait3A_861] : memref<2x160x128xf32, #tpu.memory_space<vmem>> -> memref<1x160x128xf32, #tpu.memory_space<vmem>>
    %dma_wait3A_863 = tpu.memref_squeeze %dma_wait3A_862 : memref<1x160x128xf32, #tpu.memory_space<vmem>> -> memref<160x128xf32, #tpu.memory_space<vmem>>
    %dma_wait3A_864 = arith.constant 0 : i32
    %dma_wait3A_865 = arith.constant 0 : i32
    %dma_wait3A_866 = tpu.memref_slice %arg3[%dma_wait3A_864, %dma_wait3A_865] : memref<4096x128xf32, #tpu.memory_space<hbm>> -> memref<160x128xf32, #tpu.memory_space<hbm>>
    tpu.wait_dma2 semaphore(%arg14 : memref<!tpu.dma_semaphore, #tpu.memory_space<semaphore_mem>>) src(%dma_wait3A_866 : memref<160x128xf32, #tpu.memory_space<hbm>>) dst(%dma_wait3A_863 : memref<160x128xf32, #tpu.memory_space<vmem>>)
    %add3A_867 = arith.constant 1440 : i32
    %add3A_868 = arith.addi %mul3A_2, %add3A_867 : i32
    "tpu.region"() ({
      %run_scoped3A = tpu.sem_alloc : memref<!tpu.dma_semaphore, #tpu.memory_space<semaphore_mem>>
      %dma_start3A_1697 = tpu.memref_slice %arg4[%add3A_868] : memref<81920xi32, #tpu.memory_space<hbm>> -> memref<160xi32, #tpu.memory_space<hbm>>
      %dma_start3A_1698 = tpu.memref_slice %arg4[%add3A_868] : memref<81920xi32, #tpu.memory_space<hbm>> -> memref<160xi32, #tpu.memory_space<hbm>>
      tpu.enqueue_dma source(%dma_start3A_1698 : memref<160xi32, #tpu.memory_space<hbm>>) target(%arg8 : memref<160xi32, #tpu.memory_space<vmem>>) target_semaphore(%run_scoped3A : memref<!tpu.dma_semaphore, #tpu.memory_space<semaphore_mem>>)
      %dma_wait3A_1699 = tpu.memref_slice %arg4[%add3A_868] : memref<81920xi32, #tpu.memory_space<hbm>> -> memref<160xi32, #tpu.memory_space<hbm>>
      %dma_wait3A_1700 = tpu.memref_slice %arg4[%add3A_868] : memref<81920xi32, #tpu.memory_space<hbm>> -> memref<160xi32, #tpu.memory_space<hbm>>
      tpu.wait_dma2 semaphore(%run_scoped3A : memref<!tpu.dma_semaphore, #tpu.memory_space<semaphore_mem>>) src(%dma_wait3A_1700 : memref<160xi32, #tpu.memory_space<hbm>>) dst(%arg8 : memref<160xi32, #tpu.memory_space<vmem>>)
      tpu.yield
    }) : () -> ()
    %dma_start3A_869 = arith.constant 1 : i32
    %dma_start3A_870 = arith.constant 0 : i32
    %dma_start3A_871 = arith.constant 0 : i32
    %dma_start3A_872 = tpu.memref_slice %arg9[%dma_start3A_869, %dma_start3A_870, %dma_start3A_871] : memref<2x160x128xf32, #tpu.memory_space<vmem>> -> memref<1x160x128xf32, #tpu.memory_space<vmem>>
    %dma_start3A_873 = tpu.memref_squeeze %dma_start3A_872 : memref<1x160x128xf32, #tpu.memory_space<vmem>> -> memref<160x128xf32, #tpu.memory_space<vmem>>
    %dma_start3A_874 = arith.constant 0 : i32
    %dma_start3A_875 = arith.constant 0 : i32
    %dma_start3A_876 = tpu.memref_slice %arg2[%dma_start3A_874, %dma_start3A_875] : memref<4096x128xf32, #tpu.memory_space<hbm>> -> memref<4096x128xf32, #tpu.memory_space<hbm>>
    tpu.enqueue_indirect_dma source(%dma_start3A_876 : memref<4096x128xf32, #tpu.memory_space<hbm>>) target(%dma_start3A_873 : memref<160x128xf32, #tpu.memory_space<vmem>>) offsets(%arg8 : memref<160xi32, #tpu.memory_space<vmem>>) semaphore(%arg12 : memref<!tpu.dma_semaphore, #tpu.memory_space<semaphore_mem>>)
    %dma_start3A_877 = arith.constant 1 : i32
    %dma_start3A_878 = arith.constant 0 : i32
    %dma_start3A_879 = arith.constant 0 : i32
    %dma_start3A_880 = tpu.memref_slice %arg10[%dma_start3A_877, %dma_start3A_878, %dma_start3A_879] : memref<2x160x128xf32, #tpu.memory_space<vmem>> -> memref<1x160x128xf32, #tpu.memory_space<vmem>>
    %dma_start3A_881 = tpu.memref_squeeze %dma_start3A_880 : memref<1x160x128xf32, #tpu.memory_space<vmem>> -> memref<160x128xf32, #tpu.memory_space<vmem>>
    %dma_start3A_882 = arith.constant 0 : i32
    %dma_start3A_883 = arith.constant 0 : i32
    %dma_start3A_884 = tpu.memref_slice %arg3[%dma_start3A_882, %dma_start3A_883] : memref<4096x128xf32, #tpu.memory_space<hbm>> -> memref<4096x128xf32, #tpu.memory_space<hbm>>
    tpu.enqueue_indirect_dma source(%dma_start3A_884 : memref<4096x128xf32, #tpu.memory_space<hbm>>) target(%dma_start3A_881 : memref<160x128xf32, #tpu.memory_space<vmem>>) offsets(%arg8 : memref<160xi32, #tpu.memory_space<vmem>>) semaphore(%arg12 : memref<!tpu.dma_semaphore, #tpu.memory_space<semaphore_mem>>)
    %add3A_885 = arith.constant 1280 : i32
    %add3A_886 = arith.addi %mul3A_2, %add3A_885 : i32
    %dma_wait3A_887 = arith.constant 0 : i32
    %dma_wait3A_888 = arith.constant 0 : i32
    %dma_wait3A_889 = arith.constant 0 : i32
    %dma_wait3A_890 = tpu.memref_slice %arg9[%dma_wait3A_887, %dma_wait3A_888, %dma_wait3A_889] : memref<2x160x128xf32, #tpu.memory_space<vmem>> -> memref<1x160x128xf32, #tpu.memory_space<vmem>>
    %dma_wait3A_891 = tpu.memref_squeeze %dma_wait3A_890 : memref<1x160x128xf32, #tpu.memory_space<vmem>> -> memref<160x128xf32, #tpu.memory_space<vmem>>
    %dma_wait3A_892 = arith.constant 0 : i32
    %dma_wait3A_893 = arith.constant 0 : i32
    %dma_wait3A_894 = tpu.memref_slice %arg2[%dma_wait3A_892, %dma_wait3A_893] : memref<4096x128xf32, #tpu.memory_space<hbm>> -> memref<160x128xf32, #tpu.memory_space<hbm>>
    %dma_wait3A_895 = arith.constant 0 : i32
    %dma_wait3A_896 = arith.constant 0 : i32
    %dma_wait3A_897 = tpu.memref_slice %arg9[%dma_wait3A_887, %dma_wait3A_895, %dma_wait3A_896] : memref<2x160x128xf32, #tpu.memory_space<vmem>> -> memref<1x160x128xf32, #tpu.memory_space<vmem>>
    %dma_wait3A_898 = tpu.memref_squeeze %dma_wait3A_897 : memref<1x160x128xf32, #tpu.memory_space<vmem>> -> memref<160x128xf32, #tpu.memory_space<vmem>>
    %dma_wait3A_899 = arith.constant 0 : i32
    %dma_wait3A_900 = arith.constant 0 : i32
    %dma_wait3A_901 = tpu.memref_slice %arg2[%dma_wait3A_899, %dma_wait3A_900] : memref<4096x128xf32, #tpu.memory_space<hbm>> -> memref<160x128xf32, #tpu.memory_space<hbm>>
    tpu.wait_dma2 semaphore(%arg11 : memref<!tpu.dma_semaphore, #tpu.memory_space<semaphore_mem>>) src(%dma_wait3A_901 : memref<160x128xf32, #tpu.memory_space<hbm>>) dst(%dma_wait3A_898 : memref<160x128xf32, #tpu.memory_space<vmem>>)
    %dma_wait3A_902 = arith.constant 0 : i32
    %dma_wait3A_903 = arith.constant 0 : i32
    %dma_wait3A_904 = arith.constant 0 : i32
    %dma_wait3A_905 = tpu.memref_slice %arg10[%dma_wait3A_902, %dma_wait3A_903, %dma_wait3A_904] : memref<2x160x128xf32, #tpu.memory_space<vmem>> -> memref<1x160x128xf32, #tpu.memory_space<vmem>>
    %dma_wait3A_906 = tpu.memref_squeeze %dma_wait3A_905 : memref<1x160x128xf32, #tpu.memory_space<vmem>> -> memref<160x128xf32, #tpu.memory_space<vmem>>
    %dma_wait3A_907 = arith.constant 0 : i32
    %dma_wait3A_908 = arith.constant 0 : i32
    %dma_wait3A_909 = tpu.memref_slice %arg3[%dma_wait3A_907, %dma_wait3A_908] : memref<4096x128xf32, #tpu.memory_space<hbm>> -> memref<160x128xf32, #tpu.memory_space<hbm>>
    %dma_wait3A_910 = arith.constant 0 : i32
    %dma_wait3A_911 = arith.constant 0 : i32
    %dma_wait3A_912 = tpu.memref_slice %arg10[%dma_wait3A_902, %dma_wait3A_910, %dma_wait3A_911] : memref<2x160x128xf32, #tpu.memory_space<vmem>> -> memref<1x160x128xf32, #tpu.memory_space<vmem>>
    %dma_wait3A_913 = tpu.memref_squeeze %dma_wait3A_912 : memref<1x160x128xf32, #tpu.memory_space<vmem>> -> memref<160x128xf32, #tpu.memory_space<vmem>>
    %dma_wait3A_914 = arith.constant 0 : i32
    %dma_wait3A_915 = arith.constant 0 : i32
    %dma_wait3A_916 = tpu.memref_slice %arg3[%dma_wait3A_914, %dma_wait3A_915] : memref<4096x128xf32, #tpu.memory_space<hbm>> -> memref<160x128xf32, #tpu.memory_space<hbm>>
    tpu.wait_dma2 semaphore(%arg11 : memref<!tpu.dma_semaphore, #tpu.memory_space<semaphore_mem>>) src(%dma_wait3A_916 : memref<160x128xf32, #tpu.memory_space<hbm>>) dst(%dma_wait3A_913 : memref<160x128xf32, #tpu.memory_space<vmem>>)
    %dma_start3A_917 = arith.constant 0 : i32
    %dma_start3A_918 = arith.constant 0 : i32
    %dma_start3A_919 = arith.constant 0 : i32
    %dma_start3A_920 = tpu.memref_slice %arg9[%dma_start3A_917, %dma_start3A_918, %dma_start3A_919] : memref<2x160x128xf32, #tpu.memory_space<vmem>> -> memref<1x160x128xf32, #tpu.memory_space<vmem>>
    %dma_start3A_921 = tpu.memref_squeeze %dma_start3A_920 : memref<1x160x128xf32, #tpu.memory_space<vmem>> -> memref<160x128xf32, #tpu.memory_space<vmem>>
    %dma_start3A_922 = arith.constant 0 : i32
    %dma_start3A_923 = tpu.memref_slice %arg5[%add3A_886, %dma_start3A_922] : memref<81920x128xf32, #tpu.memory_space<hbm>> -> memref<160x128xf32, #tpu.memory_space<hbm>>
    %dma_start3A_924 = arith.constant 0 : i32
    %dma_start3A_925 = tpu.memref_slice %arg5[%add3A_886, %dma_start3A_924] : memref<81920x128xf32, #tpu.memory_space<hbm>> -> memref<160x128xf32, #tpu.memory_space<hbm>>
    %dma_start3A_926 = arith.constant 0 : i32
    %dma_start3A_927 = arith.constant 0 : i32
    %dma_start3A_928 = tpu.memref_slice %arg9[%dma_start3A_917, %dma_start3A_926, %dma_start3A_927] : memref<2x160x128xf32, #tpu.memory_space<vmem>> -> memref<1x160x128xf32, #tpu.memory_space<vmem>>
    %dma_start3A_929 = tpu.memref_squeeze %dma_start3A_928 : memref<1x160x128xf32, #tpu.memory_space<vmem>> -> memref<160x128xf32, #tpu.memory_space<vmem>>
    tpu.enqueue_dma source(%dma_start3A_929 : memref<160x128xf32, #tpu.memory_space<vmem>>) target(%dma_start3A_925 : memref<160x128xf32, #tpu.memory_space<hbm>>) target_semaphore(%arg13 : memref<!tpu.dma_semaphore, #tpu.memory_space<semaphore_mem>>)
    %dma_start3A_930 = arith.constant 0 : i32
    %dma_start3A_931 = arith.constant 0 : i32
    %dma_start3A_932 = arith.constant 0 : i32
    %dma_start3A_933 = tpu.memref_slice %arg10[%dma_start3A_930, %dma_start3A_931, %dma_start3A_932] : memref<2x160x128xf32, #tpu.memory_space<vmem>> -> memref<1x160x128xf32, #tpu.memory_space<vmem>>
    %dma_start3A_934 = tpu.memref_squeeze %dma_start3A_933 : memref<1x160x128xf32, #tpu.memory_space<vmem>> -> memref<160x128xf32, #tpu.memory_space<vmem>>
    %dma_start3A_935 = arith.constant 0 : i32
    %dma_start3A_936 = tpu.memref_slice %arg6[%add3A_886, %dma_start3A_935] : memref<81920x128xf32, #tpu.memory_space<hbm>> -> memref<160x128xf32, #tpu.memory_space<hbm>>
    %dma_start3A_937 = arith.constant 0 : i32
    %dma_start3A_938 = tpu.memref_slice %arg6[%add3A_886, %dma_start3A_937] : memref<81920x128xf32, #tpu.memory_space<hbm>> -> memref<160x128xf32, #tpu.memory_space<hbm>>
    %dma_start3A_939 = arith.constant 0 : i32
    %dma_start3A_940 = arith.constant 0 : i32
    %dma_start3A_941 = tpu.memref_slice %arg10[%dma_start3A_930, %dma_start3A_939, %dma_start3A_940] : memref<2x160x128xf32, #tpu.memory_space<vmem>> -> memref<1x160x128xf32, #tpu.memory_space<vmem>>
    %dma_start3A_942 = tpu.memref_squeeze %dma_start3A_941 : memref<1x160x128xf32, #tpu.memory_space<vmem>> -> memref<160x128xf32, #tpu.memory_space<vmem>>
    tpu.enqueue_dma source(%dma_start3A_942 : memref<160x128xf32, #tpu.memory_space<vmem>>) target(%dma_start3A_938 : memref<160x128xf32, #tpu.memory_space<hbm>>) target_semaphore(%arg13 : memref<!tpu.dma_semaphore, #tpu.memory_space<semaphore_mem>>)
    %dma_wait3A_943 = arith.constant 0 : i32
    %dma_wait3A_944 = arith.constant 0 : i32
    %dma_wait3A_945 = arith.constant 0 : i32
    %dma_wait3A_946 = tpu.memref_slice %arg9[%dma_wait3A_943, %dma_wait3A_944, %dma_wait3A_945] : memref<2x160x128xf32, #tpu.memory_space<vmem>> -> memref<1x160x128xf32, #tpu.memory_space<vmem>>
    %dma_wait3A_947 = tpu.memref_squeeze %dma_wait3A_946 : memref<1x160x128xf32, #tpu.memory_space<vmem>> -> memref<160x128xf32, #tpu.memory_space<vmem>>
    %dma_wait3A_948 = arith.constant 0 : i32
    %dma_wait3A_949 = arith.constant 0 : i32
    %dma_wait3A_950 = tpu.memref_slice %arg2[%dma_wait3A_948, %dma_wait3A_949] : memref<4096x128xf32, #tpu.memory_space<hbm>> -> memref<160x128xf32, #tpu.memory_space<hbm>>
    %dma_wait3A_951 = arith.constant 0 : i32
    %dma_wait3A_952 = arith.constant 0 : i32
    %dma_wait3A_953 = tpu.memref_slice %arg9[%dma_wait3A_943, %dma_wait3A_951, %dma_wait3A_952] : memref<2x160x128xf32, #tpu.memory_space<vmem>> -> memref<1x160x128xf32, #tpu.memory_space<vmem>>
    %dma_wait3A_954 = tpu.memref_squeeze %dma_wait3A_953 : memref<1x160x128xf32, #tpu.memory_space<vmem>> -> memref<160x128xf32, #tpu.memory_space<vmem>>
    %dma_wait3A_955 = arith.constant 0 : i32
    %dma_wait3A_956 = arith.constant 0 : i32
    %dma_wait3A_957 = tpu.memref_slice %arg2[%dma_wait3A_955, %dma_wait3A_956] : memref<4096x128xf32, #tpu.memory_space<hbm>> -> memref<160x128xf32, #tpu.memory_space<hbm>>
    tpu.wait_dma2 semaphore(%arg13 : memref<!tpu.dma_semaphore, #tpu.memory_space<semaphore_mem>>) src(%dma_wait3A_957 : memref<160x128xf32, #tpu.memory_space<hbm>>) dst(%dma_wait3A_954 : memref<160x128xf32, #tpu.memory_space<vmem>>)
    %dma_wait3A_958 = arith.constant 0 : i32
    %dma_wait3A_959 = arith.constant 0 : i32
    %dma_wait3A_960 = arith.constant 0 : i32
    %dma_wait3A_961 = tpu.memref_slice %arg10[%dma_wait3A_958, %dma_wait3A_959, %dma_wait3A_960] : memref<2x160x128xf32, #tpu.memory_space<vmem>> -> memref<1x160x128xf32, #tpu.memory_space<vmem>>
    %dma_wait3A_962 = tpu.memref_squeeze %dma_wait3A_961 : memref<1x160x128xf32, #tpu.memory_space<vmem>> -> memref<160x128xf32, #tpu.memory_space<vmem>>
    %dma_wait3A_963 = arith.constant 0 : i32
    %dma_wait3A_964 = arith.constant 0 : i32
    %dma_wait3A_965 = tpu.memref_slice %arg3[%dma_wait3A_963, %dma_wait3A_964] : memref<4096x128xf32, #tpu.memory_space<hbm>> -> memref<160x128xf32, #tpu.memory_space<hbm>>
    %dma_wait3A_966 = arith.constant 0 : i32
    %dma_wait3A_967 = arith.constant 0 : i32
    %dma_wait3A_968 = tpu.memref_slice %arg10[%dma_wait3A_958, %dma_wait3A_966, %dma_wait3A_967] : memref<2x160x128xf32, #tpu.memory_space<vmem>> -> memref<1x160x128xf32, #tpu.memory_space<vmem>>
    %dma_wait3A_969 = tpu.memref_squeeze %dma_wait3A_968 : memref<1x160x128xf32, #tpu.memory_space<vmem>> -> memref<160x128xf32, #tpu.memory_space<vmem>>
    %dma_wait3A_970 = arith.constant 0 : i32
    %dma_wait3A_971 = arith.constant 0 : i32
    %dma_wait3A_972 = tpu.memref_slice %arg3[%dma_wait3A_970, %dma_wait3A_971] : memref<4096x128xf32, #tpu.memory_space<hbm>> -> memref<160x128xf32, #tpu.memory_space<hbm>>
    tpu.wait_dma2 semaphore(%arg13 : memref<!tpu.dma_semaphore, #tpu.memory_space<semaphore_mem>>) src(%dma_wait3A_972 : memref<160x128xf32, #tpu.memory_space<hbm>>) dst(%dma_wait3A_969 : memref<160x128xf32, #tpu.memory_space<vmem>>)
    %add3A_973 = arith.constant 1600 : i32
    %add3A_974 = arith.addi %mul3A_2, %add3A_973 : i32
    "tpu.region"() ({
      %run_scoped3A = tpu.sem_alloc : memref<!tpu.dma_semaphore, #tpu.memory_space<semaphore_mem>>
      %dma_start3A_1697 = tpu.memref_slice %arg4[%add3A_974] : memref<81920xi32, #tpu.memory_space<hbm>> -> memref<160xi32, #tpu.memory_space<hbm>>
      %dma_start3A_1698 = tpu.memref_slice %arg4[%add3A_974] : memref<81920xi32, #tpu.memory_space<hbm>> -> memref<160xi32, #tpu.memory_space<hbm>>
      tpu.enqueue_dma source(%dma_start3A_1698 : memref<160xi32, #tpu.memory_space<hbm>>) target(%arg7 : memref<160xi32, #tpu.memory_space<vmem>>) target_semaphore(%run_scoped3A : memref<!tpu.dma_semaphore, #tpu.memory_space<semaphore_mem>>)
      %dma_wait3A_1699 = tpu.memref_slice %arg4[%add3A_974] : memref<81920xi32, #tpu.memory_space<hbm>> -> memref<160xi32, #tpu.memory_space<hbm>>
      %dma_wait3A_1700 = tpu.memref_slice %arg4[%add3A_974] : memref<81920xi32, #tpu.memory_space<hbm>> -> memref<160xi32, #tpu.memory_space<hbm>>
      tpu.wait_dma2 semaphore(%run_scoped3A : memref<!tpu.dma_semaphore, #tpu.memory_space<semaphore_mem>>) src(%dma_wait3A_1700 : memref<160xi32, #tpu.memory_space<hbm>>) dst(%arg7 : memref<160xi32, #tpu.memory_space<vmem>>)
      tpu.yield
    }) : () -> ()
    %dma_start3A_975 = arith.constant 0 : i32
    %dma_start3A_976 = arith.constant 0 : i32
    %dma_start3A_977 = arith.constant 0 : i32
    %dma_start3A_978 = tpu.memref_slice %arg9[%dma_start3A_975, %dma_start3A_976, %dma_start3A_977] : memref<2x160x128xf32, #tpu.memory_space<vmem>> -> memref<1x160x128xf32, #tpu.memory_space<vmem>>
    %dma_start3A_979 = tpu.memref_squeeze %dma_start3A_978 : memref<1x160x128xf32, #tpu.memory_space<vmem>> -> memref<160x128xf32, #tpu.memory_space<vmem>>
    %dma_start3A_980 = arith.constant 0 : i32
    %dma_start3A_981 = arith.constant 0 : i32
    %dma_start3A_982 = tpu.memref_slice %arg2[%dma_start3A_980, %dma_start3A_981] : memref<4096x128xf32, #tpu.memory_space<hbm>> -> memref<4096x128xf32, #tpu.memory_space<hbm>>
    tpu.enqueue_indirect_dma source(%dma_start3A_982 : memref<4096x128xf32, #tpu.memory_space<hbm>>) target(%dma_start3A_979 : memref<160x128xf32, #tpu.memory_space<vmem>>) offsets(%arg7 : memref<160xi32, #tpu.memory_space<vmem>>) semaphore(%arg11 : memref<!tpu.dma_semaphore, #tpu.memory_space<semaphore_mem>>)
    %dma_start3A_983 = arith.constant 0 : i32
    %dma_start3A_984 = arith.constant 0 : i32
    %dma_start3A_985 = arith.constant 0 : i32
    %dma_start3A_986 = tpu.memref_slice %arg10[%dma_start3A_983, %dma_start3A_984, %dma_start3A_985] : memref<2x160x128xf32, #tpu.memory_space<vmem>> -> memref<1x160x128xf32, #tpu.memory_space<vmem>>
    %dma_start3A_987 = tpu.memref_squeeze %dma_start3A_986 : memref<1x160x128xf32, #tpu.memory_space<vmem>> -> memref<160x128xf32, #tpu.memory_space<vmem>>
    %dma_start3A_988 = arith.constant 0 : i32
    %dma_start3A_989 = arith.constant 0 : i32
    %dma_start3A_990 = tpu.memref_slice %arg3[%dma_start3A_988, %dma_start3A_989] : memref<4096x128xf32, #tpu.memory_space<hbm>> -> memref<4096x128xf32, #tpu.memory_space<hbm>>
    tpu.enqueue_indirect_dma source(%dma_start3A_990 : memref<4096x128xf32, #tpu.memory_space<hbm>>) target(%dma_start3A_987 : memref<160x128xf32, #tpu.memory_space<vmem>>) offsets(%arg7 : memref<160xi32, #tpu.memory_space<vmem>>) semaphore(%arg11 : memref<!tpu.dma_semaphore, #tpu.memory_space<semaphore_mem>>)
    %add3A_991 = arith.constant 1440 : i32
    %add3A_992 = arith.addi %mul3A_2, %add3A_991 : i32
    %dma_wait3A_993 = arith.constant 1 : i32
    %dma_wait3A_994 = arith.constant 0 : i32
    %dma_wait3A_995 = arith.constant 0 : i32
    %dma_wait3A_996 = tpu.memref_slice %arg9[%dma_wait3A_993, %dma_wait3A_994, %dma_wait3A_995] : memref<2x160x128xf32, #tpu.memory_space<vmem>> -> memref<1x160x128xf32, #tpu.memory_space<vmem>>
    %dma_wait3A_997 = tpu.memref_squeeze %dma_wait3A_996 : memref<1x160x128xf32, #tpu.memory_space<vmem>> -> memref<160x128xf32, #tpu.memory_space<vmem>>
    %dma_wait3A_998 = arith.constant 0 : i32
    %dma_wait3A_999 = arith.constant 0 : i32
    %dma_wait3A_1000 = tpu.memref_slice %arg2[%dma_wait3A_998, %dma_wait3A_999] : memref<4096x128xf32, #tpu.memory_space<hbm>> -> memref<160x128xf32, #tpu.memory_space<hbm>>
    %dma_wait3A_1001 = arith.constant 0 : i32
    %dma_wait3A_1002 = arith.constant 0 : i32
    %dma_wait3A_1003 = tpu.memref_slice %arg9[%dma_wait3A_993, %dma_wait3A_1001, %dma_wait3A_1002] : memref<2x160x128xf32, #tpu.memory_space<vmem>> -> memref<1x160x128xf32, #tpu.memory_space<vmem>>
    %dma_wait3A_1004 = tpu.memref_squeeze %dma_wait3A_1003 : memref<1x160x128xf32, #tpu.memory_space<vmem>> -> memref<160x128xf32, #tpu.memory_space<vmem>>
    %dma_wait3A_1005 = arith.constant 0 : i32
    %dma_wait3A_1006 = arith.constant 0 : i32
    %dma_wait3A_1007 = tpu.memref_slice %arg2[%dma_wait3A_1005, %dma_wait3A_1006] : memref<4096x128xf32, #tpu.memory_space<hbm>> -> memref<160x128xf32, #tpu.memory_space<hbm>>
    tpu.wait_dma2 semaphore(%arg12 : memref<!tpu.dma_semaphore, #tpu.memory_space<semaphore_mem>>) src(%dma_wait3A_1007 : memref<160x128xf32, #tpu.memory_space<hbm>>) dst(%dma_wait3A_1004 : memref<160x128xf32, #tpu.memory_space<vmem>>)
    %dma_wait3A_1008 = arith.constant 1 : i32
    %dma_wait3A_1009 = arith.constant 0 : i32
    %dma_wait3A_1010 = arith.constant 0 : i32
    %dma_wait3A_1011 = tpu.memref_slice %arg10[%dma_wait3A_1008, %dma_wait3A_1009, %dma_wait3A_1010] : memref<2x160x128xf32, #tpu.memory_space<vmem>> -> memref<1x160x128xf32, #tpu.memory_space<vmem>>
    %dma_wait3A_1012 = tpu.memref_squeeze %dma_wait3A_1011 : memref<1x160x128xf32, #tpu.memory_space<vmem>> -> memref<160x128xf32, #tpu.memory_space<vmem>>
    %dma_wait3A_1013 = arith.constant 0 : i32
    %dma_wait3A_1014 = arith.constant 0 : i32
    %dma_wait3A_1015 = tpu.memref_slice %arg3[%dma_wait3A_1013, %dma_wait3A_1014] : memref<4096x128xf32, #tpu.memory_space<hbm>> -> memref<160x128xf32, #tpu.memory_space<hbm>>
    %dma_wait3A_1016 = arith.constant 0 : i32
    %dma_wait3A_1017 = arith.constant 0 : i32
    %dma_wait3A_1018 = tpu.memref_slice %arg10[%dma_wait3A_1008, %dma_wait3A_1016, %dma_wait3A_1017] : memref<2x160x128xf32, #tpu.memory_space<vmem>> -> memref<1x160x128xf32, #tpu.memory_space<vmem>>
    %dma_wait3A_1019 = tpu.memref_squeeze %dma_wait3A_1018 : memref<1x160x128xf32, #tpu.memory_space<vmem>> -> memref<160x128xf32, #tpu.memory_space<vmem>>
    %dma_wait3A_1020 = arith.constant 0 : i32
    %dma_wait3A_1021 = arith.constant 0 : i32
    %dma_wait3A_1022 = tpu.memref_slice %arg3[%dma_wait3A_1020, %dma_wait3A_1021] : memref<4096x128xf32, #tpu.memory_space<hbm>> -> memref<160x128xf32, #tpu.memory_space<hbm>>
    tpu.wait_dma2 semaphore(%arg12 : memref<!tpu.dma_semaphore, #tpu.memory_space<semaphore_mem>>) src(%dma_wait3A_1022 : memref<160x128xf32, #tpu.memory_space<hbm>>) dst(%dma_wait3A_1019 : memref<160x128xf32, #tpu.memory_space<vmem>>)
    %dma_start3A_1023 = arith.constant 1 : i32
    %dma_start3A_1024 = arith.constant 0 : i32
    %dma_start3A_1025 = arith.constant 0 : i32
    %dma_start3A_1026 = tpu.memref_slice %arg9[%dma_start3A_1023, %dma_start3A_1024, %dma_start3A_1025] : memref<2x160x128xf32, #tpu.memory_space<vmem>> -> memref<1x160x128xf32, #tpu.memory_space<vmem>>
    %dma_start3A_1027 = tpu.memref_squeeze %dma_start3A_1026 : memref<1x160x128xf32, #tpu.memory_space<vmem>> -> memref<160x128xf32, #tpu.memory_space<vmem>>
    %dma_start3A_1028 = arith.constant 0 : i32
    %dma_start3A_1029 = tpu.memref_slice %arg5[%add3A_992, %dma_start3A_1028] : memref<81920x128xf32, #tpu.memory_space<hbm>> -> memref<160x128xf32, #tpu.memory_space<hbm>>
    %dma_start3A_1030 = arith.constant 0 : i32
    %dma_start3A_1031 = tpu.memref_slice %arg5[%add3A_992, %dma_start3A_1030] : memref<81920x128xf32, #tpu.memory_space<hbm>> -> memref<160x128xf32, #tpu.memory_space<hbm>>
    %dma_start3A_1032 = arith.constant 0 : i32
    %dma_start3A_1033 = arith.constant 0 : i32
    %dma_start3A_1034 = tpu.memref_slice %arg9[%dma_start3A_1023, %dma_start3A_1032, %dma_start3A_1033] : memref<2x160x128xf32, #tpu.memory_space<vmem>> -> memref<1x160x128xf32, #tpu.memory_space<vmem>>
    %dma_start3A_1035 = tpu.memref_squeeze %dma_start3A_1034 : memref<1x160x128xf32, #tpu.memory_space<vmem>> -> memref<160x128xf32, #tpu.memory_space<vmem>>
    tpu.enqueue_dma source(%dma_start3A_1035 : memref<160x128xf32, #tpu.memory_space<vmem>>) target(%dma_start3A_1031 : memref<160x128xf32, #tpu.memory_space<hbm>>) target_semaphore(%arg14 : memref<!tpu.dma_semaphore, #tpu.memory_space<semaphore_mem>>)
    %dma_start3A_1036 = arith.constant 1 : i32
    %dma_start3A_1037 = arith.constant 0 : i32
    %dma_start3A_1038 = arith.constant 0 : i32
    %dma_start3A_1039 = tpu.memref_slice %arg10[%dma_start3A_1036, %dma_start3A_1037, %dma_start3A_1038] : memref<2x160x128xf32, #tpu.memory_space<vmem>> -> memref<1x160x128xf32, #tpu.memory_space<vmem>>
    %dma_start3A_1040 = tpu.memref_squeeze %dma_start3A_1039 : memref<1x160x128xf32, #tpu.memory_space<vmem>> -> memref<160x128xf32, #tpu.memory_space<vmem>>
    %dma_start3A_1041 = arith.constant 0 : i32
    %dma_start3A_1042 = tpu.memref_slice %arg6[%add3A_992, %dma_start3A_1041] : memref<81920x128xf32, #tpu.memory_space<hbm>> -> memref<160x128xf32, #tpu.memory_space<hbm>>
    %dma_start3A_1043 = arith.constant 0 : i32
    %dma_start3A_1044 = tpu.memref_slice %arg6[%add3A_992, %dma_start3A_1043] : memref<81920x128xf32, #tpu.memory_space<hbm>> -> memref<160x128xf32, #tpu.memory_space<hbm>>
    %dma_start3A_1045 = arith.constant 0 : i32
    %dma_start3A_1046 = arith.constant 0 : i32
    %dma_start3A_1047 = tpu.memref_slice %arg10[%dma_start3A_1036, %dma_start3A_1045, %dma_start3A_1046] : memref<2x160x128xf32, #tpu.memory_space<vmem>> -> memref<1x160x128xf32, #tpu.memory_space<vmem>>
    %dma_start3A_1048 = tpu.memref_squeeze %dma_start3A_1047 : memref<1x160x128xf32, #tpu.memory_space<vmem>> -> memref<160x128xf32, #tpu.memory_space<vmem>>
    tpu.enqueue_dma source(%dma_start3A_1048 : memref<160x128xf32, #tpu.memory_space<vmem>>) target(%dma_start3A_1044 : memref<160x128xf32, #tpu.memory_space<hbm>>) target_semaphore(%arg14 : memref<!tpu.dma_semaphore, #tpu.memory_space<semaphore_mem>>)
    %dma_wait3A_1049 = arith.constant 1 : i32
    %dma_wait3A_1050 = arith.constant 0 : i32
    %dma_wait3A_1051 = arith.constant 0 : i32
    %dma_wait3A_1052 = tpu.memref_slice %arg9[%dma_wait3A_1049, %dma_wait3A_1050, %dma_wait3A_1051] : memref<2x160x128xf32, #tpu.memory_space<vmem>> -> memref<1x160x128xf32, #tpu.memory_space<vmem>>
    %dma_wait3A_1053 = tpu.memref_squeeze %dma_wait3A_1052 : memref<1x160x128xf32, #tpu.memory_space<vmem>> -> memref<160x128xf32, #tpu.memory_space<vmem>>
    %dma_wait3A_1054 = arith.constant 0 : i32
    %dma_wait3A_1055 = arith.constant 0 : i32
    %dma_wait3A_1056 = tpu.memref_slice %arg2[%dma_wait3A_1054, %dma_wait3A_1055] : memref<4096x128xf32, #tpu.memory_space<hbm>> -> memref<160x128xf32, #tpu.memory_space<hbm>>
    %dma_wait3A_1057 = arith.constant 0 : i32
    %dma_wait3A_1058 = arith.constant 0 : i32
    %dma_wait3A_1059 = tpu.memref_slice %arg9[%dma_wait3A_1049, %dma_wait3A_1057, %dma_wait3A_1058] : memref<2x160x128xf32, #tpu.memory_space<vmem>> -> memref<1x160x128xf32, #tpu.memory_space<vmem>>
    %dma_wait3A_1060 = tpu.memref_squeeze %dma_wait3A_1059 : memref<1x160x128xf32, #tpu.memory_space<vmem>> -> memref<160x128xf32, #tpu.memory_space<vmem>>
    %dma_wait3A_1061 = arith.constant 0 : i32
    %dma_wait3A_1062 = arith.constant 0 : i32
    %dma_wait3A_1063 = tpu.memref_slice %arg2[%dma_wait3A_1061, %dma_wait3A_1062] : memref<4096x128xf32, #tpu.memory_space<hbm>> -> memref<160x128xf32, #tpu.memory_space<hbm>>
    tpu.wait_dma2 semaphore(%arg14 : memref<!tpu.dma_semaphore, #tpu.memory_space<semaphore_mem>>) src(%dma_wait3A_1063 : memref<160x128xf32, #tpu.memory_space<hbm>>) dst(%dma_wait3A_1060 : memref<160x128xf32, #tpu.memory_space<vmem>>)
    %dma_wait3A_1064 = arith.constant 1 : i32
    %dma_wait3A_1065 = arith.constant 0 : i32
    %dma_wait3A_1066 = arith.constant 0 : i32
    %dma_wait3A_1067 = tpu.memref_slice %arg10[%dma_wait3A_1064, %dma_wait3A_1065, %dma_wait3A_1066] : memref<2x160x128xf32, #tpu.memory_space<vmem>> -> memref<1x160x128xf32, #tpu.memory_space<vmem>>
    %dma_wait3A_1068 = tpu.memref_squeeze %dma_wait3A_1067 : memref<1x160x128xf32, #tpu.memory_space<vmem>> -> memref<160x128xf32, #tpu.memory_space<vmem>>
    %dma_wait3A_1069 = arith.constant 0 : i32
    %dma_wait3A_1070 = arith.constant 0 : i32
    %dma_wait3A_1071 = tpu.memref_slice %arg3[%dma_wait3A_1069, %dma_wait3A_1070] : memref<4096x128xf32, #tpu.memory_space<hbm>> -> memref<160x128xf32, #tpu.memory_space<hbm>>
    %dma_wait3A_1072 = arith.constant 0 : i32
    %dma_wait3A_1073 = arith.constant 0 : i32
    %dma_wait3A_1074 = tpu.memref_slice %arg10[%dma_wait3A_1064, %dma_wait3A_1072, %dma_wait3A_1073] : memref<2x160x128xf32, #tpu.memory_space<vmem>> -> memref<1x160x128xf32, #tpu.memory_space<vmem>>
    %dma_wait3A_1075 = tpu.memref_squeeze %dma_wait3A_1074 : memref<1x160x128xf32, #tpu.memory_space<vmem>> -> memref<160x128xf32, #tpu.memory_space<vmem>>
    %dma_wait3A_1076 = arith.constant 0 : i32
    %dma_wait3A_1077 = arith.constant 0 : i32
    %dma_wait3A_1078 = tpu.memref_slice %arg3[%dma_wait3A_1076, %dma_wait3A_1077] : memref<4096x128xf32, #tpu.memory_space<hbm>> -> memref<160x128xf32, #tpu.memory_space<hbm>>
    tpu.wait_dma2 semaphore(%arg14 : memref<!tpu.dma_semaphore, #tpu.memory_space<semaphore_mem>>) src(%dma_wait3A_1078 : memref<160x128xf32, #tpu.memory_space<hbm>>) dst(%dma_wait3A_1075 : memref<160x128xf32, #tpu.memory_space<vmem>>)
    %add3A_1079 = arith.constant 1760 : i32
    %add3A_1080 = arith.addi %mul3A_2, %add3A_1079 : i32
    "tpu.region"() ({
      %run_scoped3A = tpu.sem_alloc : memref<!tpu.dma_semaphore, #tpu.memory_space<semaphore_mem>>
      %dma_start3A_1697 = tpu.memref_slice %arg4[%add3A_1080] : memref<81920xi32, #tpu.memory_space<hbm>> -> memref<160xi32, #tpu.memory_space<hbm>>
      %dma_start3A_1698 = tpu.memref_slice %arg4[%add3A_1080] : memref<81920xi32, #tpu.memory_space<hbm>> -> memref<160xi32, #tpu.memory_space<hbm>>
      tpu.enqueue_dma source(%dma_start3A_1698 : memref<160xi32, #tpu.memory_space<hbm>>) target(%arg8 : memref<160xi32, #tpu.memory_space<vmem>>) target_semaphore(%run_scoped3A : memref<!tpu.dma_semaphore, #tpu.memory_space<semaphore_mem>>)
      %dma_wait3A_1699 = tpu.memref_slice %arg4[%add3A_1080] : memref<81920xi32, #tpu.memory_space<hbm>> -> memref<160xi32, #tpu.memory_space<hbm>>
      %dma_wait3A_1700 = tpu.memref_slice %arg4[%add3A_1080] : memref<81920xi32, #tpu.memory_space<hbm>> -> memref<160xi32, #tpu.memory_space<hbm>>
      tpu.wait_dma2 semaphore(%run_scoped3A : memref<!tpu.dma_semaphore, #tpu.memory_space<semaphore_mem>>) src(%dma_wait3A_1700 : memref<160xi32, #tpu.memory_space<hbm>>) dst(%arg8 : memref<160xi32, #tpu.memory_space<vmem>>)
      tpu.yield
    }) : () -> ()
    %dma_start3A_1081 = arith.constant 1 : i32
    %dma_start3A_1082 = arith.constant 0 : i32
    %dma_start3A_1083 = arith.constant 0 : i32
    %dma_start3A_1084 = tpu.memref_slice %arg9[%dma_start3A_1081, %dma_start3A_1082, %dma_start3A_1083] : memref<2x160x128xf32, #tpu.memory_space<vmem>> -> memref<1x160x128xf32, #tpu.memory_space<vmem>>
    %dma_start3A_1085 = tpu.memref_squeeze %dma_start3A_1084 : memref<1x160x128xf32, #tpu.memory_space<vmem>> -> memref<160x128xf32, #tpu.memory_space<vmem>>
    %dma_start3A_1086 = arith.constant 0 : i32
    %dma_start3A_1087 = arith.constant 0 : i32
    %dma_start3A_1088 = tpu.memref_slice %arg2[%dma_start3A_1086, %dma_start3A_1087] : memref<4096x128xf32, #tpu.memory_space<hbm>> -> memref<4096x128xf32, #tpu.memory_space<hbm>>
    tpu.enqueue_indirect_dma source(%dma_start3A_1088 : memref<4096x128xf32, #tpu.memory_space<hbm>>) target(%dma_start3A_1085 : memref<160x128xf32, #tpu.memory_space<vmem>>) offsets(%arg8 : memref<160xi32, #tpu.memory_space<vmem>>) semaphore(%arg12 : memref<!tpu.dma_semaphore, #tpu.memory_space<semaphore_mem>>)
    %dma_start3A_1089 = arith.constant 1 : i32
    %dma_start3A_1090 = arith.constant 0 : i32
    %dma_start3A_1091 = arith.constant 0 : i32
    %dma_start3A_1092 = tpu.memref_slice %arg10[%dma_start3A_1089, %dma_start3A_1090, %dma_start3A_1091] : memref<2x160x128xf32, #tpu.memory_space<vmem>> -> memref<1x160x128xf32, #tpu.memory_space<vmem>>
    %dma_start3A_1093 = tpu.memref_squeeze %dma_start3A_1092 : memref<1x160x128xf32, #tpu.memory_space<vmem>> -> memref<160x128xf32, #tpu.memory_space<vmem>>
    %dma_start3A_1094 = arith.constant 0 : i32
    %dma_start3A_1095 = arith.constant 0 : i32
    %dma_start3A_1096 = tpu.memref_slice %arg3[%dma_start3A_1094, %dma_start3A_1095] : memref<4096x128xf32, #tpu.memory_space<hbm>> -> memref<4096x128xf32, #tpu.memory_space<hbm>>
    tpu.enqueue_indirect_dma source(%dma_start3A_1096 : memref<4096x128xf32, #tpu.memory_space<hbm>>) target(%dma_start3A_1093 : memref<160x128xf32, #tpu.memory_space<vmem>>) offsets(%arg8 : memref<160xi32, #tpu.memory_space<vmem>>) semaphore(%arg12 : memref<!tpu.dma_semaphore, #tpu.memory_space<semaphore_mem>>)
    %add3A_1097 = arith.constant 1600 : i32
    %add3A_1098 = arith.addi %mul3A_2, %add3A_1097 : i32
    %dma_wait3A_1099 = arith.constant 0 : i32
    %dma_wait3A_1100 = arith.constant 0 : i32
    %dma_wait3A_1101 = arith.constant 0 : i32
    %dma_wait3A_1102 = tpu.memref_slice %arg9[%dma_wait3A_1099, %dma_wait3A_1100, %dma_wait3A_1101] : memref<2x160x128xf32, #tpu.memory_space<vmem>> -> memref<1x160x128xf32, #tpu.memory_space<vmem>>
    %dma_wait3A_1103 = tpu.memref_squeeze %dma_wait3A_1102 : memref<1x160x128xf32, #tpu.memory_space<vmem>> -> memref<160x128xf32, #tpu.memory_space<vmem>>
    %dma_wait3A_1104 = arith.constant 0 : i32
    %dma_wait3A_1105 = arith.constant 0 : i32
    %dma_wait3A_1106 = tpu.memref_slice %arg2[%dma_wait3A_1104, %dma_wait3A_1105] : memref<4096x128xf32, #tpu.memory_space<hbm>> -> memref<160x128xf32, #tpu.memory_space<hbm>>
    %dma_wait3A_1107 = arith.constant 0 : i32
    %dma_wait3A_1108 = arith.constant 0 : i32
    %dma_wait3A_1109 = tpu.memref_slice %arg9[%dma_wait3A_1099, %dma_wait3A_1107, %dma_wait3A_1108] : memref<2x160x128xf32, #tpu.memory_space<vmem>> -> memref<1x160x128xf32, #tpu.memory_space<vmem>>
    %dma_wait3A_1110 = tpu.memref_squeeze %dma_wait3A_1109 : memref<1x160x128xf32, #tpu.memory_space<vmem>> -> memref<160x128xf32, #tpu.memory_space<vmem>>
    %dma_wait3A_1111 = arith.constant 0 : i32
    %dma_wait3A_1112 = arith.constant 0 : i32
    %dma_wait3A_1113 = tpu.memref_slice %arg2[%dma_wait3A_1111, %dma_wait3A_1112] : memref<4096x128xf32, #tpu.memory_space<hbm>> -> memref<160x128xf32, #tpu.memory_space<hbm>>
    tpu.wait_dma2 semaphore(%arg11 : memref<!tpu.dma_semaphore, #tpu.memory_space<semaphore_mem>>) src(%dma_wait3A_1113 : memref<160x128xf32, #tpu.memory_space<hbm>>) dst(%dma_wait3A_1110 : memref<160x128xf32, #tpu.memory_space<vmem>>)
    %dma_wait3A_1114 = arith.constant 0 : i32
    %dma_wait3A_1115 = arith.constant 0 : i32
    %dma_wait3A_1116 = arith.constant 0 : i32
    %dma_wait3A_1117 = tpu.memref_slice %arg10[%dma_wait3A_1114, %dma_wait3A_1115, %dma_wait3A_1116] : memref<2x160x128xf32, #tpu.memory_space<vmem>> -> memref<1x160x128xf32, #tpu.memory_space<vmem>>
    %dma_wait3A_1118 = tpu.memref_squeeze %dma_wait3A_1117 : memref<1x160x128xf32, #tpu.memory_space<vmem>> -> memref<160x128xf32, #tpu.memory_space<vmem>>
    %dma_wait3A_1119 = arith.constant 0 : i32
    %dma_wait3A_1120 = arith.constant 0 : i32
    %dma_wait3A_1121 = tpu.memref_slice %arg3[%dma_wait3A_1119, %dma_wait3A_1120] : memref<4096x128xf32, #tpu.memory_space<hbm>> -> memref<160x128xf32, #tpu.memory_space<hbm>>
    %dma_wait3A_1122 = arith.constant 0 : i32
    %dma_wait3A_1123 = arith.constant 0 : i32
    %dma_wait3A_1124 = tpu.memref_slice %arg10[%dma_wait3A_1114, %dma_wait3A_1122, %dma_wait3A_1123] : memref<2x160x128xf32, #tpu.memory_space<vmem>> -> memref<1x160x128xf32, #tpu.memory_space<vmem>>
    %dma_wait3A_1125 = tpu.memref_squeeze %dma_wait3A_1124 : memref<1x160x128xf32, #tpu.memory_space<vmem>> -> memref<160x128xf32, #tpu.memory_space<vmem>>
    %dma_wait3A_1126 = arith.constant 0 : i32
    %dma_wait3A_1127 = arith.constant 0 : i32
    %dma_wait3A_1128 = tpu.memref_slice %arg3[%dma_wait3A_1126, %dma_wait3A_1127] : memref<4096x128xf32, #tpu.memory_space<hbm>> -> memref<160x128xf32, #tpu.memory_space<hbm>>
    tpu.wait_dma2 semaphore(%arg11 : memref<!tpu.dma_semaphore, #tpu.memory_space<semaphore_mem>>) src(%dma_wait3A_1128 : memref<160x128xf32, #tpu.memory_space<hbm>>) dst(%dma_wait3A_1125 : memref<160x128xf32, #tpu.memory_space<vmem>>)
    %dma_start3A_1129 = arith.constant 0 : i32
    %dma_start3A_1130 = arith.constant 0 : i32
    %dma_start3A_1131 = arith.constant 0 : i32
    %dma_start3A_1132 = tpu.memref_slice %arg9[%dma_start3A_1129, %dma_start3A_1130, %dma_start3A_1131] : memref<2x160x128xf32, #tpu.memory_space<vmem>> -> memref<1x160x128xf32, #tpu.memory_space<vmem>>
    %dma_start3A_1133 = tpu.memref_squeeze %dma_start3A_1132 : memref<1x160x128xf32, #tpu.memory_space<vmem>> -> memref<160x128xf32, #tpu.memory_space<vmem>>
    %dma_start3A_1134 = arith.constant 0 : i32
    %dma_start3A_1135 = tpu.memref_slice %arg5[%add3A_1098, %dma_start3A_1134] : memref<81920x128xf32, #tpu.memory_space<hbm>> -> memref<160x128xf32, #tpu.memory_space<hbm>>
    %dma_start3A_1136 = arith.constant 0 : i32
    %dma_start3A_1137 = tpu.memref_slice %arg5[%add3A_1098, %dma_start3A_1136] : memref<81920x128xf32, #tpu.memory_space<hbm>> -> memref<160x128xf32, #tpu.memory_space<hbm>>
    %dma_start3A_1138 = arith.constant 0 : i32
    %dma_start3A_1139 = arith.constant 0 : i32
    %dma_start3A_1140 = tpu.memref_slice %arg9[%dma_start3A_1129, %dma_start3A_1138, %dma_start3A_1139] : memref<2x160x128xf32, #tpu.memory_space<vmem>> -> memref<1x160x128xf32, #tpu.memory_space<vmem>>
    %dma_start3A_1141 = tpu.memref_squeeze %dma_start3A_1140 : memref<1x160x128xf32, #tpu.memory_space<vmem>> -> memref<160x128xf32, #tpu.memory_space<vmem>>
    tpu.enqueue_dma source(%dma_start3A_1141 : memref<160x128xf32, #tpu.memory_space<vmem>>) target(%dma_start3A_1137 : memref<160x128xf32, #tpu.memory_space<hbm>>) target_semaphore(%arg13 : memref<!tpu.dma_semaphore, #tpu.memory_space<semaphore_mem>>)
    %dma_start3A_1142 = arith.constant 0 : i32
    %dma_start3A_1143 = arith.constant 0 : i32
    %dma_start3A_1144 = arith.constant 0 : i32
    %dma_start3A_1145 = tpu.memref_slice %arg10[%dma_start3A_1142, %dma_start3A_1143, %dma_start3A_1144] : memref<2x160x128xf32, #tpu.memory_space<vmem>> -> memref<1x160x128xf32, #tpu.memory_space<vmem>>
    %dma_start3A_1146 = tpu.memref_squeeze %dma_start3A_1145 : memref<1x160x128xf32, #tpu.memory_space<vmem>> -> memref<160x128xf32, #tpu.memory_space<vmem>>
    %dma_start3A_1147 = arith.constant 0 : i32
    %dma_start3A_1148 = tpu.memref_slice %arg6[%add3A_1098, %dma_start3A_1147] : memref<81920x128xf32, #tpu.memory_space<hbm>> -> memref<160x128xf32, #tpu.memory_space<hbm>>
    %dma_start3A_1149 = arith.constant 0 : i32
    %dma_start3A_1150 = tpu.memref_slice %arg6[%add3A_1098, %dma_start3A_1149] : memref<81920x128xf32, #tpu.memory_space<hbm>> -> memref<160x128xf32, #tpu.memory_space<hbm>>
    %dma_start3A_1151 = arith.constant 0 : i32
    %dma_start3A_1152 = arith.constant 0 : i32
    %dma_start3A_1153 = tpu.memref_slice %arg10[%dma_start3A_1142, %dma_start3A_1151, %dma_start3A_1152] : memref<2x160x128xf32, #tpu.memory_space<vmem>> -> memref<1x160x128xf32, #tpu.memory_space<vmem>>
    %dma_start3A_1154 = tpu.memref_squeeze %dma_start3A_1153 : memref<1x160x128xf32, #tpu.memory_space<vmem>> -> memref<160x128xf32, #tpu.memory_space<vmem>>
    tpu.enqueue_dma source(%dma_start3A_1154 : memref<160x128xf32, #tpu.memory_space<vmem>>) target(%dma_start3A_1150 : memref<160x128xf32, #tpu.memory_space<hbm>>) target_semaphore(%arg13 : memref<!tpu.dma_semaphore, #tpu.memory_space<semaphore_mem>>)
    %dma_wait3A_1155 = arith.constant 0 : i32
    %dma_wait3A_1156 = arith.constant 0 : i32
    %dma_wait3A_1157 = arith.constant 0 : i32
    %dma_wait3A_1158 = tpu.memref_slice %arg9[%dma_wait3A_1155, %dma_wait3A_1156, %dma_wait3A_1157] : memref<2x160x128xf32, #tpu.memory_space<vmem>> -> memref<1x160x128xf32, #tpu.memory_space<vmem>>
    %dma_wait3A_1159 = tpu.memref_squeeze %dma_wait3A_1158 : memref<1x160x128xf32, #tpu.memory_space<vmem>> -> memref<160x128xf32, #tpu.memory_space<vmem>>
    %dma_wait3A_1160 = arith.constant 0 : i32
    %dma_wait3A_1161 = arith.constant 0 : i32
    %dma_wait3A_1162 = tpu.memref_slice %arg2[%dma_wait3A_1160, %dma_wait3A_1161] : memref<4096x128xf32, #tpu.memory_space<hbm>> -> memref<160x128xf32, #tpu.memory_space<hbm>>
    %dma_wait3A_1163 = arith.constant 0 : i32
    %dma_wait3A_1164 = arith.constant 0 : i32
    %dma_wait3A_1165 = tpu.memref_slice %arg9[%dma_wait3A_1155, %dma_wait3A_1163, %dma_wait3A_1164] : memref<2x160x128xf32, #tpu.memory_space<vmem>> -> memref<1x160x128xf32, #tpu.memory_space<vmem>>
    %dma_wait3A_1166 = tpu.memref_squeeze %dma_wait3A_1165 : memref<1x160x128xf32, #tpu.memory_space<vmem>> -> memref<160x128xf32, #tpu.memory_space<vmem>>
    %dma_wait3A_1167 = arith.constant 0 : i32
    %dma_wait3A_1168 = arith.constant 0 : i32
    %dma_wait3A_1169 = tpu.memref_slice %arg2[%dma_wait3A_1167, %dma_wait3A_1168] : memref<4096x128xf32, #tpu.memory_space<hbm>> -> memref<160x128xf32, #tpu.memory_space<hbm>>
    tpu.wait_dma2 semaphore(%arg13 : memref<!tpu.dma_semaphore, #tpu.memory_space<semaphore_mem>>) src(%dma_wait3A_1169 : memref<160x128xf32, #tpu.memory_space<hbm>>) dst(%dma_wait3A_1166 : memref<160x128xf32, #tpu.memory_space<vmem>>)
    %dma_wait3A_1170 = arith.constant 0 : i32
    %dma_wait3A_1171 = arith.constant 0 : i32
    %dma_wait3A_1172 = arith.constant 0 : i32
    %dma_wait3A_1173 = tpu.memref_slice %arg10[%dma_wait3A_1170, %dma_wait3A_1171, %dma_wait3A_1172] : memref<2x160x128xf32, #tpu.memory_space<vmem>> -> memref<1x160x128xf32, #tpu.memory_space<vmem>>
    %dma_wait3A_1174 = tpu.memref_squeeze %dma_wait3A_1173 : memref<1x160x128xf32, #tpu.memory_space<vmem>> -> memref<160x128xf32, #tpu.memory_space<vmem>>
    %dma_wait3A_1175 = arith.constant 0 : i32
    %dma_wait3A_1176 = arith.constant 0 : i32
    %dma_wait3A_1177 = tpu.memref_slice %arg3[%dma_wait3A_1175, %dma_wait3A_1176] : memref<4096x128xf32, #tpu.memory_space<hbm>> -> memref<160x128xf32, #tpu.memory_space<hbm>>
    %dma_wait3A_1178 = arith.constant 0 : i32
    %dma_wait3A_1179 = arith.constant 0 : i32
    %dma_wait3A_1180 = tpu.memref_slice %arg10[%dma_wait3A_1170, %dma_wait3A_1178, %dma_wait3A_1179] : memref<2x160x128xf32, #tpu.memory_space<vmem>> -> memref<1x160x128xf32, #tpu.memory_space<vmem>>
    %dma_wait3A_1181 = tpu.memref_squeeze %dma_wait3A_1180 : memref<1x160x128xf32, #tpu.memory_space<vmem>> -> memref<160x128xf32, #tpu.memory_space<vmem>>
    %dma_wait3A_1182 = arith.constant 0 : i32
    %dma_wait3A_1183 = arith.constant 0 : i32
    %dma_wait3A_1184 = tpu.memref_slice %arg3[%dma_wait3A_1182, %dma_wait3A_1183] : memref<4096x128xf32, #tpu.memory_space<hbm>> -> memref<160x128xf32, #tpu.memory_space<hbm>>
    tpu.wait_dma2 semaphore(%arg13 : memref<!tpu.dma_semaphore, #tpu.memory_space<semaphore_mem>>) src(%dma_wait3A_1184 : memref<160x128xf32, #tpu.memory_space<hbm>>) dst(%dma_wait3A_1181 : memref<160x128xf32, #tpu.memory_space<vmem>>)
    %add3A_1185 = arith.constant 1920 : i32
    %add3A_1186 = arith.addi %mul3A_2, %add3A_1185 : i32
    "tpu.region"() ({
      %run_scoped3A = tpu.sem_alloc : memref<!tpu.dma_semaphore, #tpu.memory_space<semaphore_mem>>
      %dma_start3A_1697 = tpu.memref_slice %arg4[%add3A_1186] : memref<81920xi32, #tpu.memory_space<hbm>> -> memref<160xi32, #tpu.memory_space<hbm>>
      %dma_start3A_1698 = tpu.memref_slice %arg4[%add3A_1186] : memref<81920xi32, #tpu.memory_space<hbm>> -> memref<160xi32, #tpu.memory_space<hbm>>
      tpu.enqueue_dma source(%dma_start3A_1698 : memref<160xi32, #tpu.memory_space<hbm>>) target(%arg7 : memref<160xi32, #tpu.memory_space<vmem>>) target_semaphore(%run_scoped3A : memref<!tpu.dma_semaphore, #tpu.memory_space<semaphore_mem>>)
      %dma_wait3A_1699 = tpu.memref_slice %arg4[%add3A_1186] : memref<81920xi32, #tpu.memory_space<hbm>> -> memref<160xi32, #tpu.memory_space<hbm>>
      %dma_wait3A_1700 = tpu.memref_slice %arg4[%add3A_1186] : memref<81920xi32, #tpu.memory_space<hbm>> -> memref<160xi32, #tpu.memory_space<hbm>>
      tpu.wait_dma2 semaphore(%run_scoped3A : memref<!tpu.dma_semaphore, #tpu.memory_space<semaphore_mem>>) src(%dma_wait3A_1700 : memref<160xi32, #tpu.memory_space<hbm>>) dst(%arg7 : memref<160xi32, #tpu.memory_space<vmem>>)
      tpu.yield
    }) : () -> ()
    %dma_start3A_1187 = arith.constant 0 : i32
    %dma_start3A_1188 = arith.constant 0 : i32
    %dma_start3A_1189 = arith.constant 0 : i32
    %dma_start3A_1190 = tpu.memref_slice %arg9[%dma_start3A_1187, %dma_start3A_1188, %dma_start3A_1189] : memref<2x160x128xf32, #tpu.memory_space<vmem>> -> memref<1x160x128xf32, #tpu.memory_space<vmem>>
    %dma_start3A_1191 = tpu.memref_squeeze %dma_start3A_1190 : memref<1x160x128xf32, #tpu.memory_space<vmem>> -> memref<160x128xf32, #tpu.memory_space<vmem>>
    %dma_start3A_1192 = arith.constant 0 : i32
    %dma_start3A_1193 = arith.constant 0 : i32
    %dma_start3A_1194 = tpu.memref_slice %arg2[%dma_start3A_1192, %dma_start3A_1193] : memref<4096x128xf32, #tpu.memory_space<hbm>> -> memref<4096x128xf32, #tpu.memory_space<hbm>>
    tpu.enqueue_indirect_dma source(%dma_start3A_1194 : memref<4096x128xf32, #tpu.memory_space<hbm>>) target(%dma_start3A_1191 : memref<160x128xf32, #tpu.memory_space<vmem>>) offsets(%arg7 : memref<160xi32, #tpu.memory_space<vmem>>) semaphore(%arg11 : memref<!tpu.dma_semaphore, #tpu.memory_space<semaphore_mem>>)
    %dma_start3A_1195 = arith.constant 0 : i32
    %dma_start3A_1196 = arith.constant 0 : i32
    %dma_start3A_1197 = arith.constant 0 : i32
    %dma_start3A_1198 = tpu.memref_slice %arg10[%dma_start3A_1195, %dma_start3A_1196, %dma_start3A_1197] : memref<2x160x128xf32, #tpu.memory_space<vmem>> -> memref<1x160x128xf32, #tpu.memory_space<vmem>>
    %dma_start3A_1199 = tpu.memref_squeeze %dma_start3A_1198 : memref<1x160x128xf32, #tpu.memory_space<vmem>> -> memref<160x128xf32, #tpu.memory_space<vmem>>
    %dma_start3A_1200 = arith.constant 0 : i32
    %dma_start3A_1201 = arith.constant 0 : i32
    %dma_start3A_1202 = tpu.memref_slice %arg3[%dma_start3A_1200, %dma_start3A_1201] : memref<4096x128xf32, #tpu.memory_space<hbm>> -> memref<4096x128xf32, #tpu.memory_space<hbm>>
    tpu.enqueue_indirect_dma source(%dma_start3A_1202 : memref<4096x128xf32, #tpu.memory_space<hbm>>) target(%dma_start3A_1199 : memref<160x128xf32, #tpu.memory_space<vmem>>) offsets(%arg7 : memref<160xi32, #tpu.memory_space<vmem>>) semaphore(%arg11 : memref<!tpu.dma_semaphore, #tpu.memory_space<semaphore_mem>>)
    %add3A_1203 = arith.constant 1760 : i32
    %add3A_1204 = arith.addi %mul3A_2, %add3A_1203 : i32
    %dma_wait3A_1205 = arith.constant 1 : i32
    %dma_wait3A_1206 = arith.constant 0 : i32
    %dma_wait3A_1207 = arith.constant 0 : i32
    %dma_wait3A_1208 = tpu.memref_slice %arg9[%dma_wait3A_1205, %dma_wait3A_1206, %dma_wait3A_1207] : memref<2x160x128xf32, #tpu.memory_space<vmem>> -> memref<1x160x128xf32, #tpu.memory_space<vmem>>
    %dma_wait3A_1209 = tpu.memref_squeeze %dma_wait3A_1208 : memref<1x160x128xf32, #tpu.memory_space<vmem>> -> memref<160x128xf32, #tpu.memory_space<vmem>>
    %dma_wait3A_1210 = arith.constant 0 : i32
    %dma_wait3A_1211 = arith.constant 0 : i32
    %dma_wait3A_1212 = tpu.memref_slice %arg2[%dma_wait3A_1210, %dma_wait3A_1211] : memref<4096x128xf32, #tpu.memory_space<hbm>> -> memref<160x128xf32, #tpu.memory_space<hbm>>
    %dma_wait3A_1213 = arith.constant 0 : i32
    %dma_wait3A_1214 = arith.constant 0 : i32
    %dma_wait3A_1215 = tpu.memref_slice %arg9[%dma_wait3A_1205, %dma_wait3A_1213, %dma_wait3A_1214] : memref<2x160x128xf32, #tpu.memory_space<vmem>> -> memref<1x160x128xf32, #tpu.memory_space<vmem>>
    %dma_wait3A_1216 = tpu.memref_squeeze %dma_wait3A_1215 : memref<1x160x128xf32, #tpu.memory_space<vmem>> -> memref<160x128xf32, #tpu.memory_space<vmem>>
    %dma_wait3A_1217 = arith.constant 0 : i32
    %dma_wait3A_1218 = arith.constant 0 : i32
    %dma_wait3A_1219 = tpu.memref_slice %arg2[%dma_wait3A_1217, %dma_wait3A_1218] : memref<4096x128xf32, #tpu.memory_space<hbm>> -> memref<160x128xf32, #tpu.memory_space<hbm>>
    tpu.wait_dma2 semaphore(%arg12 : memref<!tpu.dma_semaphore, #tpu.memory_space<semaphore_mem>>) src(%dma_wait3A_1219 : memref<160x128xf32, #tpu.memory_space<hbm>>) dst(%dma_wait3A_1216 : memref<160x128xf32, #tpu.memory_space<vmem>>)
    %dma_wait3A_1220 = arith.constant 1 : i32
    %dma_wait3A_1221 = arith.constant 0 : i32
    %dma_wait3A_1222 = arith.constant 0 : i32
    %dma_wait3A_1223 = tpu.memref_slice %arg10[%dma_wait3A_1220, %dma_wait3A_1221, %dma_wait3A_1222] : memref<2x160x128xf32, #tpu.memory_space<vmem>> -> memref<1x160x128xf32, #tpu.memory_space<vmem>>
    %dma_wait3A_1224 = tpu.memref_squeeze %dma_wait3A_1223 : memref<1x160x128xf32, #tpu.memory_space<vmem>> -> memref<160x128xf32, #tpu.memory_space<vmem>>
    %dma_wait3A_1225 = arith.constant 0 : i32
    %dma_wait3A_1226 = arith.constant 0 : i32
    %dma_wait3A_1227 = tpu.memref_slice %arg3[%dma_wait3A_1225, %dma_wait3A_1226] : memref<4096x128xf32, #tpu.memory_space<hbm>> -> memref<160x128xf32, #tpu.memory_space<hbm>>
    %dma_wait3A_1228 = arith.constant 0 : i32
    %dma_wait3A_1229 = arith.constant 0 : i32
    %dma_wait3A_1230 = tpu.memref_slice %arg10[%dma_wait3A_1220, %dma_wait3A_1228, %dma_wait3A_1229] : memref<2x160x128xf32, #tpu.memory_space<vmem>> -> memref<1x160x128xf32, #tpu.memory_space<vmem>>
    %dma_wait3A_1231 = tpu.memref_squeeze %dma_wait3A_1230 : memref<1x160x128xf32, #tpu.memory_space<vmem>> -> memref<160x128xf32, #tpu.memory_space<vmem>>
    %dma_wait3A_1232 = arith.constant 0 : i32
    %dma_wait3A_1233 = arith.constant 0 : i32
    %dma_wait3A_1234 = tpu.memref_slice %arg3[%dma_wait3A_1232, %dma_wait3A_1233] : memref<4096x128xf32, #tpu.memory_space<hbm>> -> memref<160x128xf32, #tpu.memory_space<hbm>>
    tpu.wait_dma2 semaphore(%arg12 : memref<!tpu.dma_semaphore, #tpu.memory_space<semaphore_mem>>) src(%dma_wait3A_1234 : memref<160x128xf32, #tpu.memory_space<hbm>>) dst(%dma_wait3A_1231 : memref<160x128xf32, #tpu.memory_space<vmem>>)
    %dma_start3A_1235 = arith.constant 1 : i32
    %dma_start3A_1236 = arith.constant 0 : i32
    %dma_start3A_1237 = arith.constant 0 : i32
    %dma_start3A_1238 = tpu.memref_slice %arg9[%dma_start3A_1235, %dma_start3A_1236, %dma_start3A_1237] : memref<2x160x128xf32, #tpu.memory_space<vmem>> -> memref<1x160x128xf32, #tpu.memory_space<vmem>>
    %dma_start3A_1239 = tpu.memref_squeeze %dma_start3A_1238 : memref<1x160x128xf32, #tpu.memory_space<vmem>> -> memref<160x128xf32, #tpu.memory_space<vmem>>
    %dma_start3A_1240 = arith.constant 0 : i32
    %dma_start3A_1241 = tpu.memref_slice %arg5[%add3A_1204, %dma_start3A_1240] : memref<81920x128xf32, #tpu.memory_space<hbm>> -> memref<160x128xf32, #tpu.memory_space<hbm>>
    %dma_start3A_1242 = arith.constant 0 : i32
    %dma_start3A_1243 = tpu.memref_slice %arg5[%add3A_1204, %dma_start3A_1242] : memref<81920x128xf32, #tpu.memory_space<hbm>> -> memref<160x128xf32, #tpu.memory_space<hbm>>
    %dma_start3A_1244 = arith.constant 0 : i32
    %dma_start3A_1245 = arith.constant 0 : i32
    %dma_start3A_1246 = tpu.memref_slice %arg9[%dma_start3A_1235, %dma_start3A_1244, %dma_start3A_1245] : memref<2x160x128xf32, #tpu.memory_space<vmem>> -> memref<1x160x128xf32, #tpu.memory_space<vmem>>
    %dma_start3A_1247 = tpu.memref_squeeze %dma_start3A_1246 : memref<1x160x128xf32, #tpu.memory_space<vmem>> -> memref<160x128xf32, #tpu.memory_space<vmem>>
    tpu.enqueue_dma source(%dma_start3A_1247 : memref<160x128xf32, #tpu.memory_space<vmem>>) target(%dma_start3A_1243 : memref<160x128xf32, #tpu.memory_space<hbm>>) target_semaphore(%arg14 : memref<!tpu.dma_semaphore, #tpu.memory_space<semaphore_mem>>)
    %dma_start3A_1248 = arith.constant 1 : i32
    %dma_start3A_1249 = arith.constant 0 : i32
    %dma_start3A_1250 = arith.constant 0 : i32
    %dma_start3A_1251 = tpu.memref_slice %arg10[%dma_start3A_1248, %dma_start3A_1249, %dma_start3A_1250] : memref<2x160x128xf32, #tpu.memory_space<vmem>> -> memref<1x160x128xf32, #tpu.memory_space<vmem>>
    %dma_start3A_1252 = tpu.memref_squeeze %dma_start3A_1251 : memref<1x160x128xf32, #tpu.memory_space<vmem>> -> memref<160x128xf32, #tpu.memory_space<vmem>>
    %dma_start3A_1253 = arith.constant 0 : i32
    %dma_start3A_1254 = tpu.memref_slice %arg6[%add3A_1204, %dma_start3A_1253] : memref<81920x128xf32, #tpu.memory_space<hbm>> -> memref<160x128xf32, #tpu.memory_space<hbm>>
    %dma_start3A_1255 = arith.constant 0 : i32
    %dma_start3A_1256 = tpu.memref_slice %arg6[%add3A_1204, %dma_start3A_1255] : memref<81920x128xf32, #tpu.memory_space<hbm>> -> memref<160x128xf32, #tpu.memory_space<hbm>>
    %dma_start3A_1257 = arith.constant 0 : i32
    %dma_start3A_1258 = arith.constant 0 : i32
    %dma_start3A_1259 = tpu.memref_slice %arg10[%dma_start3A_1248, %dma_start3A_1257, %dma_start3A_1258] : memref<2x160x128xf32, #tpu.memory_space<vmem>> -> memref<1x160x128xf32, #tpu.memory_space<vmem>>
    %dma_start3A_1260 = tpu.memref_squeeze %dma_start3A_1259 : memref<1x160x128xf32, #tpu.memory_space<vmem>> -> memref<160x128xf32, #tpu.memory_space<vmem>>
    tpu.enqueue_dma source(%dma_start3A_1260 : memref<160x128xf32, #tpu.memory_space<vmem>>) target(%dma_start3A_1256 : memref<160x128xf32, #tpu.memory_space<hbm>>) target_semaphore(%arg14 : memref<!tpu.dma_semaphore, #tpu.memory_space<semaphore_mem>>)
    %dma_wait3A_1261 = arith.constant 1 : i32
    %dma_wait3A_1262 = arith.constant 0 : i32
    %dma_wait3A_1263 = arith.constant 0 : i32
    %dma_wait3A_1264 = tpu.memref_slice %arg9[%dma_wait3A_1261, %dma_wait3A_1262, %dma_wait3A_1263] : memref<2x160x128xf32, #tpu.memory_space<vmem>> -> memref<1x160x128xf32, #tpu.memory_space<vmem>>
    %dma_wait3A_1265 = tpu.memref_squeeze %dma_wait3A_1264 : memref<1x160x128xf32, #tpu.memory_space<vmem>> -> memref<160x128xf32, #tpu.memory_space<vmem>>
    %dma_wait3A_1266 = arith.constant 0 : i32
    %dma_wait3A_1267 = arith.constant 0 : i32
    %dma_wait3A_1268 = tpu.memref_slice %arg2[%dma_wait3A_1266, %dma_wait3A_1267] : memref<4096x128xf32, #tpu.memory_space<hbm>> -> memref<160x128xf32, #tpu.memory_space<hbm>>
    %dma_wait3A_1269 = arith.constant 0 : i32
    %dma_wait3A_1270 = arith.constant 0 : i32
    %dma_wait3A_1271 = tpu.memref_slice %arg9[%dma_wait3A_1261, %dma_wait3A_1269, %dma_wait3A_1270] : memref<2x160x128xf32, #tpu.memory_space<vmem>> -> memref<1x160x128xf32, #tpu.memory_space<vmem>>
    %dma_wait3A_1272 = tpu.memref_squeeze %dma_wait3A_1271 : memref<1x160x128xf32, #tpu.memory_space<vmem>> -> memref<160x128xf32, #tpu.memory_space<vmem>>
    %dma_wait3A_1273 = arith.constant 0 : i32
    %dma_wait3A_1274 = arith.constant 0 : i32
    %dma_wait3A_1275 = tpu.memref_slice %arg2[%dma_wait3A_1273, %dma_wait3A_1274] : memref<4096x128xf32, #tpu.memory_space<hbm>> -> memref<160x128xf32, #tpu.memory_space<hbm>>
    tpu.wait_dma2 semaphore(%arg14 : memref<!tpu.dma_semaphore, #tpu.memory_space<semaphore_mem>>) src(%dma_wait3A_1275 : memref<160x128xf32, #tpu.memory_space<hbm>>) dst(%dma_wait3A_1272 : memref<160x128xf32, #tpu.memory_space<vmem>>)
    %dma_wait3A_1276 = arith.constant 1 : i32
    %dma_wait3A_1277 = arith.constant 0 : i32
    %dma_wait3A_1278 = arith.constant 0 : i32
    %dma_wait3A_1279 = tpu.memref_slice %arg10[%dma_wait3A_1276, %dma_wait3A_1277, %dma_wait3A_1278] : memref<2x160x128xf32, #tpu.memory_space<vmem>> -> memref<1x160x128xf32, #tpu.memory_space<vmem>>
    %dma_wait3A_1280 = tpu.memref_squeeze %dma_wait3A_1279 : memref<1x160x128xf32, #tpu.memory_space<vmem>> -> memref<160x128xf32, #tpu.memory_space<vmem>>
    %dma_wait3A_1281 = arith.constant 0 : i32
    %dma_wait3A_1282 = arith.constant 0 : i32
    %dma_wait3A_1283 = tpu.memref_slice %arg3[%dma_wait3A_1281, %dma_wait3A_1282] : memref<4096x128xf32, #tpu.memory_space<hbm>> -> memref<160x128xf32, #tpu.memory_space<hbm>>
    %dma_wait3A_1284 = arith.constant 0 : i32
    %dma_wait3A_1285 = arith.constant 0 : i32
    %dma_wait3A_1286 = tpu.memref_slice %arg10[%dma_wait3A_1276, %dma_wait3A_1284, %dma_wait3A_1285] : memref<2x160x128xf32, #tpu.memory_space<vmem>> -> memref<1x160x128xf32, #tpu.memory_space<vmem>>
    %dma_wait3A_1287 = tpu.memref_squeeze %dma_wait3A_1286 : memref<1x160x128xf32, #tpu.memory_space<vmem>> -> memref<160x128xf32, #tpu.memory_space<vmem>>
    %dma_wait3A_1288 = arith.constant 0 : i32
    %dma_wait3A_1289 = arith.constant 0 : i32
    %dma_wait3A_1290 = tpu.memref_slice %arg3[%dma_wait3A_1288, %dma_wait3A_1289] : memref<4096x128xf32, #tpu.memory_space<hbm>> -> memref<160x128xf32, #tpu.memory_space<hbm>>
    tpu.wait_dma2 semaphore(%arg14 : memref<!tpu.dma_semaphore, #tpu.memory_space<semaphore_mem>>) src(%dma_wait3A_1290 : memref<160x128xf32, #tpu.memory_space<hbm>>) dst(%dma_wait3A_1287 : memref<160x128xf32, #tpu.memory_space<vmem>>)
    %add3A_1291 = arith.constant 2080 : i32
    %add3A_1292 = arith.addi %mul3A_2, %add3A_1291 : i32
    "tpu.region"() ({
      %run_scoped3A = tpu.sem_alloc : memref<!tpu.dma_semaphore, #tpu.memory_space<semaphore_mem>>
      %dma_start3A_1697 = tpu.memref_slice %arg4[%add3A_1292] : memref<81920xi32, #tpu.memory_space<hbm>> -> memref<160xi32, #tpu.memory_space<hbm>>
      %dma_start3A_1698 = tpu.memref_slice %arg4[%add3A_1292] : memref<81920xi32, #tpu.memory_space<hbm>> -> memref<160xi32, #tpu.memory_space<hbm>>
      tpu.enqueue_dma source(%dma_start3A_1698 : memref<160xi32, #tpu.memory_space<hbm>>) target(%arg8 : memref<160xi32, #tpu.memory_space<vmem>>) target_semaphore(%run_scoped3A : memref<!tpu.dma_semaphore, #tpu.memory_space<semaphore_mem>>)
      %dma_wait3A_1699 = tpu.memref_slice %arg4[%add3A_1292] : memref<81920xi32, #tpu.memory_space<hbm>> -> memref<160xi32, #tpu.memory_space<hbm>>
      %dma_wait3A_1700 = tpu.memref_slice %arg4[%add3A_1292] : memref<81920xi32, #tpu.memory_space<hbm>> -> memref<160xi32, #tpu.memory_space<hbm>>
      tpu.wait_dma2 semaphore(%run_scoped3A : memref<!tpu.dma_semaphore, #tpu.memory_space<semaphore_mem>>) src(%dma_wait3A_1700 : memref<160xi32, #tpu.memory_space<hbm>>) dst(%arg8 : memref<160xi32, #tpu.memory_space<vmem>>)
      tpu.yield
    }) : () -> ()
    %dma_start3A_1293 = arith.constant 1 : i32
    %dma_start3A_1294 = arith.constant 0 : i32
    %dma_start3A_1295 = arith.constant 0 : i32
    %dma_start3A_1296 = tpu.memref_slice %arg9[%dma_start3A_1293, %dma_start3A_1294, %dma_start3A_1295] : memref<2x160x128xf32, #tpu.memory_space<vmem>> -> memref<1x160x128xf32, #tpu.memory_space<vmem>>
    %dma_start3A_1297 = tpu.memref_squeeze %dma_start3A_1296 : memref<1x160x128xf32, #tpu.memory_space<vmem>> -> memref<160x128xf32, #tpu.memory_space<vmem>>
    %dma_start3A_1298 = arith.constant 0 : i32
    %dma_start3A_1299 = arith.constant 0 : i32
    %dma_start3A_1300 = tpu.memref_slice %arg2[%dma_start3A_1298, %dma_start3A_1299] : memref<4096x128xf32, #tpu.memory_space<hbm>> -> memref<4096x128xf32, #tpu.memory_space<hbm>>
    tpu.enqueue_indirect_dma source(%dma_start3A_1300 : memref<4096x128xf32, #tpu.memory_space<hbm>>) target(%dma_start3A_1297 : memref<160x128xf32, #tpu.memory_space<vmem>>) offsets(%arg8 : memref<160xi32, #tpu.memory_space<vmem>>) semaphore(%arg12 : memref<!tpu.dma_semaphore, #tpu.memory_space<semaphore_mem>>)
    %dma_start3A_1301 = arith.constant 1 : i32
    %dma_start3A_1302 = arith.constant 0 : i32
    %dma_start3A_1303 = arith.constant 0 : i32
    %dma_start3A_1304 = tpu.memref_slice %arg10[%dma_start3A_1301, %dma_start3A_1302, %dma_start3A_1303] : memref<2x160x128xf32, #tpu.memory_space<vmem>> -> memref<1x160x128xf32, #tpu.memory_space<vmem>>
    %dma_start3A_1305 = tpu.memref_squeeze %dma_start3A_1304 : memref<1x160x128xf32, #tpu.memory_space<vmem>> -> memref<160x128xf32, #tpu.memory_space<vmem>>
    %dma_start3A_1306 = arith.constant 0 : i32
    %dma_start3A_1307 = arith.constant 0 : i32
    %dma_start3A_1308 = tpu.memref_slice %arg3[%dma_start3A_1306, %dma_start3A_1307] : memref<4096x128xf32, #tpu.memory_space<hbm>> -> memref<4096x128xf32, #tpu.memory_space<hbm>>
    tpu.enqueue_indirect_dma source(%dma_start3A_1308 : memref<4096x128xf32, #tpu.memory_space<hbm>>) target(%dma_start3A_1305 : memref<160x128xf32, #tpu.memory_space<vmem>>) offsets(%arg8 : memref<160xi32, #tpu.memory_space<vmem>>) semaphore(%arg12 : memref<!tpu.dma_semaphore, #tpu.memory_space<semaphore_mem>>)
    %add3A_1309 = arith.constant 1920 : i32
    %add3A_1310 = arith.addi %mul3A_2, %add3A_1309 : i32
    %dma_wait3A_1311 = arith.constant 0 : i32
    %dma_wait3A_1312 = arith.constant 0 : i32
    %dma_wait3A_1313 = arith.constant 0 : i32
    %dma_wait3A_1314 = tpu.memref_slice %arg9[%dma_wait3A_1311, %dma_wait3A_1312, %dma_wait3A_1313] : memref<2x160x128xf32, #tpu.memory_space<vmem>> -> memref<1x160x128xf32, #tpu.memory_space<vmem>>
    %dma_wait3A_1315 = tpu.memref_squeeze %dma_wait3A_1314 : memref<1x160x128xf32, #tpu.memory_space<vmem>> -> memref<160x128xf32, #tpu.memory_space<vmem>>
    %dma_wait3A_1316 = arith.constant 0 : i32
    %dma_wait3A_1317 = arith.constant 0 : i32
    %dma_wait3A_1318 = tpu.memref_slice %arg2[%dma_wait3A_1316, %dma_wait3A_1317] : memref<4096x128xf32, #tpu.memory_space<hbm>> -> memref<160x128xf32, #tpu.memory_space<hbm>>
    %dma_wait3A_1319 = arith.constant 0 : i32
    %dma_wait3A_1320 = arith.constant 0 : i32
    %dma_wait3A_1321 = tpu.memref_slice %arg9[%dma_wait3A_1311, %dma_wait3A_1319, %dma_wait3A_1320] : memref<2x160x128xf32, #tpu.memory_space<vmem>> -> memref<1x160x128xf32, #tpu.memory_space<vmem>>
    %dma_wait3A_1322 = tpu.memref_squeeze %dma_wait3A_1321 : memref<1x160x128xf32, #tpu.memory_space<vmem>> -> memref<160x128xf32, #tpu.memory_space<vmem>>
    %dma_wait3A_1323 = arith.constant 0 : i32
    %dma_wait3A_1324 = arith.constant 0 : i32
    %dma_wait3A_1325 = tpu.memref_slice %arg2[%dma_wait3A_1323, %dma_wait3A_1324] : memref<4096x128xf32, #tpu.memory_space<hbm>> -> memref<160x128xf32, #tpu.memory_space<hbm>>
    tpu.wait_dma2 semaphore(%arg11 : memref<!tpu.dma_semaphore, #tpu.memory_space<semaphore_mem>>) src(%dma_wait3A_1325 : memref<160x128xf32, #tpu.memory_space<hbm>>) dst(%dma_wait3A_1322 : memref<160x128xf32, #tpu.memory_space<vmem>>)
    %dma_wait3A_1326 = arith.constant 0 : i32
    %dma_wait3A_1327 = arith.constant 0 : i32
    %dma_wait3A_1328 = arith.constant 0 : i32
    %dma_wait3A_1329 = tpu.memref_slice %arg10[%dma_wait3A_1326, %dma_wait3A_1327, %dma_wait3A_1328] : memref<2x160x128xf32, #tpu.memory_space<vmem>> -> memref<1x160x128xf32, #tpu.memory_space<vmem>>
    %dma_wait3A_1330 = tpu.memref_squeeze %dma_wait3A_1329 : memref<1x160x128xf32, #tpu.memory_space<vmem>> -> memref<160x128xf32, #tpu.memory_space<vmem>>
    %dma_wait3A_1331 = arith.constant 0 : i32
    %dma_wait3A_1332 = arith.constant 0 : i32
    %dma_wait3A_1333 = tpu.memref_slice %arg3[%dma_wait3A_1331, %dma_wait3A_1332] : memref<4096x128xf32, #tpu.memory_space<hbm>> -> memref<160x128xf32, #tpu.memory_space<hbm>>
    %dma_wait3A_1334 = arith.constant 0 : i32
    %dma_wait3A_1335 = arith.constant 0 : i32
    %dma_wait3A_1336 = tpu.memref_slice %arg10[%dma_wait3A_1326, %dma_wait3A_1334, %dma_wait3A_1335] : memref<2x160x128xf32, #tpu.memory_space<vmem>> -> memref<1x160x128xf32, #tpu.memory_space<vmem>>
    %dma_wait3A_1337 = tpu.memref_squeeze %dma_wait3A_1336 : memref<1x160x128xf32, #tpu.memory_space<vmem>> -> memref<160x128xf32, #tpu.memory_space<vmem>>
    %dma_wait3A_1338 = arith.constant 0 : i32
    %dma_wait3A_1339 = arith.constant 0 : i32
    %dma_wait3A_1340 = tpu.memref_slice %arg3[%dma_wait3A_1338, %dma_wait3A_1339] : memref<4096x128xf32, #tpu.memory_space<hbm>> -> memref<160x128xf32, #tpu.memory_space<hbm>>
    tpu.wait_dma2 semaphore(%arg11 : memref<!tpu.dma_semaphore, #tpu.memory_space<semaphore_mem>>) src(%dma_wait3A_1340 : memref<160x128xf32, #tpu.memory_space<hbm>>) dst(%dma_wait3A_1337 : memref<160x128xf32, #tpu.memory_space<vmem>>)
    %dma_start3A_1341 = arith.constant 0 : i32
    %dma_start3A_1342 = arith.constant 0 : i32
    %dma_start3A_1343 = arith.constant 0 : i32
    %dma_start3A_1344 = tpu.memref_slice %arg9[%dma_start3A_1341, %dma_start3A_1342, %dma_start3A_1343] : memref<2x160x128xf32, #tpu.memory_space<vmem>> -> memref<1x160x128xf32, #tpu.memory_space<vmem>>
    %dma_start3A_1345 = tpu.memref_squeeze %dma_start3A_1344 : memref<1x160x128xf32, #tpu.memory_space<vmem>> -> memref<160x128xf32, #tpu.memory_space<vmem>>
    %dma_start3A_1346 = arith.constant 0 : i32
    %dma_start3A_1347 = tpu.memref_slice %arg5[%add3A_1310, %dma_start3A_1346] : memref<81920x128xf32, #tpu.memory_space<hbm>> -> memref<160x128xf32, #tpu.memory_space<hbm>>
    %dma_start3A_1348 = arith.constant 0 : i32
    %dma_start3A_1349 = tpu.memref_slice %arg5[%add3A_1310, %dma_start3A_1348] : memref<81920x128xf32, #tpu.memory_space<hbm>> -> memref<160x128xf32, #tpu.memory_space<hbm>>
    %dma_start3A_1350 = arith.constant 0 : i32
    %dma_start3A_1351 = arith.constant 0 : i32
    %dma_start3A_1352 = tpu.memref_slice %arg9[%dma_start3A_1341, %dma_start3A_1350, %dma_start3A_1351] : memref<2x160x128xf32, #tpu.memory_space<vmem>> -> memref<1x160x128xf32, #tpu.memory_space<vmem>>
    %dma_start3A_1353 = tpu.memref_squeeze %dma_start3A_1352 : memref<1x160x128xf32, #tpu.memory_space<vmem>> -> memref<160x128xf32, #tpu.memory_space<vmem>>
    tpu.enqueue_dma source(%dma_start3A_1353 : memref<160x128xf32, #tpu.memory_space<vmem>>) target(%dma_start3A_1349 : memref<160x128xf32, #tpu.memory_space<hbm>>) target_semaphore(%arg13 : memref<!tpu.dma_semaphore, #tpu.memory_space<semaphore_mem>>)
    %dma_start3A_1354 = arith.constant 0 : i32
    %dma_start3A_1355 = arith.constant 0 : i32
    %dma_start3A_1356 = arith.constant 0 : i32
    %dma_start3A_1357 = tpu.memref_slice %arg10[%dma_start3A_1354, %dma_start3A_1355, %dma_start3A_1356] : memref<2x160x128xf32, #tpu.memory_space<vmem>> -> memref<1x160x128xf32, #tpu.memory_space<vmem>>
    %dma_start3A_1358 = tpu.memref_squeeze %dma_start3A_1357 : memref<1x160x128xf32, #tpu.memory_space<vmem>> -> memref<160x128xf32, #tpu.memory_space<vmem>>
    %dma_start3A_1359 = arith.constant 0 : i32
    %dma_start3A_1360 = tpu.memref_slice %arg6[%add3A_1310, %dma_start3A_1359] : memref<81920x128xf32, #tpu.memory_space<hbm>> -> memref<160x128xf32, #tpu.memory_space<hbm>>
    %dma_start3A_1361 = arith.constant 0 : i32
    %dma_start3A_1362 = tpu.memref_slice %arg6[%add3A_1310, %dma_start3A_1361] : memref<81920x128xf32, #tpu.memory_space<hbm>> -> memref<160x128xf32, #tpu.memory_space<hbm>>
    %dma_start3A_1363 = arith.constant 0 : i32
    %dma_start3A_1364 = arith.constant 0 : i32
    %dma_start3A_1365 = tpu.memref_slice %arg10[%dma_start3A_1354, %dma_start3A_1363, %dma_start3A_1364] : memref<2x160x128xf32, #tpu.memory_space<vmem>> -> memref<1x160x128xf32, #tpu.memory_space<vmem>>
    %dma_start3A_1366 = tpu.memref_squeeze %dma_start3A_1365 : memref<1x160x128xf32, #tpu.memory_space<vmem>> -> memref<160x128xf32, #tpu.memory_space<vmem>>
    tpu.enqueue_dma source(%dma_start3A_1366 : memref<160x128xf32, #tpu.memory_space<vmem>>) target(%dma_start3A_1362 : memref<160x128xf32, #tpu.memory_space<hbm>>) target_semaphore(%arg13 : memref<!tpu.dma_semaphore, #tpu.memory_space<semaphore_mem>>)
    %dma_wait3A_1367 = arith.constant 0 : i32
    %dma_wait3A_1368 = arith.constant 0 : i32
    %dma_wait3A_1369 = arith.constant 0 : i32
    %dma_wait3A_1370 = tpu.memref_slice %arg9[%dma_wait3A_1367, %dma_wait3A_1368, %dma_wait3A_1369] : memref<2x160x128xf32, #tpu.memory_space<vmem>> -> memref<1x160x128xf32, #tpu.memory_space<vmem>>
    %dma_wait3A_1371 = tpu.memref_squeeze %dma_wait3A_1370 : memref<1x160x128xf32, #tpu.memory_space<vmem>> -> memref<160x128xf32, #tpu.memory_space<vmem>>
    %dma_wait3A_1372 = arith.constant 0 : i32
    %dma_wait3A_1373 = arith.constant 0 : i32
    %dma_wait3A_1374 = tpu.memref_slice %arg2[%dma_wait3A_1372, %dma_wait3A_1373] : memref<4096x128xf32, #tpu.memory_space<hbm>> -> memref<160x128xf32, #tpu.memory_space<hbm>>
    %dma_wait3A_1375 = arith.constant 0 : i32
    %dma_wait3A_1376 = arith.constant 0 : i32
    %dma_wait3A_1377 = tpu.memref_slice %arg9[%dma_wait3A_1367, %dma_wait3A_1375, %dma_wait3A_1376] : memref<2x160x128xf32, #tpu.memory_space<vmem>> -> memref<1x160x128xf32, #tpu.memory_space<vmem>>
    %dma_wait3A_1378 = tpu.memref_squeeze %dma_wait3A_1377 : memref<1x160x128xf32, #tpu.memory_space<vmem>> -> memref<160x128xf32, #tpu.memory_space<vmem>>
    %dma_wait3A_1379 = arith.constant 0 : i32
    %dma_wait3A_1380 = arith.constant 0 : i32
    %dma_wait3A_1381 = tpu.memref_slice %arg2[%dma_wait3A_1379, %dma_wait3A_1380] : memref<4096x128xf32, #tpu.memory_space<hbm>> -> memref<160x128xf32, #tpu.memory_space<hbm>>
    tpu.wait_dma2 semaphore(%arg13 : memref<!tpu.dma_semaphore, #tpu.memory_space<semaphore_mem>>) src(%dma_wait3A_1381 : memref<160x128xf32, #tpu.memory_space<hbm>>) dst(%dma_wait3A_1378 : memref<160x128xf32, #tpu.memory_space<vmem>>)
    %dma_wait3A_1382 = arith.constant 0 : i32
    %dma_wait3A_1383 = arith.constant 0 : i32
    %dma_wait3A_1384 = arith.constant 0 : i32
    %dma_wait3A_1385 = tpu.memref_slice %arg10[%dma_wait3A_1382, %dma_wait3A_1383, %dma_wait3A_1384] : memref<2x160x128xf32, #tpu.memory_space<vmem>> -> memref<1x160x128xf32, #tpu.memory_space<vmem>>
    %dma_wait3A_1386 = tpu.memref_squeeze %dma_wait3A_1385 : memref<1x160x128xf32, #tpu.memory_space<vmem>> -> memref<160x128xf32, #tpu.memory_space<vmem>>
    %dma_wait3A_1387 = arith.constant 0 : i32
    %dma_wait3A_1388 = arith.constant 0 : i32
    %dma_wait3A_1389 = tpu.memref_slice %arg3[%dma_wait3A_1387, %dma_wait3A_1388] : memref<4096x128xf32, #tpu.memory_space<hbm>> -> memref<160x128xf32, #tpu.memory_space<hbm>>
    %dma_wait3A_1390 = arith.constant 0 : i32
    %dma_wait3A_1391 = arith.constant 0 : i32
    %dma_wait3A_1392 = tpu.memref_slice %arg10[%dma_wait3A_1382, %dma_wait3A_1390, %dma_wait3A_1391] : memref<2x160x128xf32, #tpu.memory_space<vmem>> -> memref<1x160x128xf32, #tpu.memory_space<vmem>>
    %dma_wait3A_1393 = tpu.memref_squeeze %dma_wait3A_1392 : memref<1x160x128xf32, #tpu.memory_space<vmem>> -> memref<160x128xf32, #tpu.memory_space<vmem>>
    %dma_wait3A_1394 = arith.constant 0 : i32
    %dma_wait3A_1395 = arith.constant 0 : i32
    %dma_wait3A_1396 = tpu.memref_slice %arg3[%dma_wait3A_1394, %dma_wait3A_1395] : memref<4096x128xf32, #tpu.memory_space<hbm>> -> memref<160x128xf32, #tpu.memory_space<hbm>>
    tpu.wait_dma2 semaphore(%arg13 : memref<!tpu.dma_semaphore, #tpu.memory_space<semaphore_mem>>) src(%dma_wait3A_1396 : memref<160x128xf32, #tpu.memory_space<hbm>>) dst(%dma_wait3A_1393 : memref<160x128xf32, #tpu.memory_space<vmem>>)
    %add3A_1397 = arith.constant 2240 : i32
    %add3A_1398 = arith.addi %mul3A_2, %add3A_1397 : i32
    "tpu.region"() ({
      %run_scoped3A = tpu.sem_alloc : memref<!tpu.dma_semaphore, #tpu.memory_space<semaphore_mem>>
      %dma_start3A_1697 = tpu.memref_slice %arg4[%add3A_1398] : memref<81920xi32, #tpu.memory_space<hbm>> -> memref<160xi32, #tpu.memory_space<hbm>>
      %dma_start3A_1698 = tpu.memref_slice %arg4[%add3A_1398] : memref<81920xi32, #tpu.memory_space<hbm>> -> memref<160xi32, #tpu.memory_space<hbm>>
      tpu.enqueue_dma source(%dma_start3A_1698 : memref<160xi32, #tpu.memory_space<hbm>>) target(%arg7 : memref<160xi32, #tpu.memory_space<vmem>>) target_semaphore(%run_scoped3A : memref<!tpu.dma_semaphore, #tpu.memory_space<semaphore_mem>>)
      %dma_wait3A_1699 = tpu.memref_slice %arg4[%add3A_1398] : memref<81920xi32, #tpu.memory_space<hbm>> -> memref<160xi32, #tpu.memory_space<hbm>>
      %dma_wait3A_1700 = tpu.memref_slice %arg4[%add3A_1398] : memref<81920xi32, #tpu.memory_space<hbm>> -> memref<160xi32, #tpu.memory_space<hbm>>
      tpu.wait_dma2 semaphore(%run_scoped3A : memref<!tpu.dma_semaphore, #tpu.memory_space<semaphore_mem>>) src(%dma_wait3A_1700 : memref<160xi32, #tpu.memory_space<hbm>>) dst(%arg7 : memref<160xi32, #tpu.memory_space<vmem>>)
      tpu.yield
    }) : () -> ()
    %dma_start3A_1399 = arith.constant 0 : i32
    %dma_start3A_1400 = arith.constant 0 : i32
    %dma_start3A_1401 = arith.constant 0 : i32
    %dma_start3A_1402 = tpu.memref_slice %arg9[%dma_start3A_1399, %dma_start3A_1400, %dma_start3A_1401] : memref<2x160x128xf32, #tpu.memory_space<vmem>> -> memref<1x160x128xf32, #tpu.memory_space<vmem>>
    %dma_start3A_1403 = tpu.memref_squeeze %dma_start3A_1402 : memref<1x160x128xf32, #tpu.memory_space<vmem>> -> memref<160x128xf32, #tpu.memory_space<vmem>>
    %dma_start3A_1404 = arith.constant 0 : i32
    %dma_start3A_1405 = arith.constant 0 : i32
    %dma_start3A_1406 = tpu.memref_slice %arg2[%dma_start3A_1404, %dma_start3A_1405] : memref<4096x128xf32, #tpu.memory_space<hbm>> -> memref<4096x128xf32, #tpu.memory_space<hbm>>
    tpu.enqueue_indirect_dma source(%dma_start3A_1406 : memref<4096x128xf32, #tpu.memory_space<hbm>>) target(%dma_start3A_1403 : memref<160x128xf32, #tpu.memory_space<vmem>>) offsets(%arg7 : memref<160xi32, #tpu.memory_space<vmem>>) semaphore(%arg11 : memref<!tpu.dma_semaphore, #tpu.memory_space<semaphore_mem>>)
    %dma_start3A_1407 = arith.constant 0 : i32
    %dma_start3A_1408 = arith.constant 0 : i32
    %dma_start3A_1409 = arith.constant 0 : i32
    %dma_start3A_1410 = tpu.memref_slice %arg10[%dma_start3A_1407, %dma_start3A_1408, %dma_start3A_1409] : memref<2x160x128xf32, #tpu.memory_space<vmem>> -> memref<1x160x128xf32, #tpu.memory_space<vmem>>
    %dma_start3A_1411 = tpu.memref_squeeze %dma_start3A_1410 : memref<1x160x128xf32, #tpu.memory_space<vmem>> -> memref<160x128xf32, #tpu.memory_space<vmem>>
    %dma_start3A_1412 = arith.constant 0 : i32
    %dma_start3A_1413 = arith.constant 0 : i32
    %dma_start3A_1414 = tpu.memref_slice %arg3[%dma_start3A_1412, %dma_start3A_1413] : memref<4096x128xf32, #tpu.memory_space<hbm>> -> memref<4096x128xf32, #tpu.memory_space<hbm>>
    tpu.enqueue_indirect_dma source(%dma_start3A_1414 : memref<4096x128xf32, #tpu.memory_space<hbm>>) target(%dma_start3A_1411 : memref<160x128xf32, #tpu.memory_space<vmem>>) offsets(%arg7 : memref<160xi32, #tpu.memory_space<vmem>>) semaphore(%arg11 : memref<!tpu.dma_semaphore, #tpu.memory_space<semaphore_mem>>)
    %add3A_1415 = arith.constant 2080 : i32
    %add3A_1416 = arith.addi %mul3A_2, %add3A_1415 : i32
    %dma_wait3A_1417 = arith.constant 1 : i32
    %dma_wait3A_1418 = arith.constant 0 : i32
    %dma_wait3A_1419 = arith.constant 0 : i32
    %dma_wait3A_1420 = tpu.memref_slice %arg9[%dma_wait3A_1417, %dma_wait3A_1418, %dma_wait3A_1419] : memref<2x160x128xf32, #tpu.memory_space<vmem>> -> memref<1x160x128xf32, #tpu.memory_space<vmem>>
    %dma_wait3A_1421 = tpu.memref_squeeze %dma_wait3A_1420 : memref<1x160x128xf32, #tpu.memory_space<vmem>> -> memref<160x128xf32, #tpu.memory_space<vmem>>
    %dma_wait3A_1422 = arith.constant 0 : i32
    %dma_wait3A_1423 = arith.constant 0 : i32
    %dma_wait3A_1424 = tpu.memref_slice %arg2[%dma_wait3A_1422, %dma_wait3A_1423] : memref<4096x128xf32, #tpu.memory_space<hbm>> -> memref<160x128xf32, #tpu.memory_space<hbm>>
    %dma_wait3A_1425 = arith.constant 0 : i32
    %dma_wait3A_1426 = arith.constant 0 : i32
    %dma_wait3A_1427 = tpu.memref_slice %arg9[%dma_wait3A_1417, %dma_wait3A_1425, %dma_wait3A_1426] : memref<2x160x128xf32, #tpu.memory_space<vmem>> -> memref<1x160x128xf32, #tpu.memory_space<vmem>>
    %dma_wait3A_1428 = tpu.memref_squeeze %dma_wait3A_1427 : memref<1x160x128xf32, #tpu.memory_space<vmem>> -> memref<160x128xf32, #tpu.memory_space<vmem>>
    %dma_wait3A_1429 = arith.constant 0 : i32
    %dma_wait3A_1430 = arith.constant 0 : i32
    %dma_wait3A_1431 = tpu.memref_slice %arg2[%dma_wait3A_1429, %dma_wait3A_1430] : memref<4096x128xf32, #tpu.memory_space<hbm>> -> memref<160x128xf32, #tpu.memory_space<hbm>>
    tpu.wait_dma2 semaphore(%arg12 : memref<!tpu.dma_semaphore, #tpu.memory_space<semaphore_mem>>) src(%dma_wait3A_1431 : memref<160x128xf32, #tpu.memory_space<hbm>>) dst(%dma_wait3A_1428 : memref<160x128xf32, #tpu.memory_space<vmem>>)
    %dma_wait3A_1432 = arith.constant 1 : i32
    %dma_wait3A_1433 = arith.constant 0 : i32
    %dma_wait3A_1434 = arith.constant 0 : i32
    %dma_wait3A_1435 = tpu.memref_slice %arg10[%dma_wait3A_1432, %dma_wait3A_1433, %dma_wait3A_1434] : memref<2x160x128xf32, #tpu.memory_space<vmem>> -> memref<1x160x128xf32, #tpu.memory_space<vmem>>
    %dma_wait3A_1436 = tpu.memref_squeeze %dma_wait3A_1435 : memref<1x160x128xf32, #tpu.memory_space<vmem>> -> memref<160x128xf32, #tpu.memory_space<vmem>>
    %dma_wait3A_1437 = arith.constant 0 : i32
    %dma_wait3A_1438 = arith.constant 0 : i32
    %dma_wait3A_1439 = tpu.memref_slice %arg3[%dma_wait3A_1437, %dma_wait3A_1438] : memref<4096x128xf32, #tpu.memory_space<hbm>> -> memref<160x128xf32, #tpu.memory_space<hbm>>
    %dma_wait3A_1440 = arith.constant 0 : i32
    %dma_wait3A_1441 = arith.constant 0 : i32
    %dma_wait3A_1442 = tpu.memref_slice %arg10[%dma_wait3A_1432, %dma_wait3A_1440, %dma_wait3A_1441] : memref<2x160x128xf32, #tpu.memory_space<vmem>> -> memref<1x160x128xf32, #tpu.memory_space<vmem>>
    %dma_wait3A_1443 = tpu.memref_squeeze %dma_wait3A_1442 : memref<1x160x128xf32, #tpu.memory_space<vmem>> -> memref<160x128xf32, #tpu.memory_space<vmem>>
    %dma_wait3A_1444 = arith.constant 0 : i32
    %dma_wait3A_1445 = arith.constant 0 : i32
    %dma_wait3A_1446 = tpu.memref_slice %arg3[%dma_wait3A_1444, %dma_wait3A_1445] : memref<4096x128xf32, #tpu.memory_space<hbm>> -> memref<160x128xf32, #tpu.memory_space<hbm>>
    tpu.wait_dma2 semaphore(%arg12 : memref<!tpu.dma_semaphore, #tpu.memory_space<semaphore_mem>>) src(%dma_wait3A_1446 : memref<160x128xf32, #tpu.memory_space<hbm>>) dst(%dma_wait3A_1443 : memref<160x128xf32, #tpu.memory_space<vmem>>)
    %dma_start3A_1447 = arith.constant 1 : i32
    %dma_start3A_1448 = arith.constant 0 : i32
    %dma_start3A_1449 = arith.constant 0 : i32
    %dma_start3A_1450 = tpu.memref_slice %arg9[%dma_start3A_1447, %dma_start3A_1448, %dma_start3A_1449] : memref<2x160x128xf32, #tpu.memory_space<vmem>> -> memref<1x160x128xf32, #tpu.memory_space<vmem>>
    %dma_start3A_1451 = tpu.memref_squeeze %dma_start3A_1450 : memref<1x160x128xf32, #tpu.memory_space<vmem>> -> memref<160x128xf32, #tpu.memory_space<vmem>>
    %dma_start3A_1452 = arith.constant 0 : i32
    %dma_start3A_1453 = tpu.memref_slice %arg5[%add3A_1416, %dma_start3A_1452] : memref<81920x128xf32, #tpu.memory_space<hbm>> -> memref<160x128xf32, #tpu.memory_space<hbm>>
    %dma_start3A_1454 = arith.constant 0 : i32
    %dma_start3A_1455 = tpu.memref_slice %arg5[%add3A_1416, %dma_start3A_1454] : memref<81920x128xf32, #tpu.memory_space<hbm>> -> memref<160x128xf32, #tpu.memory_space<hbm>>
    %dma_start3A_1456 = arith.constant 0 : i32
    %dma_start3A_1457 = arith.constant 0 : i32
    %dma_start3A_1458 = tpu.memref_slice %arg9[%dma_start3A_1447, %dma_start3A_1456, %dma_start3A_1457] : memref<2x160x128xf32, #tpu.memory_space<vmem>> -> memref<1x160x128xf32, #tpu.memory_space<vmem>>
    %dma_start3A_1459 = tpu.memref_squeeze %dma_start3A_1458 : memref<1x160x128xf32, #tpu.memory_space<vmem>> -> memref<160x128xf32, #tpu.memory_space<vmem>>
    tpu.enqueue_dma source(%dma_start3A_1459 : memref<160x128xf32, #tpu.memory_space<vmem>>) target(%dma_start3A_1455 : memref<160x128xf32, #tpu.memory_space<hbm>>) target_semaphore(%arg14 : memref<!tpu.dma_semaphore, #tpu.memory_space<semaphore_mem>>)
    %dma_start3A_1460 = arith.constant 1 : i32
    %dma_start3A_1461 = arith.constant 0 : i32
    %dma_start3A_1462 = arith.constant 0 : i32
    %dma_start3A_1463 = tpu.memref_slice %arg10[%dma_start3A_1460, %dma_start3A_1461, %dma_start3A_1462] : memref<2x160x128xf32, #tpu.memory_space<vmem>> -> memref<1x160x128xf32, #tpu.memory_space<vmem>>
    %dma_start3A_1464 = tpu.memref_squeeze %dma_start3A_1463 : memref<1x160x128xf32, #tpu.memory_space<vmem>> -> memref<160x128xf32, #tpu.memory_space<vmem>>
    %dma_start3A_1465 = arith.constant 0 : i32
    %dma_start3A_1466 = tpu.memref_slice %arg6[%add3A_1416, %dma_start3A_1465] : memref<81920x128xf32, #tpu.memory_space<hbm>> -> memref<160x128xf32, #tpu.memory_space<hbm>>
    %dma_start3A_1467 = arith.constant 0 : i32
    %dma_start3A_1468 = tpu.memref_slice %arg6[%add3A_1416, %dma_start3A_1467] : memref<81920x128xf32, #tpu.memory_space<hbm>> -> memref<160x128xf32, #tpu.memory_space<hbm>>
    %dma_start3A_1469 = arith.constant 0 : i32
    %dma_start3A_1470 = arith.constant 0 : i32
    %dma_start3A_1471 = tpu.memref_slice %arg10[%dma_start3A_1460, %dma_start3A_1469, %dma_start3A_1470] : memref<2x160x128xf32, #tpu.memory_space<vmem>> -> memref<1x160x128xf32, #tpu.memory_space<vmem>>
    %dma_start3A_1472 = tpu.memref_squeeze %dma_start3A_1471 : memref<1x160x128xf32, #tpu.memory_space<vmem>> -> memref<160x128xf32, #tpu.memory_space<vmem>>
    tpu.enqueue_dma source(%dma_start3A_1472 : memref<160x128xf32, #tpu.memory_space<vmem>>) target(%dma_start3A_1468 : memref<160x128xf32, #tpu.memory_space<hbm>>) target_semaphore(%arg14 : memref<!tpu.dma_semaphore, #tpu.memory_space<semaphore_mem>>)
    %dma_wait3A_1473 = arith.constant 1 : i32
    %dma_wait3A_1474 = arith.constant 0 : i32
    %dma_wait3A_1475 = arith.constant 0 : i32
    %dma_wait3A_1476 = tpu.memref_slice %arg9[%dma_wait3A_1473, %dma_wait3A_1474, %dma_wait3A_1475] : memref<2x160x128xf32, #tpu.memory_space<vmem>> -> memref<1x160x128xf32, #tpu.memory_space<vmem>>
    %dma_wait3A_1477 = tpu.memref_squeeze %dma_wait3A_1476 : memref<1x160x128xf32, #tpu.memory_space<vmem>> -> memref<160x128xf32, #tpu.memory_space<vmem>>
    %dma_wait3A_1478 = arith.constant 0 : i32
    %dma_wait3A_1479 = arith.constant 0 : i32
    %dma_wait3A_1480 = tpu.memref_slice %arg2[%dma_wait3A_1478, %dma_wait3A_1479] : memref<4096x128xf32, #tpu.memory_space<hbm>> -> memref<160x128xf32, #tpu.memory_space<hbm>>
    %dma_wait3A_1481 = arith.constant 0 : i32
    %dma_wait3A_1482 = arith.constant 0 : i32
    %dma_wait3A_1483 = tpu.memref_slice %arg9[%dma_wait3A_1473, %dma_wait3A_1481, %dma_wait3A_1482] : memref<2x160x128xf32, #tpu.memory_space<vmem>> -> memref<1x160x128xf32, #tpu.memory_space<vmem>>
    %dma_wait3A_1484 = tpu.memref_squeeze %dma_wait3A_1483 : memref<1x160x128xf32, #tpu.memory_space<vmem>> -> memref<160x128xf32, #tpu.memory_space<vmem>>
    %dma_wait3A_1485 = arith.constant 0 : i32
    %dma_wait3A_1486 = arith.constant 0 : i32
    %dma_wait3A_1487 = tpu.memref_slice %arg2[%dma_wait3A_1485, %dma_wait3A_1486] : memref<4096x128xf32, #tpu.memory_space<hbm>> -> memref<160x128xf32, #tpu.memory_space<hbm>>
    tpu.wait_dma2 semaphore(%arg14 : memref<!tpu.dma_semaphore, #tpu.memory_space<semaphore_mem>>) src(%dma_wait3A_1487 : memref<160x128xf32, #tpu.memory_space<hbm>>) dst(%dma_wait3A_1484 : memref<160x128xf32, #tpu.memory_space<vmem>>)
    %dma_wait3A_1488 = arith.constant 1 : i32
    %dma_wait3A_1489 = arith.constant 0 : i32
    %dma_wait3A_1490 = arith.constant 0 : i32
    %dma_wait3A_1491 = tpu.memref_slice %arg10[%dma_wait3A_1488, %dma_wait3A_1489, %dma_wait3A_1490] : memref<2x160x128xf32, #tpu.memory_space<vmem>> -> memref<1x160x128xf32, #tpu.memory_space<vmem>>
    %dma_wait3A_1492 = tpu.memref_squeeze %dma_wait3A_1491 : memref<1x160x128xf32, #tpu.memory_space<vmem>> -> memref<160x128xf32, #tpu.memory_space<vmem>>
    %dma_wait3A_1493 = arith.constant 0 : i32
    %dma_wait3A_1494 = arith.constant 0 : i32
    %dma_wait3A_1495 = tpu.memref_slice %arg3[%dma_wait3A_1493, %dma_wait3A_1494] : memref<4096x128xf32, #tpu.memory_space<hbm>> -> memref<160x128xf32, #tpu.memory_space<hbm>>
    %dma_wait3A_1496 = arith.constant 0 : i32
    %dma_wait3A_1497 = arith.constant 0 : i32
    %dma_wait3A_1498 = tpu.memref_slice %arg10[%dma_wait3A_1488, %dma_wait3A_1496, %dma_wait3A_1497] : memref<2x160x128xf32, #tpu.memory_space<vmem>> -> memref<1x160x128xf32, #tpu.memory_space<vmem>>
    %dma_wait3A_1499 = tpu.memref_squeeze %dma_wait3A_1498 : memref<1x160x128xf32, #tpu.memory_space<vmem>> -> memref<160x128xf32, #tpu.memory_space<vmem>>
    %dma_wait3A_1500 = arith.constant 0 : i32
    %dma_wait3A_1501 = arith.constant 0 : i32
    %dma_wait3A_1502 = tpu.memref_slice %arg3[%dma_wait3A_1500, %dma_wait3A_1501] : memref<4096x128xf32, #tpu.memory_space<hbm>> -> memref<160x128xf32, #tpu.memory_space<hbm>>
    tpu.wait_dma2 semaphore(%arg14 : memref<!tpu.dma_semaphore, #tpu.memory_space<semaphore_mem>>) src(%dma_wait3A_1502 : memref<160x128xf32, #tpu.memory_space<hbm>>) dst(%dma_wait3A_1499 : memref<160x128xf32, #tpu.memory_space<vmem>>)
    %add3A_1503 = arith.constant 2400 : i32
    %add3A_1504 = arith.addi %mul3A_2, %add3A_1503 : i32
    "tpu.region"() ({
      %run_scoped3A = tpu.sem_alloc : memref<!tpu.dma_semaphore, #tpu.memory_space<semaphore_mem>>
      %dma_start3A_1697 = tpu.memref_slice %arg4[%add3A_1504] : memref<81920xi32, #tpu.memory_space<hbm>> -> memref<160xi32, #tpu.memory_space<hbm>>
      %dma_start3A_1698 = tpu.memref_slice %arg4[%add3A_1504] : memref<81920xi32, #tpu.memory_space<hbm>> -> memref<160xi32, #tpu.memory_space<hbm>>
      tpu.enqueue_dma source(%dma_start3A_1698 : memref<160xi32, #tpu.memory_space<hbm>>) target(%arg8 : memref<160xi32, #tpu.memory_space<vmem>>) target_semaphore(%run_scoped3A : memref<!tpu.dma_semaphore, #tpu.memory_space<semaphore_mem>>)
      %dma_wait3A_1699 = tpu.memref_slice %arg4[%add3A_1504] : memref<81920xi32, #tpu.memory_space<hbm>> -> memref<160xi32, #tpu.memory_space<hbm>>
      %dma_wait3A_1700 = tpu.memref_slice %arg4[%add3A_1504] : memref<81920xi32, #tpu.memory_space<hbm>> -> memref<160xi32, #tpu.memory_space<hbm>>
      tpu.wait_dma2 semaphore(%run_scoped3A : memref<!tpu.dma_semaphore, #tpu.memory_space<semaphore_mem>>) src(%dma_wait3A_1700 : memref<160xi32, #tpu.memory_space<hbm>>) dst(%arg8 : memref<160xi32, #tpu.memory_space<vmem>>)
      tpu.yield
    }) : () -> ()
    %dma_start3A_1505 = arith.constant 1 : i32
    %dma_start3A_1506 = arith.constant 0 : i32
    %dma_start3A_1507 = arith.constant 0 : i32
    %dma_start3A_1508 = tpu.memref_slice %arg9[%dma_start3A_1505, %dma_start3A_1506, %dma_start3A_1507] : memref<2x160x128xf32, #tpu.memory_space<vmem>> -> memref<1x160x128xf32, #tpu.memory_space<vmem>>
    %dma_start3A_1509 = tpu.memref_squeeze %dma_start3A_1508 : memref<1x160x128xf32, #tpu.memory_space<vmem>> -> memref<160x128xf32, #tpu.memory_space<vmem>>
    %dma_start3A_1510 = arith.constant 0 : i32
    %dma_start3A_1511 = arith.constant 0 : i32
    %dma_start3A_1512 = tpu.memref_slice %arg2[%dma_start3A_1510, %dma_start3A_1511] : memref<4096x128xf32, #tpu.memory_space<hbm>> -> memref<4096x128xf32, #tpu.memory_space<hbm>>
    tpu.enqueue_indirect_dma source(%dma_start3A_1512 : memref<4096x128xf32, #tpu.memory_space<hbm>>) target(%dma_start3A_1509 : memref<160x128xf32, #tpu.memory_space<vmem>>) offsets(%arg8 : memref<160xi32, #tpu.memory_space<vmem>>) semaphore(%arg12 : memref<!tpu.dma_semaphore, #tpu.memory_space<semaphore_mem>>)
    %dma_start3A_1513 = arith.constant 1 : i32
    %dma_start3A_1514 = arith.constant 0 : i32
    %dma_start3A_1515 = arith.constant 0 : i32
    %dma_start3A_1516 = tpu.memref_slice %arg10[%dma_start3A_1513, %dma_start3A_1514, %dma_start3A_1515] : memref<2x160x128xf32, #tpu.memory_space<vmem>> -> memref<1x160x128xf32, #tpu.memory_space<vmem>>
    %dma_start3A_1517 = tpu.memref_squeeze %dma_start3A_1516 : memref<1x160x128xf32, #tpu.memory_space<vmem>> -> memref<160x128xf32, #tpu.memory_space<vmem>>
    %dma_start3A_1518 = arith.constant 0 : i32
    %dma_start3A_1519 = arith.constant 0 : i32
    %dma_start3A_1520 = tpu.memref_slice %arg3[%dma_start3A_1518, %dma_start3A_1519] : memref<4096x128xf32, #tpu.memory_space<hbm>> -> memref<4096x128xf32, #tpu.memory_space<hbm>>
    tpu.enqueue_indirect_dma source(%dma_start3A_1520 : memref<4096x128xf32, #tpu.memory_space<hbm>>) target(%dma_start3A_1517 : memref<160x128xf32, #tpu.memory_space<vmem>>) offsets(%arg8 : memref<160xi32, #tpu.memory_space<vmem>>) semaphore(%arg12 : memref<!tpu.dma_semaphore, #tpu.memory_space<semaphore_mem>>)
    %add3A_1521 = arith.constant 2240 : i32
    %add3A_1522 = arith.addi %mul3A_2, %add3A_1521 : i32
    %dma_wait3A_1523 = arith.constant 0 : i32
    %dma_wait3A_1524 = arith.constant 0 : i32
    %dma_wait3A_1525 = arith.constant 0 : i32
    %dma_wait3A_1526 = tpu.memref_slice %arg9[%dma_wait3A_1523, %dma_wait3A_1524, %dma_wait3A_1525] : memref<2x160x128xf32, #tpu.memory_space<vmem>> -> memref<1x160x128xf32, #tpu.memory_space<vmem>>
    %dma_wait3A_1527 = tpu.memref_squeeze %dma_wait3A_1526 : memref<1x160x128xf32, #tpu.memory_space<vmem>> -> memref<160x128xf32, #tpu.memory_space<vmem>>
    %dma_wait3A_1528 = arith.constant 0 : i32
    %dma_wait3A_1529 = arith.constant 0 : i32
    %dma_wait3A_1530 = tpu.memref_slice %arg2[%dma_wait3A_1528, %dma_wait3A_1529] : memref<4096x128xf32, #tpu.memory_space<hbm>> -> memref<160x128xf32, #tpu.memory_space<hbm>>
    %dma_wait3A_1531 = arith.constant 0 : i32
    %dma_wait3A_1532 = arith.constant 0 : i32
    %dma_wait3A_1533 = tpu.memref_slice %arg9[%dma_wait3A_1523, %dma_wait3A_1531, %dma_wait3A_1532] : memref<2x160x128xf32, #tpu.memory_space<vmem>> -> memref<1x160x128xf32, #tpu.memory_space<vmem>>
    %dma_wait3A_1534 = tpu.memref_squeeze %dma_wait3A_1533 : memref<1x160x128xf32, #tpu.memory_space<vmem>> -> memref<160x128xf32, #tpu.memory_space<vmem>>
    %dma_wait3A_1535 = arith.constant 0 : i32
    %dma_wait3A_1536 = arith.constant 0 : i32
    %dma_wait3A_1537 = tpu.memref_slice %arg2[%dma_wait3A_1535, %dma_wait3A_1536] : memref<4096x128xf32, #tpu.memory_space<hbm>> -> memref<160x128xf32, #tpu.memory_space<hbm>>
    tpu.wait_dma2 semaphore(%arg11 : memref<!tpu.dma_semaphore, #tpu.memory_space<semaphore_mem>>) src(%dma_wait3A_1537 : memref<160x128xf32, #tpu.memory_space<hbm>>) dst(%dma_wait3A_1534 : memref<160x128xf32, #tpu.memory_space<vmem>>)
    %dma_wait3A_1538 = arith.constant 0 : i32
    %dma_wait3A_1539 = arith.constant 0 : i32
    %dma_wait3A_1540 = arith.constant 0 : i32
    %dma_wait3A_1541 = tpu.memref_slice %arg10[%dma_wait3A_1538, %dma_wait3A_1539, %dma_wait3A_1540] : memref<2x160x128xf32, #tpu.memory_space<vmem>> -> memref<1x160x128xf32, #tpu.memory_space<vmem>>
    %dma_wait3A_1542 = tpu.memref_squeeze %dma_wait3A_1541 : memref<1x160x128xf32, #tpu.memory_space<vmem>> -> memref<160x128xf32, #tpu.memory_space<vmem>>
    %dma_wait3A_1543 = arith.constant 0 : i32
    %dma_wait3A_1544 = arith.constant 0 : i32
    %dma_wait3A_1545 = tpu.memref_slice %arg3[%dma_wait3A_1543, %dma_wait3A_1544] : memref<4096x128xf32, #tpu.memory_space<hbm>> -> memref<160x128xf32, #tpu.memory_space<hbm>>
    %dma_wait3A_1546 = arith.constant 0 : i32
    %dma_wait3A_1547 = arith.constant 0 : i32
    %dma_wait3A_1548 = tpu.memref_slice %arg10[%dma_wait3A_1538, %dma_wait3A_1546, %dma_wait3A_1547] : memref<2x160x128xf32, #tpu.memory_space<vmem>> -> memref<1x160x128xf32, #tpu.memory_space<vmem>>
    %dma_wait3A_1549 = tpu.memref_squeeze %dma_wait3A_1548 : memref<1x160x128xf32, #tpu.memory_space<vmem>> -> memref<160x128xf32, #tpu.memory_space<vmem>>
    %dma_wait3A_1550 = arith.constant 0 : i32
    %dma_wait3A_1551 = arith.constant 0 : i32
    %dma_wait3A_1552 = tpu.memref_slice %arg3[%dma_wait3A_1550, %dma_wait3A_1551] : memref<4096x128xf32, #tpu.memory_space<hbm>> -> memref<160x128xf32, #tpu.memory_space<hbm>>
    tpu.wait_dma2 semaphore(%arg11 : memref<!tpu.dma_semaphore, #tpu.memory_space<semaphore_mem>>) src(%dma_wait3A_1552 : memref<160x128xf32, #tpu.memory_space<hbm>>) dst(%dma_wait3A_1549 : memref<160x128xf32, #tpu.memory_space<vmem>>)
    %dma_start3A_1553 = arith.constant 0 : i32
    %dma_start3A_1554 = arith.constant 0 : i32
    %dma_start3A_1555 = arith.constant 0 : i32
    %dma_start3A_1556 = tpu.memref_slice %arg9[%dma_start3A_1553, %dma_start3A_1554, %dma_start3A_1555] : memref<2x160x128xf32, #tpu.memory_space<vmem>> -> memref<1x160x128xf32, #tpu.memory_space<vmem>>
    %dma_start3A_1557 = tpu.memref_squeeze %dma_start3A_1556 : memref<1x160x128xf32, #tpu.memory_space<vmem>> -> memref<160x128xf32, #tpu.memory_space<vmem>>
    %dma_start3A_1558 = arith.constant 0 : i32
    %dma_start3A_1559 = tpu.memref_slice %arg5[%add3A_1522, %dma_start3A_1558] : memref<81920x128xf32, #tpu.memory_space<hbm>> -> memref<160x128xf32, #tpu.memory_space<hbm>>
    %dma_start3A_1560 = arith.constant 0 : i32
    %dma_start3A_1561 = tpu.memref_slice %arg5[%add3A_1522, %dma_start3A_1560] : memref<81920x128xf32, #tpu.memory_space<hbm>> -> memref<160x128xf32, #tpu.memory_space<hbm>>
    %dma_start3A_1562 = arith.constant 0 : i32
    %dma_start3A_1563 = arith.constant 0 : i32
    %dma_start3A_1564 = tpu.memref_slice %arg9[%dma_start3A_1553, %dma_start3A_1562, %dma_start3A_1563] : memref<2x160x128xf32, #tpu.memory_space<vmem>> -> memref<1x160x128xf32, #tpu.memory_space<vmem>>
    %dma_start3A_1565 = tpu.memref_squeeze %dma_start3A_1564 : memref<1x160x128xf32, #tpu.memory_space<vmem>> -> memref<160x128xf32, #tpu.memory_space<vmem>>
    tpu.enqueue_dma source(%dma_start3A_1565 : memref<160x128xf32, #tpu.memory_space<vmem>>) target(%dma_start3A_1561 : memref<160x128xf32, #tpu.memory_space<hbm>>) target_semaphore(%arg13 : memref<!tpu.dma_semaphore, #tpu.memory_space<semaphore_mem>>)
    %dma_start3A_1566 = arith.constant 0 : i32
    %dma_start3A_1567 = arith.constant 0 : i32
    %dma_start3A_1568 = arith.constant 0 : i32
    %dma_start3A_1569 = tpu.memref_slice %arg10[%dma_start3A_1566, %dma_start3A_1567, %dma_start3A_1568] : memref<2x160x128xf32, #tpu.memory_space<vmem>> -> memref<1x160x128xf32, #tpu.memory_space<vmem>>
    %dma_start3A_1570 = tpu.memref_squeeze %dma_start3A_1569 : memref<1x160x128xf32, #tpu.memory_space<vmem>> -> memref<160x128xf32, #tpu.memory_space<vmem>>
    %dma_start3A_1571 = arith.constant 0 : i32
    %dma_start3A_1572 = tpu.memref_slice %arg6[%add3A_1522, %dma_start3A_1571] : memref<81920x128xf32, #tpu.memory_space<hbm>> -> memref<160x128xf32, #tpu.memory_space<hbm>>
    %dma_start3A_1573 = arith.constant 0 : i32
    %dma_start3A_1574 = tpu.memref_slice %arg6[%add3A_1522, %dma_start3A_1573] : memref<81920x128xf32, #tpu.memory_space<hbm>> -> memref<160x128xf32, #tpu.memory_space<hbm>>
    %dma_start3A_1575 = arith.constant 0 : i32
    %dma_start3A_1576 = arith.constant 0 : i32
    %dma_start3A_1577 = tpu.memref_slice %arg10[%dma_start3A_1566, %dma_start3A_1575, %dma_start3A_1576] : memref<2x160x128xf32, #tpu.memory_space<vmem>> -> memref<1x160x128xf32, #tpu.memory_space<vmem>>
    %dma_start3A_1578 = tpu.memref_squeeze %dma_start3A_1577 : memref<1x160x128xf32, #tpu.memory_space<vmem>> -> memref<160x128xf32, #tpu.memory_space<vmem>>
    tpu.enqueue_dma source(%dma_start3A_1578 : memref<160x128xf32, #tpu.memory_space<vmem>>) target(%dma_start3A_1574 : memref<160x128xf32, #tpu.memory_space<hbm>>) target_semaphore(%arg13 : memref<!tpu.dma_semaphore, #tpu.memory_space<semaphore_mem>>)
    %add3A_1579 = arith.constant 2400 : i32
    %add3A_1580 = arith.addi %mul3A_2, %add3A_1579 : i32
    %dma_wait3A_1581 = arith.constant 1 : i32
    %dma_wait3A_1582 = arith.constant 0 : i32
    %dma_wait3A_1583 = arith.constant 0 : i32
    %dma_wait3A_1584 = tpu.memref_slice %arg9[%dma_wait3A_1581, %dma_wait3A_1582, %dma_wait3A_1583] : memref<2x160x128xf32, #tpu.memory_space<vmem>> -> memref<1x160x128xf32, #tpu.memory_space<vmem>>
    %dma_wait3A_1585 = tpu.memref_squeeze %dma_wait3A_1584 : memref<1x160x128xf32, #tpu.memory_space<vmem>> -> memref<160x128xf32, #tpu.memory_space<vmem>>
    %dma_wait3A_1586 = arith.constant 0 : i32
    %dma_wait3A_1587 = arith.constant 0 : i32
    %dma_wait3A_1588 = tpu.memref_slice %arg2[%dma_wait3A_1586, %dma_wait3A_1587] : memref<4096x128xf32, #tpu.memory_space<hbm>> -> memref<160x128xf32, #tpu.memory_space<hbm>>
    %dma_wait3A_1589 = arith.constant 0 : i32
    %dma_wait3A_1590 = arith.constant 0 : i32
    %dma_wait3A_1591 = tpu.memref_slice %arg9[%dma_wait3A_1581, %dma_wait3A_1589, %dma_wait3A_1590] : memref<2x160x128xf32, #tpu.memory_space<vmem>> -> memref<1x160x128xf32, #tpu.memory_space<vmem>>
    %dma_wait3A_1592 = tpu.memref_squeeze %dma_wait3A_1591 : memref<1x160x128xf32, #tpu.memory_space<vmem>> -> memref<160x128xf32, #tpu.memory_space<vmem>>
    %dma_wait3A_1593 = arith.constant 0 : i32
    %dma_wait3A_1594 = arith.constant 0 : i32
    %dma_wait3A_1595 = tpu.memref_slice %arg2[%dma_wait3A_1593, %dma_wait3A_1594] : memref<4096x128xf32, #tpu.memory_space<hbm>> -> memref<160x128xf32, #tpu.memory_space<hbm>>
    tpu.wait_dma2 semaphore(%arg12 : memref<!tpu.dma_semaphore, #tpu.memory_space<semaphore_mem>>) src(%dma_wait3A_1595 : memref<160x128xf32, #tpu.memory_space<hbm>>) dst(%dma_wait3A_1592 : memref<160x128xf32, #tpu.memory_space<vmem>>)
    %dma_wait3A_1596 = arith.constant 1 : i32
    %dma_wait3A_1597 = arith.constant 0 : i32
    %dma_wait3A_1598 = arith.constant 0 : i32
    %dma_wait3A_1599 = tpu.memref_slice %arg10[%dma_wait3A_1596, %dma_wait3A_1597, %dma_wait3A_1598] : memref<2x160x128xf32, #tpu.memory_space<vmem>> -> memref<1x160x128xf32, #tpu.memory_space<vmem>>
    %dma_wait3A_1600 = tpu.memref_squeeze %dma_wait3A_1599 : memref<1x160x128xf32, #tpu.memory_space<vmem>> -> memref<160x128xf32, #tpu.memory_space<vmem>>
    %dma_wait3A_1601 = arith.constant 0 : i32
    %dma_wait3A_1602 = arith.constant 0 : i32
    %dma_wait3A_1603 = tpu.memref_slice %arg3[%dma_wait3A_1601, %dma_wait3A_1602] : memref<4096x128xf32, #tpu.memory_space<hbm>> -> memref<160x128xf32, #tpu.memory_space<hbm>>
    %dma_wait3A_1604 = arith.constant 0 : i32
    %dma_wait3A_1605 = arith.constant 0 : i32
    %dma_wait3A_1606 = tpu.memref_slice %arg10[%dma_wait3A_1596, %dma_wait3A_1604, %dma_wait3A_1605] : memref<2x160x128xf32, #tpu.memory_space<vmem>> -> memref<1x160x128xf32, #tpu.memory_space<vmem>>
    %dma_wait3A_1607 = tpu.memref_squeeze %dma_wait3A_1606 : memref<1x160x128xf32, #tpu.memory_space<vmem>> -> memref<160x128xf32, #tpu.memory_space<vmem>>
    %dma_wait3A_1608 = arith.constant 0 : i32
    %dma_wait3A_1609 = arith.constant 0 : i32
    %dma_wait3A_1610 = tpu.memref_slice %arg3[%dma_wait3A_1608, %dma_wait3A_1609] : memref<4096x128xf32, #tpu.memory_space<hbm>> -> memref<160x128xf32, #tpu.memory_space<hbm>>
    tpu.wait_dma2 semaphore(%arg12 : memref<!tpu.dma_semaphore, #tpu.memory_space<semaphore_mem>>) src(%dma_wait3A_1610 : memref<160x128xf32, #tpu.memory_space<hbm>>) dst(%dma_wait3A_1607 : memref<160x128xf32, #tpu.memory_space<vmem>>)
    %dma_start3A_1611 = arith.constant 1 : i32
    %dma_start3A_1612 = arith.constant 0 : i32
    %dma_start3A_1613 = arith.constant 0 : i32
    %dma_start3A_1614 = tpu.memref_slice %arg9[%dma_start3A_1611, %dma_start3A_1612, %dma_start3A_1613] : memref<2x160x128xf32, #tpu.memory_space<vmem>> -> memref<1x160x128xf32, #tpu.memory_space<vmem>>
    %dma_start3A_1615 = tpu.memref_squeeze %dma_start3A_1614 : memref<1x160x128xf32, #tpu.memory_space<vmem>> -> memref<160x128xf32, #tpu.memory_space<vmem>>
    %dma_start3A_1616 = arith.constant 0 : i32
    %dma_start3A_1617 = tpu.memref_slice %arg5[%add3A_1580, %dma_start3A_1616] : memref<81920x128xf32, #tpu.memory_space<hbm>> -> memref<160x128xf32, #tpu.memory_space<hbm>>
    %dma_start3A_1618 = arith.constant 0 : i32
    %dma_start3A_1619 = tpu.memref_slice %arg5[%add3A_1580, %dma_start3A_1618] : memref<81920x128xf32, #tpu.memory_space<hbm>> -> memref<160x128xf32, #tpu.memory_space<hbm>>
    %dma_start3A_1620 = arith.constant 0 : i32
    %dma_start3A_1621 = arith.constant 0 : i32
    %dma_start3A_1622 = tpu.memref_slice %arg9[%dma_start3A_1611, %dma_start3A_1620, %dma_start3A_1621] : memref<2x160x128xf32, #tpu.memory_space<vmem>> -> memref<1x160x128xf32, #tpu.memory_space<vmem>>
    %dma_start3A_1623 = tpu.memref_squeeze %dma_start3A_1622 : memref<1x160x128xf32, #tpu.memory_space<vmem>> -> memref<160x128xf32, #tpu.memory_space<vmem>>
    tpu.enqueue_dma source(%dma_start3A_1623 : memref<160x128xf32, #tpu.memory_space<vmem>>) target(%dma_start3A_1619 : memref<160x128xf32, #tpu.memory_space<hbm>>) target_semaphore(%arg14 : memref<!tpu.dma_semaphore, #tpu.memory_space<semaphore_mem>>)
    %dma_start3A_1624 = arith.constant 1 : i32
    %dma_start3A_1625 = arith.constant 0 : i32
    %dma_start3A_1626 = arith.constant 0 : i32
    %dma_start3A_1627 = tpu.memref_slice %arg10[%dma_start3A_1624, %dma_start3A_1625, %dma_start3A_1626] : memref<2x160x128xf32, #tpu.memory_space<vmem>> -> memref<1x160x128xf32, #tpu.memory_space<vmem>>
    %dma_start3A_1628 = tpu.memref_squeeze %dma_start3A_1627 : memref<1x160x128xf32, #tpu.memory_space<vmem>> -> memref<160x128xf32, #tpu.memory_space<vmem>>
    %dma_start3A_1629 = arith.constant 0 : i32
    %dma_start3A_1630 = tpu.memref_slice %arg6[%add3A_1580, %dma_start3A_1629] : memref<81920x128xf32, #tpu.memory_space<hbm>> -> memref<160x128xf32, #tpu.memory_space<hbm>>
    %dma_start3A_1631 = arith.constant 0 : i32
    %dma_start3A_1632 = tpu.memref_slice %arg6[%add3A_1580, %dma_start3A_1631] : memref<81920x128xf32, #tpu.memory_space<hbm>> -> memref<160x128xf32, #tpu.memory_space<hbm>>
    %dma_start3A_1633 = arith.constant 0 : i32
    %dma_start3A_1634 = arith.constant 0 : i32
    %dma_start3A_1635 = tpu.memref_slice %arg10[%dma_start3A_1624, %dma_start3A_1633, %dma_start3A_1634] : memref<2x160x128xf32, #tpu.memory_space<vmem>> -> memref<1x160x128xf32, #tpu.memory_space<vmem>>
    %dma_start3A_1636 = tpu.memref_squeeze %dma_start3A_1635 : memref<1x160x128xf32, #tpu.memory_space<vmem>> -> memref<160x128xf32, #tpu.memory_space<vmem>>
    tpu.enqueue_dma source(%dma_start3A_1636 : memref<160x128xf32, #tpu.memory_space<vmem>>) target(%dma_start3A_1632 : memref<160x128xf32, #tpu.memory_space<hbm>>) target_semaphore(%arg14 : memref<!tpu.dma_semaphore, #tpu.memory_space<semaphore_mem>>)
    %dma_wait3A_1637 = arith.constant 0 : i32
    %dma_wait3A_1638 = arith.constant 0 : i32
    %dma_wait3A_1639 = arith.constant 0 : i32
    %dma_wait3A_1640 = tpu.memref_slice %arg9[%dma_wait3A_1637, %dma_wait3A_1638, %dma_wait3A_1639] : memref<2x160x128xf32, #tpu.memory_space<vmem>> -> memref<1x160x128xf32, #tpu.memory_space<vmem>>
    %dma_wait3A_1641 = tpu.memref_squeeze %dma_wait3A_1640 : memref<1x160x128xf32, #tpu.memory_space<vmem>> -> memref<160x128xf32, #tpu.memory_space<vmem>>
    %dma_wait3A_1642 = arith.constant 0 : i32
    %dma_wait3A_1643 = arith.constant 0 : i32
    %dma_wait3A_1644 = tpu.memref_slice %arg2[%dma_wait3A_1642, %dma_wait3A_1643] : memref<4096x128xf32, #tpu.memory_space<hbm>> -> memref<160x128xf32, #tpu.memory_space<hbm>>
    %dma_wait3A_1645 = arith.constant 0 : i32
    %dma_wait3A_1646 = arith.constant 0 : i32
    %dma_wait3A_1647 = tpu.memref_slice %arg9[%dma_wait3A_1637, %dma_wait3A_1645, %dma_wait3A_1646] : memref<2x160x128xf32, #tpu.memory_space<vmem>> -> memref<1x160x128xf32, #tpu.memory_space<vmem>>
    %dma_wait3A_1648 = tpu.memref_squeeze %dma_wait3A_1647 : memref<1x160x128xf32, #tpu.memory_space<vmem>> -> memref<160x128xf32, #tpu.memory_space<vmem>>
    %dma_wait3A_1649 = arith.constant 0 : i32
    %dma_wait3A_1650 = arith.constant 0 : i32
    %dma_wait3A_1651 = tpu.memref_slice %arg2[%dma_wait3A_1649, %dma_wait3A_1650] : memref<4096x128xf32, #tpu.memory_space<hbm>> -> memref<160x128xf32, #tpu.memory_space<hbm>>
    tpu.wait_dma2 semaphore(%arg13 : memref<!tpu.dma_semaphore, #tpu.memory_space<semaphore_mem>>) src(%dma_wait3A_1651 : memref<160x128xf32, #tpu.memory_space<hbm>>) dst(%dma_wait3A_1648 : memref<160x128xf32, #tpu.memory_space<vmem>>)
    %dma_wait3A_1652 = arith.constant 0 : i32
    %dma_wait3A_1653 = arith.constant 0 : i32
    %dma_wait3A_1654 = arith.constant 0 : i32
    %dma_wait3A_1655 = tpu.memref_slice %arg10[%dma_wait3A_1652, %dma_wait3A_1653, %dma_wait3A_1654] : memref<2x160x128xf32, #tpu.memory_space<vmem>> -> memref<1x160x128xf32, #tpu.memory_space<vmem>>
    %dma_wait3A_1656 = tpu.memref_squeeze %dma_wait3A_1655 : memref<1x160x128xf32, #tpu.memory_space<vmem>> -> memref<160x128xf32, #tpu.memory_space<vmem>>
    %dma_wait3A_1657 = arith.constant 0 : i32
    %dma_wait3A_1658 = arith.constant 0 : i32
    %dma_wait3A_1659 = tpu.memref_slice %arg3[%dma_wait3A_1657, %dma_wait3A_1658] : memref<4096x128xf32, #tpu.memory_space<hbm>> -> memref<160x128xf32, #tpu.memory_space<hbm>>
    %dma_wait3A_1660 = arith.constant 0 : i32
    %dma_wait3A_1661 = arith.constant 0 : i32
    %dma_wait3A_1662 = tpu.memref_slice %arg10[%dma_wait3A_1652, %dma_wait3A_1660, %dma_wait3A_1661] : memref<2x160x128xf32, #tpu.memory_space<vmem>> -> memref<1x160x128xf32, #tpu.memory_space<vmem>>
    %dma_wait3A_1663 = tpu.memref_squeeze %dma_wait3A_1662 : memref<1x160x128xf32, #tpu.memory_space<vmem>> -> memref<160x128xf32, #tpu.memory_space<vmem>>
    %dma_wait3A_1664 = arith.constant 0 : i32
    %dma_wait3A_1665 = arith.constant 0 : i32
    %dma_wait3A_1666 = tpu.memref_slice %arg3[%dma_wait3A_1664, %dma_wait3A_1665] : memref<4096x128xf32, #tpu.memory_space<hbm>> -> memref<160x128xf32, #tpu.memory_space<hbm>>
    tpu.wait_dma2 semaphore(%arg13 : memref<!tpu.dma_semaphore, #tpu.memory_space<semaphore_mem>>) src(%dma_wait3A_1666 : memref<160x128xf32, #tpu.memory_space<hbm>>) dst(%dma_wait3A_1663 : memref<160x128xf32, #tpu.memory_space<vmem>>)
    %dma_wait3A_1667 = arith.constant 1 : i32
    %dma_wait3A_1668 = arith.constant 0 : i32
    %dma_wait3A_1669 = arith.constant 0 : i32
    %dma_wait3A_1670 = tpu.memref_slice %arg9[%dma_wait3A_1667, %dma_wait3A_1668, %dma_wait3A_1669] : memref<2x160x128xf32, #tpu.memory_space<vmem>> -> memref<1x160x128xf32, #tpu.memory_space<vmem>>
    %dma_wait3A_1671 = tpu.memref_squeeze %dma_wait3A_1670 : memref<1x160x128xf32, #tpu.memory_space<vmem>> -> memref<160x128xf32, #tpu.memory_space<vmem>>
    %dma_wait3A_1672 = arith.constant 0 : i32
    %dma_wait3A_1673 = arith.constant 0 : i32
    %dma_wait3A_1674 = tpu.memref_slice %arg2[%dma_wait3A_1672, %dma_wait3A_1673] : memref<4096x128xf32, #tpu.memory_space<hbm>> -> memref<160x128xf32, #tpu.memory_space<hbm>>
    %dma_wait3A_1675 = arith.constant 0 : i32
    %dma_wait3A_1676 = arith.constant 0 : i32
    %dma_wait3A_1677 = tpu.memref_slice %arg9[%dma_wait3A_1667, %dma_wait3A_1675, %dma_wait3A_1676] : memref<2x160x128xf32, #tpu.memory_space<vmem>> -> memref<1x160x128xf32, #tpu.memory_space<vmem>>
    %dma_wait3A_1678 = tpu.memref_squeeze %dma_wait3A_1677 : memref<1x160x128xf32, #tpu.memory_space<vmem>> -> memref<160x128xf32, #tpu.memory_space<vmem>>
    %dma_wait3A_1679 = arith.constant 0 : i32
    %dma_wait3A_1680 = arith.constant 0 : i32
    %dma_wait3A_1681 = tpu.memref_slice %arg2[%dma_wait3A_1679, %dma_wait3A_1680] : memref<4096x128xf32, #tpu.memory_space<hbm>> -> memref<160x128xf32, #tpu.memory_space<hbm>>
    tpu.wait_dma2 semaphore(%arg14 : memref<!tpu.dma_semaphore, #tpu.memory_space<semaphore_mem>>) src(%dma_wait3A_1681 : memref<160x128xf32, #tpu.memory_space<hbm>>) dst(%dma_wait3A_1678 : memref<160x128xf32, #tpu.memory_space<vmem>>)
    %dma_wait3A_1682 = arith.constant 1 : i32
    %dma_wait3A_1683 = arith.constant 0 : i32
    %dma_wait3A_1684 = arith.constant 0 : i32
    %dma_wait3A_1685 = tpu.memref_slice %arg10[%dma_wait3A_1682, %dma_wait3A_1683, %dma_wait3A_1684] : memref<2x160x128xf32, #tpu.memory_space<vmem>> -> memref<1x160x128xf32, #tpu.memory_space<vmem>>
    %dma_wait3A_1686 = tpu.memref_squeeze %dma_wait3A_1685 : memref<1x160x128xf32, #tpu.memory_space<vmem>> -> memref<160x128xf32, #tpu.memory_space<vmem>>
    %dma_wait3A_1687 = arith.constant 0 : i32
    %dma_wait3A_1688 = arith.constant 0 : i32
    %dma_wait3A_1689 = tpu.memref_slice %arg3[%dma_wait3A_1687, %dma_wait3A_1688] : memref<4096x128xf32, #tpu.memory_space<hbm>> -> memref<160x128xf32, #tpu.memory_space<hbm>>
    %dma_wait3A_1690 = arith.constant 0 : i32
    %dma_wait3A_1691 = arith.constant 0 : i32
    %dma_wait3A_1692 = tpu.memref_slice %arg10[%dma_wait3A_1682, %dma_wait3A_1690, %dma_wait3A_1691] : memref<2x160x128xf32, #tpu.memory_space<vmem>> -> memref<1x160x128xf32, #tpu.memory_space<vmem>>
    %dma_wait3A_1693 = tpu.memref_squeeze %dma_wait3A_1692 : memref<1x160x128xf32, #tpu.memory_space<vmem>> -> memref<160x128xf32, #tpu.memory_space<vmem>>
    %dma_wait3A_1694 = arith.constant 0 : i32
    %dma_wait3A_1695 = arith.constant 0 : i32
    %dma_wait3A_1696 = tpu.memref_slice %arg3[%dma_wait3A_1694, %dma_wait3A_1695] : memref<4096x128xf32, #tpu.memory_space<hbm>> -> memref<160x128xf32, #tpu.memory_space<hbm>>
    tpu.wait_dma2 semaphore(%arg14 : memref<!tpu.dma_semaphore, #tpu.memory_space<semaphore_mem>>) src(%dma_wait3A_1696 : memref<160x128xf32, #tpu.memory_space<hbm>>) dst(%dma_wait3A_1693 : memref<160x128xf32, #tpu.memory_space<vmem>>)
    return
  }
}

module attributes {stable_mosaic.version = 14 : i64} {
  func.func @_knn_body(%arg0: i32, %arg1: i32, %arg2: memref<1024x16xf32, #tpu.memory_space<vmem>>, %arg3: memref<1x2048x16xf32, #tpu.memory_space<vmem>>, %arg4: memref<1024x32xi32, #tpu.memory_space<vmem>>) attributes {dimension_semantics = [#tpu.dimension_semantics<parallel>, #tpu.dimension_semantics<parallel>], iteration_bounds = array<i64: 2, 2>, scalar_prefetch = 0 : i64, scratch_operands = 0 : i64, tpu.core_type = #tpu.core_type<tc>, window_params = [{transform_indices = @transform_0, window_bounds = array<i64: 1024, 16>}, {transform_indices = @transform_1, window_bounds = array<i64: 1, 2048, 16>}, {transform_indices = @transform_2, window_bounds = array<i64: 1024, 32>}]} {
    %get3A = arith.constant 0 : index
    %get3A_0 = arith.constant 0 : index
    %get3A_1 = vector.load %arg2[%get3A, %get3A_0] : memref<1024x16xf32, #tpu.memory_space<vmem>>, vector<1024x16xf32>
    %get3A_2 = arith.constant 0 : index
    %get3A_3 = arith.constant 0 : index
    %get3A_4 = arith.constant 0 : index
    %get3A_5 = vector.load %arg3[%get3A_2, %get3A_3, %get3A_4] : memref<1x2048x16xf32, #tpu.memory_space<vmem>>, vector<1x2048x16xf32>
    %get3A_6 = vector.shape_cast %get3A_5 : vector<1x2048x16xf32> to vector<2048x16xf32>
    %dot_general3A = arith.constant dense<0.000000e+00> : vector<1024x2048xf32>
    %dot_general3A_7 = tpu.matmul %get3A_1, %get3A_6, %dot_general3A {dimension_numbers = #tpu.dot_dimension_numbers<[1], [1], [0], [0], [0, 0, 1, 0], [], []>, transpose_lhs_hint = false} : vector<1024x16xf32>, vector<2048x16xf32>, vector<1024x2048xf32> -> vector<1024x2048xf32>
    %mul3A = arith.mulf %get3A_1, %get3A_1 : vector<1024x16xf32>
    %reduce_sum3A = arith.constant dense<0.000000e+00> : vector<1024xf32>
    %reduce_sum3A_8 = vector.multi_reduction <add>, %mul3A, %reduce_sum3A [1] : vector<1024x16xf32> to vector<1024xf32>
    %broadcast_in_dim3A = vector.shape_cast %reduce_sum3A_8 : vector<1024xf32> to vector<1024x1xf32>
    %mul3A_9 = arith.mulf %get3A_6, %get3A_6 : vector<2048x16xf32>
    %reduce_sum3A_10 = arith.constant dense<0.000000e+00> : vector<2048xf32>
    %reduce_sum3A_11 = vector.multi_reduction <add>, %mul3A_9, %reduce_sum3A_10 [1] : vector<2048x16xf32> to vector<2048xf32>
    %broadcast_in_dim3A_12 = vector.shape_cast %reduce_sum3A_11 : vector<2048xf32> to vector<2048x1xf32>
    %transpose3A = tpu.transpose %broadcast_in_dim3A_12, [1, 0] : vector<2048x1xf32> -> vector<1x2048xf32>
    %mul3A_13 = arith.constant -2.000000e+00 : f32
    %mul3A_14 = vector.broadcast %mul3A_13 : f32 to vector<1024x2048xf32>
    %mul3A_15 = arith.mulf %mul3A_14, %dot_general3A_7 : vector<1024x2048xf32>
    %add3A = vector.broadcast %broadcast_in_dim3A : vector<1024x1xf32> to vector<1024x2048xf32>
    %add3A_16 = arith.addf %mul3A_15, %add3A : vector<1024x2048xf32>
    %add3A_17 = vector.broadcast %transpose3A : vector<1x2048xf32> to vector<1024x2048xf32>
    %add3A_18 = arith.addf %add3A_16, %add3A_17 : vector<1024x2048xf32>
    %max3A = arith.constant 0.000000e+00 : f32
    %max3A_19 = vector.broadcast %max3A : f32 to vector<1024x2048xf32>
    %max3A_20 = arith.maximumf %add3A_18, %max3A_19 : vector<1024x2048xf32>
    %iota3A = tpu.iota {dimensions = array<i32: 1>} : vector<1024x2048xi32>
    %bitcast_convert_type3A = tpu.bitcast %max3A_20 : vector<1024x2048xf32> -> vector<1024x2048xi32>
    %and3A = arith.constant -2048 : i32
    %and3A_21 = vector.broadcast %and3A : i32 to vector<1024x2048xi32>
    %and3A_22 = arith.andi %bitcast_convert_type3A, %and3A_21 : vector<1024x2048xi32>
    %or3A = arith.ori %and3A_22, %iota3A : vector<1024x2048xi32>
    %mul3A_23 = arith.constant 2048 : i32
    %mul3A_24 = arith.muli %arg0, %mul3A_23 : i32
    %reduce_min3A = arith.constant dense<2147483647> : vector<1024xi32>
    %reduce_min3A_25 = vector.multi_reduction <minsi>, %or3A, %reduce_min3A [1] : vector<1024x2048xi32> to vector<1024xi32>
    %broadcast_in_dim3A_26 = vector.shape_cast %reduce_min3A_25 : vector<1024xi32> to vector<1024x1xi32>
    %and3A_27 = arith.constant 2047 : i32
    %and3A_28 = vector.broadcast %and3A_27 : i32 to vector<1024x1xi32>
    %and3A_29 = arith.andi %broadcast_in_dim3A_26, %and3A_28 : vector<1024x1xi32>
    %add3A_30 = vector.broadcast %mul3A_24 : i32 to vector<1024x1xi32>
    %add3A_31 = arith.addi %and3A_29, %add3A_30 : vector<1024x1xi32>
    %eq3A = vector.broadcast %broadcast_in_dim3A_26 : vector<1024x1xi32> to vector<1024x2048xi32>
    %eq3A_32 = arith.cmpi eq, %or3A, %eq3A : vector<1024x2048xi32>
    %jit3A = arith.constant 2147483647 : i32
    %broadcast_in_dim3A_33 = vector.broadcast %jit3A : i32 to vector<1024x2048xi32>
    %select_n3A = arith.select %eq3A_32, %broadcast_in_dim3A_33, %or3A : vector<1024x2048xi1>, vector<1024x2048xi32>
    %reduce_min3A_34 = arith.constant dense<2147483647> : vector<1024xi32>
    %reduce_min3A_35 = vector.multi_reduction <minsi>, %select_n3A, %reduce_min3A_34 [1] : vector<1024x2048xi32> to vector<1024xi32>
    %broadcast_in_dim3A_36 = vector.shape_cast %reduce_min3A_35 : vector<1024xi32> to vector<1024x1xi32>
    %and3A_37 = arith.constant 2047 : i32
    %and3A_38 = vector.broadcast %and3A_37 : i32 to vector<1024x1xi32>
    %and3A_39 = arith.andi %broadcast_in_dim3A_36, %and3A_38 : vector<1024x1xi32>
    %add3A_40 = vector.broadcast %mul3A_24 : i32 to vector<1024x1xi32>
    %add3A_41 = arith.addi %and3A_39, %add3A_40 : vector<1024x1xi32>
    %eq3A_42 = vector.broadcast %broadcast_in_dim3A_36 : vector<1024x1xi32> to vector<1024x2048xi32>
    %eq3A_43 = arith.cmpi eq, %select_n3A, %eq3A_42 : vector<1024x2048xi32>
    %jit3A_44 = arith.constant 2147483647 : i32
    %broadcast_in_dim3A_45 = vector.broadcast %jit3A_44 : i32 to vector<1024x2048xi32>
    %select_n3A_46 = arith.select %eq3A_43, %broadcast_in_dim3A_45, %select_n3A : vector<1024x2048xi1>, vector<1024x2048xi32>
    %reduce_min3A_47 = arith.constant dense<2147483647> : vector<1024xi32>
    %reduce_min3A_48 = vector.multi_reduction <minsi>, %select_n3A_46, %reduce_min3A_47 [1] : vector<1024x2048xi32> to vector<1024xi32>
    %broadcast_in_dim3A_49 = vector.shape_cast %reduce_min3A_48 : vector<1024xi32> to vector<1024x1xi32>
    %and3A_50 = arith.constant 2047 : i32
    %and3A_51 = vector.broadcast %and3A_50 : i32 to vector<1024x1xi32>
    %and3A_52 = arith.andi %broadcast_in_dim3A_49, %and3A_51 : vector<1024x1xi32>
    %add3A_53 = vector.broadcast %mul3A_24 : i32 to vector<1024x1xi32>
    %add3A_54 = arith.addi %and3A_52, %add3A_53 : vector<1024x1xi32>
    %eq3A_55 = vector.broadcast %broadcast_in_dim3A_49 : vector<1024x1xi32> to vector<1024x2048xi32>
    %eq3A_56 = arith.cmpi eq, %select_n3A_46, %eq3A_55 : vector<1024x2048xi32>
    %jit3A_57 = arith.constant 2147483647 : i32
    %broadcast_in_dim3A_58 = vector.broadcast %jit3A_57 : i32 to vector<1024x2048xi32>
    %select_n3A_59 = arith.select %eq3A_56, %broadcast_in_dim3A_58, %select_n3A_46 : vector<1024x2048xi1>, vector<1024x2048xi32>
    %reduce_min3A_60 = arith.constant dense<2147483647> : vector<1024xi32>
    %reduce_min3A_61 = vector.multi_reduction <minsi>, %select_n3A_59, %reduce_min3A_60 [1] : vector<1024x2048xi32> to vector<1024xi32>
    %broadcast_in_dim3A_62 = vector.shape_cast %reduce_min3A_61 : vector<1024xi32> to vector<1024x1xi32>
    %and3A_63 = arith.constant 2047 : i32
    %and3A_64 = vector.broadcast %and3A_63 : i32 to vector<1024x1xi32>
    %and3A_65 = arith.andi %broadcast_in_dim3A_62, %and3A_64 : vector<1024x1xi32>
    %add3A_66 = vector.broadcast %mul3A_24 : i32 to vector<1024x1xi32>
    %add3A_67 = arith.addi %and3A_65, %add3A_66 : vector<1024x1xi32>
    %eq3A_68 = vector.broadcast %broadcast_in_dim3A_62 : vector<1024x1xi32> to vector<1024x2048xi32>
    %eq3A_69 = arith.cmpi eq, %select_n3A_59, %eq3A_68 : vector<1024x2048xi32>
    %jit3A_70 = arith.constant 2147483647 : i32
    %broadcast_in_dim3A_71 = vector.broadcast %jit3A_70 : i32 to vector<1024x2048xi32>
    %select_n3A_72 = arith.select %eq3A_69, %broadcast_in_dim3A_71, %select_n3A_59 : vector<1024x2048xi1>, vector<1024x2048xi32>
    %reduce_min3A_73 = arith.constant dense<2147483647> : vector<1024xi32>
    %reduce_min3A_74 = vector.multi_reduction <minsi>, %select_n3A_72, %reduce_min3A_73 [1] : vector<1024x2048xi32> to vector<1024xi32>
    %broadcast_in_dim3A_75 = vector.shape_cast %reduce_min3A_74 : vector<1024xi32> to vector<1024x1xi32>
    %and3A_76 = arith.constant 2047 : i32
    %and3A_77 = vector.broadcast %and3A_76 : i32 to vector<1024x1xi32>
    %and3A_78 = arith.andi %broadcast_in_dim3A_75, %and3A_77 : vector<1024x1xi32>
    %add3A_79 = vector.broadcast %mul3A_24 : i32 to vector<1024x1xi32>
    %add3A_80 = arith.addi %and3A_78, %add3A_79 : vector<1024x1xi32>
    %eq3A_81 = vector.broadcast %broadcast_in_dim3A_75 : vector<1024x1xi32> to vector<1024x2048xi32>
    %eq3A_82 = arith.cmpi eq, %select_n3A_72, %eq3A_81 : vector<1024x2048xi32>
    %jit3A_83 = arith.constant 2147483647 : i32
    %broadcast_in_dim3A_84 = vector.broadcast %jit3A_83 : i32 to vector<1024x2048xi32>
    %select_n3A_85 = arith.select %eq3A_82, %broadcast_in_dim3A_84, %select_n3A_72 : vector<1024x2048xi1>, vector<1024x2048xi32>
    %reduce_min3A_86 = arith.constant dense<2147483647> : vector<1024xi32>
    %reduce_min3A_87 = vector.multi_reduction <minsi>, %select_n3A_85, %reduce_min3A_86 [1] : vector<1024x2048xi32> to vector<1024xi32>
    %broadcast_in_dim3A_88 = vector.shape_cast %reduce_min3A_87 : vector<1024xi32> to vector<1024x1xi32>
    %and3A_89 = arith.constant 2047 : i32
    %and3A_90 = vector.broadcast %and3A_89 : i32 to vector<1024x1xi32>
    %and3A_91 = arith.andi %broadcast_in_dim3A_88, %and3A_90 : vector<1024x1xi32>
    %add3A_92 = vector.broadcast %mul3A_24 : i32 to vector<1024x1xi32>
    %add3A_93 = arith.addi %and3A_91, %add3A_92 : vector<1024x1xi32>
    %eq3A_94 = vector.broadcast %broadcast_in_dim3A_88 : vector<1024x1xi32> to vector<1024x2048xi32>
    %eq3A_95 = arith.cmpi eq, %select_n3A_85, %eq3A_94 : vector<1024x2048xi32>
    %jit3A_96 = arith.constant 2147483647 : i32
    %broadcast_in_dim3A_97 = vector.broadcast %jit3A_96 : i32 to vector<1024x2048xi32>
    %select_n3A_98 = arith.select %eq3A_95, %broadcast_in_dim3A_97, %select_n3A_85 : vector<1024x2048xi1>, vector<1024x2048xi32>
    %reduce_min3A_99 = arith.constant dense<2147483647> : vector<1024xi32>
    %reduce_min3A_100 = vector.multi_reduction <minsi>, %select_n3A_98, %reduce_min3A_99 [1] : vector<1024x2048xi32> to vector<1024xi32>
    %broadcast_in_dim3A_101 = vector.shape_cast %reduce_min3A_100 : vector<1024xi32> to vector<1024x1xi32>
    %and3A_102 = arith.constant 2047 : i32
    %and3A_103 = vector.broadcast %and3A_102 : i32 to vector<1024x1xi32>
    %and3A_104 = arith.andi %broadcast_in_dim3A_101, %and3A_103 : vector<1024x1xi32>
    %add3A_105 = vector.broadcast %mul3A_24 : i32 to vector<1024x1xi32>
    %add3A_106 = arith.addi %and3A_104, %add3A_105 : vector<1024x1xi32>
    %eq3A_107 = vector.broadcast %broadcast_in_dim3A_101 : vector<1024x1xi32> to vector<1024x2048xi32>
    %eq3A_108 = arith.cmpi eq, %select_n3A_98, %eq3A_107 : vector<1024x2048xi32>
    %jit3A_109 = arith.constant 2147483647 : i32
    %broadcast_in_dim3A_110 = vector.broadcast %jit3A_109 : i32 to vector<1024x2048xi32>
    %select_n3A_111 = arith.select %eq3A_108, %broadcast_in_dim3A_110, %select_n3A_98 : vector<1024x2048xi1>, vector<1024x2048xi32>
    %reduce_min3A_112 = arith.constant dense<2147483647> : vector<1024xi32>
    %reduce_min3A_113 = vector.multi_reduction <minsi>, %select_n3A_111, %reduce_min3A_112 [1] : vector<1024x2048xi32> to vector<1024xi32>
    %broadcast_in_dim3A_114 = vector.shape_cast %reduce_min3A_113 : vector<1024xi32> to vector<1024x1xi32>
    %and3A_115 = arith.constant 2047 : i32
    %and3A_116 = vector.broadcast %and3A_115 : i32 to vector<1024x1xi32>
    %and3A_117 = arith.andi %broadcast_in_dim3A_114, %and3A_116 : vector<1024x1xi32>
    %add3A_118 = vector.broadcast %mul3A_24 : i32 to vector<1024x1xi32>
    %add3A_119 = arith.addi %and3A_117, %add3A_118 : vector<1024x1xi32>
    %eq3A_120 = vector.broadcast %broadcast_in_dim3A_114 : vector<1024x1xi32> to vector<1024x2048xi32>
    %eq3A_121 = arith.cmpi eq, %select_n3A_111, %eq3A_120 : vector<1024x2048xi32>
    %jit3A_122 = arith.constant 2147483647 : i32
    %broadcast_in_dim3A_123 = vector.broadcast %jit3A_122 : i32 to vector<1024x2048xi32>
    %select_n3A_124 = arith.select %eq3A_121, %broadcast_in_dim3A_123, %select_n3A_111 : vector<1024x2048xi1>, vector<1024x2048xi32>
    %reduce_min3A_125 = arith.constant dense<2147483647> : vector<1024xi32>
    %reduce_min3A_126 = vector.multi_reduction <minsi>, %select_n3A_124, %reduce_min3A_125 [1] : vector<1024x2048xi32> to vector<1024xi32>
    %broadcast_in_dim3A_127 = vector.shape_cast %reduce_min3A_126 : vector<1024xi32> to vector<1024x1xi32>
    %and3A_128 = arith.constant 2047 : i32
    %and3A_129 = vector.broadcast %and3A_128 : i32 to vector<1024x1xi32>
    %and3A_130 = arith.andi %broadcast_in_dim3A_127, %and3A_129 : vector<1024x1xi32>
    %add3A_131 = vector.broadcast %mul3A_24 : i32 to vector<1024x1xi32>
    %add3A_132 = arith.addi %and3A_130, %add3A_131 : vector<1024x1xi32>
    %eq3A_133 = vector.broadcast %broadcast_in_dim3A_127 : vector<1024x1xi32> to vector<1024x2048xi32>
    %eq3A_134 = arith.cmpi eq, %select_n3A_124, %eq3A_133 : vector<1024x2048xi32>
    %jit3A_135 = arith.constant 2147483647 : i32
    %broadcast_in_dim3A_136 = vector.broadcast %jit3A_135 : i32 to vector<1024x2048xi32>
    %select_n3A_137 = arith.select %eq3A_134, %broadcast_in_dim3A_136, %select_n3A_124 : vector<1024x2048xi1>, vector<1024x2048xi32>
    %reduce_min3A_138 = arith.constant dense<2147483647> : vector<1024xi32>
    %reduce_min3A_139 = vector.multi_reduction <minsi>, %select_n3A_137, %reduce_min3A_138 [1] : vector<1024x2048xi32> to vector<1024xi32>
    %broadcast_in_dim3A_140 = vector.shape_cast %reduce_min3A_139 : vector<1024xi32> to vector<1024x1xi32>
    %and3A_141 = arith.constant 2047 : i32
    %and3A_142 = vector.broadcast %and3A_141 : i32 to vector<1024x1xi32>
    %and3A_143 = arith.andi %broadcast_in_dim3A_140, %and3A_142 : vector<1024x1xi32>
    %add3A_144 = vector.broadcast %mul3A_24 : i32 to vector<1024x1xi32>
    %add3A_145 = arith.addi %and3A_143, %add3A_144 : vector<1024x1xi32>
    %eq3A_146 = vector.broadcast %broadcast_in_dim3A_140 : vector<1024x1xi32> to vector<1024x2048xi32>
    %eq3A_147 = arith.cmpi eq, %select_n3A_137, %eq3A_146 : vector<1024x2048xi32>
    %jit3A_148 = arith.constant 2147483647 : i32
    %broadcast_in_dim3A_149 = vector.broadcast %jit3A_148 : i32 to vector<1024x2048xi32>
    %select_n3A_150 = arith.select %eq3A_147, %broadcast_in_dim3A_149, %select_n3A_137 : vector<1024x2048xi1>, vector<1024x2048xi32>
    %reduce_min3A_151 = arith.constant dense<2147483647> : vector<1024xi32>
    %reduce_min3A_152 = vector.multi_reduction <minsi>, %select_n3A_150, %reduce_min3A_151 [1] : vector<1024x2048xi32> to vector<1024xi32>
    %broadcast_in_dim3A_153 = vector.shape_cast %reduce_min3A_152 : vector<1024xi32> to vector<1024x1xi32>
    %and3A_154 = arith.constant 2047 : i32
    %and3A_155 = vector.broadcast %and3A_154 : i32 to vector<1024x1xi32>
    %and3A_156 = arith.andi %broadcast_in_dim3A_153, %and3A_155 : vector<1024x1xi32>
    %add3A_157 = vector.broadcast %mul3A_24 : i32 to vector<1024x1xi32>
    %add3A_158 = arith.addi %and3A_156, %add3A_157 : vector<1024x1xi32>
    %eq3A_159 = vector.broadcast %broadcast_in_dim3A_153 : vector<1024x1xi32> to vector<1024x2048xi32>
    %eq3A_160 = arith.cmpi eq, %select_n3A_150, %eq3A_159 : vector<1024x2048xi32>
    %jit3A_161 = arith.constant 2147483647 : i32
    %broadcast_in_dim3A_162 = vector.broadcast %jit3A_161 : i32 to vector<1024x2048xi32>
    %select_n3A_163 = arith.select %eq3A_160, %broadcast_in_dim3A_162, %select_n3A_150 : vector<1024x2048xi1>, vector<1024x2048xi32>
    %reduce_min3A_164 = arith.constant dense<2147483647> : vector<1024xi32>
    %reduce_min3A_165 = vector.multi_reduction <minsi>, %select_n3A_163, %reduce_min3A_164 [1] : vector<1024x2048xi32> to vector<1024xi32>
    %broadcast_in_dim3A_166 = vector.shape_cast %reduce_min3A_165 : vector<1024xi32> to vector<1024x1xi32>
    %and3A_167 = arith.constant 2047 : i32
    %and3A_168 = vector.broadcast %and3A_167 : i32 to vector<1024x1xi32>
    %and3A_169 = arith.andi %broadcast_in_dim3A_166, %and3A_168 : vector<1024x1xi32>
    %add3A_170 = vector.broadcast %mul3A_24 : i32 to vector<1024x1xi32>
    %add3A_171 = arith.addi %and3A_169, %add3A_170 : vector<1024x1xi32>
    %eq3A_172 = vector.broadcast %broadcast_in_dim3A_166 : vector<1024x1xi32> to vector<1024x2048xi32>
    %eq3A_173 = arith.cmpi eq, %select_n3A_163, %eq3A_172 : vector<1024x2048xi32>
    %jit3A_174 = arith.constant 2147483647 : i32
    %broadcast_in_dim3A_175 = vector.broadcast %jit3A_174 : i32 to vector<1024x2048xi32>
    %select_n3A_176 = arith.select %eq3A_173, %broadcast_in_dim3A_175, %select_n3A_163 : vector<1024x2048xi1>, vector<1024x2048xi32>
    %reduce_min3A_177 = arith.constant dense<2147483647> : vector<1024xi32>
    %reduce_min3A_178 = vector.multi_reduction <minsi>, %select_n3A_176, %reduce_min3A_177 [1] : vector<1024x2048xi32> to vector<1024xi32>
    %broadcast_in_dim3A_179 = vector.shape_cast %reduce_min3A_178 : vector<1024xi32> to vector<1024x1xi32>
    %and3A_180 = arith.constant 2047 : i32
    %and3A_181 = vector.broadcast %and3A_180 : i32 to vector<1024x1xi32>
    %and3A_182 = arith.andi %broadcast_in_dim3A_179, %and3A_181 : vector<1024x1xi32>
    %add3A_183 = vector.broadcast %mul3A_24 : i32 to vector<1024x1xi32>
    %add3A_184 = arith.addi %and3A_182, %add3A_183 : vector<1024x1xi32>
    %eq3A_185 = vector.broadcast %broadcast_in_dim3A_179 : vector<1024x1xi32> to vector<1024x2048xi32>
    %eq3A_186 = arith.cmpi eq, %select_n3A_176, %eq3A_185 : vector<1024x2048xi32>
    %jit3A_187 = arith.constant 2147483647 : i32
    %broadcast_in_dim3A_188 = vector.broadcast %jit3A_187 : i32 to vector<1024x2048xi32>
    %select_n3A_189 = arith.select %eq3A_186, %broadcast_in_dim3A_188, %select_n3A_176 : vector<1024x2048xi1>, vector<1024x2048xi32>
    %reduce_min3A_190 = arith.constant dense<2147483647> : vector<1024xi32>
    %reduce_min3A_191 = vector.multi_reduction <minsi>, %select_n3A_189, %reduce_min3A_190 [1] : vector<1024x2048xi32> to vector<1024xi32>
    %broadcast_in_dim3A_192 = vector.shape_cast %reduce_min3A_191 : vector<1024xi32> to vector<1024x1xi32>
    %and3A_193 = arith.constant 2047 : i32
    %and3A_194 = vector.broadcast %and3A_193 : i32 to vector<1024x1xi32>
    %and3A_195 = arith.andi %broadcast_in_dim3A_192, %and3A_194 : vector<1024x1xi32>
    %add3A_196 = vector.broadcast %mul3A_24 : i32 to vector<1024x1xi32>
    %add3A_197 = arith.addi %and3A_195, %add3A_196 : vector<1024x1xi32>
    %eq3A_198 = vector.broadcast %broadcast_in_dim3A_192 : vector<1024x1xi32> to vector<1024x2048xi32>
    %eq3A_199 = arith.cmpi eq, %select_n3A_189, %eq3A_198 : vector<1024x2048xi32>
    %jit3A_200 = arith.constant 2147483647 : i32
    %broadcast_in_dim3A_201 = vector.broadcast %jit3A_200 : i32 to vector<1024x2048xi32>
    %select_n3A_202 = arith.select %eq3A_199, %broadcast_in_dim3A_201, %select_n3A_189 : vector<1024x2048xi1>, vector<1024x2048xi32>
    %reduce_min3A_203 = arith.constant dense<2147483647> : vector<1024xi32>
    %reduce_min3A_204 = vector.multi_reduction <minsi>, %select_n3A_202, %reduce_min3A_203 [1] : vector<1024x2048xi32> to vector<1024xi32>
    %broadcast_in_dim3A_205 = vector.shape_cast %reduce_min3A_204 : vector<1024xi32> to vector<1024x1xi32>
    %and3A_206 = arith.constant 2047 : i32
    %and3A_207 = vector.broadcast %and3A_206 : i32 to vector<1024x1xi32>
    %and3A_208 = arith.andi %broadcast_in_dim3A_205, %and3A_207 : vector<1024x1xi32>
    %add3A_209 = vector.broadcast %mul3A_24 : i32 to vector<1024x1xi32>
    %add3A_210 = arith.addi %and3A_208, %add3A_209 : vector<1024x1xi32>
    %eq3A_211 = vector.broadcast %broadcast_in_dim3A_205 : vector<1024x1xi32> to vector<1024x2048xi32>
    %eq3A_212 = arith.cmpi eq, %select_n3A_202, %eq3A_211 : vector<1024x2048xi32>
    %jit3A_213 = arith.constant 2147483647 : i32
    %broadcast_in_dim3A_214 = vector.broadcast %jit3A_213 : i32 to vector<1024x2048xi32>
    %select_n3A_215 = arith.select %eq3A_212, %broadcast_in_dim3A_214, %select_n3A_202 : vector<1024x2048xi1>, vector<1024x2048xi32>
    %reduce_min3A_216 = arith.constant dense<2147483647> : vector<1024xi32>
    %reduce_min3A_217 = vector.multi_reduction <minsi>, %select_n3A_215, %reduce_min3A_216 [1] : vector<1024x2048xi32> to vector<1024xi32>
    %broadcast_in_dim3A_218 = vector.shape_cast %reduce_min3A_217 : vector<1024xi32> to vector<1024x1xi32>
    %and3A_219 = arith.constant 2047 : i32
    %and3A_220 = vector.broadcast %and3A_219 : i32 to vector<1024x1xi32>
    %and3A_221 = arith.andi %broadcast_in_dim3A_218, %and3A_220 : vector<1024x1xi32>
    %add3A_222 = vector.broadcast %mul3A_24 : i32 to vector<1024x1xi32>
    %add3A_223 = arith.addi %and3A_221, %add3A_222 : vector<1024x1xi32>
    %eq3A_224 = vector.broadcast %broadcast_in_dim3A_218 : vector<1024x1xi32> to vector<1024x2048xi32>
    %eq3A_225 = arith.cmpi eq, %select_n3A_215, %eq3A_224 : vector<1024x2048xi32>
    %jit3A_226 = arith.constant 2147483647 : i32
    %broadcast_in_dim3A_227 = vector.broadcast %jit3A_226 : i32 to vector<1024x2048xi32>
    %select_n3A_228 = arith.select %eq3A_225, %broadcast_in_dim3A_227, %select_n3A_215 : vector<1024x2048xi1>, vector<1024x2048xi32>
    %reduce_min3A_229 = arith.constant dense<2147483647> : vector<1024xi32>
    %reduce_min3A_230 = vector.multi_reduction <minsi>, %select_n3A_228, %reduce_min3A_229 [1] : vector<1024x2048xi32> to vector<1024xi32>
    %broadcast_in_dim3A_231 = vector.shape_cast %reduce_min3A_230 : vector<1024xi32> to vector<1024x1xi32>
    %and3A_232 = arith.constant 2047 : i32
    %and3A_233 = vector.broadcast %and3A_232 : i32 to vector<1024x1xi32>
    %and3A_234 = arith.andi %broadcast_in_dim3A_231, %and3A_233 : vector<1024x1xi32>
    %add3A_235 = vector.broadcast %mul3A_24 : i32 to vector<1024x1xi32>
    %add3A_236 = arith.addi %and3A_234, %add3A_235 : vector<1024x1xi32>
    %eq3A_237 = vector.broadcast %broadcast_in_dim3A_231 : vector<1024x1xi32> to vector<1024x2048xi32>
    %eq3A_238 = arith.cmpi eq, %select_n3A_228, %eq3A_237 : vector<1024x2048xi32>
    %jit3A_239 = arith.constant 2147483647 : i32
    %broadcast_in_dim3A_240 = vector.broadcast %jit3A_239 : i32 to vector<1024x2048xi32>
    %select_n3A_241 = arith.select %eq3A_238, %broadcast_in_dim3A_240, %select_n3A_228 : vector<1024x2048xi1>, vector<1024x2048xi32>
    %reduce_min3A_242 = arith.constant dense<2147483647> : vector<1024xi32>
    %reduce_min3A_243 = vector.multi_reduction <minsi>, %select_n3A_241, %reduce_min3A_242 [1] : vector<1024x2048xi32> to vector<1024xi32>
    %broadcast_in_dim3A_244 = vector.shape_cast %reduce_min3A_243 : vector<1024xi32> to vector<1024x1xi32>
    %and3A_245 = arith.constant 2047 : i32
    %and3A_246 = vector.broadcast %and3A_245 : i32 to vector<1024x1xi32>
    %and3A_247 = arith.andi %broadcast_in_dim3A_244, %and3A_246 : vector<1024x1xi32>
    %add3A_248 = vector.broadcast %mul3A_24 : i32 to vector<1024x1xi32>
    %add3A_249 = arith.addi %and3A_247, %add3A_248 : vector<1024x1xi32>
    %eq3A_250 = vector.broadcast %broadcast_in_dim3A_244 : vector<1024x1xi32> to vector<1024x2048xi32>
    %eq3A_251 = arith.cmpi eq, %select_n3A_241, %eq3A_250 : vector<1024x2048xi32>
    %jit3A_252 = arith.constant 2147483647 : i32
    %broadcast_in_dim3A_253 = vector.broadcast %jit3A_252 : i32 to vector<1024x2048xi32>
    %select_n3A_254 = arith.select %eq3A_251, %broadcast_in_dim3A_253, %select_n3A_241 : vector<1024x2048xi1>, vector<1024x2048xi32>
    %reduce_min3A_255 = arith.constant dense<2147483647> : vector<1024xi32>
    %reduce_min3A_256 = vector.multi_reduction <minsi>, %select_n3A_254, %reduce_min3A_255 [1] : vector<1024x2048xi32> to vector<1024xi32>
    %broadcast_in_dim3A_257 = vector.shape_cast %reduce_min3A_256 : vector<1024xi32> to vector<1024x1xi32>
    %and3A_258 = arith.constant 2047 : i32
    %and3A_259 = vector.broadcast %and3A_258 : i32 to vector<1024x1xi32>
    %and3A_260 = arith.andi %broadcast_in_dim3A_257, %and3A_259 : vector<1024x1xi32>
    %add3A_261 = vector.broadcast %mul3A_24 : i32 to vector<1024x1xi32>
    %add3A_262 = arith.addi %and3A_260, %add3A_261 : vector<1024x1xi32>
    %eq3A_263 = vector.broadcast %broadcast_in_dim3A_257 : vector<1024x1xi32> to vector<1024x2048xi32>
    %eq3A_264 = arith.cmpi eq, %select_n3A_254, %eq3A_263 : vector<1024x2048xi32>
    %jit3A_265 = arith.constant 2147483647 : i32
    %broadcast_in_dim3A_266 = vector.broadcast %jit3A_265 : i32 to vector<1024x2048xi32>
    %select_n3A_267 = arith.select %eq3A_264, %broadcast_in_dim3A_266, %select_n3A_254 : vector<1024x2048xi1>, vector<1024x2048xi32>
    %reduce_min3A_268 = arith.constant dense<2147483647> : vector<1024xi32>
    %reduce_min3A_269 = vector.multi_reduction <minsi>, %select_n3A_267, %reduce_min3A_268 [1] : vector<1024x2048xi32> to vector<1024xi32>
    %broadcast_in_dim3A_270 = vector.shape_cast %reduce_min3A_269 : vector<1024xi32> to vector<1024x1xi32>
    %and3A_271 = arith.constant 2047 : i32
    %and3A_272 = vector.broadcast %and3A_271 : i32 to vector<1024x1xi32>
    %and3A_273 = arith.andi %broadcast_in_dim3A_270, %and3A_272 : vector<1024x1xi32>
    %add3A_274 = vector.broadcast %mul3A_24 : i32 to vector<1024x1xi32>
    %add3A_275 = arith.addi %and3A_273, %add3A_274 : vector<1024x1xi32>
    %broadcast_in_dim3A_276 = arith.constant 0 : i32
    %broadcast_in_dim3A_277 = vector.broadcast %broadcast_in_dim3A_276 : i32 to vector<1024x12xi32>
    %concatenate3A = tpu.concatenate %add3A_31, %add3A_41, %add3A_54, %add3A_67, %add3A_80, %add3A_93, %add3A_106, %add3A_119, %add3A_132, %add3A_145, %add3A_158, %add3A_171, %add3A_184, %add3A_197, %add3A_210, %add3A_223, %add3A_236, %add3A_249, %add3A_262, %add3A_275, %broadcast_in_dim3A_277 in 1 : vector<1024x1xi32>, vector<1024x1xi32>, vector<1024x1xi32>, vector<1024x1xi32>, vector<1024x1xi32>, vector<1024x1xi32>, vector<1024x1xi32>, vector<1024x1xi32>, vector<1024x1xi32>, vector<1024x1xi32>, vector<1024x1xi32>, vector<1024x1xi32>, vector<1024x1xi32>, vector<1024x1xi32>, vector<1024x1xi32>, vector<1024x1xi32>, vector<1024x1xi32>, vector<1024x1xi32>, vector<1024x1xi32>, vector<1024x1xi32>, vector<1024x12xi32> -> vector<1024x32xi32>
    %swap3A = arith.constant 0 : index
    %swap3A_278 = arith.constant 0 : index
    %swap3A_279 = vector.load %arg4[%swap3A, %swap3A_278] : memref<1024x32xi32, #tpu.memory_space<vmem>>, vector<1024x32xi32>
    tpu.vector_store %arg4[%swap3A, %swap3A_278], %concatenate3A {strides = array<i32>} : memref<1024x32xi32, #tpu.memory_space<vmem>>, vector<1024x32xi32>,
    return
  }
  func.func @transform_0(%arg0: i32, %arg1: i32) -> (i32, i32) {
    %mul3A = arith.constant 2 : i32
    %mul3A_0 = arith.muli %arg0, %mul3A : i32
    %add3A = arith.addi %mul3A_0, %arg1 : i32
    %c0_i32 = arith.constant 0 : i32
    %c0_i32_1 = arith.constant 0 : i32
    return %add3A, %c0_i32 : i32, i32
  }
  func.func @transform_1(%arg0: i32, %arg1: i32) -> (i32, i32, i32) {
    %c0_i32 = arith.constant 0 : i32
    %c0_i32_0 = arith.constant 0 : i32
    %c0_i32_1 = arith.constant 0 : i32
    return %arg0, %c0_i32, %c0_i32_0 : i32, i32, i32
  }
  func.func @transform_2(%arg0: i32, %arg1: i32) -> (i32, i32) {
    %mul3A = arith.constant 2 : i32
    %mul3A_0 = arith.muli %arg0, %mul3A : i32
    %add3A = arith.addi %mul3A_0, %arg1 : i32
    %c0_i32 = arith.constant 0 : i32
    %c0_i32_1 = arith.constant 0 : i32
    return %add3A, %c0_i32 : i32, i32
  }
}

module attributes {stable_mosaic.version = 14 : i64} {
  func.func @_prep_body(%arg0: i32, %arg1: memref<512x256xf32, #tpu.memory_space<vmem>>, %arg2: memref<512x128xf32, #tpu.memory_space<vmem>>, %arg3: memref<512x16xf32, #tpu.memory_space<vmem>>, %arg4: memref<256x128xf32, #tpu.memory_space<vmem>>, %arg5: memref<1x128xf32, #tpu.memory_space<vmem>>, %arg6: memref<128x128xf32, #tpu.memory_space<vmem>>, %arg7: memref<1x128xf32, #tpu.memory_space<vmem>>, %arg8: memref<256x128xf32, #tpu.memory_space<vmem>>, %arg9: memref<1x128xf32, #tpu.memory_space<vmem>>, %arg10: memref<128x64xf32, #tpu.memory_space<vmem>>, %arg11: memref<1x64xf32, #tpu.memory_space<vmem>>, %arg12: memref<128x64xf32, #tpu.memory_space<vmem>>, %arg13: memref<1x64xf32, #tpu.memory_space<vmem>>, %arg14: memref<128x64xf32, #tpu.memory_space<vmem>>, %arg15: memref<1x64xf32, #tpu.memory_space<vmem>>, %arg16: memref<128x64xf32, #tpu.memory_space<vmem>>, %arg17: memref<1x64xf32, #tpu.memory_space<vmem>>, %arg18: memref<512x128xf32, #tpu.memory_space<vmem>>, %arg19: memref<512x144xf32, #tpu.memory_space<vmem>>, %arg20: memref<512x128xf32, #tpu.memory_space<vmem>>) attributes {dimension_semantics = [#tpu.dimension_semantics<parallel>], iteration_bounds = array<i64: 8>, scalar_prefetch = 0 : i64, scratch_operands = 0 : i64, tpu.core_type = #tpu.core_type<tc>, window_params = [{transform_indices = @transform_0, window_bounds = array<i64: 512, 256>}, {transform_indices = @transform_1, window_bounds = array<i64: 512, 128>}, {transform_indices = @transform_2, window_bounds = array<i64: 512, 16>}, {pipeline_mode = #tpu.pipeline_mode<synchronous>, transform_indices = @transform_3, window_bounds = array<i64: 256, 128>}, {pipeline_mode = #tpu.pipeline_mode<synchronous>, transform_indices = @transform_4, window_bounds = array<i64: 1, 128>}, {pipeline_mode = #tpu.pipeline_mode<synchronous>, transform_indices = @transform_5, window_bounds = array<i64: 128, 128>}, {pipeline_mode = #tpu.pipeline_mode<synchronous>, transform_indices = @transform_6, window_bounds = array<i64: 1, 128>}, {pipeline_mode = #tpu.pipeline_mode<synchronous>, transform_indices = @transform_7, window_bounds = array<i64: 256, 128>}, {pipeline_mode = #tpu.pipeline_mode<synchronous>, transform_indices = @transform_8, window_bounds = array<i64: 1, 128>}, {pipeline_mode = #tpu.pipeline_mode<synchronous>, transform_indices = @transform_9, window_bounds = array<i64: 128, 64>}, {pipeline_mode = #tpu.pipeline_mode<synchronous>, transform_indices = @transform_10, window_bounds = array<i64: 1, 64>}, {pipeline_mode = #tpu.pipeline_mode<synchronous>, transform_indices = @transform_11, window_bounds = array<i64: 128, 64>}, {pipeline_mode = #tpu.pipeline_mode<synchronous>, transform_indices = @transform_12, window_bounds = array<i64: 1, 64>}, {pipeline_mode = #tpu.pipeline_mode<synchronous>, transform_indices = @transform_13, window_bounds = array<i64: 128, 64>}, {pipeline_mode = #tpu.pipeline_mode<synchronous>, transform_indices = @transform_14, window_bounds = array<i64: 1, 64>}, {pipeline_mode = #tpu.pipeline_mode<synchronous>, transform_indices = @transform_15, window_bounds = array<i64: 128, 64>}, {pipeline_mode = #tpu.pipeline_mode<synchronous>, transform_indices = @transform_16, window_bounds = array<i64: 1, 64>}, {transform_indices = @transform_17, window_bounds = array<i64: 512, 128>}, {transform_indices = @transform_18, window_bounds = array<i64: 512, 144>}, {transform_indices = @transform_19, window_bounds = array<i64: 512, 128>}]} {
    %get3A = arith.constant 0 : index
    %get3A_0 = arith.constant 0 : index
    %get3A_1 = vector.load %arg1[%get3A, %get3A_0] : memref<512x256xf32, #tpu.memory_space<vmem>>, vector<512x256xf32>
    %slice3A = vector.extract_strided_slice %get3A_1 {offsets = [0, 0], sizes = [512, 128], strides = [1, 1]} : vector<512x256xf32> to vector<512x128xf32>
    %slice3A_2 = vector.extract_strided_slice %get3A_1 {offsets = [0, 128], sizes = [512, 128], strides = [1, 1]} : vector<512x256xf32> to vector<512x128xf32>
    %get3A_3 = arith.constant 0 : index
    %get3A_4 = arith.constant 0 : index
    %get3A_5 = vector.load %arg8[%get3A_3, %get3A_4] : memref<256x128xf32, #tpu.memory_space<vmem>>, vector<256x128xf32>
    %dot_general3A = arith.constant dense<0.000000e+00> : vector<512x128xf32>
    %dot_general3A_6 = tpu.matmul %get3A_1, %get3A_5, %dot_general3A {dimension_numbers = #tpu.dot_dimension_numbers<[1], [0], [0], [1], [0, 0, 1, 1], [], []>, transpose_lhs_hint = false} : vector<512x256xf32>, vector<256x128xf32>, vector<512x128xf32> -> vector<512x128xf32>
    %get3A_7 = arith.constant 0 : index
    %get3A_8 = arith.constant 0 : index
    %get3A_9 = vector.load %arg9[%get3A_7, %get3A_8] : memref<1x128xf32, #tpu.memory_space<vmem>>, vector<1x128xf32>
    %add3A = vector.broadcast %get3A_9 : vector<1x128xf32> to vector<512x128xf32>
    %add3A_10 = arith.addf %dot_general3A_6, %add3A : vector<512x128xf32>
    %get3A_11 = arith.constant 0 : index
    %get3A_12 = arith.constant 0 : index
    %get3A_13 = vector.load %arg4[%get3A_11, %get3A_12] : memref<256x128xf32, #tpu.memory_space<vmem>>, vector<256x128xf32>
    %dot_general3A_14 = arith.constant dense<0.000000e+00> : vector<512x128xf32>
    %dot_general3A_15 = tpu.matmul %get3A_1, %get3A_13, %dot_general3A_14 {dimension_numbers = #tpu.dot_dimension_numbers<[1], [0], [0], [1], [0, 0, 1, 1], [], []>, transpose_lhs_hint = false} : vector<512x256xf32>, vector<256x128xf32>, vector<512x128xf32> -> vector<512x128xf32>
    %get3A_16 = arith.constant 0 : index
    %get3A_17 = arith.constant 0 : index
    %get3A_18 = vector.load %arg5[%get3A_16, %get3A_17] : memref<1x128xf32, #tpu.memory_space<vmem>>, vector<1x128xf32>
    %add3A_19 = vector.broadcast %get3A_18 : vector<1x128xf32> to vector<512x128xf32>
    %add3A_20 = arith.addf %dot_general3A_15, %add3A_19 : vector<512x128xf32>
    %max3A = arith.constant 0.000000e+00 : f32
    %max3A_21 = vector.broadcast %max3A : f32 to vector<512x128xf32>
    %max3A_22 = arith.maximumf %add3A_20, %max3A_21 : vector<512x128xf32>
    %get3A_23 = arith.constant 0 : index
    %get3A_24 = arith.constant 0 : index
    %get3A_25 = vector.load %arg6[%get3A_23, %get3A_24] : memref<128x128xf32, #tpu.memory_space<vmem>>, vector<128x128xf32>
    %dot_general3A_26 = arith.constant dense<0.000000e+00> : vector<512x128xf32>
    %dot_general3A_27 = tpu.matmul %max3A_22, %get3A_25, %dot_general3A_26 {dimension_numbers = #tpu.dot_dimension_numbers<[1], [0], [0], [1], [0, 0, 1, 1], [], []>, transpose_lhs_hint = false} : vector<512x128xf32>, vector<128x128xf32>, vector<512x128xf32> -> vector<512x128xf32>
    %get3A_28 = arith.constant 0 : index
    %get3A_29 = arith.constant 0 : index
    %get3A_30 = vector.load %arg7[%get3A_28, %get3A_29] : memref<1x128xf32, #tpu.memory_space<vmem>>, vector<1x128xf32>
    %add3A_31 = vector.broadcast %get3A_30 : vector<1x128xf32> to vector<512x128xf32>
    %add3A_32 = arith.addf %dot_general3A_27, %add3A_31 : vector<512x128xf32>
    %add3A_33 = arith.addf %add3A_32, %add3A_10 : vector<512x128xf32>
    %get3A_34 = arith.constant 0 : index
    %get3A_35 = arith.constant 0 : index
    %get3A_36 = vector.load %arg10[%get3A_34, %get3A_35] : memref<128x64xf32, #tpu.memory_space<vmem>>, vector<128x64xf32>
    %dot_general3A_37 = arith.constant dense<0.000000e+00> : vector<512x64xf32>
    %dot_general3A_38 = tpu.matmul %slice3A, %get3A_36, %dot_general3A_37 {dimension_numbers = #tpu.dot_dimension_numbers<[1], [0], [0], [1], [0, 0, 1, 1], [], []>, transpose_lhs_hint = false} : vector<512x128xf32>, vector<128x64xf32>, vector<512x64xf32> -> vector<512x64xf32>
    %get3A_39 = arith.constant 0 : index
    %get3A_40 = arith.constant 0 : index
    %get3A_41 = vector.load %arg11[%get3A_39, %get3A_40] : memref<1x64xf32, #tpu.memory_space<vmem>>, vector<1x64xf32>
    %add3A_42 = vector.broadcast %get3A_41 : vector<1x64xf32> to vector<512x64xf32>
    %add3A_43 = arith.addf %dot_general3A_38, %add3A_42 : vector<512x64xf32>
    %get3A_44 = arith.constant 0 : index
    %get3A_45 = arith.constant 0 : index
    %get3A_46 = vector.load %arg12[%get3A_44, %get3A_45] : memref<128x64xf32, #tpu.memory_space<vmem>>, vector<128x64xf32>
    %dot_general3A_47 = arith.constant dense<0.000000e+00> : vector<512x64xf32>
    %dot_general3A_48 = tpu.matmul %slice3A_2, %get3A_46, %dot_general3A_47 {dimension_numbers = #tpu.dot_dimension_numbers<[1], [0], [0], [1], [0, 0, 1, 1], [], []>, transpose_lhs_hint = false} : vector<512x128xf32>, vector<128x64xf32>, vector<512x64xf32> -> vector<512x64xf32>
    %get3A_49 = arith.constant 0 : index
    %get3A_50 = arith.constant 0 : index
    %get3A_51 = vector.load %arg13[%get3A_49, %get3A_50] : memref<1x64xf32, #tpu.memory_space<vmem>>, vector<1x64xf32>
    %add3A_52 = vector.broadcast %get3A_51 : vector<1x64xf32> to vector<512x64xf32>
    %add3A_53 = arith.addf %dot_general3A_48, %add3A_52 : vector<512x64xf32>
    %get3A_54 = arith.constant 0 : index
    %get3A_55 = arith.constant 0 : index
    %get3A_56 = vector.load %arg14[%get3A_54, %get3A_55] : memref<128x64xf32, #tpu.memory_space<vmem>>, vector<128x64xf32>
    %dot_general3A_57 = arith.constant dense<0.000000e+00> : vector<512x64xf32>
    %dot_general3A_58 = tpu.matmul %add3A_33, %get3A_56, %dot_general3A_57 {dimension_numbers = #tpu.dot_dimension_numbers<[1], [0], [0], [1], [0, 0, 1, 1], [], []>, transpose_lhs_hint = false} : vector<512x128xf32>, vector<128x64xf32>, vector<512x64xf32> -> vector<512x64xf32>
    %get3A_59 = arith.constant 0 : index
    %get3A_60 = arith.constant 0 : index
    %get3A_61 = vector.load %arg15[%get3A_59, %get3A_60] : memref<1x64xf32, #tpu.memory_space<vmem>>, vector<1x64xf32>
    %add3A_62 = vector.broadcast %get3A_61 : vector<1x64xf32> to vector<512x64xf32>
    %add3A_63 = arith.addf %dot_general3A_58, %add3A_62 : vector<512x64xf32>
    %get3A_64 = arith.constant 0 : index
    %get3A_65 = arith.constant 0 : index
    %get3A_66 = vector.load %arg2[%get3A_64, %get3A_65] : memref<512x128xf32, #tpu.memory_space<vmem>>, vector<512x128xf32>
    %get3A_67 = arith.constant 0 : index
    %get3A_68 = arith.constant 0 : index
    %get3A_69 = vector.load %arg16[%get3A_67, %get3A_68] : memref<128x64xf32, #tpu.memory_space<vmem>>, vector<128x64xf32>
    %dot_general3A_70 = arith.constant dense<0.000000e+00> : vector<512x64xf32>
    %dot_general3A_71 = tpu.matmul %get3A_66, %get3A_69, %dot_general3A_70 {dimension_numbers = #tpu.dot_dimension_numbers<[1], [0], [0], [1], [0, 0, 1, 1], [], []>, transpose_lhs_hint = false} : vector<512x128xf32>, vector<128x64xf32>, vector<512x64xf32> -> vector<512x64xf32>
    %get3A_72 = arith.constant 0 : index
    %get3A_73 = arith.constant 0 : index
    %get3A_74 = vector.load %arg17[%get3A_72, %get3A_73] : memref<1x64xf32, #tpu.memory_space<vmem>>, vector<1x64xf32>
    %add3A_75 = vector.broadcast %get3A_74 : vector<1x64xf32> to vector<512x64xf32>
    %add3A_76 = arith.addf %dot_general3A_71, %add3A_75 : vector<512x64xf32>
    %add3A_77 = arith.addf %add3A_43, %add3A_76 : vector<512x64xf32>
    %sub3A = arith.subf %add3A_63, %add3A_76 : vector<512x64xf32>
    %concatenate3A = tpu.concatenate %add3A_77, %sub3A in 1 : vector<512x64xf32>, vector<512x64xf32> -> vector<512x128xf32>
    %swap3A = arith.constant 0 : index
    %swap3A_78 = arith.constant 0 : index
    %swap3A_79 = vector.load %arg18[%swap3A, %swap3A_78] : memref<512x128xf32, #tpu.memory_space<vmem>>, vector<512x128xf32>
    tpu.vector_store %arg18[%swap3A, %swap3A_78], %concatenate3A {strides = array<i32>} : memref<512x128xf32, #tpu.memory_space<vmem>>, vector<512x128xf32>,
    %add3A_80 = arith.addf %add3A_53, %add3A_76 : vector<512x64xf32>
    %get3A_81 = arith.constant 0 : index
    %get3A_82 = arith.constant 0 : index
    %get3A_83 = vector.load %arg3[%get3A_81, %get3A_82] : memref<512x16xf32, #tpu.memory_space<vmem>>, vector<512x16xf32>
    %concatenate3A_84 = tpu.concatenate %add3A_80, %add3A_76, %get3A_83 in 1 : vector<512x64xf32>, vector<512x64xf32>, vector<512x16xf32> -> vector<512x144xf32>
    %swap3A_85 = arith.constant 0 : index
    %swap3A_86 = arith.constant 0 : index
    %swap3A_87 = vector.load %arg19[%swap3A_85, %swap3A_86] : memref<512x144xf32, #tpu.memory_space<vmem>>, vector<512x144xf32>
    tpu.vector_store %arg19[%swap3A_85, %swap3A_86], %concatenate3A_84 {strides = array<i32>} : memref<512x144xf32, #tpu.memory_space<vmem>>, vector<512x144xf32>,
    %swap3A_88 = arith.constant 0 : index
    %swap3A_89 = arith.constant 0 : index
    %swap3A_90 = vector.load %arg20[%swap3A_88, %swap3A_89] : memref<512x128xf32, #tpu.memory_space<vmem>>, vector<512x128xf32>
    tpu.vector_store %arg20[%swap3A_88, %swap3A_89], %add3A_33 {strides = array<i32>} : memref<512x128xf32, #tpu.memory_space<vmem>>, vector<512x128xf32>,
    return
  }
  func.func @transform_0(%arg0: i32) -> (i32, i32) {
    %c0_i32 = arith.constant 0 : i32
    %c0_i32_0 = arith.constant 0 : i32
    return %arg0, %c0_i32 : i32, i32
  }
  func.func @transform_1(%arg0: i32) -> (i32, i32) {
    %c0_i32 = arith.constant 0 : i32
    %c0_i32_0 = arith.constant 0 : i32
    return %arg0, %c0_i32 : i32, i32
  }
  func.func @transform_2(%arg0: i32) -> (i32, i32) {
    %c0_i32 = arith.constant 0 : i32
    %c0_i32_0 = arith.constant 0 : i32
    return %arg0, %c0_i32 : i32, i32
  }
  func.func @transform_3(%arg0: i32) -> (i32, i32) {
    %c0_i32 = arith.constant 0 : i32
    %c0_i32_0 = arith.constant 0 : i32
    %c0_i32_1 = arith.constant 0 : i32
    return %c0_i32, %c0_i32_0 : i32, i32
  }
  func.func @transform_4(%arg0: i32) -> (i32, i32) {
    %c0_i32 = arith.constant 0 : i32
    %c0_i32_0 = arith.constant 0 : i32
    %c0_i32_1 = arith.constant 0 : i32
    return %c0_i32, %c0_i32_0 : i32, i32
  }
  func.func @transform_5(%arg0: i32) -> (i32, i32) {
    %c0_i32 = arith.constant 0 : i32
    %c0_i32_0 = arith.constant 0 : i32
    %c0_i32_1 = arith.constant 0 : i32
    return %c0_i32, %c0_i32_0 : i32, i32
  }
  func.func @transform_6(%arg0: i32) -> (i32, i32) {
    %c0_i32 = arith.constant 0 : i32
    %c0_i32_0 = arith.constant 0 : i32
    %c0_i32_1 = arith.constant 0 : i32
    return %c0_i32, %c0_i32_0 : i32, i32
  }
  func.func @transform_7(%arg0: i32) -> (i32, i32) {
    %c0_i32 = arith.constant 0 : i32
    %c0_i32_0 = arith.constant 0 : i32
    %c0_i32_1 = arith.constant 0 : i32
    return %c0_i32, %c0_i32_0 : i32, i32
  }
  func.func @transform_8(%arg0: i32) -> (i32, i32) {
    %c0_i32 = arith.constant 0 : i32
    %c0_i32_0 = arith.constant 0 : i32
    %c0_i32_1 = arith.constant 0 : i32
    return %c0_i32, %c0_i32_0 : i32, i32
  }
  func.func @transform_9(%arg0: i32) -> (i32, i32) {
    %c0_i32 = arith.constant 0 : i32
    %c0_i32_0 = arith.constant 0 : i32
    %c0_i32_1 = arith.constant 0 : i32
    return %c0_i32, %c0_i32_0 : i32, i32
  }
  func.func @transform_10(%arg0: i32) -> (i32, i32) {
    %c0_i32 = arith.constant 0 : i32
    %c0_i32_0 = arith.constant 0 : i32
    %c0_i32_1 = arith.constant 0 : i32
    return %c0_i32, %c0_i32_0 : i32, i32
  }
  func.func @transform_11(%arg0: i32) -> (i32, i32) {
    %c0_i32 = arith.constant 0 : i32
    %c0_i32_0 = arith.constant 0 : i32
    %c0_i32_1 = arith.constant 0 : i32
    return %c0_i32, %c0_i32_0 : i32, i32
  }
  func.func @transform_12(%arg0: i32) -> (i32, i32) {
    %c0_i32 = arith.constant 0 : i32
    %c0_i32_0 = arith.constant 0 : i32
    %c0_i32_1 = arith.constant 0 : i32
    return %c0_i32, %c0_i32_0 : i32, i32
  }
  func.func @transform_13(%arg0: i32) -> (i32, i32) {
    %c0_i32 = arith.constant 0 : i32
    %c0_i32_0 = arith.constant 0 : i32
    %c0_i32_1 = arith.constant 0 : i32
    return %c0_i32, %c0_i32_0 : i32, i32
  }
  func.func @transform_14(%arg0: i32) -> (i32, i32) {
    %c0_i32 = arith.constant 0 : i32
    %c0_i32_0 = arith.constant 0 : i32
    %c0_i32_1 = arith.constant 0 : i32
    return %c0_i32, %c0_i32_0 : i32, i32
  }
  func.func @transform_15(%arg0: i32) -> (i32, i32) {
    %c0_i32 = arith.constant 0 : i32
    %c0_i32_0 = arith.constant 0 : i32
    %c0_i32_1 = arith.constant 0 : i32
    return %c0_i32, %c0_i32_0 : i32, i32
  }
  func.func @transform_16(%arg0: i32) -> (i32, i32) {
    %c0_i32 = arith.constant 0 : i32
    %c0_i32_0 = arith.constant 0 : i32
    %c0_i32_1 = arith.constant 0 : i32
    return %c0_i32, %c0_i32_0 : i32, i32
  }
  func.func @transform_17(%arg0: i32) -> (i32, i32) {
    %c0_i32 = arith.constant 0 : i32
    %c0_i32_0 = arith.constant 0 : i32
    return %arg0, %c0_i32 : i32, i32
  }
  func.func @transform_18(%arg0: i32) -> (i32, i32) {
    %c0_i32 = arith.constant 0 : i32
    %c0_i32_0 = arith.constant 0 : i32
    return %arg0, %c0_i32 : i32, i32
  }
  func.func @transform_19(%arg0: i32) -> (i32, i32) {
    %c0_i32 = arith.constant 0 : i32
    %c0_i32_0 = arith.constant 0 : i32
    return %arg0, %c0_i32 : i32, i32
  }
}

module attributes {stable_mosaic.version = 14 : i64} {
  func.func @_attn_body(%arg0: i32, %arg1: i32, %arg2: memref<5120x128xf32, #tpu.memory_space<vmem>>, %arg3: memref<5120x128xf32, #tpu.memory_space<vmem>>, %arg4: memref<256x144xf32, #tpu.memory_space<vmem>>, %arg5: memref<256x128xf32, #tpu.memory_space<vmem>>, %arg6: memref<16x64xf32, #tpu.memory_space<vmem>>, %arg7: memref<1x64xf32, #tpu.memory_space<vmem>>, %arg8: memref<1x64xf32, #tpu.memory_space<vmem>>, %arg9: memref<1x64xf32, #tpu.memory_space<vmem>>, %arg10: memref<64x64xf32, #tpu.memory_space<vmem>>, %arg11: memref<1x64xf32, #tpu.memory_space<vmem>>, %arg12: memref<64x256xf32, #tpu.memory_space<vmem>>, %arg13: memref<1x256xf32, #tpu.memory_space<vmem>>, %arg14: memref<1x256xf32, #tpu.memory_space<vmem>>, %arg15: memref<1x256xf32, #tpu.memory_space<vmem>>, %arg16: memref<256x64xf32, #tpu.memory_space<vmem>>, %arg17: memref<256x64xf32, #tpu.memory_space<vmem>>, %arg18: memref<1x64xf32, #tpu.memory_space<vmem>>, %arg19: memref<64x128xf32, #tpu.memory_space<vmem>>, %arg20: memref<1x128xf32, #tpu.memory_space<vmem>>, %arg21: memref<512x128xf32, #tpu.memory_space<vmem>>, %arg22: memref<8x16xf32, #tpu.memory_space<vmem>>, %arg23: memref<16x16xf32, #tpu.memory_space<vmem>>, %arg24: memref<8x64xf32, #tpu.memory_space<vmem>>, %arg25: memref<64x64xf32, #tpu.memory_space<vmem>>) attributes {dimension_semantics = [#tpu.dimension_semantics<arbitrary>, #tpu.dimension_semantics<arbitrary>], iteration_bounds = array<i64: 3, 16>, scalar_prefetch = 0 : i64, scratch_operands = 4 : i64, tpu.core_type = #tpu.core_type<tc>, window_params = [{transform_indices = @transform_0, window_bounds = array<i64: 5120, 128>}, {transform_indices = @transform_1, window_bounds = array<i64: 5120, 128>}, {transform_indices = @transform_2, window_bounds = array<i64: 256, 144>}, {transform_indices = @transform_3, window_bounds = array<i64: 256, 128>}, {pipeline_mode = #tpu.pipeline_mode<synchronous>, transform_indices = @transform_4, window_bounds = array<i64: 16, 64>}, {pipeline_mode = #tpu.pipeline_mode<synchronous>, transform_indices = @transform_5, window_bounds = array<i64: 1, 64>}, {pipeline_mode = #tpu.pipeline_mode<synchronous>, transform_indices = @transform_6, window_bounds = array<i64: 1, 64>}, {pipeline_mode = #tpu.pipeline_mode<synchronous>, transform_indices = @transform_7, window_bounds = array<i64: 1, 64>}, {pipeline_mode = #tpu.pipeline_mode<synchronous>, transform_indices = @transform_8, window_bounds = array<i64: 64, 64>}, {pipeline_mode = #tpu.pipeline_mode<synchronous>, transform_indices = @transform_9, window_bounds = array<i64: 1, 64>}, {pipeline_mode = #tpu.pipeline_mode<synchronous>, transform_indices = @transform_10, window_bounds = array<i64: 64, 256>}, {pipeline_mode = #tpu.pipeline_mode<synchronous>, transform_indices = @transform_11, window_bounds = array<i64: 1, 256>}, {pipeline_mode = #tpu.pipeline_mode<synchronous>, transform_indices = @transform_12, window_bounds = array<i64: 1, 256>}, {pipeline_mode = #tpu.pipeline_mode<synchronous>, transform_indices = @transform_13, window_bounds = array<i64: 1, 256>}, {pipeline_mode = #tpu.pipeline_mode<synchronous>, transform_indices = @transform_14, window_bounds = array<i64: 256, 64>}, {pipeline_mode = #tpu.pipeline_mode<synchronous>, transform_indices = @transform_15, window_bounds = array<i64: 256, 64>}, {pipeline_mode = #tpu.pipeline_mode<synchronous>, transform_indices = @transform_16, window_bounds = array<i64: 1, 64>}, {pipeline_mode = #tpu.pipeline_mode<synchronous>, transform_indices = @transform_17, window_bounds = array<i64: 64, 128>}, {pipeline_mode = #tpu.pipeline_mode<synchronous>, transform_indices = @transform_18, window_bounds = array<i64: 1, 128>}, {transform_indices = @transform_19, window_bounds = array<i64: 512, 128>}]} {
    %get3A = arith.constant 0 : index
    %get3A_0 = arith.constant 0 : index
    %get3A_1 = vector.load %arg2[%get3A, %get3A_0] : memref<5120x128xf32, #tpu.memory_space<vmem>>, vector<5120x128xf32>
    %get3A_2 = arith.constant 0 : index
    %get3A_3 = arith.constant 0 : index
    %get3A_4 = vector.load %arg4[%get3A_2, %get3A_3] : memref<256x144xf32, #tpu.memory_space<vmem>>, vector<256x144xf32>
    %slice3A = vector.extract_strided_slice %get3A_4 {offsets = [0, 128], sizes = [256, 16], strides = [1, 1]} : vector<256x144xf32> to vector<256x16xf32>
    %broadcast_in_dim3A = vector.shape_cast %slice3A : vector<256x16xf32> to vector<256x1x16xf32>
    %broadcast_in_dim3A_5 = vector.shape_cast %broadcast_in_dim3A : vector<256x1x16xf32> to vector<256x1x16xf32>
    %broadcast_in_dim3A_6 = vector.broadcast %broadcast_in_dim3A_5 : vector<256x1x16xf32> to vector<256x20x16xf32>
    %reshape3A = vector.shape_cast %broadcast_in_dim3A_6 : vector<256x20x16xf32> to vector<5120x16xf32>
    %get3A_7 = arith.constant 0 : index
    %get3A_8 = arith.constant 0 : index
    %get3A_9 = vector.load %arg3[%get3A_7, %get3A_8] : memref<5120x128xf32, #tpu.memory_space<vmem>>, vector<5120x128xf32>
    %slice3A_10 = vector.extract_strided_slice %get3A_9 {offsets = [0, 0], sizes = [5120, 16], strides = [1, 1]} : vector<5120x128xf32> to vector<5120x16xf32>
    %sub3A = arith.subf %reshape3A, %slice3A_10 : vector<5120x16xf32>
    %eq3A = arith.constant 0 : i32
    %eq3A_11 = arith.cmpi eq, %arg0, %eq3A : i32
    %eq3A_12 = arith.constant 0 : i32
    %eq3A_13 = arith.cmpi eq, %arg1, %eq3A_12 : i32
    %and3A = arith.andi %eq3A_11, %eq3A_13 : i1
    %convert_element_type3A = arith.extui %and3A : i1 to i32
    %cond3A = arith.constant 0 : i32
    %cond3A_14 = arith.cmpi ne, %convert_element_type3A, %cond3A : i32
    scf.if %cond3A_14 {
      %broadcast_in_dim3A_30 = arith.constant 0.000000e+00 : f32
      %broadcast_in_dim3A_31 = vector.broadcast %broadcast_in_dim3A_30 : f32 to vector<8x16xf32>
      %swap3A = arith.constant 0 : index
      %swap3A_32 = arith.constant 0 : index
      %swap3A_33 = vector.load %arg22[%swap3A, %swap3A_32] : memref<8x16xf32, #tpu.memory_space<vmem>>, vector<8x16xf32>
      tpu.vector_store %arg22[%swap3A, %swap3A_32], %broadcast_in_dim3A_31 {strides = array<i32>} : memref<8x16xf32, #tpu.memory_space<vmem>>, vector<8x16xf32>,
      %broadcast_in_dim3A_34 = arith.constant 0.000000e+00 : f32
      %broadcast_in_dim3A_35 = vector.broadcast %broadcast_in_dim3A_34 : f32 to vector<16x16xf32>
      %swap3A_36 = arith.constant 0 : index
      %swap3A_37 = arith.constant 0 : index
      %swap3A_38 = vector.load %arg23[%swap3A_36, %swap3A_37] : memref<16x16xf32, #tpu.memory_space<vmem>>, vector<16x16xf32>
      tpu.vector_store %arg23[%swap3A_36, %swap3A_37], %broadcast_in_dim3A_35 {strides = array<i32>} : memref<16x16xf32, #tpu.memory_space<vmem>>, vector<16x16xf32>,
      %broadcast_in_dim3A_39 = arith.constant 0.000000e+00 : f32
      %broadcast_in_dim3A_40 = vector.broadcast %broadcast_in_dim3A_39 : f32 to vector<8x64xf32>
      %swap3A_41 = arith.constant 0 : index
      %swap3A_42 = arith.constant 0 : index
      %swap3A_43 = vector.load %arg24[%swap3A_41, %swap3A_42] : memref<8x64xf32, #tpu.memory_space<vmem>>, vector<8x64xf32>
      tpu.vector_store %arg24[%swap3A_41, %swap3A_42], %broadcast_in_dim3A_40 {strides = array<i32>} : memref<8x64xf32, #tpu.memory_space<vmem>>, vector<8x64xf32>,
      %broadcast_in_dim3A_44 = arith.constant 0.000000e+00 : f32
      %broadcast_in_dim3A_45 = vector.broadcast %broadcast_in_dim3A_44 : f32 to vector<64x64xf32>
      %swap3A_46 = arith.constant 0 : index
      %swap3A_47 = arith.constant 0 : index
      %swap3A_48 = vector.load %arg25[%swap3A_46, %swap3A_47] : memref<64x64xf32, #tpu.memory_space<vmem>>, vector<64x64xf32>
      tpu.vector_store %arg25[%swap3A_46, %swap3A_47], %broadcast_in_dim3A_45 {strides = array<i32>} : memref<64x64xf32, #tpu.memory_space<vmem>>, vector<64x64xf32>,
    } else {
    }
    %eq3A_15 = arith.constant 0 : i32
    %eq3A_16 = arith.cmpi eq, %arg0, %eq3A_15 : i32
    %convert_element_type3A_17 = arith.extui %eq3A_16 : i1 to i32
    %cond3A_18 = arith.constant 0 : i32
    %cond3A_19 = arith.cmpi ne, %convert_element_type3A_17, %cond3A_18 : i32
    scf.if %cond3A_19 {
      %get3A_30 = arith.constant 0 : index
      %get3A_31 = arith.constant 0 : index
      %get3A_32 = vector.load %arg22[%get3A_30, %get3A_31] : memref<8x16xf32, #tpu.memory_space<vmem>>, vector<1x16xf32>
      %reduce_sum3A = arith.constant dense<0.000000e+00> : vector<16xf32>
      %reduce_sum3A_33 = vector.multi_reduction <add>, %sub3A, %reduce_sum3A [0] : vector<5120x16xf32> to vector<16xf32>
      %broadcast_in_dim3A_34 = vector.shape_cast %reduce_sum3A_33 : vector<16xf32> to vector<1x16xf32>
      %add3A = arith.addf %get3A_32, %broadcast_in_dim3A_34 : vector<1x16xf32>
      %swap3A = arith.constant 0 : index
      %swap3A_35 = arith.constant 0 : index
      %swap3A_36 = vector.load %arg22[%swap3A, %swap3A_35] : memref<8x16xf32, #tpu.memory_space<vmem>>, vector<1x16xf32>
      tpu.vector_store %arg22[%swap3A, %swap3A_35], %add3A {strides = array<i32>} : memref<8x16xf32, #tpu.memory_space<vmem>>, vector<1x16xf32>,
      %get3A_37 = arith.constant 0 : index
      %get3A_38 = arith.constant 0 : index
      %get3A_39 = vector.load %arg23[%get3A_37, %get3A_38] : memref<16x16xf32, #tpu.memory_space<vmem>>, vector<16x16xf32>
      %dot_general3A = arith.constant dense<0.000000e+00> : vector<16x16xf32>
      %dot_general3A_40 = tpu.matmul %sub3A, %sub3A, %dot_general3A {dimension_numbers = #tpu.dot_dimension_numbers<[0], [0], [1], [1], [0, 1, 1, 1], [], []>, transpose_lhs_hint = false} : vector<5120x16xf32>, vector<5120x16xf32>, vector<16x16xf32> -> vector<16x16xf32>
      %add3A_41 = arith.addf %get3A_39, %dot_general3A_40 : vector<16x16xf32>
      %swap3A_42 = arith.constant 0 : index
      %swap3A_43 = arith.constant 0 : index
      %swap3A_44 = vector.load %arg23[%swap3A_42, %swap3A_43] : memref<16x16xf32, #tpu.memory_space<vmem>>, vector<16x16xf32>
      tpu.vector_store %arg23[%swap3A_42, %swap3A_43], %add3A_41 {strides = array<i32>} : memref<16x16xf32, #tpu.memory_space<vmem>>, vector<16x16xf32>,
    } else {
    }
    %eq3A_20 = arith.constant 1 : i32
    %eq3A_21 = arith.cmpi eq, %arg0, %eq3A_20 : i32
    %convert_element_type3A_22 = arith.extui %eq3A_21 : i1 to i32
    %cond3A_23 = arith.constant 0 : i32
    %cond3A_24 = arith.cmpi ne, %convert_element_type3A_22, %cond3A_23 : i32
    scf.if %cond3A_24 {
      %get3A_30 = arith.constant 0 : index
      %get3A_31 = arith.constant 0 : index
      %get3A_32 = vector.load %arg22[%get3A_30, %get3A_31] : memref<8x16xf32, #tpu.memory_space<vmem>>, vector<1x16xf32>
      %div3A = arith.constant 8.192000e+04 : f32
      %div3A_33 = vector.broadcast %div3A : f32 to vector<1x16xf32>
      %div3A_34 = arith.divf %get3A_32, %div3A_33 : vector<1x16xf32>
      %get3A_35 = arith.constant 0 : index
      %get3A_36 = arith.constant 0 : index
      %get3A_37 = vector.load %arg23[%get3A_35, %get3A_36] : memref<16x16xf32, #tpu.memory_space<vmem>>, vector<16x16xf32>
      %div3A_38 = arith.constant 8.192000e+04 : f32
      %div3A_39 = vector.broadcast %div3A_38 : f32 to vector<16x16xf32>
      %div3A_40 = arith.divf %get3A_37, %div3A_39 : vector<16x16xf32>
      %dot_general3A = arith.constant dense<0.000000e+00> : vector<16x16xf32>
      %dot_general3A_41 = tpu.matmul %div3A_34, %div3A_34, %dot_general3A {dimension_numbers = #tpu.dot_dimension_numbers<[0], [0], [1], [1], [0, 1, 1, 1], [], []>, transpose_lhs_hint = false} : vector<1x16xf32>, vector<1x16xf32>, vector<16x16xf32> -> vector<16x16xf32>
      %sub3A_42 = arith.subf %div3A_40, %dot_general3A_41 : vector<16x16xf32>
      %get3A_43 = arith.constant 0 : index
      %get3A_44 = arith.constant 0 : index
      %get3A_45 = vector.load %arg6[%get3A_43, %get3A_44] : memref<16x64xf32, #tpu.memory_space<vmem>>, vector<16x64xf32>
      %dot_general3A_46 = arith.constant dense<0.000000e+00> : vector<1x64xf32>
      %dot_general3A_47 = tpu.matmul %div3A_34, %get3A_45, %dot_general3A_46 {dimension_numbers = #tpu.dot_dimension_numbers<[1], [0], [0], [1], [0, 0, 1, 1], [], []>, transpose_lhs_hint = false} : vector<1x16xf32>, vector<16x64xf32>, vector<1x64xf32> -> vector<1x64xf32>
      %get3A_48 = arith.constant 0 : index
      %get3A_49 = arith.constant 0 : index
      %get3A_50 = vector.load %arg7[%get3A_48, %get3A_49] : memref<1x64xf32, #tpu.memory_space<vmem>>, vector<1x64xf32>
      %add3A = arith.addf %dot_general3A_47, %get3A_50 : vector<1x64xf32>
      %get3A_51 = arith.constant 0 : index
      %get3A_52 = arith.constant 0 : index
      %get3A_53 = vector.load %arg6[%get3A_51, %get3A_52] : memref<16x64xf32, #tpu.memory_space<vmem>>, vector<16x64xf32>
      %dot_general3A_54 = arith.constant dense<0.000000e+00> : vector<16x64xf32>
      %dot_general3A_55 = tpu.matmul %sub3A_42, %get3A_53, %dot_general3A_54 {dimension_numbers = #tpu.dot_dimension_numbers<[1], [0], [0], [1], [0, 0, 1, 1], [], []>, transpose_lhs_hint = false} : vector<16x16xf32>, vector<16x64xf32>, vector<16x64xf32> -> vector<16x64xf32>
      %get3A_56 = arith.constant 0 : index
      %get3A_57 = arith.constant 0 : index
      %get3A_58 = vector.load %arg6[%get3A_56, %get3A_57] : memref<16x64xf32, #tpu.memory_space<vmem>>, vector<16x64xf32>
      %mul3A = arith.mulf %dot_general3A_55, %get3A_58 : vector<16x64xf32>
      %reduce_sum3A = arith.constant dense<0.000000e+00> : vector<64xf32>
      %reduce_sum3A_59 = vector.multi_reduction <add>, %mul3A, %reduce_sum3A [0] : vector<16x64xf32> to vector<64xf32>
      %broadcast_in_dim3A_60 = vector.shape_cast %reduce_sum3A_59 : vector<64xf32> to vector<1x64xf32>
      %get3A_61 = arith.constant 0 : index
      %get3A_62 = arith.constant 0 : index
      %get3A_63 = vector.load %arg6[%get3A_61, %get3A_62] : memref<16x64xf32, #tpu.memory_space<vmem>>, vector<16x64xf32>
      %dot_general3A_64 = arith.constant dense<0.000000e+00> : vector<5120x64xf32>
      %dot_general3A_65 = tpu.matmul %sub3A, %get3A_63, %dot_general3A_64 {dimension_numbers = #tpu.dot_dimension_numbers<[1], [0], [0], [1], [0, 0, 1, 1], [], []>, transpose_lhs_hint = false} : vector<5120x16xf32>, vector<16x64xf32>, vector<5120x64xf32> -> vector<5120x64xf32>
      %get3A_66 = arith.constant 0 : index
      %get3A_67 = arith.constant 0 : index
      %get3A_68 = vector.load %arg7[%get3A_66, %get3A_67] : memref<1x64xf32, #tpu.memory_space<vmem>>, vector<1x64xf32>
      %add3A_69 = vector.broadcast %get3A_68 : vector<1x64xf32> to vector<5120x64xf32>
      %add3A_70 = arith.addf %dot_general3A_65, %add3A_69 : vector<5120x64xf32>
      %sub3A_71 = vector.broadcast %add3A : vector<1x64xf32> to vector<5120x64xf32>
      %sub3A_72 = arith.subf %add3A_70, %sub3A_71 : vector<5120x64xf32>
      %add3A_73 = arith.constant 9.99999974E-6 : f32
      %add3A_74 = vector.broadcast %add3A_73 : f32 to vector<1x64xf32>
      %add3A_75 = arith.addf %broadcast_in_dim3A_60, %add3A_74 : vector<1x64xf32>
      %rsqrt3A = math.rsqrt %add3A_75 : vector<1x64xf32>
      %mul3A_76 = vector.broadcast %rsqrt3A : vector<1x64xf32> to vector<5120x64xf32>
      %mul3A_77 = arith.mulf %sub3A_72, %mul3A_76 : vector<5120x64xf32>
      %get3A_78 = arith.constant 0 : index
      %get3A_79 = arith.constant 0 : index
      %get3A_80 = vector.load %arg8[%get3A_78, %get3A_79] : memref<1x64xf32, #tpu.memory_space<vmem>>, vector<1x64xf32>
      %mul3A_81 = vector.broadcast %get3A_80 : vector<1x64xf32> to vector<5120x64xf32>
      %mul3A_82 = arith.mulf %mul3A_77, %mul3A_81 : vector<5120x64xf32>
      %get3A_83 = arith.constant 0 : index
      %get3A_84 = arith.constant 0 : index
      %get3A_85 = vector.load %arg9[%get3A_83, %get3A_84] : memref<1x64xf32, #tpu.memory_space<vmem>>, vector<1x64xf32>
      %add3A_86 = vector.broadcast %get3A_85 : vector<1x64xf32> to vector<5120x64xf32>
      %add3A_87 = arith.addf %mul3A_82, %add3A_86 : vector<5120x64xf32>
      %max3A = arith.constant 0.000000e+00 : f32
      %max3A_88 = vector.broadcast %max3A : f32 to vector<5120x64xf32>
      %max3A_89 = arith.maximumf %add3A_87, %max3A_88 : vector<5120x64xf32>
      %get3A_90 = arith.constant 0 : index
      %get3A_91 = arith.constant 0 : index
      %get3A_92 = vector.load %arg10[%get3A_90, %get3A_91] : memref<64x64xf32, #tpu.memory_space<vmem>>, vector<64x64xf32>
      %dot_general3A_93 = arith.constant dense<0.000000e+00> : vector<5120x64xf32>
      %dot_general3A_94 = tpu.matmul %max3A_89, %get3A_92, %dot_general3A_93 {dimension_numbers = #tpu.dot_dimension_numbers<[1], [0], [0], [1], [0, 0, 1, 1], [], []>, transpose_lhs_hint = false} : vector<5120x64xf32>, vector<64x64xf32>, vector<5120x64xf32> -> vector<5120x64xf32>
      %get3A_95 = arith.constant 0 : index
      %get3A_96 = arith.constant 0 : index
      %get3A_97 = vector.load %arg11[%get3A_95, %get3A_96] : memref<1x64xf32, #tpu.memory_space<vmem>>, vector<1x64xf32>
      %add3A_98 = vector.broadcast %get3A_97 : vector<1x64xf32> to vector<5120x64xf32>
      %add3A_99 = arith.addf %dot_general3A_94, %add3A_98 : vector<5120x64xf32>
      %slice3A_100 = vector.extract_strided_slice %get3A_4 {offsets = [0, 0], sizes = [256, 64], strides = [1, 1]} : vector<256x144xf32> to vector<256x64xf32>
      %broadcast_in_dim3A_101 = vector.shape_cast %slice3A_100 : vector<256x64xf32> to vector<256x1x64xf32>
      %broadcast_in_dim3A_102 = vector.shape_cast %broadcast_in_dim3A_101 : vector<256x1x64xf32> to vector<256x1x64xf32>
      %broadcast_in_dim3A_103 = vector.broadcast %broadcast_in_dim3A_102 : vector<256x1x64xf32> to vector<256x20x64xf32>
      %reshape3A_104 = vector.shape_cast %broadcast_in_dim3A_103 : vector<256x20x64xf32> to vector<5120x64xf32>
      %slice3A_105 = vector.extract_strided_slice %get3A_1 {offsets = [0, 0], sizes = [5120, 64], strides = [1, 1]} : vector<5120x128xf32> to vector<5120x64xf32>
      %sub3A_106 = arith.subf %reshape3A_104, %slice3A_105 : vector<5120x64xf32>
      %add3A_107 = arith.addf %sub3A_106, %add3A_99 : vector<5120x64xf32>
      %get3A_108 = arith.constant 0 : index
      %get3A_109 = arith.constant 0 : index
      %get3A_110 = vector.load %arg24[%get3A_108, %get3A_109] : memref<8x64xf32, #tpu.memory_space<vmem>>, vector<1x64xf32>
      %reduce_sum3A_111 = arith.constant dense<0.000000e+00> : vector<64xf32>
      %reduce_sum3A_112 = vector.multi_reduction <add>, %add3A_107, %reduce_sum3A_111 [0] : vector<5120x64xf32> to vector<64xf32>
      %broadcast_in_dim3A_113 = vector.shape_cast %reduce_sum3A_112 : vector<64xf32> to vector<1x64xf32>
      %add3A_114 = arith.addf %get3A_110, %broadcast_in_dim3A_113 : vector<1x64xf32>
      %swap3A = arith.constant 0 : index
      %swap3A_115 = arith.constant 0 : index
      %swap3A_116 = vector.load %arg24[%swap3A, %swap3A_115] : memref<8x64xf32, #tpu.memory_space<vmem>>, vector<1x64xf32>
      tpu.vector_store %arg24[%swap3A, %swap3A_115], %add3A_114 {strides = array<i32>} : memref<8x64xf32, #tpu.memory_space<vmem>>, vector<1x64xf32>,
      %get3A_117 = arith.constant 0 : index
      %get3A_118 = arith.constant 0 : index
      %get3A_119 = vector.load %arg25[%get3A_117, %get3A_118] : memref<64x64xf32, #tpu.memory_space<vmem>>, vector<64x64xf32>
      %dot_general3A_120 = arith.constant dense<0.000000e+00> : vector<64x64xf32>
      %dot_general3A_121 = tpu.matmul %add3A_107, %add3A_107, %dot_general3A_120 {dimension_numbers = #tpu.dot_dimension_numbers<[0], [0], [1], [1], [0, 1, 1, 1], [], []>, transpose_lhs_hint = false} : vector<5120x64xf32>, vector<5120x64xf32>, vector<64x64xf32> -> vector<64x64xf32>
      %add3A_122 = arith.addf %get3A_119, %dot_general3A_121 : vector<64x64xf32>
      %swap3A_123 = arith.constant 0 : index
      %swap3A_124 = arith.constant 0 : index
      %swap3A_125 = vector.load %arg25[%swap3A_123, %swap3A_124] : memref<64x64xf32, #tpu.memory_space<vmem>>, vector<64x64xf32>
      tpu.vector_store %arg25[%swap3A_123, %swap3A_124], %add3A_122 {strides = array<i32>} : memref<64x64xf32, #tpu.memory_space<vmem>>, vector<64x64xf32>,
    } else {
    }
    %eq3A_25 = arith.constant 2 : i32
    %eq3A_26 = arith.cmpi eq, %arg0, %eq3A_25 : i32
    %convert_element_type3A_27 = arith.extui %eq3A_26 : i1 to i32
    %cond3A_28 = arith.constant 0 : i32
    %cond3A_29 = arith.cmpi ne, %convert_element_type3A_27, %cond3A_28 : i32
    scf.if %cond3A_29 {
      %get3A_30 = arith.constant 0 : index
      %get3A_31 = arith.constant 0 : index
      %get3A_32 = vector.load %arg22[%get3A_30, %get3A_31] : memref<8x16xf32, #tpu.memory_space<vmem>>, vector<1x16xf32>
      %div3A = arith.constant 8.192000e+04 : f32
      %div3A_33 = vector.broadcast %div3A : f32 to vector<1x16xf32>
      %div3A_34 = arith.divf %get3A_32, %div3A_33 : vector<1x16xf32>
      %get3A_35 = arith.constant 0 : index
      %get3A_36 = arith.constant 0 : index
      %get3A_37 = vector.load %arg23[%get3A_35, %get3A_36] : memref<16x16xf32, #tpu.memory_space<vmem>>, vector<16x16xf32>
      %div3A_38 = arith.constant 8.192000e+04 : f32
      %div3A_39 = vector.broadcast %div3A_38 : f32 to vector<16x16xf32>
      %div3A_40 = arith.divf %get3A_37, %div3A_39 : vector<16x16xf32>
      %dot_general3A = arith.constant dense<0.000000e+00> : vector<16x16xf32>
      %dot_general3A_41 = tpu.matmul %div3A_34, %div3A_34, %dot_general3A {dimension_numbers = #tpu.dot_dimension_numbers<[0], [0], [1], [1], [0, 1, 1, 1], [], []>, transpose_lhs_hint = false} : vector<1x16xf32>, vector<1x16xf32>, vector<16x16xf32> -> vector<16x16xf32>
      %sub3A_42 = arith.subf %div3A_40, %dot_general3A_41 : vector<16x16xf32>
      %get3A_43 = arith.constant 0 : index
      %get3A_44 = arith.constant 0 : index
      %get3A_45 = vector.load %arg6[%get3A_43, %get3A_44] : memref<16x64xf32, #tpu.memory_space<vmem>>, vector<16x64xf32>
      %dot_general3A_46 = arith.constant dense<0.000000e+00> : vector<1x64xf32>
      %dot_general3A_47 = tpu.matmul %div3A_34, %get3A_45, %dot_general3A_46 {dimension_numbers = #tpu.dot_dimension_numbers<[1], [0], [0], [1], [0, 0, 1, 1], [], []>, transpose_lhs_hint = false} : vector<1x16xf32>, vector<16x64xf32>, vector<1x64xf32> -> vector<1x64xf32>
      %get3A_48 = arith.constant 0 : index
      %get3A_49 = arith.constant 0 : index
      %get3A_50 = vector.load %arg7[%get3A_48, %get3A_49] : memref<1x64xf32, #tpu.memory_space<vmem>>, vector<1x64xf32>
      %add3A = arith.addf %dot_general3A_47, %get3A_50 : vector<1x64xf32>
      %get3A_51 = arith.constant 0 : index
      %get3A_52 = arith.constant 0 : index
      %get3A_53 = vector.load %arg6[%get3A_51, %get3A_52] : memref<16x64xf32, #tpu.memory_space<vmem>>, vector<16x64xf32>
      %dot_general3A_54 = arith.constant dense<0.000000e+00> : vector<16x64xf32>
      %dot_general3A_55 = tpu.matmul %sub3A_42, %get3A_53, %dot_general3A_54 {dimension_numbers = #tpu.dot_dimension_numbers<[1], [0], [0], [1], [0, 0, 1, 1], [], []>, transpose_lhs_hint = false} : vector<16x16xf32>, vector<16x64xf32>, vector<16x64xf32> -> vector<16x64xf32>
      %get3A_56 = arith.constant 0 : index
      %get3A_57 = arith.constant 0 : index
      %get3A_58 = vector.load %arg6[%get3A_56, %get3A_57] : memref<16x64xf32, #tpu.memory_space<vmem>>, vector<16x64xf32>
      %mul3A = arith.mulf %dot_general3A_55, %get3A_58 : vector<16x64xf32>
      %reduce_sum3A = arith.constant dense<0.000000e+00> : vector<64xf32>
      %reduce_sum3A_59 = vector.multi_reduction <add>, %mul3A, %reduce_sum3A [0] : vector<16x64xf32> to vector<64xf32>
      %broadcast_in_dim3A_60 = vector.shape_cast %reduce_sum3A_59 : vector<64xf32> to vector<1x64xf32>
      %get3A_61 = arith.constant 0 : index
      %get3A_62 = arith.constant 0 : index
      %get3A_63 = vector.load %arg6[%get3A_61, %get3A_62] : memref<16x64xf32, #tpu.memory_space<vmem>>, vector<16x64xf32>
      %dot_general3A_64 = arith.constant dense<0.000000e+00> : vector<5120x64xf32>
      %dot_general3A_65 = tpu.matmul %sub3A, %get3A_63, %dot_general3A_64 {dimension_numbers = #tpu.dot_dimension_numbers<[1], [0], [0], [1], [0, 0, 1, 1], [], []>, transpose_lhs_hint = false} : vector<5120x16xf32>, vector<16x64xf32>, vector<5120x64xf32> -> vector<5120x64xf32>
      %get3A_66 = arith.constant 0 : index
      %get3A_67 = arith.constant 0 : index
      %get3A_68 = vector.load %arg7[%get3A_66, %get3A_67] : memref<1x64xf32, #tpu.memory_space<vmem>>, vector<1x64xf32>
      %add3A_69 = vector.broadcast %get3A_68 : vector<1x64xf32> to vector<5120x64xf32>
      %add3A_70 = arith.addf %dot_general3A_65, %add3A_69 : vector<5120x64xf32>
      %sub3A_71 = vector.broadcast %add3A : vector<1x64xf32> to vector<5120x64xf32>
      %sub3A_72 = arith.subf %add3A_70, %sub3A_71 : vector<5120x64xf32>
      %add3A_73 = arith.constant 9.99999974E-6 : f32
      %add3A_74 = vector.broadcast %add3A_73 : f32 to vector<1x64xf32>
      %add3A_75 = arith.addf %broadcast_in_dim3A_60, %add3A_74 : vector<1x64xf32>
      %rsqrt3A = math.rsqrt %add3A_75 : vector<1x64xf32>
      %mul3A_76 = vector.broadcast %rsqrt3A : vector<1x64xf32> to vector<5120x64xf32>
      %mul3A_77 = arith.mulf %sub3A_72, %mul3A_76 : vector<5120x64xf32>
      %get3A_78 = arith.constant 0 : index
      %get3A_79 = arith.constant 0 : index
      %get3A_80 = vector.load %arg8[%get3A_78, %get3A_79] : memref<1x64xf32, #tpu.memory_space<vmem>>, vector<1x64xf32>
      %mul3A_81 = vector.broadcast %get3A_80 : vector<1x64xf32> to vector<5120x64xf32>
      %mul3A_82 = arith.mulf %mul3A_77, %mul3A_81 : vector<5120x64xf32>
      %get3A_83 = arith.constant 0 : index
      %get3A_84 = arith.constant 0 : index
      %get3A_85 = vector.load %arg9[%get3A_83, %get3A_84] : memref<1x64xf32, #tpu.memory_space<vmem>>, vector<1x64xf32>
      %add3A_86 = vector.broadcast %get3A_85 : vector<1x64xf32> to vector<5120x64xf32>
      %add3A_87 = arith.addf %mul3A_82, %add3A_86 : vector<5120x64xf32>
      %max3A = arith.constant 0.000000e+00 : f32
      %max3A_88 = vector.broadcast %max3A : f32 to vector<5120x64xf32>
      %max3A_89 = arith.maximumf %add3A_87, %max3A_88 : vector<5120x64xf32>
      %get3A_90 = arith.constant 0 : index
      %get3A_91 = arith.constant 0 : index
      %get3A_92 = vector.load %arg10[%get3A_90, %get3A_91] : memref<64x64xf32, #tpu.memory_space<vmem>>, vector<64x64xf32>
      %dot_general3A_93 = arith.constant dense<0.000000e+00> : vector<5120x64xf32>
      %dot_general3A_94 = tpu.matmul %max3A_89, %get3A_92, %dot_general3A_93 {dimension_numbers = #tpu.dot_dimension_numbers<[1], [0], [0], [1], [0, 0, 1, 1], [], []>, transpose_lhs_hint = false} : vector<5120x64xf32>, vector<64x64xf32>, vector<5120x64xf32> -> vector<5120x64xf32>
      %get3A_95 = arith.constant 0 : index
      %get3A_96 = arith.constant 0 : index
      %get3A_97 = vector.load %arg11[%get3A_95, %get3A_96] : memref<1x64xf32, #tpu.memory_space<vmem>>, vector<1x64xf32>
      %add3A_98 = vector.broadcast %get3A_97 : vector<1x64xf32> to vector<5120x64xf32>
      %add3A_99 = arith.addf %dot_general3A_94, %add3A_98 : vector<5120x64xf32>
      %slice3A_100 = vector.extract_strided_slice %get3A_4 {offsets = [0, 0], sizes = [256, 64], strides = [1, 1]} : vector<256x144xf32> to vector<256x64xf32>
      %broadcast_in_dim3A_101 = vector.shape_cast %slice3A_100 : vector<256x64xf32> to vector<256x1x64xf32>
      %broadcast_in_dim3A_102 = vector.shape_cast %broadcast_in_dim3A_101 : vector<256x1x64xf32> to vector<256x1x64xf32>
      %broadcast_in_dim3A_103 = vector.broadcast %broadcast_in_dim3A_102 : vector<256x1x64xf32> to vector<256x20x64xf32>
      %reshape3A_104 = vector.shape_cast %broadcast_in_dim3A_103 : vector<256x20x64xf32> to vector<5120x64xf32>
      %slice3A_105 = vector.extract_strided_slice %get3A_1 {offsets = [0, 0], sizes = [5120, 64], strides = [1, 1]} : vector<5120x128xf32> to vector<5120x64xf32>
      %sub3A_106 = arith.subf %reshape3A_104, %slice3A_105 : vector<5120x64xf32>
      %add3A_107 = arith.addf %sub3A_106, %add3A_99 : vector<5120x64xf32>
      %get3A_108 = arith.constant 0 : index
      %get3A_109 = arith.constant 0 : index
      %get3A_110 = vector.load %arg12[%get3A_108, %get3A_109] : memref<64x256xf32, #tpu.memory_space<vmem>>, vector<64x256xf32>
      %dot_general3A_111 = arith.constant dense<0.000000e+00> : vector<5120x256xf32>
      %dot_general3A_112 = tpu.matmul %add3A_107, %get3A_110, %dot_general3A_111 {dimension_numbers = #tpu.dot_dimension_numbers<[1], [0], [0], [1], [0, 0, 1, 1], [], []>, transpose_lhs_hint = false} : vector<5120x64xf32>, vector<64x256xf32>, vector<5120x256xf32> -> vector<5120x256xf32>
      %get3A_113 = arith.constant 0 : index
      %get3A_114 = arith.constant 0 : index
      %get3A_115 = vector.load %arg13[%get3A_113, %get3A_114] : memref<1x256xf32, #tpu.memory_space<vmem>>, vector<1x256xf32>
      %add3A_116 = vector.broadcast %get3A_115 : vector<1x256xf32> to vector<5120x256xf32>
      %add3A_117 = arith.addf %dot_general3A_112, %add3A_116 : vector<5120x256xf32>
      %get3A_118 = arith.constant 0 : index
      %get3A_119 = arith.constant 0 : index
      %get3A_120 = vector.load %arg24[%get3A_118, %get3A_119] : memref<8x64xf32, #tpu.memory_space<vmem>>, vector<1x64xf32>
      %div3A_121 = arith.constant 8.192000e+04 : f32
      %div3A_122 = vector.broadcast %div3A_121 : f32 to vector<1x64xf32>
      %div3A_123 = arith.divf %get3A_120, %div3A_122 : vector<1x64xf32>
      %get3A_124 = arith.constant 0 : index
      %get3A_125 = arith.constant 0 : index
      %get3A_126 = vector.load %arg25[%get3A_124, %get3A_125] : memref<64x64xf32, #tpu.memory_space<vmem>>, vector<64x64xf32>
      %div3A_127 = arith.constant 8.192000e+04 : f32
      %div3A_128 = vector.broadcast %div3A_127 : f32 to vector<64x64xf32>
      %div3A_129 = arith.divf %get3A_126, %div3A_128 : vector<64x64xf32>
      %dot_general3A_130 = arith.constant dense<0.000000e+00> : vector<64x64xf32>
      %dot_general3A_131 = tpu.matmul %div3A_123, %div3A_123, %dot_general3A_130 {dimension_numbers = #tpu.dot_dimension_numbers<[0], [0], [1], [1], [0, 1, 1, 1], [], []>, transpose_lhs_hint = false} : vector<1x64xf32>, vector<1x64xf32>, vector<64x64xf32> -> vector<64x64xf32>
      %sub3A_132 = arith.subf %div3A_129, %dot_general3A_131 : vector<64x64xf32>
      %get3A_133 = arith.constant 0 : index
      %get3A_134 = arith.constant 0 : index
      %get3A_135 = vector.load %arg12[%get3A_133, %get3A_134] : memref<64x256xf32, #tpu.memory_space<vmem>>, vector<64x256xf32>
      %dot_general3A_136 = arith.constant dense<0.000000e+00> : vector<1x256xf32>
      %dot_general3A_137 = tpu.matmul %div3A_123, %get3A_135, %dot_general3A_136 {dimension_numbers = #tpu.dot_dimension_numbers<[1], [0], [0], [1], [0, 0, 1, 1], [], []>, transpose_lhs_hint = false} : vector<1x64xf32>, vector<64x256xf32>, vector<1x256xf32> -> vector<1x256xf32>
      %get3A_138 = arith.constant 0 : index
      %get3A_139 = arith.constant 0 : index
      %get3A_140 = vector.load %arg13[%get3A_138, %get3A_139] : memref<1x256xf32, #tpu.memory_space<vmem>>, vector<1x256xf32>
      %add3A_141 = arith.addf %dot_general3A_137, %get3A_140 : vector<1x256xf32>
      %get3A_142 = arith.constant 0 : index
      %get3A_143 = arith.constant 0 : index
      %get3A_144 = vector.load %arg12[%get3A_142, %get3A_143] : memref<64x256xf32, #tpu.memory_space<vmem>>, vector<64x256xf32>
      %dot_general3A_145 = arith.constant dense<0.000000e+00> : vector<64x256xf32>
      %dot_general3A_146 = tpu.matmul %sub3A_132, %get3A_144, %dot_general3A_145 {dimension_numbers = #tpu.dot_dimension_numbers<[1], [0], [0], [1], [0, 0, 1, 1], [], []>, transpose_lhs_hint = false} : vector<64x64xf32>, vector<64x256xf32>, vector<64x256xf32> -> vector<64x256xf32>
      %get3A_147 = arith.constant 0 : index
      %get3A_148 = arith.constant 0 : index
      %get3A_149 = vector.load %arg12[%get3A_147, %get3A_148] : memref<64x256xf32, #tpu.memory_space<vmem>>, vector<64x256xf32>
      %mul3A_150 = arith.mulf %dot_general3A_146, %get3A_149 : vector<64x256xf32>
      %reduce_sum3A_151 = arith.constant dense<0.000000e+00> : vector<256xf32>
      %reduce_sum3A_152 = vector.multi_reduction <add>, %mul3A_150, %reduce_sum3A_151 [0] : vector<64x256xf32> to vector<256xf32>
      %broadcast_in_dim3A_153 = vector.shape_cast %reduce_sum3A_152 : vector<256xf32> to vector<1x256xf32>
      %sub3A_154 = vector.broadcast %add3A_141 : vector<1x256xf32> to vector<5120x256xf32>
      %sub3A_155 = arith.subf %add3A_117, %sub3A_154 : vector<5120x256xf32>
      %add3A_156 = arith.constant 9.99999974E-6 : f32
      %add3A_157 = vector.broadcast %add3A_156 : f32 to vector<1x256xf32>
      %add3A_158 = arith.addf %broadcast_in_dim3A_153, %add3A_157 : vector<1x256xf32>
      %rsqrt3A_159 = math.rsqrt %add3A_158 : vector<1x256xf32>
      %mul3A_160 = vector.broadcast %rsqrt3A_159 : vector<1x256xf32> to vector<5120x256xf32>
      %mul3A_161 = arith.mulf %sub3A_155, %mul3A_160 : vector<5120x256xf32>
      %get3A_162 = arith.constant 0 : index
      %get3A_163 = arith.constant 0 : index
      %get3A_164 = vector.load %arg14[%get3A_162, %get3A_163] : memref<1x256xf32, #tpu.memory_space<vmem>>, vector<1x256xf32>
      %mul3A_165 = vector.broadcast %get3A_164 : vector<1x256xf32> to vector<5120x256xf32>
      %mul3A_166 = arith.mulf %mul3A_161, %mul3A_165 : vector<5120x256xf32>
      %get3A_167 = arith.constant 0 : index
      %get3A_168 = arith.constant 0 : index
      %get3A_169 = vector.load %arg15[%get3A_167, %get3A_168] : memref<1x256xf32, #tpu.memory_space<vmem>>, vector<1x256xf32>
      %add3A_170 = vector.broadcast %get3A_169 : vector<1x256xf32> to vector<5120x256xf32>
      %add3A_171 = arith.addf %mul3A_166, %add3A_170 : vector<5120x256xf32>
      %max3A_172 = arith.constant 0.000000e+00 : f32
      %max3A_173 = vector.broadcast %max3A_172 : f32 to vector<5120x256xf32>
      %max3A_174 = arith.maximumf %add3A_171, %max3A_173 : vector<5120x256xf32>
      %slice3A_175 = vector.extract_strided_slice %get3A_1 {offsets = [0, 64], sizes = [5120, 64], strides = [1, 1]} : vector<5120x128xf32> to vector<5120x64xf32>
      %slice3A_176 = vector.extract_strided_slice %get3A_4 {offsets = [0, 64], sizes = [256, 64], strides = [1, 1]} : vector<256x144xf32> to vector<256x64xf32>
      %broadcast_in_dim3A_177 = vector.shape_cast %slice3A_176 : vector<256x64xf32> to vector<256x1x64xf32>
      %broadcast_in_dim3A_178 = vector.shape_cast %broadcast_in_dim3A_177 : vector<256x1x64xf32> to vector<256x1x64xf32>
      %broadcast_in_dim3A_179 = vector.broadcast %broadcast_in_dim3A_178 : vector<256x1x64xf32> to vector<256x20x64xf32>
      %reshape3A_180 = vector.shape_cast %broadcast_in_dim3A_179 : vector<256x20x64xf32> to vector<5120x64xf32>
      %add3A_181 = arith.addf %slice3A_175, %reshape3A_180 : vector<5120x64xf32>
      %add3A_182 = arith.addf %add3A_181, %add3A_99 : vector<5120x64xf32>
      %reshape3A_183 = vector.shape_cast %add3A_182 : vector<5120x64xf32> to vector<256x20x64xf32>
      %get3A_184 = arith.constant 0 : index
      %get3A_185 = arith.constant 0 : index
      %get3A_186 = vector.load %arg16[%get3A_184, %get3A_185] : memref<256x64xf32, #tpu.memory_space<vmem>>, vector<256x64xf32>
      %dot_general3A_187 = arith.constant dense<0.000000e+00> : vector<5120x64xf32>
      %dot_general3A_188 = tpu.matmul %max3A_174, %get3A_186, %dot_general3A_187 {dimension_numbers = #tpu.dot_dimension_numbers<[1], [0], [0], [1], [0, 0, 1, 1], [], []>, transpose_lhs_hint = false} : vector<5120x256xf32>, vector<256x64xf32>, vector<5120x64xf32> -> vector<5120x64xf32>
      %get3A_189 = arith.constant 0 : index
      %get3A_190 = arith.constant 0 : index
      %get3A_191 = vector.load %arg18[%get3A_189, %get3A_190] : memref<1x64xf32, #tpu.memory_space<vmem>>, vector<1x64xf32>
      %add3A_192 = vector.broadcast %get3A_191 : vector<1x64xf32> to vector<5120x64xf32>
      %add3A_193 = arith.addf %dot_general3A_188, %add3A_192 : vector<5120x64xf32>
      %reshape3A_194 = vector.shape_cast %add3A_193 : vector<5120x64xf32> to vector<256x20x64xf32>
      %reduce_max3A = arith.constant dense<0xFF800000> : vector<256x64xf32>
      %reduce_max3A_195 = vector.multi_reduction <maximumf>, %reshape3A_194, %reduce_max3A [1] : vector<256x20x64xf32> to vector<256x64xf32>
      %broadcast_in_dim3A_196 = vector.shape_cast %reduce_max3A_195 : vector<256x64xf32> to vector<256x1x64xf32>
      %sub3A_197 = vector.broadcast %broadcast_in_dim3A_196 : vector<256x1x64xf32> to vector<256x20x64xf32>
      %sub3A_198 = arith.subf %reshape3A_194, %sub3A_197 : vector<256x20x64xf32>
      %exp3A = math.exp %sub3A_198 : vector<256x20x64xf32>
      %reduce_sum3A_199 = arith.constant dense<0.000000e+00> : vector<256x64xf32>
      %reduce_sum3A_200 = vector.multi_reduction <add>, %exp3A, %reduce_sum3A_199 [1] : vector<256x20x64xf32> to vector<256x64xf32>
      %broadcast_in_dim3A_201 = vector.shape_cast %reduce_sum3A_200 : vector<256x64xf32> to vector<256x1x64xf32>
      %div3A_202 = vector.broadcast %broadcast_in_dim3A_201 : vector<256x1x64xf32> to vector<256x20x64xf32>
      %div3A_203 = arith.divf %exp3A, %div3A_202 : vector<256x20x64xf32>
      %mul3A_204 = arith.mulf %div3A_203, %reshape3A_183 : vector<256x20x64xf32>
      %reduce_sum3A_205 = arith.constant dense<0.000000e+00> : vector<256x64xf32>
      %reduce_sum3A_206 = vector.multi_reduction <add>, %mul3A_204, %reduce_sum3A_205 [1] : vector<256x20x64xf32> to vector<256x64xf32>
      %broadcast_in_dim3A_207 = vector.shape_cast %reduce_sum3A_206 : vector<256x64xf32> to vector<256x1x64xf32>
      %get3A_208 = arith.constant 0 : index
      %get3A_209 = arith.constant 0 : index
      %get3A_210 = vector.load %arg17[%get3A_208, %get3A_209] : memref<256x64xf32, #tpu.memory_space<vmem>>, vector<256x64xf32>
      %dot_general3A_211 = arith.constant dense<0.000000e+00> : vector<5120x64xf32>
      %dot_general3A_212 = tpu.matmul %max3A_174, %get3A_210, %dot_general3A_211 {dimension_numbers = #tpu.dot_dimension_numbers<[1], [0], [0], [1], [0, 0, 1, 1], [], []>, transpose_lhs_hint = false} : vector<5120x256xf32>, vector<256x64xf32>, vector<5120x64xf32> -> vector<5120x64xf32>
      %get3A_213 = arith.constant 0 : index
      %get3A_214 = arith.constant 0 : index
      %get3A_215 = vector.load %arg18[%get3A_213, %get3A_214] : memref<1x64xf32, #tpu.memory_space<vmem>>, vector<1x64xf32>
      %add3A_216 = vector.broadcast %get3A_215 : vector<1x64xf32> to vector<5120x64xf32>
      %add3A_217 = arith.addf %dot_general3A_212, %add3A_216 : vector<5120x64xf32>
      %reshape3A_218 = vector.shape_cast %add3A_217 : vector<5120x64xf32> to vector<256x20x64xf32>
      %reduce_max3A_219 = arith.constant dense<0xFF800000> : vector<256x64xf32>
      %reduce_max3A_220 = vector.multi_reduction <maximumf>, %reshape3A_218, %reduce_max3A_219 [1] : vector<256x20x64xf32> to vector<256x64xf32>
      %broadcast_in_dim3A_221 = vector.shape_cast %reduce_max3A_220 : vector<256x64xf32> to vector<256x1x64xf32>
      %sub3A_222 = vector.broadcast %broadcast_in_dim3A_221 : vector<256x1x64xf32> to vector<256x20x64xf32>
      %sub3A_223 = arith.subf %reshape3A_218, %sub3A_222 : vector<256x20x64xf32>
      %exp3A_224 = math.exp %sub3A_223 : vector<256x20x64xf32>
      %reduce_sum3A_225 = arith.constant dense<0.000000e+00> : vector<256x64xf32>
      %reduce_sum3A_226 = vector.multi_reduction <add>, %exp3A_224, %reduce_sum3A_225 [1] : vector<256x20x64xf32> to vector<256x64xf32>
      %broadcast_in_dim3A_227 = vector.shape_cast %reduce_sum3A_226 : vector<256x64xf32> to vector<256x1x64xf32>
      %div3A_228 = vector.broadcast %broadcast_in_dim3A_227 : vector<256x1x64xf32> to vector<256x20x64xf32>
      %div3A_229 = arith.divf %exp3A_224, %div3A_228 : vector<256x20x64xf32>
      %mul3A_230 = arith.mulf %div3A_229, %reshape3A_183 : vector<256x20x64xf32>
      %reduce_sum3A_231 = arith.constant dense<0.000000e+00> : vector<256x64xf32>
      %reduce_sum3A_232 = vector.multi_reduction <add>, %mul3A_230, %reduce_sum3A_231 [1] : vector<256x20x64xf32> to vector<256x64xf32>
      %broadcast_in_dim3A_233 = vector.shape_cast %reduce_sum3A_232 : vector<256x64xf32> to vector<256x1x64xf32>
      %concatenate3A = tpu.concatenate %broadcast_in_dim3A_207, %broadcast_in_dim3A_233 in 1 : vector<256x1x64xf32>, vector<256x1x64xf32> -> vector<256x2x64xf32>
      %reshape3A_234 = vector.shape_cast %concatenate3A : vector<256x2x64xf32> to vector<512x64xf32>
      %get3A_235 = arith.constant 0 : index
      %get3A_236 = arith.constant 0 : index
      %get3A_237 = vector.load %arg19[%get3A_235, %get3A_236] : memref<64x128xf32, #tpu.memory_space<vmem>>, vector<64x128xf32>
      %dot_general3A_238 = arith.constant dense<0.000000e+00> : vector<512x128xf32>
      %dot_general3A_239 = tpu.matmul %reshape3A_234, %get3A_237, %dot_general3A_238 {dimension_numbers = #tpu.dot_dimension_numbers<[1], [0], [0], [1], [0, 0, 1, 1], [], []>, transpose_lhs_hint = false} : vector<512x64xf32>, vector<64x128xf32>, vector<512x128xf32> -> vector<512x128xf32>
      %get3A_240 = arith.constant 0 : index
      %get3A_241 = arith.constant 0 : index
      %get3A_242 = vector.load %arg20[%get3A_240, %get3A_241] : memref<1x128xf32, #tpu.memory_space<vmem>>, vector<1x128xf32>
      %add3A_243 = vector.broadcast %get3A_242 : vector<1x128xf32> to vector<512x128xf32>
      %add3A_244 = arith.addf %dot_general3A_239, %add3A_243 : vector<512x128xf32>
      %get3A_245 = arith.constant 0 : index
      %get3A_246 = arith.constant 0 : index
      %get3A_247 = vector.load %arg5[%get3A_245, %get3A_246] : memref<256x128xf32, #tpu.memory_space<vmem>>, vector<256x128xf32>
      %broadcast_in_dim3A_248 = vector.shape_cast %get3A_247 : vector<256x128xf32> to vector<256x1x128xf32>
      %broadcast_in_dim3A_249 = vector.shape_cast %broadcast_in_dim3A_248 : vector<256x1x128xf32> to vector<256x1x128xf32>
      %broadcast_in_dim3A_250 = vector.broadcast %broadcast_in_dim3A_249 : vector<256x1x128xf32> to vector<256x2x128xf32>
      %reshape3A_251 = vector.shape_cast %broadcast_in_dim3A_250 : vector<256x2x128xf32> to vector<512x128xf32>
      %add3A_252 = arith.addf %add3A_244, %reshape3A_251 : vector<512x128xf32>
      %swap3A = arith.constant 0 : index
      %swap3A_253 = arith.constant 0 : index
      %swap3A_254 = vector.load %arg21[%swap3A, %swap3A_253] : memref<512x128xf32, #tpu.memory_space<vmem>>, vector<512x128xf32>
      tpu.vector_store %arg21[%swap3A, %swap3A_253], %add3A_252 {strides = array<i32>} : memref<512x128xf32, #tpu.memory_space<vmem>>, vector<512x128xf32>,
    } else {
    }
    return
  }
  func.func @transform_0(%arg0: i32, %arg1: i32) -> (i32, i32) {
    %c0_i32 = arith.constant 0 : i32
    %c0_i32_0 = arith.constant 0 : i32
    return %arg1, %c0_i32 : i32, i32
  }
  func.func @transform_1(%arg0: i32, %arg1: i32) -> (i32, i32) {
    %c0_i32 = arith.constant 0 : i32
    %c0_i32_0 = arith.constant 0 : i32
    return %arg1, %c0_i32 : i32, i32
  }
  func.func @transform_2(%arg0: i32, %arg1: i32) -> (i32, i32) {
    %c0_i32 = arith.constant 0 : i32
    %c0_i32_0 = arith.constant 0 : i32
    return %arg1, %c0_i32 : i32, i32
  }
  func.func @transform_3(%arg0: i32, %arg1: i32) -> (i32, i32) {
    %c0_i32 = arith.constant 0 : i32
    %c0_i32_0 = arith.constant 0 : i32
    return %arg1, %c0_i32 : i32, i32
  }
  func.func @transform_4(%arg0: i32, %arg1: i32) -> (i32, i32) {
    %c0_i32 = arith.constant 0 : i32
    %c0_i32_0 = arith.constant 0 : i32
    %c0_i32_1 = arith.constant 0 : i32
    return %c0_i32, %c0_i32_0 : i32, i32
  }
  func.func @transform_5(%arg0: i32, %arg1: i32) -> (i32, i32) {
    %c0_i32 = arith.constant 0 : i32
    %c0_i32_0 = arith.constant 0 : i32
    %c0_i32_1 = arith.constant 0 : i32
    return %c0_i32, %c0_i32_0 : i32, i32
  }
  func.func @transform_6(%arg0: i32, %arg1: i32) -> (i32, i32) {
    %c0_i32 = arith.constant 0 : i32
    %c0_i32_0 = arith.constant 0 : i32
    %c0_i32_1 = arith.constant 0 : i32
    return %c0_i32, %c0_i32_0 : i32, i32
  }
  func.func @transform_7(%arg0: i32, %arg1: i32) -> (i32, i32) {
    %c0_i32 = arith.constant 0 : i32
    %c0_i32_0 = arith.constant 0 : i32
    %c0_i32_1 = arith.constant 0 : i32
    return %c0_i32, %c0_i32_0 : i32, i32
  }
  func.func @transform_8(%arg0: i32, %arg1: i32) -> (i32, i32) {
    %c0_i32 = arith.constant 0 : i32
    %c0_i32_0 = arith.constant 0 : i32
    %c0_i32_1 = arith.constant 0 : i32
    return %c0_i32, %c0_i32_0 : i32, i32
  }
  func.func @transform_9(%arg0: i32, %arg1: i32) -> (i32, i32) {
    %c0_i32 = arith.constant 0 : i32
    %c0_i32_0 = arith.constant 0 : i32
    %c0_i32_1 = arith.constant 0 : i32
    return %c0_i32, %c0_i32_0 : i32, i32
  }
  func.func @transform_10(%arg0: i32, %arg1: i32) -> (i32, i32) {
    %c0_i32 = arith.constant 0 : i32
    %c0_i32_0 = arith.constant 0 : i32
    %c0_i32_1 = arith.constant 0 : i32
    return %c0_i32, %c0_i32_0 : i32, i32
  }
  func.func @transform_11(%arg0: i32, %arg1: i32) -> (i32, i32) {
    %c0_i32 = arith.constant 0 : i32
    %c0_i32_0 = arith.constant 0 : i32
    %c0_i32_1 = arith.constant 0 : i32
    return %c0_i32, %c0_i32_0 : i32, i32
  }
  func.func @transform_12(%arg0: i32, %arg1: i32) -> (i32, i32) {
    %c0_i32 = arith.constant 0 : i32
    %c0_i32_0 = arith.constant 0 : i32
    %c0_i32_1 = arith.constant 0 : i32
    return %c0_i32, %c0_i32_0 : i32, i32
  }
  func.func @transform_13(%arg0: i32, %arg1: i32) -> (i32, i32) {
    %c0_i32 = arith.constant 0 : i32
    %c0_i32_0 = arith.constant 0 : i32
    %c0_i32_1 = arith.constant 0 : i32
    return %c0_i32, %c0_i32_0 : i32, i32
  }
  func.func @transform_14(%arg0: i32, %arg1: i32) -> (i32, i32) {
    %c0_i32 = arith.constant 0 : i32
    %c0_i32_0 = arith.constant 0 : i32
    %c0_i32_1 = arith.constant 0 : i32
    return %c0_i32, %c0_i32_0 : i32, i32
  }
  func.func @transform_15(%arg0: i32, %arg1: i32) -> (i32, i32) {
    %c0_i32 = arith.constant 0 : i32
    %c0_i32_0 = arith.constant 0 : i32
    %c0_i32_1 = arith.constant 0 : i32
    return %c0_i32, %c0_i32_0 : i32, i32
  }
  func.func @transform_16(%arg0: i32, %arg1: i32) -> (i32, i32) {
    %c0_i32 = arith.constant 0 : i32
    %c0_i32_0 = arith.constant 0 : i32
    %c0_i32_1 = arith.constant 0 : i32
    return %c0_i32, %c0_i32_0 : i32, i32
  }
  func.func @transform_17(%arg0: i32, %arg1: i32) -> (i32, i32) {
    %c0_i32 = arith.constant 0 : i32
    %c0_i32_0 = arith.constant 0 : i32
    %c0_i32_1 = arith.constant 0 : i32
    return %c0_i32, %c0_i32_0 : i32, i32
  }
  func.func @transform_18(%arg0: i32, %arg1: i32) -> (i32, i32) {
    %c0_i32 = arith.constant 0 : i32
    %c0_i32_0 = arith.constant 0 : i32
    %c0_i32_1 = arith.constant 0 : i32
    return %c0_i32, %c0_i32_0 : i32, i32
  }
  func.func @transform_19(%arg0: i32, %arg1: i32) -> (i32, i32) {
    %c0_i32 = arith.constant 0 : i32
    %c0_i32_0 = arith.constant 0 : i32
    return %arg1, %c0_i32 : i32, i32
  }
}

</mosaic_0001>

<sc_bundles>
// kernel: kernel.6.cloned.1.call-start
scs
__scs_entry_jumppad:
0x0: {  	(pc) =	sbr.rel $0x88, $3  }
0x1: {  	(tag) =	ssettag $0x0;
	lr =	simm.s32 $0x1  }
0x2: {  	[smem:$0x3F81] =	sst lr;
	_ =	strace $0xD0000000  }
0x3: {  	_ = 	snop  }
0x4: {  	_ = 	snop  }
0x5: {  	_ = 	snop  }
0x6: {  	_ = 	snop  }
0x7: {  	_ = 	snop  }
__scs_overlays_trampoline_lowered:
0x8: {  	[smem:$0x3F90] =	sst s0  }
0x9: {  	[smem:$0x3F91] =	sst s1  }
0xa: {  	[smem:$0x3F92] =	sst s2  }
0xb: {  	[smem:$0x3F93] =	sst s3  }
0xc: {  	[smem:$0x3F94] =	sst s4  }
0xd: {  	[smem:$0x3F95] =	sst s5  }
0xe: {  	[smem:$0x3F96] =	sst s6  }
0xf: {  	[smem:$0x3F97] =	sst s7  }
0x10: {  	[smem:$0x3F98] =	sst s8  }
0x11: {  	[smem:$0x3F99] =	sst s9;
	s0 =	simm.s32 @!p0 $0x0  }
0x12: {  	s1 =	sld [smem:$0x3F7F];
	s0 =	simm.s32 @p0 $0x1  }
0x13: {  	[smem:$0x3F9A] =	sst s0;
	s0 =	simm.s32 @!p1 $0x0  }
0x14: {  	s2 =	sld [smem:$0x3F7E];
	s0 =	simm.s32 @p1 $0x1  }
0x15: {  	[smem:$0x3F9B] =	sst s0;
	s0 =	simm.s32 @!p2 $0x0  }
0x16: {  	s3 =	sld [smem:$0x3FDB];
	s0 =	simm.s32 @p2 $0x1  }
0x17: {  	s4 =	simm.s32 $0x1BF5;
	[smem:$0x3F9D] =	sst s0  }
0x18: {  	s0 =	sld [smem:$0x3F80];
	_ =	swait.ge [sflag:s4], $0x0  }
0x19: {  	s7 =	sld [smem:$0x3F81]  }
0x1a: {  	s8 =	sadd.s32 $0xFFFFE003, lr  }
0x1b: {  	s9 =	sadd.s32 $0xFFFFFEF7, lr;
	s5 =	simm.s32 $0xFFFFFFFF;
	p2 =	slt.u32 s8, $0xFFFFF086  }
0x1c: {  	p1 =	slt.u32 s9, $0xF7A;
	s5 =	simm.s32 @!p2 $0x0  }
0x1d: {  	s5 =	simm.s32 @p1 $0x1;
	p0 =	seq.s32 s7, s2  }
0x1e: {  	s7 =	smul.u32 @!p0 $0xF7A, s2;
	p2 =	seq.s32 @!p0 s5, $0x0  }
0x1f: {  	s9 =	smul.u32 $0xF7A, s1;
	s8 =	simm.s32 @!p0 $0x1BF5;
	p2 =	por !p2, p0  }
0x20: {  	[sflag:s8] =	ssyncset.s32 @!p0 $0xFFFFF086;
	s6 =	sadd.s32 @!p0 s3, s7;
	s7 =	simm.s32 @!p0 $0x108  }
0x21: {  	s3 =	sadd.s32 s3, s9;
	s6 =	sadd.s32 @!p0 $0x88, s6;
	s7 =	simm.s32 @p2 $0x1082  }
0x22: {  	[simem:s7], [sflag:s8] =	dma.local @!p0 [hbm:s6], $0xF7A  }
0x23: {  	s9 =	sor.u32 $0xD0000000, s2;
	s6 =	simm.s32 $0x108;
	_ =	swait.ge @!p0 [sflag:s8], $0x0  }
0x24: {  	s3 =	sadd.s32 $0x88, s3;
	s6 =	simm.s32 @!p1 $0x1082;
	[sflag:s4] =	ssyncset.s32 $0xFFFFF086  }
0x25: {  	[simem:s6], [sflag:s4] =	dma.local [hbm:s3], $0xF7A  }
0x26: {  	[smem:$0x3F81] =	sst s1;
	(tag) =	ssettag s2;
	_ =	strace s9  }
0x27: {  	s1 =	sld [smem:$0x3F91]  }
0x28: {  	s2 =	sld [smem:$0x3F92]  }
0x29: {  	s4 =	sld [smem:$0x3F94]  }
0x2a: {  	p0 =	seq.s32 s5, $0x0;
	s5 =	sld [smem:$0x3F95]  }
0x2b: {  	s6 =	sld [smem:$0x3F96]  }
0x2c: {  	s7 =	sld [smem:$0x3F97]  }
0x2d: {  	s3 =	simm.s32 $0x108;
	s8 =	sld [smem:$0x3F98]  }
0x2e: {  	s3 =	simm.s32 @!p0 $0x1082;
	s9 =	sld [smem:$0x3F99]  }
0x2f: {  	lr =	sadd.s32 s0, s3;
	s0 =	sld [smem:$0x3F90]  }
0x30: {  	s3 =	sld [smem:$0x3F93]  }
0x31: {  	[smem:$0x3F9C] =	sst s10  }
0x32: {  	s10 =	sld [smem:$0x3F9A];
	_ =	sdelay $0x3  }
0x33: {  	p0 =	seq.s32 s10, $0x1;
	s10 =	sld [smem:$0x3F9C];
	_ =	sdelay $0x3  }
0x34: {  	[smem:$0x3F9C] =	sst s10  }
0x35: {  	s10 =	sld [smem:$0x3F9B];
	_ =	sdelay $0x3  }
0x36: {  	p1 =	seq.s32 s10, $0x1;
	s10 =	sld [smem:$0x3F9C];
	_ =	sdelay $0x3  }
0x37: {  	[smem:$0x3F9C] =	sst s10  }
0x38: {  	s10 =	sld [smem:$0x3F9D]  }
0x39: {  	_ = 	snop;
	(pc) =	sbr.ind lr, $3  }
0x3a: {  	_ = 	snop  }
0x3b: {  	_ = 	snop  }
0x3c: {  	p2 =	seq.s32 s10, $0x1;
	s10 =	sld [smem:$0x3F9C]  }
0x3d: {  	_ =	shalt  }
0x3e: {  	_ =	shalt  }
0x3f: {  	_ =	shalt  }
0x40: {  	_ =	shalt  }
0x41: {  	_ =	shalt  }
0x42: {  	_ =	shalt  }
0x43: {  	_ =	shalt  }
0x44: {  	_ =	shalt  }
0x45: {  	_ =	shalt  }
0x46: {  	_ =	shalt  }
0x47: {  	_ =	shalt  }
0x48: {  	_ =	shalt  }
0x49: {  	_ =	shalt  }
0x4a: {  	_ =	shalt  }
0x4b: {  	_ =	shalt  }
0x4c: {  	_ =	shalt  }
0x4d: {  	_ =	shalt  }
0x4e: {  	_ =	shalt  }
0x4f: {  	_ =	shalt  }
0x50: {  	_ =	shalt  }
0x51: {  	_ =	shalt  }
0x52: {  	_ =	shalt  }
0x53: {  	_ =	shalt  }
0x54: {  	_ =	shalt  }
0x55: {  	_ =	shalt  }
0x56: {  	_ =	shalt  }
0x57: {  	_ =	shalt  }
0x58: {  	_ =	shalt  }
0x59: {  	_ =	shalt  }
0x5a: {  	_ =	shalt  }
0x5b: {  	_ =	shalt  }
0x5c: {  	_ =	shalt  }
0x5d: {  	_ =	shalt  }
0x5e: {  	_ =	shalt  }
0x5f: {  	_ =	shalt  }
0x60: {  	_ =	shalt  }
0x61: {  	_ =	shalt  }
0x62: {  	_ =	shalt  }
0x63: {  	_ =	shalt  }
0x64: {  	_ =	shalt  }
0x65: {  	_ =	shalt  }
0x66: {  	_ =	shalt  }
0x67: {  	_ =	shalt  }
0x68: {  	_ =	shalt  }
0x69: {  	_ =	shalt  }
0x6a: {  	_ =	shalt  }
0x6b: {  	_ =	shalt  }
0x6c: {  	_ =	shalt  }
0x6d: {  	_ =	shalt  }
0x6e: {  	_ =	shalt  }
0x6f: {  	_ =	shalt  }
0x70: {  	_ =	shalt  }
0x71: {  	_ =	shalt  }
0x72: {  	_ =	shalt  }
0x73: {  	_ =	shalt  }
0x74: {  	_ =	shalt  }
0x75: {  	_ =	shalt  }
0x76: {  	_ =	shalt  }
0x77: {  	_ =	shalt  }
0x78: {  	_ =	shalt  }
0x79: {  	_ =	shalt  }
0x7a: {  	_ =	shalt  }
0x7b: {  	_ =	shalt  }
0x7c: {  	_ =	shalt  }
0x7d: {  	_ =	shalt  }
0x7e: {  	_ =	shalt  }
0x7f: {  	_ =	shalt  }
0x80: {  	_ =	shalt  }
0x81: {  	_ =	shalt  }
0x82: {  	_ =	shalt  }
0x83: {  	_ =	shalt  }
0x84: {  	_ =	shalt  }
0x85: {  	_ =	shalt  }
0x86: {  	_ =	shalt  }
0x87: {  	_ =	shalt  }
.Lfunc_end0:
.L_simem_size_0:
called_computation_lowered:
.L_overlay_start_0:
0x88: {  	s2 =	sld [smem:$0x3FD9]  }
0x89: {  	s3 =	sld [smem:$0x3FFE];
	_ =	sdelay $0x1  }
0x8a: {  	s1 =	srdreg.scid  }
0x8b: {  	s0 =	sand.u32 $0x1, s1  }
0x8c: {  	s17 =	sshll.u32 s0, $0xA;
	s2 =	sadd.s32 s3, s2  }
0x8d: {  	s2 =	sadd.s32 s2, s17  }
0x8e: {  	[smem:$0x3FA8] =	sst s2  }
0x8f: {  	_ = 	snop  }
0x90: {  	s2 =	sld [smem:$0x3FD0];
	(tm) =	ssettm $0x1  }
0x91: {  	s18 =	sld [smem:$0x3FFB];
	_ =	sdelay $0x3  }
0x92: {  	_ =	strace s18  }
0x93: {  	s3 =	sld [smem:$0x3FFC];
	_ =	sdelay $0x3  }
0x94: {  	_ =	strace s3  }
0x95: {  	s3 =	sld [smem:$0x3FFD];
	_ =	sdelay $0x3  }
0x96: {  	_ =	strace s3  }
0x97: {  	_ =	strace $0x8FFFFFFF  }
0x98: {  	s19 =	sld [smem:$0x3FDB];
	_ =	sdelay $0x1  }
0x99: {  	s4 =	simm.s32 $_scs_section_size  }
0x9a: {  	s5 =	simm.s32 $_size__tile_overlayer_lowered;
	s6 =	simm.s32 $_tile_overlayer_lowered  }
0x9b: {  	s22 =	simm.s32 $0x1BFF;
	s21 =	sshll.u32 s6, $0x1;
	s3 =	sadd.s32 s4, s19  }
0x9c: {  	s7 =	simm.s32 $0x0;
	s20 =	sshll.u32 s5, $0x1;
	s5 =	sadd.s32 s21, s3  }
0x9d: {  	[timem:s7], [sflag:s22] =	dma.local [hbm:s5], s20  }
0x9e: {  	_ =	swait.ge [sflag:s22], s20  }
0x9f: {  	s4 =	ssub.s32 $0x0, s20;
	[sflag:s22] =	ssyncset.done $0x0  }
0xa0: {  	[sflag:s22] =	ssyncadd.s32 s4;
	_ =	sdelay $0x1  }
0xa1: {  	s23 =	simm.s32 $0x1B8B  }
0xa2: {  	_ =	swait.ge [sflag:s23], $0x1  }
0xa3: {  	[sflag:s23] =	ssyncset.done $0x0  }
0xa4: {  	s25 =	simm.s32 $0x1B8E;
	s24 =	sld [smem:$0x3FFE];
	[sflag:s23] =	ssyncadd.s32 $0xFFFFFFFF  }
0xa5: {  	s26 =	simm.s32 $execute0_lowered;
	[smem:$0x3FD2] =	sst s25  }
0xa6: {  	s5 =	sshll.u32 s26, $0x1;
	_ =	strace $0x80000046;
	[dreg:$0x1] =	wrdreg $0xFFFFFFFF  }
0xa7: {  	s28 =	simm.s32 $_size_execute0_lowered;
	s3 =	sadd.s32 s3, s5;
	[dreg:$0x0] =	wrdreg $0x0  }
0xa8: {  	s5 =	sshll.u32 s28, $0x1;
	[dreg:$0x2] =	wrdreg s3  }
0xa9: {  	[dreg:$0x3] =	wrdreg s5  }
0xaa: {  	[dreg:$0x4] =	wrdreg $0xC0  }
0xab: {  	_ =	task [dreg:s7], $0x5FFFF  }
0xac: {  	[dreg:$0x1] =	wrdreg $0xFFFFFFFF  }
0xad: {  	[dreg:$0x0] =	wrdreg $0x60  }
0xae: {  	[dreg:$0x2] =	wrdreg s2  }
0xaf: {  	[dreg:$0x3] =	wrdreg s24  }
0xb0: {  	[dreg:$0x4] =	wrdreg $0x9  }
0xb1: {  	_ =	task.clear_ibuf [dreg:s7], $0x5FFFF;
	_ =	strace $0x90000046  }
0xb2: {  	s29 =	simm.s32 $0x9;
	_ =	strace $0x80000048  }
0xb3: {  	_ =	swait.ge [sflag:s29], $0x1  }
0xb4: {  	[sflag:s29] =	ssyncadd.s32 $0xFFFFFFFF  }
0xb5: {  	_ =	strace $0x90000048  }
0xb6: {  	_ =	sfence  }
0xb7: {  	s30 =	sld [smem:$0x0];
	_ =	sdelay $0x2  }
0xb8: {  	s31 =	sshll.u32 s1, $0xD;
	s1 =	sshrl.u32 s1, $0x2  }
0xb9: {  	s3 =	sand.u32 $0x4000, s31;
	s1 =	sadd.s32 s1, s30  }
0xba: {  	s0 =	sor.u32 s3, s0;
	s1 =	sshll.u32 s1, $0x11  }
0xbb: {  	s0 =	sor.u32 s1, s0  }
0xbc: {  	s0 =	sadd.s32 $0x8F2B, s0  }
0xbd: {  	[sflag:s0] =	ssyncadd.remote.s32 $0x1  }
0xbe: {  	_ =	sfence.sel $0xFFFF  }
0xbf: {  	[dreg:$0x0] =	wrdreg $0xFFFFFFFF;
	(pc) =	sbr.abs _section_cstart, $3  }
0xc0: {  	[dreg:$0x1] =	wrdreg $0xFFFFFFFF  }
0xc1: {  	_ =	task.clear_ibuf [dreg:s7], $0x2FFFF;
	_ =	strace $0x9FFFFFFF  }
0xc2: {  	(tm) =	ssettm $0x7FFFFFFF  }
0xc3: {  	_ =	shalt  }
tec
execute0_lowered:
.L_overlay_start_1:
0x0: {  	(tag) =	ssettag $0x1  }
0x1: {  	s3 =	rddreg [dreg:$0x0]  }
0x2: {  	s1 =	rddreg [dreg:$0x1]  }
0x3: {  	s0 =	srdreg.scid;
	s4 =	stileid.u32  }
0x4: {  	s2 =	simm.s32 $0x0;
	s8 =	sand.u32 $0x1, s0;
	s20 =	sshll.u32 s4, $0x1  }
0x5: {  	p0 =	por $0x0, $0x0;
	[smem:$0x7FF] =	sst s2;
	s9 =	sor.u32 s8, s20  }
0x6: {  	s4 =	sadd.s32 $0x4C00, s1;
	s5 =	sadd.s32 $0x14C00, s1;
	s7 =	smul.u32 $0xA00, s9  }
0x7: {  	s0 =	sadd.s32 $0x17400, s1;
	s8 =	ssub.s32 $0x2, s8;
	s12 =	smul.u32 $0xA000, s9  }
0x8: {  	s6 =	sadd.s32 $0x157400, s1;
	_ =	strace $0x80000047;
	s9 =	sshrl.u32 s8, $0x1  }
0x9: {  	s21 =	sshrl.u32 s7, $0x3;
	s10 =	sor.u32 $0xA0, s7;
	s23 =	sadd.s32 s0, s12  }
0xa: {  	s24 =	sor.u32 $0x140, s7;
	s25 =	sadd.s32 s6, s12;
	s14 =	sor.u32 $0x1E0, s7  }
0xb: {  	s20 =	sadd.s32 $0x280, s7;
	s1 =	sadd.s32 s5, s21;
	[dreg:$0x5] =	wrdreg s23  }
0xc: {  	s11 =	sshrl.u32 s10, $0x3;
	s26 =	sshrl.u32 s24, $0x3;
	[dreg:$0x6] =	wrdreg s25  }
0xd: {  	s10 =	sshll.u32 s10, $0x4;
	[dreg:$0x3] =	wrdreg s1;
	s22 =	sadd.s32 s5, s11  }
0xe: {  	s16 =	sshrl.u32 s14, $0x3;
	s12 =	sadd.s32 s5, s26;
	[dreg:$0x4] =	wrdreg s22  }
0xf: {  	s18 =	sshll.u32 s24, $0x4;
	s13 =	sadd.s32 s0, s10;
	[dreg:$0x7] =	wrdreg s12  }
0x10: {  	s24 =	sshll.u32 s14, $0x4;
	s15 =	sadd.s32 s6, s10;
	[dreg:$0x8] =	wrdreg s13  }
0x11: {  	s17 =	sadd.s32 s5, s16;
	s19 =	sadd.s32 s0, s18;
	[dreg:$0x9] =	wrdreg s15  }
0x12: {  	s21 =	sadd.s32 s6, s18;
	s25 =	sadd.s32 s0, s24;
	[dreg:$0xa] =	wrdreg s17  }
0x13: {  	s26 =	sadd.s32 $0x320, s7;
	s16 =	sshll.u32 s20, $0x4;
	[dreg:$0xb] =	wrdreg s19  }
0x14: {  	s18 =	sadd.s32 $0x3C0, s7;
	s22 =	sshrl.u32 s20, $0x3;
	[dreg:$0xc] =	wrdreg s21  }
0x15: {  	[dreg:$0xe] =	wrdreg s25;
	s13 =	sadd.s32 s6, s24;
	s14 =	sshrl.u32 s26, $0x3  }
0x16: {  	s17 =	sadd.s32 s0, s16;
	s19 =	sadd.s32 s6, s16;
	[dreg:$0xf] =	wrdreg s13  }
0x17: {  	s20 =	sshrl.u32 s18, $0x3;
	s24 =	sadd.s32 $0x460, s7;
	[dreg:$0x11] =	wrdreg s17  }
0x18: {  	s11 =	sshll.u32 s18, $0x4;
	s23 =	sadd.s32 s5, s22;
	[dreg:$0x12] =	wrdreg s19  }
0x19: {  	s12 =	sadd.s32 $0x820, s7;
	s15 =	sadd.s32 s5, s14;
	[dreg:$0xd] =	wrdreg s23  }
0x1a: {  	s21 =	sadd.s32 s5, s20;
	s22 =	sshll.u32 s26, $0x4;
	[dreg:$0x10] =	wrdreg s15  }
0x1b: {  	s26 =	sshrl.u32 s24, $0x3;
	s13 =	sadd.s32 s0, s11;
	[dreg:$0x13] =	wrdreg s21  }
0x1c: {  	s14 =	sadd.s32 $0x500, s7;
	s23 =	sadd.s32 s0, s22;
	[dreg:$0x17] =	wrdreg s13  }
0x1d: {  	s18 =	sshll.u32 s24, $0x4;
	s25 =	sadd.s32 s6, s22;
	[dreg:$0x14] =	wrdreg s23  }
0x1e: {  	s20 =	sadd.s32 $0x5A0, s7;
	s10 =	sadd.s32 s5, s26;
	[dreg:$0x15] =	wrdreg s25  }
0x1f: {  	s15 =	sadd.s32 s6, s11;
	s16 =	sshrl.u32 s14, $0x3;
	[dreg:$0x16] =	wrdreg s10  }
0x20: {  	s19 =	sadd.s32 s0, s18;
	s21 =	sadd.s32 s6, s18;
	[dreg:$0x18] =	wrdreg s15  }
0x21: {  	s22 =	sshrl.u32 s20, $0x3;
	s24 =	sshll.u32 s14, $0x4;
	[dreg:$0x1a] =	wrdreg s19  }
0x22: {  	s26 =	sadd.s32 $0x640, s7;
	s17 =	sadd.s32 s5, s16;
	[dreg:$0x1b] =	wrdreg s21  }
0x23: {  	s11 =	simm.s32 $0x5200;
	s23 =	sadd.s32 s5, s22;
	[dreg:$0x19] =	wrdreg s17  }
0x24: {  	s25 =	sadd.s32 s0, s24;
	s10 =	sadd.s32 s6, s24;
	[dreg:$0x1c] =	wrdreg s23  }
0x25: {  	s13 =	sshrl.u32 s26, $0x3;
	s15 =	sshll.u32 s20, $0x4;
	[dreg:$0x1d] =	wrdreg s25  }
0x26: {  	s21 =	sshll.u32 s26, $0x4;
	s22 =	ssub.s32 s8, s9;
	[dreg:$0x1e] =	wrdreg s10  }
0x27: {  	s14 =	sadd.s32 s5, s13;
	s16 =	sadd.s32 s0, s15;
	s17 =	sadd.s32 $0x6E0, s7  }
0x28: {  	s18 =	sadd.s32 s6, s15;
	s24 =	sadd.s32 s0, s21;
	[dreg:$0x1f] =	wrdreg s14  }
0x29: {  	s31 =	sadd.s32 s6, s21;
	s25 =	sadd.s32 $0x780, s7;
	[smem:$0x7FA] =	sst s16  }
0x2a: {  	s13 =	sshrl.u32 s12, $0x3;
	s22 =	smax.u32 s22, $0x1;
	[smem:$0x7FB] =	sst s18  }
0x2b: {  	s19 =	sshrl.u32 s17, $0x3;
	[smem:$0x7FD] =	sst s24;
	s9 =	sshrl.u32 s25, $0x3  }
0x2c: {  	s10 =	sshll.u32 s17, $0x4;
	s26 =	sadd.s32 s5, s13;
	s1 =	sshll.u32 s25, $0x4  }
0x2d: {  	s14 =	sadd.s32 $0x8C0, s7;
	s17 =	sshll.u32 s12, $0x4;
	s7 =	sadd.s32 $0x960, s7  }
0x2e: {  	s13 =	simm.s32 $0x200;
	p1 =	sne.s32 s22, $0x1;
	s12 =	simm.s32 $0xF200  }
0x2f: {  	s20 =	sadd.s32 s5, s19;
	s30 =	sadd.s32 s5, s9;
	s28 =	sadd.s32 s0, s10  }
0x30: {  	s29 =	sadd.s32 s6, s10;
	s24 =	sadd.s32 s0, s1;
	s25 =	sadd.s32 s6, s1  }
0x31: {  	s16 =	sshrl.u32 s14, $0x3;
	s18 =	sadd.s32 s0, s17;
	s19 =	sshrl.u32 s7, $0x3  }
0x32: {  	s1 =	sshll.u32 s14, $0x4;
	s21 =	sshll.u32 s7, $0x4;
	s14 =	simm.s32 $0xA200  }
0x33: {  	s10 =	simm.s32 $0x3;
	s7 =	simm.s32 $0x4;
	[smem:$0x7FC] =	sst s20  }
.Ltmp0:
0x34: {  	s23 =	sadd.s32 s5, s16;
	s20 =	sadd.s32 s6, s17;
	(pc) =	sbr.rel @!p1 .LBB2_3-.Ltmp0, $4  }
0x35: {  	s15 =	sadd.s32 s5, s19;
	s8 =	sadd.s32 s0, s1;
	s9 =	sadd.s32 s6, s1  }
0x36: {  	s5 =	sadd.s32 s0, s21;
	s6 =	sadd.s32 s6, s21;
	s19 =	simm.s32 $0x5  }
0x37: {  	s17 =	simm.s32 $0xA0;
	s21 =	simm.s32 $0x100;
	s0 =	sadd.s32 $0xFFFFFFFF, s22  }
0x38: {  	s22 =	simm.s32 $0x1;
	s16 =	simm.s32 $0x2;
	s1 =	rddreg [dreg:$0x3]  }
0x39: {  	[tilespmem:s2], [sflag:$0x5] =	stream.linear.gather [hbm4b:s1+s2], $0xA0, $0x38;
	[tilespmem:$0x14200] =	vst v63  }
0x3a: {  	_ =	swait.ge [sflag:s19], $0xA0  }
0x3b: {  	[sflag:s19] =	ssyncset.done $0x0  }
0x3c: {  	[sflag:s19] =	ssyncadd.s32 $0xFFFFFF60  }
0x3d: {  	[tilespmem:s13], [sflag:$0x1] =	stream.indirect.gather [hbm4b:s3+s17], $0x80, s2, s17, $0xb8;
	[tilespmem:$0x14200] =	vst v63  }
0x3e: {  	_ = 	snop  }
0x3f: {  	[tilespmem:s14], [sflag:$0x1] =	stream.indirect.gather [hbm4b:s4+s17], $0x80, s2, s17, $0xb8;
	[tilespmem:$0x14200] =	vst v63  }
0x40: {  	s1 =	rddreg [dreg:$0x4]  }
0x41: {  	[tilespmem:s21], [sflag:$0x5] =	stream.linear.gather [hbm4b:s1+s2], $0xA0, $0x38;
	[tilespmem:$0x14200] =	vst v63  }
0x42: {  	_ =	swait.ge [sflag:s19], $0xA0  }
0x43: {  	[sflag:s19] =	ssyncset.done $0x0  }
0x44: {  	[sflag:s19] =	ssyncadd.s32 $0xFFFFFF60  }
0x45: {  	[tilespmem:s11], [sflag:$0x2] =	stream.indirect.gather [hbm4b:s3+s17], $0x80, s21, s17, $0xb8;
	[tilespmem:$0x14200] =	vst v63  }
0x46: {  	_ = 	snop  }
0x47: {  	[tilespmem:s12], [sflag:$0x2] =	stream.indirect.gather [hbm4b:s4+s17], $0x80, s21, s17, $0xb8;
	[tilespmem:$0x14200] =	vst v63  }
0x48: {  	_ =	swait.ge [sflag:s22], $0x5000  }
0x49: {  	[sflag:s22] =	ssyncset.done $0x0  }
0x4a: {  	[sflag:s22] =	ssyncadd.s32 $0xFFFFB000  }
0x4b: {  	_ =	swait.ge [sflag:s22], $0x5000  }
0x4c: {  	s1 =	rddreg [dreg:$0x5];
	[sflag:s22] =	ssyncset.done $0x0  }
0x4d: {  	[smem:$0x7F8] =	sst s0;
	[sflag:s22] =	ssyncadd.s32 $0xFFFFB000  }
0x4e: {  	[hbm4b:s1+s2] =	stream.linear.scatter [tilespmem:s13], [sflag:$0x3], $0x5000, $0x38;
	[tilespmem:$0x14200] =	vst v63  }
0x4f: {  	s0 =	rddreg [dreg:$0x6]  }
0x50: {  	[hbm4b:s0+s2] =	stream.linear.scatter [tilespmem:s14], [sflag:$0x3], $0x5000, $0x38;
	[tilespmem:$0x14200] =	vst v63  }
0x51: {  	_ =	swait.ge [sflag:s10], $0x5000  }
0x52: {  	[sflag:s10] =	ssyncset.done $0x0  }
0x53: {  	[sflag:s10] =	ssyncadd.s32 $0xFFFFB000  }
0x54: {  	_ =	swait.ge [sflag:s10], $0x5000  }
0x55: {  	[sflag:s10] =	ssyncset.done $0x0  }
0x56: {  	s1 =	rddreg [dreg:$0x7];
	[sflag:s10] =	ssyncadd.s32 $0xFFFFB000  }
0x57: {  	[tilespmem:s2], [sflag:$0x5] =	stream.linear.gather [hbm4b:s1+s2], $0xA0, $0x38;
	[tilespmem:$0x14200] =	vst v63  }
0x58: {  	_ =	swait.ge [sflag:s19], $0xA0  }
0x59: {  	[sflag:s19] =	ssyncset.done $0x0  }
0x5a: {  	[sflag:s19] =	ssyncadd.s32 $0xFFFFFF60  }
0x5b: {  	[tilespmem:s13], [sflag:$0x1] =	stream.indirect.gather [hbm4b:s3+s17], $0x80, s2, s17, $0xb8;
	[tilespmem:$0x14200] =	vst v63  }
0x5c: {  	_ = 	snop  }
0x5d: {  	[tilespmem:s14], [sflag:$0x1] =	stream.indirect.gather [hbm4b:s4+s17], $0x80, s2, s17, $0xb8;
	[tilespmem:$0x14200] =	vst v63  }
0x5e: {  	_ =	swait.ge [sflag:s16], $0x5000  }
0x5f: {  	[sflag:s16] =	ssyncset.done $0x0  }
0x60: {  	[sflag:s16] =	ssyncadd.s32 $0xFFFFB000  }
0x61: {  	_ =	swait.ge [sflag:s16], $0x5000  }
0x62: {  	[sflag:s16] =	ssyncset.done $0x0  }
0x63: {  	s0 =	rddreg [dreg:$0x8];
	[sflag:s16] =	ssyncadd.s32 $0xFFFFB000  }
0x64: {  	[hbm4b:s0+s2] =	stream.linear.scatter [tilespmem:s11], [sflag:$0x4], $0x5000, $0x38;
	[tilespmem:$0x14200] =	vst v63  }
0x65: {  	s1 =	rddreg [dreg:$0x9]  }
0x66: {  	[hbm4b:s1+s2] =	stream.linear.scatter [tilespmem:s12], [sflag:$0x4], $0x5000, $0x38;
	[tilespmem:$0x14200] =	vst v63  }
0x67: {  	_ =	swait.ge [sflag:s7], $0x5000  }
0x68: {  	[sflag:s7] =	ssyncset.done $0x0  }
0x69: {  	[sflag:s7] =	ssyncadd.s32 $0xFFFFB000  }
0x6a: {  	_ =	swait.ge [sflag:s7], $0x5000  }
0x6b: {  	[sflag:s7] =	ssyncset.done $0x0  }
0x6c: {  	s1 =	rddreg [dreg:$0xa];
	[sflag:s7] =	ssyncadd.s32 $0xFFFFB000  }
0x6d: {  	[tilespmem:s21], [sflag:$0x5] =	stream.linear.gather [hbm4b:s1+s2], $0xA0, $0x38;
	[tilespmem:$0x14200] =	vst v63  }
0x6e: {  	_ =	swait.ge [sflag:s19], $0xA0  }
0x6f: {  	[sflag:s19] =	ssyncset.done $0x0  }
0x70: {  	[sflag:s19] =	ssyncadd.s32 $0xFFFFFF60  }
0x71: {  	[tilespmem:s11], [sflag:$0x2] =	stream.indirect.gather [hbm4b:s3+s17], $0x80, s21, s17, $0xb8;
	[tilespmem:$0x14200] =	vst v63  }
0x72: {  	_ = 	snop  }
0x73: {  	[tilespmem:s12], [sflag:$0x2] =	stream.indirect.gather [hbm4b:s4+s17], $0x80, s21, s17, $0xb8;
	[tilespmem:$0x14200] =	vst v63  }
0x74: {  	_ =	swait.ge [sflag:s22], $0x5000  }
0x75: {  	[sflag:s22] =	ssyncset.done $0x0  }
0x76: {  	[sflag:s22] =	ssyncadd.s32 $0xFFFFB000  }
0x77: {  	_ =	swait.ge [sflag:s22], $0x5000  }
0x78: {  	[sflag:s22] =	ssyncset.done $0x0  }
0x79: {  	s0 =	rddreg [dreg:$0xb];
	[sflag:s22] =	ssyncadd.s32 $0xFFFFB000  }
0x7a: {  	[hbm4b:s0+s2] =	stream.linear.scatter [tilespmem:s13], [sflag:$0x3], $0x5000, $0x38;
	[tilespmem:$0x14200] =	vst v63  }
0x7b: {  	s1 =	rddreg [dreg:$0xc]  }
0x7c: {  	[hbm4b:s1+s2] =	stream.linear.scatter [tilespmem:s14], [sflag:$0x3], $0x5000, $0x38;
	[tilespmem:$0x14200] =	vst v63  }
0x7d: {  	_ =	swait.ge [sflag:s10], $0x5000  }
0x7e: {  	[sflag:s10] =	ssyncset.done $0x0  }
0x7f: {  	[sflag:s10] =	ssyncadd.s32 $0xFFFFB000  }
0x80: {  	_ =	swait.ge [sflag:s10], $0x5000  }
0x81: {  	[sflag:s10] =	ssyncset.done $0x0  }
0x82: {  	s1 =	rddreg [dreg:$0xd];
	[sflag:s10] =	ssyncadd.s32 $0xFFFFB000  }
0x83: {  	[tilespmem:s2], [sflag:$0x5] =	stream.linear.gather [hbm4b:s1+s2], $0xA0, $0x38;
	[tilespmem:$0x14200] =	vst v63  }
0x84: {  	_ =	swait.ge [sflag:s19], $0xA0  }
0x85: {  	[sflag:s19] =	ssyncset.done $0x0  }
0x86: {  	[sflag:s19] =	ssyncadd.s32 $0xFFFFFF60  }
0x87: {  	[tilespmem:s13], [sflag:$0x1] =	stream.indirect.gather [hbm4b:s3+s17], $0x80, s2, s17, $0xb8;
	[tilespmem:$0x14200] =	vst v63  }
0x88: {  	_ = 	snop  }
0x89: {  	[tilespmem:s14], [sflag:$0x1] =	stream.indirect.gather [hbm4b:s4+s17], $0x80, s2, s17, $0xb8;
	[tilespmem:$0x14200] =	vst v63  }
0x8a: {  	_ =	swait.ge [sflag:s16], $0x5000  }
0x8b: {  	[sflag:s16] =	ssyncset.done $0x0  }
0x8c: {  	[sflag:s16] =	ssyncadd.s32 $0xFFFFB000  }
0x8d: {  	_ =	swait.ge [sflag:s16], $0x5000  }
0x8e: {  	[sflag:s16] =	ssyncset.done $0x0  }
0x8f: {  	s0 =	rddreg [dreg:$0xe];
	[sflag:s16] =	ssyncadd.s32 $0xFFFFB000  }
0x90: {  	[hbm4b:s0+s2] =	stream.linear.scatter [tilespmem:s11], [sflag:$0x4], $0x5000, $0x38;
	[tilespmem:$0x14200] =	vst v63  }
0x91: {  	s1 =	rddreg [dreg:$0xf]  }
0x92: {  	[hbm4b:s1+s2] =	stream.linear.scatter [tilespmem:s12], [sflag:$0x4], $0x5000, $0x38;
	[tilespmem:$0x14200] =	vst v63  }
0x93: {  	_ =	swait.ge [sflag:s7], $0x5000  }
0x94: {  	[sflag:s7] =	ssyncset.done $0x0  }
0x95: {  	[sflag:s7] =	ssyncadd.s32 $0xFFFFB000  }
0x96: {  	_ =	swait.ge [sflag:s7], $0x5000  }
0x97: {  	[sflag:s7] =	ssyncset.done $0x0  }
0x98: {  	s1 =	rddreg [dreg:$0x10];
	[sflag:s7] =	ssyncadd.s32 $0xFFFFB000  }
0x99: {  	[tilespmem:s21], [sflag:$0x5] =	stream.linear.gather [hbm4b:s1+s2], $0xA0, $0x38;
	[tilespmem:$0x14200] =	vst v63  }
0x9a: {  	_ =	swait.ge [sflag:s19], $0xA0  }
0x9b: {  	[sflag:s19] =	ssyncset.done $0x0  }
0x9c: {  	[sflag:s19] =	ssyncadd.s32 $0xFFFFFF60  }
0x9d: {  	[tilespmem:s11], [sflag:$0x2] =	stream.indirect.gather [hbm4b:s3+s17], $0x80, s21, s17, $0xb8;
	[tilespmem:$0x14200] =	vst v63  }
0x9e: {  	_ = 	snop  }
0x9f: {  	[tilespmem:s12], [sflag:$0x2] =	stream.indirect.gather [hbm4b:s4+s17], $0x80, s21, s17, $0xb8;
	[tilespmem:$0x14200] =	vst v63  }
0xa0: {  	_ =	swait.ge [sflag:s22], $0x5000  }
0xa1: {  	[sflag:s22] =	ssyncset.done $0x0  }
0xa2: {  	[sflag:s22] =	ssyncadd.s32 $0xFFFFB000  }
0xa3: {  	_ =	swait.ge [sflag:s22], $0x5000  }
0xa4: {  	[sflag:s22] =	ssyncset.done $0x0  }
0xa5: {  	s0 =	rddreg [dreg:$0x11];
	[sflag:s22] =	ssyncadd.s32 $0xFFFFB000  }
0xa6: {  	[hbm4b:s0+s2] =	stream.linear.scatter [tilespmem:s13], [sflag:$0x3], $0x5000, $0x38;
	[tilespmem:$0x14200] =	vst v63  }
0xa7: {  	s1 =	rddreg [dreg:$0x12]  }
0xa8: {  	[hbm4b:s1+s2] =	stream.linear.scatter [tilespmem:s14], [sflag:$0x3], $0x5000, $0x38;
	[tilespmem:$0x14200] =	vst v63  }
0xa9: {  	_ =	swait.ge [sflag:s10], $0x5000  }
0xaa: {  	[sflag:s10] =	ssyncset.done $0x0  }
0xab: {  	[sflag:s10] =	ssyncadd.s32 $0xFFFFB000  }
0xac: {  	_ =	swait.ge [sflag:s10], $0x5000  }
0xad: {  	[sflag:s10] =	ssyncset.done $0x0  }
0xae: {  	s1 =	rddreg [dreg:$0x13];
	[sflag:s10] =	ssyncadd.s32 $0xFFFFB000  }
0xaf: {  	[tilespmem:s2], [sflag:$0x5] =	stream.linear.gather [hbm4b:s1+s2], $0xA0, $0x38;
	[tilespmem:$0x14200] =	vst v63  }
0xb0: {  	_ =	swait.ge [sflag:s19], $0xA0  }
0xb1: {  	[sflag:s19] =	ssyncset.done $0x0  }
0xb2: {  	[sflag:s19] =	ssyncadd.s32 $0xFFFFFF60  }
0xb3: {  	[tilespmem:s13], [sflag:$0x1] =	stream.indirect.gather [hbm4b:s3+s17], $0x80, s2, s17, $0xb8;
	[tilespmem:$0x14200] =	vst v63  }
0xb4: {  	_ = 	snop  }
0xb5: {  	[tilespmem:s14], [sflag:$0x1] =	stream.indirect.gather [hbm4b:s4+s17], $0x80, s2, s17, $0xb8;
	[tilespmem:$0x14200] =	vst v63  }
0xb6: {  	_ =	swait.ge [sflag:s16], $0x5000  }
0xb7: {  	[sflag:s16] =	ssyncset.done $0x0  }
0xb8: {  	[sflag:s16] =	ssyncadd.s32 $0xFFFFB000  }
0xb9: {  	_ =	swait.ge [sflag:s16], $0x5000  }
0xba: {  	[sflag:s16] =	ssyncset.done $0x0  }
0xbb: {  	s0 =	rddreg [dreg:$0x14];
	[sflag:s16] =	ssyncadd.s32 $0xFFFFB000  }
0xbc: {  	[hbm4b:s0+s2] =	stream.linear.scatter [tilespmem:s11], [sflag:$0x4], $0x5000, $0x38;
	[tilespmem:$0x14200] =	vst v63  }
0xbd: {  	s1 =	rddreg [dreg:$0x15]  }
0xbe: {  	[hbm4b:s1+s2] =	stream.linear.scatter [tilespmem:s12], [sflag:$0x4], $0x5000, $0x38;
	[tilespmem:$0x14200] =	vst v63  }
0xbf: {  	_ =	swait.ge [sflag:s7], $0x5000  }
0xc0: {  	[sflag:s7] =	ssyncset.done $0x0  }
0xc1: {  	[sflag:s7] =	ssyncadd.s32 $0xFFFFB000  }
0xc2: {  	_ =	swait.ge [sflag:s7], $0x5000  }
0xc3: {  	[sflag:s7] =	ssyncset.done $0x0  }
0xc4: {  	s1 =	rddreg [dreg:$0x16];
	[sflag:s7] =	ssyncadd.s32 $0xFFFFB000  }
0xc5: {  	[tilespmem:s21], [sflag:$0x5] =	stream.linear.gather [hbm4b:s1+s2], $0xA0, $0x38;
	[tilespmem:$0x14200] =	vst v63  }
0xc6: {  	_ =	swait.ge [sflag:s19], $0xA0  }
0xc7: {  	[sflag:s19] =	ssyncset.done $0x0  }
0xc8: {  	[sflag:s19] =	ssyncadd.s32 $0xFFFFFF60  }
0xc9: {  	[tilespmem:s11], [sflag:$0x2] =	stream.indirect.gather [hbm4b:s3+s17], $0x80, s21, s17, $0xb8;
	[tilespmem:$0x14200] =	vst v63  }
0xca: {  	_ = 	snop  }
0xcb: {  	[tilespmem:s12], [sflag:$0x2] =	stream.indirect.gather [hbm4b:s4+s17], $0x80, s21, s17, $0xb8;
	[tilespmem:$0x14200] =	vst v63  }
0xcc: {  	_ =	swait.ge [sflag:s22], $0x5000  }
0xcd: {  	[sflag:s22] =	ssyncset.done $0x0  }
0xce: {  	[sflag:s22] =	ssyncadd.s32 $0xFFFFB000  }
0xcf: {  	_ =	swait.ge [sflag:s22], $0x5000  }
0xd0: {  	[sflag:s22] =	ssyncset.done $0x0  }
0xd1: {  	s0 =	rddreg [dreg:$0x17];
	[sflag:s22] =	ssyncadd.s32 $0xFFFFB000  }
0xd2: {  	[hbm4b:s0+s2] =	stream.linear.scatter [tilespmem:s13], [sflag:$0x3], $0x5000, $0x38;
	[tilespmem:$0x14200] =	vst v63  }
0xd3: {  	s1 =	rddreg [dreg:$0x18]  }
0xd4: {  	[hbm4b:s1+s2] =	stream.linear.scatter [tilespmem:s14], [sflag:$0x3], $0x5000, $0x38;
	[tilespmem:$0x14200] =	vst v63  }
0xd5: {  	_ =	swait.ge [sflag:s10], $0x5000  }
0xd6: {  	[sflag:s10] =	ssyncset.done $0x0  }
0xd7: {  	[sflag:s10] =	ssyncadd.s32 $0xFFFFB000  }
0xd8: {  	_ =	swait.ge [sflag:s10], $0x5000  }
0xd9: {  	[sflag:s10] =	ssyncset.done $0x0  }
0xda: {  	s1 =	rddreg [dreg:$0x19];
	[sflag:s10] =	ssyncadd.s32 $0xFFFFB000  }
0xdb: {  	[tilespmem:s2], [sflag:$0x5] =	stream.linear.gather [hbm4b:s1+s2], $0xA0, $0x38;
	[tilespmem:$0x14200] =	vst v63  }
0xdc: {  	_ =	swait.ge [sflag:s19], $0xA0  }
0xdd: {  	[sflag:s19] =	ssyncset.done $0x0  }
0xde: {  	[sflag:s19] =	ssyncadd.s32 $0xFFFFFF60  }
0xdf: {  	[tilespmem:s13], [sflag:$0x1] =	stream.indirect.gather [hbm4b:s3+s17], $0x80, s2, s17, $0xb8;
	[tilespmem:$0x14200] =	vst v63  }
0xe0: {  	_ = 	snop  }
0xe1: {  	[tilespmem:s14], [sflag:$0x1] =	stream.indirect.gather [hbm4b:s4+s17], $0x80, s2, s17, $0xb8;
	[tilespmem:$0x14200] =	vst v63  }
0xe2: {  	_ =	swait.ge [sflag:s16], $0x5000  }
0xe3: {  	[sflag:s16] =	ssyncset.done $0x0  }
0xe4: {  	[sflag:s16] =	ssyncadd.s32 $0xFFFFB000  }
0xe5: {  	_ =	swait.ge [sflag:s16], $0x5000  }
0xe6: {  	[sflag:s16] =	ssyncset.done $0x0  }
0xe7: {  	s0 =	rddreg [dreg:$0x1a];
	[sflag:s16] =	ssyncadd.s32 $0xFFFFB000  }
0xe8: {  	[hbm4b:s0+s2] =	stream.linear.scatter [tilespmem:s11], [sflag:$0x4], $0x5000, $0x38;
	[tilespmem:$0x14200] =	vst v63  }
0xe9: {  	s1 =	rddreg [dreg:$0x1b]  }
0xea: {  	[hbm4b:s1+s2] =	stream.linear.scatter [tilespmem:s12], [sflag:$0x4], $0x5000, $0x38;
	[tilespmem:$0x14200] =	vst v63  }
0xeb: {  	_ =	swait.ge [sflag:s7], $0x5000  }
0xec: {  	[sflag:s7] =	ssyncset.done $0x0  }
0xed: {  	[sflag:s7] =	ssyncadd.s32 $0xFFFFB000  }
0xee: {  	_ =	swait.ge [sflag:s7], $0x5000  }
0xef: {  	[sflag:s7] =	ssyncset.done $0x0  }
0xf0: {  	s1 =	rddreg [dreg:$0x1c];
	[sflag:s7] =	ssyncadd.s32 $0xFFFFB000  }
0xf1: {  	[tilespmem:s21], [sflag:$0x5] =	stream.linear.gather [hbm4b:s1+s2], $0xA0, $0x38;
	[tilespmem:$0x14200] =	vst v63  }
0xf2: {  	_ =	swait.ge [sflag:s19], $0xA0  }
0xf3: {  	[sflag:s19] =	ssyncset.done $0x0  }
0xf4: {  	[sflag:s19] =	ssyncadd.s32 $0xFFFFFF60  }
0xf5: {  	[tilespmem:s11], [sflag:$0x2] =	stream.indirect.gather [hbm4b:s3+s17], $0x80, s21, s17, $0xb8;
	[tilespmem:$0x14200] =	vst v63  }
0xf6: {  	_ = 	snop  }
0xf7: {  	[tilespmem:s12], [sflag:$0x2] =	stream.indirect.gather [hbm4b:s4+s17], $0x80, s21, s17, $0xb8;
	[tilespmem:$0x14200] =	vst v63  }
0xf8: {  	_ =	swait.ge [sflag:s22], $0x5000  }
0xf9: {  	[sflag:s22] =	ssyncset.done $0x0  }
0xfa: {  	[sflag:s22] =	ssyncadd.s32 $0xFFFFB000  }
0xfb: {  	_ =	swait.ge [sflag:s22], $0x5000  }
0xfc: {  	[sflag:s22] =	ssyncset.done $0x0  }
0xfd: {  	s0 =	rddreg [dreg:$0x1d];
	[sflag:s22] =	ssyncadd.s32 $0xFFFFB000  }
0xfe: {  	[hbm4b:s0+s2] =	stream.linear.scatter [tilespmem:s13], [sflag:$0x3], $0x5000, $0x38;
	[tilespmem:$0x14200] =	vst v63  }
0xff: {  	s1 =	rddreg [dreg:$0x1e]  }
0x100: {  	[hbm4b:s1+s2] =	stream.linear.scatter [tilespmem:s14], [sflag:$0x3], $0x5000, $0x38;
	[tilespmem:$0x14200] =	vst v63  }
0x101: {  	_ =	swait.ge [sflag:s10], $0x5000  }
0x102: {  	[sflag:s10] =	ssyncset.done $0x0  }
0x103: {  	[sflag:s10] =	ssyncadd.s32 $0xFFFFB000  }
0x104: {  	_ =	swait.ge [sflag:s10], $0x5000  }
0x105: {  	[sflag:s10] =	ssyncset.done $0x0  }
0x106: {  	s1 =	rddreg [dreg:$0x1f];
	[sflag:s10] =	ssyncadd.s32 $0xFFFFB000  }
0x107: {  	[tilespmem:s2], [sflag:$0x5] =	stream.linear.gather [hbm4b:s1+s2], $0xA0, $0x38;
	[tilespmem:$0x14200] =	vst v63  }
0x108: {  	_ =	swait.ge [sflag:s19], $0xA0  }
0x109: {  	[sflag:s19] =	ssyncset.done $0x0  }
0x10a: {  	[sflag:s19] =	ssyncadd.s32 $0xFFFFFF60  }
0x10b: {  	[tilespmem:s13], [sflag:$0x1] =	stream.indirect.gather [hbm4b:s3+s17], $0x80, s2, s17, $0xb8;
	[tilespmem:$0x14200] =	vst v63  }
0x10c: {  	_ = 	snop  }
0x10d: {  	[tilespmem:s14], [sflag:$0x1] =	stream.indirect.gather [hbm4b:s4+s17], $0x80, s2, s17, $0xb8;
	[tilespmem:$0x14200] =	vst v63  }
0x10e: {  	_ =	swait.ge [sflag:s16], $0x5000  }
0x10f: {  	[sflag:s16] =	ssyncset.done $0x0  }
0x110: {  	[sflag:s16] =	ssyncadd.s32 $0xFFFFB000  }
0x111: {  	_ =	swait.ge [sflag:s16], $0x5000  }
0x112: {  	s0 =	sld [smem:$0x7FA]  }
0x113: {  	[sflag:s16] =	ssyncset.done $0x0  }
0x114: {  	s1 =	sld [smem:$0x7FB];
	[sflag:s16] =	ssyncadd.s32 $0xFFFFB000  }
0x115: {  	[hbm4b:s0+s2] =	stream.linear.scatter [tilespmem:s11], [sflag:$0x4], $0x5000, $0x38;
	[tilespmem:$0x14200] =	vst v63  }
0x116: {  	_ = 	snop  }
0x117: {  	[hbm4b:s1+s2] =	stream.linear.scatter [tilespmem:s12], [sflag:$0x4], $0x5000, $0x38;
	[tilespmem:$0x14200] =	vst v63  }
0x118: {  	_ =	swait.ge [sflag:s7], $0x5000  }
0x119: {  	[sflag:s7] =	ssyncset.done $0x0  }
0x11a: {  	[sflag:s7] =	ssyncadd.s32 $0xFFFFB000  }
0x11b: {  	_ =	swait.ge [sflag:s7], $0x5000  }
0x11c: {  	s1 =	sld [smem:$0x7FC]  }
0x11d: {  	[sflag:s7] =	ssyncset.done $0x0  }
0x11e: {  	[sflag:s7] =	ssyncadd.s32 $0xFFFFB000  }
0x11f: {  	[tilespmem:s21], [sflag:$0x5] =	stream.linear.gather [hbm4b:s1+s2], $0xA0, $0x38;
	[tilespmem:$0x14200] =	vst v63  }
0x120: {  	_ =	swait.ge [sflag:s19], $0xA0  }
0x121: {  	[sflag:s19] =	ssyncset.done $0x0  }
0x122: {  	[sflag:s19] =	ssyncadd.s32 $0xFFFFFF60  }
0x123: {  	[tilespmem:s11], [sflag:$0x2] =	stream.indirect.gather [hbm4b:s3+s17], $0x80, s21, s17, $0xb8;
	[tilespmem:$0x14200] =	vst v63  }
0x124: {  	_ = 	snop  }
0x125: {  	[tilespmem:s12], [sflag:$0x2] =	stream.indirect.gather [hbm4b:s4+s17], $0x80, s21, s17, $0xb8;
	[tilespmem:$0x14200] =	vst v63  }
0x126: {  	_ =	swait.ge [sflag:s22], $0x5000  }
0x127: {  	[sflag:s22] =	ssyncset.done $0x0  }
0x128: {  	[sflag:s22] =	ssyncadd.s32 $0xFFFFB000  }
0x129: {  	_ =	swait.ge [sflag:s22], $0x5000  }
0x12a: {  	s1 =	sld [smem:$0x7FD]  }
0x12b: {  	[sflag:s22] =	ssyncset.done $0x0  }
0x12c: {  	[sflag:s22] =	ssyncadd.s32 $0xFFFFB000  }
0x12d: {  	[hbm4b:s1+s2] =	stream.linear.scatter [tilespmem:s13], [sflag:$0x3], $0x5000, $0x38;
	[tilespmem:$0x14200] =	vst v63  }
0x12e: {  	_ = 	snop  }
0x12f: {  	[hbm4b:s31+s2] =	stream.linear.scatter [tilespmem:s14], [sflag:$0x3], $0x5000, $0x38;
	[tilespmem:$0x14200] =	vst v63  }
0x130: {  	_ =	swait.ge [sflag:s10], $0x5000  }
0x131: {  	[sflag:s10] =	ssyncset.done $0x0  }
0x132: {  	[sflag:s10] =	ssyncadd.s32 $0xFFFFB000  }
0x133: {  	_ =	swait.ge [sflag:s10], $0x5000  }
0x134: {  	[sflag:s10] =	ssyncset.done $0x0  }
0x135: {  	[sflag:s10] =	ssyncadd.s32 $0xFFFFB000  }
0x136: {  	[tilespmem:s2], [sflag:$0x5] =	stream.linear.gather [hbm4b:s30+s2], $0xA0, $0x38;
	[tilespmem:$0x14200] =	vst v63  }
0x137: {  	_ =	swait.ge [sflag:s19], $0xA0  }
0x138: {  	[sflag:s19] =	ssyncset.done $0x0  }
0x139: {  	[sflag:s19] =	ssyncadd.s32 $0xFFFFFF60  }
0x13a: {  	[tilespmem:s13], [sflag:$0x1] =	stream.indirect.gather [hbm4b:s3+s17], $0x80, s2, s17, $0xb8;
	[tilespmem:$0x14200] =	vst v63  }
0x13b: {  	_ = 	snop  }
0x13c: {  	[tilespmem:s14], [sflag:$0x1] =	stream.indirect.gather [hbm4b:s4+s17], $0x80, s2, s17, $0xb8;
	[tilespmem:$0x14200] =	vst v63  }
0x13d: {  	_ =	swait.ge [sflag:s16], $0x5000  }
0x13e: {  	[sflag:s16] =	ssyncset.done $0x0  }
0x13f: {  	[sflag:s16] =	ssyncadd.s32 $0xFFFFB000  }
0x140: {  	_ =	swait.ge [sflag:s16], $0x5000  }
0x141: {  	[sflag:s16] =	ssyncset.done $0x0  }
0x142: {  	[sflag:s16] =	ssyncadd.s32 $0xFFFFB000  }
0x143: {  	[hbm4b:s28+s2] =	stream.linear.scatter [tilespmem:s11], [sflag:$0x4], $0x5000, $0x38;
	[tilespmem:$0x14200] =	vst v63  }
0x144: {  	_ = 	snop  }
0x145: {  	[hbm4b:s29+s2] =	stream.linear.scatter [tilespmem:s12], [sflag:$0x4], $0x5000, $0x38;
	[tilespmem:$0x14200] =	vst v63  }
0x146: {  	_ =	swait.ge [sflag:s7], $0x5000  }
0x147: {  	[sflag:s7] =	ssyncset.done $0x0  }
0x148: {  	[sflag:s7] =	ssyncadd.s32 $0xFFFFB000  }
0x149: {  	_ =	swait.ge [sflag:s7], $0x5000  }
0x14a: {  	[sflag:s7] =	ssyncset.done $0x0  }
0x14b: {  	[sflag:s7] =	ssyncadd.s32 $0xFFFFB000  }
0x14c: {  	[tilespmem:s21], [sflag:$0x5] =	stream.linear.gather [hbm4b:s26+s2], $0xA0, $0x38;
	[tilespmem:$0x14200] =	vst v63  }
0x14d: {  	_ =	swait.ge [sflag:s19], $0xA0  }
0x14e: {  	[sflag:s19] =	ssyncset.done $0x0  }
0x14f: {  	[sflag:s19] =	ssyncadd.s32 $0xFFFFFF60  }
0x150: {  	[tilespmem:s11], [sflag:$0x2] =	stream.indirect.gather [hbm4b:s3+s17], $0x80, s21, s17, $0xb8;
	[tilespmem:$0x14200] =	vst v63  }
0x151: {  	_ = 	snop  }
0x152: {  	[tilespmem:s12], [sflag:$0x2] =	stream.indirect.gather [hbm4b:s4+s17], $0x80, s21, s17, $0xb8;
	[tilespmem:$0x14200] =	vst v63  }
0x153: {  	_ =	swait.ge [sflag:s22], $0x5000  }
0x154: {  	[sflag:s22] =	ssyncset.done $0x0  }
0x155: {  	[sflag:s22] =	ssyncadd.s32 $0xFFFFB000  }
0x156: {  	_ =	swait.ge [sflag:s22], $0x5000  }
0x157: {  	[sflag:s22] =	ssyncset.done $0x0  }
0x158: {  	[sflag:s22] =	ssyncadd.s32 $0xFFFFB000  }
0x159: {  	[hbm4b:s24+s2] =	stream.linear.scatter [tilespmem:s13], [sflag:$0x3], $0x5000, $0x38;
	[tilespmem:$0x14200] =	vst v63  }
0x15a: {  	_ = 	snop  }
0x15b: {  	[hbm4b:s25+s2] =	stream.linear.scatter [tilespmem:s14], [sflag:$0x3], $0x5000, $0x38;
	[tilespmem:$0x14200] =	vst v63  }
0x15c: {  	_ =	swait.ge [sflag:s10], $0x5000  }
0x15d: {  	[sflag:s10] =	ssyncset.done $0x0  }
0x15e: {  	[sflag:s10] =	ssyncadd.s32 $0xFFFFB000  }
0x15f: {  	_ =	swait.ge [sflag:s10], $0x5000  }
0x160: {  	[sflag:s10] =	ssyncset.done $0x0  }
0x161: {  	[sflag:s10] =	ssyncadd.s32 $0xFFFFB000  }
0x162: {  	[tilespmem:s2], [sflag:$0x5] =	stream.linear.gather [hbm4b:s23+s2], $0xA0, $0x38;
	[tilespmem:$0x14200] =	vst v63  }
0x163: {  	_ =	swait.ge [sflag:s19], $0xA0  }
0x164: {  	[sflag:s19] =	ssyncset.done $0x0  }
0x165: {  	[sflag:s19] =	ssyncadd.s32 $0xFFFFFF60  }
0x166: {  	[tilespmem:s13], [sflag:$0x1] =	stream.indirect.gather [hbm4b:s3+s17], $0x80, s2, s17, $0xb8;
	[tilespmem:$0x14200] =	vst v63  }
0x167: {  	_ = 	snop  }
0x168: {  	[tilespmem:s14], [sflag:$0x1] =	stream.indirect.gather [hbm4b:s4+s17], $0x80, s2, s17, $0xb8;
	[tilespmem:$0x14200] =	vst v63  }
0x169: {  	_ =	swait.ge [sflag:s16], $0x5000  }
0x16a: {  	[sflag:s16] =	ssyncset.done $0x0  }
0x16b: {  	[sflag:s16] =	ssyncadd.s32 $0xFFFFB000  }
0x16c: {  	_ =	swait.ge [sflag:s16], $0x5000  }
0x16d: {  	[sflag:s16] =	ssyncset.done $0x0  }
0x16e: {  	[sflag:s16] =	ssyncadd.s32 $0xFFFFB000  }
0x16f: {  	[hbm4b:s18+s2] =	stream.linear.scatter [tilespmem:s11], [sflag:$0x4], $0x5000, $0x38;
	[tilespmem:$0x14200] =	vst v63  }
0x170: {  	_ = 	snop  }
0x171: {  	[hbm4b:s20+s2] =	stream.linear.scatter [tilespmem:s12], [sflag:$0x4], $0x5000, $0x38;
	[tilespmem:$0x14200] =	vst v63  }
0x172: {  	_ =	swait.ge [sflag:s7], $0x5000  }
0x173: {  	[sflag:s7] =	ssyncset.done $0x0  }
0x174: {  	[sflag:s7] =	ssyncadd.s32 $0xFFFFB000  }
0x175: {  	_ =	swait.ge [sflag:s7], $0x5000  }
0x176: {  	[sflag:s7] =	ssyncset.done $0x0  }
0x177: {  	[sflag:s7] =	ssyncadd.s32 $0xFFFFB000  }
0x178: {  	[tilespmem:s21], [sflag:$0x5] =	stream.linear.gather [hbm4b:s15+s2], $0xA0, $0x38;
	[tilespmem:$0x14200] =	vst v63  }
0x179: {  	_ =	swait.ge [sflag:s19], $0xA0  }
0x17a: {  	[sflag:s19] =	ssyncset.done $0x0  }
0x17b: {  	[sflag:s19] =	ssyncadd.s32 $0xFFFFFF60  }
0x17c: {  	[tilespmem:s11], [sflag:$0x2] =	stream.indirect.gather [hbm4b:s3+s17], $0x80, s21, s17, $0xb8;
	[tilespmem:$0x14200] =	vst v63  }
0x17d: {  	_ = 	snop  }
0x17e: {  	[tilespmem:s12], [sflag:$0x2] =	stream.indirect.gather [hbm4b:s4+s17], $0x80, s21, s17, $0xb8;
	[tilespmem:$0x14200] =	vst v63  }
0x17f: {  	_ =	swait.ge [sflag:s22], $0x5000  }
0x180: {  	[sflag:s22] =	ssyncset.done $0x0  }
0x181: {  	[sflag:s22] =	ssyncadd.s32 $0xFFFFB000  }
0x182: {  	_ =	swait.ge [sflag:s22], $0x5000  }
0x183: {  	[sflag:s22] =	ssyncset.done $0x0  }
0x184: {  	[sflag:s22] =	ssyncadd.s32 $0xFFFFB000  }
0x185: {  	[hbm4b:s8+s2] =	stream.linear.scatter [tilespmem:s13], [sflag:$0x3], $0x5000, $0x38;
	[tilespmem:$0x14200] =	vst v63  }
0x186: {  	_ = 	snop  }
0x187: {  	[hbm4b:s9+s2] =	stream.linear.scatter [tilespmem:s14], [sflag:$0x3], $0x5000, $0x38;
	[tilespmem:$0x14200] =	vst v63  }
0x188: {  	_ =	swait.ge [sflag:s16], $0x5000  }
0x189: {  	[sflag:s16] =	ssyncset.done $0x0  }
0x18a: {  	[sflag:s16] =	ssyncadd.s32 $0xFFFFB000  }
0x18b: {  	_ =	swait.ge [sflag:s16], $0x5000  }
0x18c: {  	[sflag:s16] =	ssyncset.done $0x0  }
0x18d: {  	[sflag:s16] =	ssyncadd.s32 $0xFFFFB000  }
0x18e: {  	[hbm4b:s5+s2] =	stream.linear.scatter [tilespmem:s11], [sflag:$0x4], $0x5000, $0x38;
	[tilespmem:$0x14200] =	vst v63  }
0x18f: {  	_ = 	snop  }
0x190: {  	[hbm4b:s6+s2] =	stream.linear.scatter [tilespmem:s12], [sflag:$0x4], $0x5000, $0x38;
	[tilespmem:$0x14200] =	vst v63  }
0x191: {  	_ =	swait.ge [sflag:s10], $0x5000  }
0x192: {  	[sflag:s10] =	ssyncset.done $0x0  }
0x193: {  	[sflag:s10] =	ssyncadd.s32 $0xFFFFB000  }
0x194: {  	_ =	swait.ge [sflag:s10], $0x5000  }
0x195: {  	[sflag:s10] =	ssyncset.done $0x0  }
0x196: {  	[sflag:s10] =	ssyncadd.s32 $0xFFFFB000  }
0x197: {  	_ =	swait.ge [sflag:s7], $0x5000  }
0x198: {  	s1 =	sld [smem:$0x7F8];
	_ =	sdelay $0x2  }
0x199: {  	p1 =	sne.s32 s1, $0x1  }
.Ltmp1:
0x19a: {  	[sflag:s7] =	ssyncset.done $0x0;
	(pc) =	sbr.rel @!p1 .LBB2_3-.Ltmp1, $4  }
0x19b: {  	[sflag:s7] =	ssyncadd.s32 $0xFFFFB000  }
0x19c: {  	_ =	swait.ge [sflag:s7], $0x5000  }
0x19d: {  	s0 =	sadd.s32 $0xFFFFFFFF, s1;
	s1 =	rddreg [dreg:$0x3]  }
0x19e: {  	p0 =	por $0x1, $0x1;
	[sflag:s7] =	ssyncset.done $0x0;
	[smem:$0x7F9] =	sst s31  }
.LBB2_2:
0x19f: {  	[sflag:s7] =	ssyncadd.s32 $0xFFFFB000  }
0x1a0: {  	[tilespmem:s2], [sflag:$0x5] =	stream.linear.gather [hbm4b:s1+s2], $0xA0, $0x38;
	[tilespmem:$0x14200] =	vst v63  }
0x1a1: {  	_ =	swait.ge [sflag:s19], $0xA0  }
0x1a2: {  	[sflag:s19] =	ssyncset.done $0x0  }
0x1a3: {  	[sflag:s19] =	ssyncadd.s32 $0xFFFFFF60  }
0x1a4: {  	[tilespmem:s13], [sflag:$0x1] =	stream.indirect.gather [hbm4b:s3+s17], $0x80, s2, s17, $0xb8;
	[tilespmem:$0x14200] =	vst v63  }
0x1a5: {  	_ = 	snop  }
0x1a6: {  	[tilespmem:s14], [sflag:$0x1] =	stream.indirect.gather [hbm4b:s4+s17], $0x80, s2, s17, $0xb8;
	[tilespmem:$0x14200] =	vst v63  }
0x1a7: {  	s1 =	rddreg [dreg:$0x4]  }
0x1a8: {  	[tilespmem:s21], [sflag:$0x5] =	stream.linear.gather [hbm4b:s1+s2], $0xA0, $0x38;
	[tilespmem:$0x14200] =	vst v63  }
0x1a9: {  	_ =	swait.ge [sflag:s19], $0xA0  }
0x1aa: {  	[sflag:s19] =	ssyncset.done $0x0  }
0x1ab: {  	[sflag:s19] =	ssyncadd.s32 $0xFFFFFF60  }
0x1ac: {  	[tilespmem:s11], [sflag:$0x2] =	stream.indirect.gather [hbm4b:s3+s17], $0x80, s21, s17, $0xb8;
	[tilespmem:$0x14200] =	vst v63  }
0x1ad: {  	s31 =	smov.u32 s30  }
0x1ae: {  	[tilespmem:s12], [sflag:$0x2] =	stream.indirect.gather [hbm4b:s4+s17], $0x80, s21, s17, $0xb8;
	[tilespmem:$0x14200] =	vst v63  }
0x1af: {  	s30 =	smov.u32 s29;
	s29 =	smov.u32 s28;
	_ =	swait.ge [sflag:s22], $0x5000  }
0x1b0: {  	s28 =	smov.u32 s26;
	s26 =	smov.u32 s25;
	[sflag:s22] =	ssyncset.done $0x0  }
0x1b1: {  	s25 =	smov.u32 s24;
	s24 =	smov.u32 s23;
	[sflag:s22] =	ssyncadd.s32 $0xFFFFB000  }
0x1b2: {  	s23 =	smov.u32 s20;
	s20 =	smov.u32 s18;
	_ =	swait.ge [sflag:s22], $0x5000  }
0x1b3: {  	s18 =	smov.u32 s15;
	s15 =	smov.u32 s9;
	[sflag:s22] =	ssyncset.done $0x0  }
0x1b4: {  	s9 =	smov.u32 s8;
	s1 =	rddreg [dreg:$0x5];
	[sflag:s22] =	ssyncadd.s32 $0xFFFFB000  }
0x1b5: {  	[hbm4b:s1+s2] =	stream.linear.scatter [tilespmem:s13], [sflag:$0x3], $0x5000, $0x38;
	[tilespmem:$0x14200] =	vst v63  }
0x1b6: {  	s8 =	smov.u32 s6;
	s6 =	smov.u32 s5;
	s5 =	rddreg [dreg:$0x6]  }
0x1b7: {  	[hbm4b:s5+s2] =	stream.linear.scatter [tilespmem:s14], [sflag:$0x3], $0x5000, $0x38;
	[tilespmem:$0x14200] =	vst v63  }
0x1b8: {  	_ =	swait.ge [sflag:s10], $0x5000  }
0x1b9: {  	[sflag:s10] =	ssyncset.done $0x0  }
0x1ba: {  	[sflag:s10] =	ssyncadd.s32 $0xFFFFB000  }
0x1bb: {  	_ =	swait.ge [sflag:s10], $0x5000  }
0x1bc: {  	[sflag:s10] =	ssyncset.done $0x0  }
0x1bd: {  	s5 =	rddreg [dreg:$0x7];
	[sflag:s10] =	ssyncadd.s32 $0xFFFFB000  }
0x1be: {  	[tilespmem:s2], [sflag:$0x5] =	stream.linear.gather [hbm4b:s5+s2], $0xA0, $0x38;
	[tilespmem:$0x14200] =	vst v63  }
0x1bf: {  	_ =	swait.ge [sflag:s19], $0xA0  }
0x1c0: {  	[sflag:s19] =	ssyncset.done $0x0  }
0x1c1: {  	[sflag:s19] =	ssyncadd.s32 $0xFFFFFF60  }
0x1c2: {  	[tilespmem:s13], [sflag:$0x1] =	stream.indirect.gather [hbm4b:s3+s17], $0x80, s2, s17, $0xb8;
	[tilespmem:$0x14200] =	vst v63  }
0x1c3: {  	_ = 	snop  }
0x1c4: {  	[tilespmem:s14], [sflag:$0x1] =	stream.indirect.gather [hbm4b:s4+s17], $0x80, s2, s17, $0xb8;
	[tilespmem:$0x14200] =	vst v63  }
0x1c5: {  	_ =	swait.ge [sflag:s16], $0x5000  }
0x1c6: {  	[sflag:s16] =	ssyncset.done $0x0  }
0x1c7: {  	[sflag:s16] =	ssyncadd.s32 $0xFFFFB000  }
0x1c8: {  	_ =	swait.ge [sflag:s16], $0x5000  }
0x1c9: {  	[sflag:s16] =	ssyncset.done $0x0  }
0x1ca: {  	s1 =	rddreg [dreg:$0x8];
	[sflag:s16] =	ssyncadd.s32 $0xFFFFB000  }
0x1cb: {  	[hbm4b:s1+s2] =	stream.linear.scatter [tilespmem:s11], [sflag:$0x4], $0x5000, $0x38;
	[tilespmem:$0x14200] =	vst v63  }
0x1cc: {  	s5 =	rddreg [dreg:$0x9]  }
0x1cd: {  	[hbm4b:s5+s2] =	stream.linear.scatter [tilespmem:s12], [sflag:$0x4], $0x5000, $0x38;
	[tilespmem:$0x14200] =	vst v63  }
0x1ce: {  	_ =	swait.ge [sflag:s7], $0x5000  }
0x1cf: {  	[sflag:s7] =	ssyncset.done $0x0  }
0x1d0: {  	[sflag:s7] =	ssyncadd.s32 $0xFFFFB000  }
0x1d1: {  	_ =	swait.ge [sflag:s7], $0x5000  }
0x1d2: {  	[sflag:s7] =	ssyncset.done $0x0  }
0x1d3: {  	s5 =	rddreg [dreg:$0xa];
	[sflag:s7] =	ssyncadd.s32 $0xFFFFB000  }
0x1d4: {  	[tilespmem:s21], [sflag:$0x5] =	stream.linear.gather [hbm4b:s5+s2], $0xA0, $0x38;
	[tilespmem:$0x14200] =	vst v63  }
0x1d5: {  	_ =	swait.ge [sflag:s19], $0xA0  }
0x1d6: {  	[sflag:s19] =	ssyncset.done $0x0  }
0x1d7: {  	[sflag:s19] =	ssyncadd.s32 $0xFFFFFF60  }
0x1d8: {  	[tilespmem:s11], [sflag:$0x2] =	stream.indirect.gather [hbm4b:s3+s17], $0x80, s21, s17, $0xb8;
	[tilespmem:$0x14200] =	vst v63  }
0x1d9: {  	_ = 	snop  }
0x1da: {  	[tilespmem:s12], [sflag:$0x2] =	stream.indirect.gather [hbm4b:s4+s17], $0x80, s21, s17, $0xb8;
	[tilespmem:$0x14200] =	vst v63  }
0x1db: {  	_ =	swait.ge [sflag:s22], $0x5000  }
0x1dc: {  	[sflag:s22] =	ssyncset.done $0x0  }
0x1dd: {  	[sflag:s22] =	ssyncadd.s32 $0xFFFFB000  }
0x1de: {  	_ =	swait.ge [sflag:s22], $0x5000  }
0x1df: {  	[sflag:s22] =	ssyncset.done $0x0  }
0x1e0: {  	s1 =	rddreg [dreg:$0xb];
	[sflag:s22] =	ssyncadd.s32 $0xFFFFB000  }
0x1e1: {  	[hbm4b:s1+s2] =	stream.linear.scatter [tilespmem:s13], [sflag:$0x3], $0x5000, $0x38;
	[tilespmem:$0x14200] =	vst v63  }
0x1e2: {  	s5 =	rddreg [dreg:$0xc]  }
0x1e3: {  	[hbm4b:s5+s2] =	stream.linear.scatter [tilespmem:s14], [sflag:$0x3], $0x5000, $0x38;
	[tilespmem:$0x14200] =	vst v63  }
0x1e4: {  	_ =	swait.ge [sflag:s10], $0x5000  }
0x1e5: {  	[sflag:s10] =	ssyncset.done $0x0  }
0x1e6: {  	[sflag:s10] =	ssyncadd.s32 $0xFFFFB000  }
0x1e7: {  	_ =	swait.ge [sflag:s10], $0x5000  }
0x1e8: {  	[sflag:s10] =	ssyncset.done $0x0  }
0x1e9: {  	s5 =	rddreg [dreg:$0xd];
	[sflag:s10] =	ssyncadd.s32 $0xFFFFB000  }
0x1ea: {  	[tilespmem:s2], [sflag:$0x5] =	stream.linear.gather [hbm4b:s5+s2], $0xA0, $0x38;
	[tilespmem:$0x14200] =	vst v63  }
0x1eb: {  	_ =	swait.ge [sflag:s19], $0xA0  }
0x1ec: {  	[sflag:s19] =	ssyncset.done $0x0  }
0x1ed: {  	[sflag:s19] =	ssyncadd.s32 $0xFFFFFF60  }
0x1ee: {  	[tilespmem:s13], [sflag:$0x1] =	stream.indirect.gather [hbm4b:s3+s17], $0x80, s2, s17, $0xb8;
	[tilespmem:$0x14200] =	vst v63  }
0x1ef: {  	_ = 	snop  }
0x1f0: {  	[tilespmem:s14], [sflag:$0x1] =	stream.indirect.gather [hbm4b:s4+s17], $0x80, s2, s17, $0xb8;
	[tilespmem:$0x14200] =	vst v63  }
0x1f1: {  	_ =	swait.ge [sflag:s16], $0x5000  }
0x1f2: {  	[sflag:s16] =	ssyncset.done $0x0  }
0x1f3: {  	[sflag:s16] =	ssyncadd.s32 $0xFFFFB000  }
0x1f4: {  	_ =	swait.ge [sflag:s16], $0x5000  }
0x1f5: {  	[sflag:s16] =	ssyncset.done $0x0  }
0x1f6: {  	s1 =	rddreg [dreg:$0xe];
	[sflag:s16] =	ssyncadd.s32 $0xFFFFB000  }
0x1f7: {  	[hbm4b:s1+s2] =	stream.linear.scatter [tilespmem:s11], [sflag:$0x4], $0x5000, $0x38;
	[tilespmem:$0x14200] =	vst v63  }
0x1f8: {  	s5 =	rddreg [dreg:$0xf]  }
0x1f9: {  	[hbm4b:s5+s2] =	stream.linear.scatter [tilespmem:s12], [sflag:$0x4], $0x5000, $0x38;
	[tilespmem:$0x14200] =	vst v63  }
0x1fa: {  	_ =	swait.ge [sflag:s7], $0x5000  }
0x1fb: {  	[sflag:s7] =	ssyncset.done $0x0  }
0x1fc: {  	[sflag:s7] =	ssyncadd.s32 $0xFFFFB000  }
0x1fd: {  	_ =	swait.ge [sflag:s7], $0x5000  }
0x1fe: {  	[sflag:s7] =	ssyncset.done $0x0  }
0x1ff: {  	s5 =	rddreg [dreg:$0x10];
	[sflag:s7] =	ssyncadd.s32 $0xFFFFB000  }
0x200: {  	[tilespmem:s21], [sflag:$0x5] =	stream.linear.gather [hbm4b:s5+s2], $0xA0, $0x38;
	[tilespmem:$0x14200] =	vst v63  }
0x201: {  	_ =	swait.ge [sflag:s19], $0xA0  }
0x202: {  	[sflag:s19] =	ssyncset.done $0x0  }
0x203: {  	[sflag:s19] =	ssyncadd.s32 $0xFFFFFF60  }
0x204: {  	[tilespmem:s11], [sflag:$0x2] =	stream.indirect.gather [hbm4b:s3+s17], $0x80, s21, s17, $0xb8;
	[tilespmem:$0x14200] =	vst v63  }
0x205: {  	_ = 	snop  }
0x206: {  	[tilespmem:s12], [sflag:$0x2] =	stream.indirect.gather [hbm4b:s4+s17], $0x80, s21, s17, $0xb8;
	[tilespmem:$0x14200] =	vst v63  }
0x207: {  	_ =	swait.ge [sflag:s22], $0x5000  }
0x208: {  	[sflag:s22] =	ssyncset.done $0x0  }
0x209: {  	[sflag:s22] =	ssyncadd.s32 $0xFFFFB000  }
0x20a: {  	_ =	swait.ge [sflag:s22], $0x5000  }
0x20b: {  	[sflag:s22] =	ssyncset.done $0x0  }
0x20c: {  	s1 =	rddreg [dreg:$0x11];
	[sflag:s22] =	ssyncadd.s32 $0xFFFFB000  }
0x20d: {  	[hbm4b:s1+s2] =	stream.linear.scatter [tilespmem:s13], [sflag:$0x3], $0x5000, $0x38;
	[tilespmem:$0x14200] =	vst v63  }
0x20e: {  	s5 =	rddreg [dreg:$0x12]  }
0x20f: {  	[hbm4b:s5+s2] =	stream.linear.scatter [tilespmem:s14], [sflag:$0x3], $0x5000, $0x38;
	[tilespmem:$0x14200] =	vst v63  }
0x210: {  	_ =	swait.ge [sflag:s10], $0x5000  }
0x211: {  	[sflag:s10] =	ssyncset.done $0x0  }
0x212: {  	[sflag:s10] =	ssyncadd.s32 $0xFFFFB000  }
0x213: {  	_ =	swait.ge [sflag:s10], $0x5000  }
0x214: {  	[sflag:s10] =	ssyncset.done $0x0  }
0x215: {  	s5 =	rddreg [dreg:$0x13];
	[sflag:s10] =	ssyncadd.s32 $0xFFFFB000  }
0x216: {  	[tilespmem:s2], [sflag:$0x5] =	stream.linear.gather [hbm4b:s5+s2], $0xA0, $0x38;
	[tilespmem:$0x14200] =	vst v63  }
0x217: {  	_ =	swait.ge [sflag:s19], $0xA0  }
0x218: {  	[sflag:s19] =	ssyncset.done $0x0  }
0x219: {  	[sflag:s19] =	ssyncadd.s32 $0xFFFFFF60  }
0x21a: {  	[tilespmem:s13], [sflag:$0x1] =	stream.indirect.gather [hbm4b:s3+s17], $0x80, s2, s17, $0xb8;
	[tilespmem:$0x14200] =	vst v63  }
0x21b: {  	_ = 	snop  }
0x21c: {  	[tilespmem:s14], [sflag:$0x1] =	stream.indirect.gather [hbm4b:s4+s17], $0x80, s2, s17, $0xb8;
	[tilespmem:$0x14200] =	vst v63  }
0x21d: {  	_ =	swait.ge [sflag:s16], $0x5000  }
0x21e: {  	[sflag:s16] =	ssyncset.done $0x0  }
0x21f: {  	[sflag:s16] =	ssyncadd.s32 $0xFFFFB000  }
0x220: {  	_ =	swait.ge [sflag:s16], $0x5000  }
0x221: {  	[sflag:s16] =	ssyncset.done $0x0  }
0x222: {  	s1 =	rddreg [dreg:$0x14];
	[sflag:s16] =	ssyncadd.s32 $0xFFFFB000  }
0x223: {  	[hbm4b:s1+s2] =	stream.linear.scatter [tilespmem:s11], [sflag:$0x4], $0x5000, $0x38;
	[tilespmem:$0x14200] =	vst v63  }
0x224: {  	s5 =	rddreg [dreg:$0x15]  }
0x225: {  	[hbm4b:s5+s2] =	stream.linear.scatter [tilespmem:s12], [sflag:$0x4], $0x5000, $0x38;
	[tilespmem:$0x14200] =	vst v63  }
0x226: {  	_ =	swait.ge [sflag:s7], $0x5000  }
0x227: {  	[sflag:s7] =	ssyncset.done $0x0  }
0x228: {  	[sflag:s7] =	ssyncadd.s32 $0xFFFFB000  }
0x229: {  	_ =	swait.ge [sflag:s7], $0x5000  }
0x22a: {  	[sflag:s7] =	ssyncset.done $0x0  }
0x22b: {  	s5 =	rddreg [dreg:$0x16];
	[sflag:s7] =	ssyncadd.s32 $0xFFFFB000  }
0x22c: {  	[tilespmem:s21], [sflag:$0x5] =	stream.linear.gather [hbm4b:s5+s2], $0xA0, $0x38;
	[tilespmem:$0x14200] =	vst v63  }
0x22d: {  	_ =	swait.ge [sflag:s19], $0xA0  }
0x22e: {  	[sflag:s19] =	ssyncset.done $0x0  }
0x22f: {  	[sflag:s19] =	ssyncadd.s32 $0xFFFFFF60  }
0x230: {  	[tilespmem:s11], [sflag:$0x2] =	stream.indirect.gather [hbm4b:s3+s17], $0x80, s21, s17, $0xb8;
	[tilespmem:$0x14200] =	vst v63  }
0x231: {  	_ = 	snop  }
0x232: {  	[tilespmem:s12], [sflag:$0x2] =	stream.indirect.gather [hbm4b:s4+s17], $0x80, s21, s17, $0xb8;
	[tilespmem:$0x14200] =	vst v63  }
0x233: {  	_ =	swait.ge [sflag:s22], $0x5000  }
0x234: {  	[sflag:s22] =	ssyncset.done $0x0  }
0x235: {  	[sflag:s22] =	ssyncadd.s32 $0xFFFFB000  }
0x236: {  	_ =	swait.ge [sflag:s22], $0x5000  }
0x237: {  	[sflag:s22] =	ssyncset.done $0x0  }
0x238: {  	s1 =	rddreg [dreg:$0x17];
	[sflag:s22] =	ssyncadd.s32 $0xFFFFB000  }
0x239: {  	[hbm4b:s1+s2] =	stream.linear.scatter [tilespmem:s13], [sflag:$0x3], $0x5000, $0x38;
	[tilespmem:$0x14200] =	vst v63  }
0x23a: {  	s5 =	rddreg [dreg:$0x18]  }
0x23b: {  	[hbm4b:s5+s2] =	stream.linear.scatter [tilespmem:s14], [sflag:$0x3], $0x5000, $0x38;
	[tilespmem:$0x14200] =	vst v63  }
0x23c: {  	_ =	swait.ge [sflag:s10], $0x5000  }
0x23d: {  	[sflag:s10] =	ssyncset.done $0x0  }
0x23e: {  	[sflag:s10] =	ssyncadd.s32 $0xFFFFB000  }
0x23f: {  	_ =	swait.ge [sflag:s10], $0x5000  }
0x240: {  	[sflag:s10] =	ssyncset.done $0x0  }
0x241: {  	s5 =	rddreg [dreg:$0x19];
	[sflag:s10] =	ssyncadd.s32 $0xFFFFB000  }
0x242: {  	[tilespmem:s2], [sflag:$0x5] =	stream.linear.gather [hbm4b:s5+s2], $0xA0, $0x38;
	[tilespmem:$0x14200] =	vst v63  }
0x243: {  	_ =	swait.ge [sflag:s19], $0xA0  }
0x244: {  	[sflag:s19] =	ssyncset.done $0x0  }
0x245: {  	[sflag:s19] =	ssyncadd.s32 $0xFFFFFF60  }
0x246: {  	[tilespmem:s13], [sflag:$0x1] =	stream.indirect.gather [hbm4b:s3+s17], $0x80, s2, s17, $0xb8;
	[tilespmem:$0x14200] =	vst v63  }
0x247: {  	_ = 	snop  }
0x248: {  	[tilespmem:s14], [sflag:$0x1] =	stream.indirect.gather [hbm4b:s4+s17], $0x80, s2, s17, $0xb8;
	[tilespmem:$0x14200] =	vst v63  }
0x249: {  	_ =	swait.ge [sflag:s16], $0x5000  }
0x24a: {  	[sflag:s16] =	ssyncset.done $0x0  }
0x24b: {  	[sflag:s16] =	ssyncadd.s32 $0xFFFFB000  }
0x24c: {  	_ =	swait.ge [sflag:s16], $0x5000  }
0x24d: {  	[sflag:s16] =	ssyncset.done $0x0  }
0x24e: {  	s1 =	rddreg [dreg:$0x1a];
	[sflag:s16] =	ssyncadd.s32 $0xFFFFB000  }
0x24f: {  	[hbm4b:s1+s2] =	stream.linear.scatter [tilespmem:s11], [sflag:$0x4], $0x5000, $0x38;
	[tilespmem:$0x14200] =	vst v63  }
0x250: {  	s5 =	rddreg [dreg:$0x1b]  }
0x251: {  	[hbm4b:s5+s2] =	stream.linear.scatter [tilespmem:s12], [sflag:$0x4], $0x5000, $0x38;
	[tilespmem:$0x14200] =	vst v63  }
0x252: {  	_ =	swait.ge [sflag:s7], $0x5000  }
0x253: {  	[sflag:s7] =	ssyncset.done $0x0  }
0x254: {  	[sflag:s7] =	ssyncadd.s32 $0xFFFFB000  }
0x255: {  	_ =	swait.ge [sflag:s7], $0x5000  }
0x256: {  	[sflag:s7] =	ssyncset.done $0x0  }
0x257: {  	s5 =	rddreg [dreg:$0x1c];
	[sflag:s7] =	ssyncadd.s32 $0xFFFFB000  }
0x258: {  	[tilespmem:s21], [sflag:$0x5] =	stream.linear.gather [hbm4b:s5+s2], $0xA0, $0x38;
	[tilespmem:$0x14200] =	vst v63  }
0x259: {  	_ =	swait.ge [sflag:s19], $0xA0  }
0x25a: {  	[sflag:s19] =	ssyncset.done $0x0  }
0x25b: {  	[sflag:s19] =	ssyncadd.s32 $0xFFFFFF60  }
0x25c: {  	[tilespmem:s11], [sflag:$0x2] =	stream.indirect.gather [hbm4b:s3+s17], $0x80, s21, s17, $0xb8;
	[tilespmem:$0x14200] =	vst v63  }
0x25d: {  	_ = 	snop  }
0x25e: {  	[tilespmem:s12], [sflag:$0x2] =	stream.indirect.gather [hbm4b:s4+s17], $0x80, s21, s17, $0xb8;
	[tilespmem:$0x14200] =	vst v63  }
0x25f: {  	_ =	swait.ge [sflag:s22], $0x5000  }
0x260: {  	[sflag:s22] =	ssyncset.done $0x0  }
0x261: {  	[sflag:s22] =	ssyncadd.s32 $0xFFFFB000  }
0x262: {  	_ =	swait.ge [sflag:s22], $0x5000  }
0x263: {  	[sflag:s22] =	ssyncset.done $0x0  }
0x264: {  	s1 =	rddreg [dreg:$0x1d];
	[sflag:s22] =	ssyncadd.s32 $0xFFFFB000  }
0x265: {  	[hbm4b:s1+s2] =	stream.linear.scatter [tilespmem:s13], [sflag:$0x3], $0x5000, $0x38;
	[tilespmem:$0x14200] =	vst v63  }
0x266: {  	s5 =	rddreg [dreg:$0x1e]  }
0x267: {  	[hbm4b:s5+s2] =	stream.linear.scatter [tilespmem:s14], [sflag:$0x3], $0x5000, $0x38;
	[tilespmem:$0x14200] =	vst v63  }
0x268: {  	_ =	swait.ge [sflag:s10], $0x5000  }
0x269: {  	[sflag:s10] =	ssyncset.done $0x0  }
0x26a: {  	[sflag:s10] =	ssyncadd.s32 $0xFFFFB000  }
0x26b: {  	_ =	swait.ge [sflag:s10], $0x5000  }
0x26c: {  	[sflag:s10] =	ssyncset.done $0x0  }
0x26d: {  	s5 =	rddreg [dreg:$0x1f];
	[sflag:s10] =	ssyncadd.s32 $0xFFFFB000  }
0x26e: {  	[tilespmem:s2], [sflag:$0x5] =	stream.linear.gather [hbm4b:s5+s2], $0xA0, $0x38;
	[tilespmem:$0x14200] =	vst v63  }
0x26f: {  	_ =	swait.ge [sflag:s19], $0xA0  }
0x270: {  	[sflag:s19] =	ssyncset.done $0x0  }
0x271: {  	[sflag:s19] =	ssyncadd.s32 $0xFFFFFF60  }
0x272: {  	[tilespmem:s13], [sflag:$0x1] =	stream.indirect.gather [hbm4b:s3+s17], $0x80, s2, s17, $0xb8;
	[tilespmem:$0x14200] =	vst v63  }
0x273: {  	_ = 	snop  }
0x274: {  	[tilespmem:s14], [sflag:$0x1] =	stream.indirect.gather [hbm4b:s4+s17], $0x80, s2, s17, $0xb8;
	[tilespmem:$0x14200] =	vst v63  }
0x275: {  	_ =	swait.ge [sflag:s16], $0x5000  }
0x276: {  	[sflag:s16] =	ssyncset.done $0x0  }
0x277: {  	[sflag:s16] =	ssyncadd.s32 $0xFFFFB000  }
0x278: {  	_ =	swait.ge [sflag:s16], $0x5000  }
0x279: {  	s1 =	sld [smem:$0x7FA]  }
0x27a: {  	[sflag:s16] =	ssyncset.done $0x0  }
0x27b: {  	s5 =	sld [smem:$0x7FB];
	[sflag:s16] =	ssyncadd.s32 $0xFFFFB000  }
0x27c: {  	[hbm4b:s1+s2] =	stream.linear.scatter [tilespmem:s11], [sflag:$0x4], $0x5000, $0x38;
	[tilespmem:$0x14200] =	vst v63  }
0x27d: {  	_ = 	snop  }
0x27e: {  	[hbm4b:s5+s2] =	stream.linear.scatter [tilespmem:s12], [sflag:$0x4], $0x5000, $0x38;
	[tilespmem:$0x14200] =	vst v63  }
0x27f: {  	s5 =	smov.u32 s6  }
0x280: {  	s6 =	smov.u32 s8;
	s8 =	smov.u32 s9;
	s9 =	smov.u32 s15  }
0x281: {  	s15 =	smov.u32 s18;
	s18 =	smov.u32 s20;
	s20 =	smov.u32 s23  }
0x282: {  	s23 =	smov.u32 s24;
	s24 =	smov.u32 s25;
	s25 =	smov.u32 s26  }
0x283: {  	s26 =	smov.u32 s28;
	s28 =	smov.u32 s29;
	s29 =	smov.u32 s30  }
0x284: {  	s30 =	smov.u32 s31;
	s31 =	sld [smem:$0x7F9];
	_ =	swait.ge [sflag:s7], $0x5000  }
0x285: {  	[sflag:s7] =	ssyncset.done $0x0  }
0x286: {  	[sflag:s7] =	ssyncadd.s32 $0xFFFFB000  }
0x287: {  	_ =	swait.ge [sflag:s7], $0x5000  }
0x288: {  	s1 =	sld [smem:$0x7FC]  }
0x289: {  	[sflag:s7] =	ssyncset.done $0x0  }
0x28a: {  	[sflag:s7] =	ssyncadd.s32 $0xFFFFB000  }
0x28b: {  	[tilespmem:s21], [sflag:$0x5] =	stream.linear.gather [hbm4b:s1+s2], $0xA0, $0x38;
	[tilespmem:$0x14200] =	vst v63  }
0x28c: {  	_ =	swait.ge [sflag:s19], $0xA0  }
0x28d: {  	[sflag:s19] =	ssyncset.done $0x0  }
0x28e: {  	[sflag:s19] =	ssyncadd.s32 $0xFFFFFF60  }
0x28f: {  	[tilespmem:s11], [sflag:$0x2] =	stream.indirect.gather [hbm4b:s3+s17], $0x80, s21, s17, $0xb8;
	[tilespmem:$0x14200] =	vst v63  }
0x290: {  	_ = 	snop  }
0x291: {  	[tilespmem:s12], [sflag:$0x2] =	stream.indirect.gather [hbm4b:s4+s17], $0x80, s21, s17, $0xb8;
	[tilespmem:$0x14200] =	vst v63  }
0x292: {  	_ =	swait.ge [sflag:s22], $0x5000  }
0x293: {  	[sflag:s22] =	ssyncset.done $0x0  }
0x294: {  	[sflag:s22] =	ssyncadd.s32 $0xFFFFB000  }
0x295: {  	_ =	swait.ge [sflag:s22], $0x5000  }
0x296: {  	s1 =	sld [smem:$0x7FD]  }
0x297: {  	[sflag:s22] =	ssyncset.done $0x0  }
0x298: {  	[sflag:s22] =	ssyncadd.s32 $0xFFFFB000  }
0x299: {  	[hbm4b:s1+s2] =	stream.linear.scatter [tilespmem:s13], [sflag:$0x3], $0x5000, $0x38;
	[tilespmem:$0x14200] =	vst v63  }
0x29a: {  	_ = 	snop  }
0x29b: {  	[hbm4b:s31+s2] =	stream.linear.scatter [tilespmem:s14], [sflag:$0x3], $0x5000, $0x38;
	[tilespmem:$0x14200] =	vst v63  }
0x29c: {  	_ =	swait.ge [sflag:s10], $0x5000  }
0x29d: {  	[sflag:s10] =	ssyncset.done $0x0  }
0x29e: {  	[sflag:s10] =	ssyncadd.s32 $0xFFFFB000  }
0x29f: {  	_ =	swait.ge [sflag:s10], $0x5000  }
0x2a0: {  	[sflag:s10] =	ssyncset.done $0x0  }
0x2a1: {  	[sflag:s10] =	ssyncadd.s32 $0xFFFFB000  }
0x2a2: {  	[tilespmem:s2], [sflag:$0x5] =	stream.linear.gather [hbm4b:s30+s2], $0xA0, $0x38;
	[tilespmem:$0x14200] =	vst v63  }
0x2a3: {  	_ =	swait.ge [sflag:s19], $0xA0  }
0x2a4: {  	[sflag:s19] =	ssyncset.done $0x0  }
0x2a5: {  	[sflag:s19] =	ssyncadd.s32 $0xFFFFFF60  }
0x2a6: {  	[tilespmem:s13], [sflag:$0x1] =	stream.indirect.gather [hbm4b:s3+s17], $0x80, s2, s17, $0xb8;
	[tilespmem:$0x14200] =	vst v63  }
0x2a7: {  	_ = 	snop  }
0x2a8: {  	[tilespmem:s14], [sflag:$0x1] =	stream.indirect.gather [hbm4b:s4+s17], $0x80, s2, s17, $0xb8;
	[tilespmem:$0x14200] =	vst v63  }
0x2a9: {  	_ =	swait.ge [sflag:s16], $0x5000  }
0x2aa: {  	[sflag:s16] =	ssyncset.done $0x0  }
0x2ab: {  	[sflag:s16] =	ssyncadd.s32 $0xFFFFB000  }
0x2ac: {  	_ =	swait.ge [sflag:s16], $0x5000  }
0x2ad: {  	[sflag:s16] =	ssyncset.done $0x0  }
0x2ae: {  	[sflag:s16] =	ssyncadd.s32 $0xFFFFB000  }
0x2af: {  	[hbm4b:s28+s2] =	stream.linear.scatter [tilespmem:s11], [sflag:$0x4], $0x5000, $0x38;
	[tilespmem:$0x14200] =	vst v63  }
0x2b0: {  	_ = 	snop  }
0x2b1: {  	[hbm4b:s29+s2] =	stream.linear.scatter [tilespmem:s12], [sflag:$0x4], $0x5000, $0x38;
	[tilespmem:$0x14200] =	vst v63  }
0x2b2: {  	_ =	swait.ge [sflag:s7], $0x5000  }
0x2b3: {  	[sflag:s7] =	ssyncset.done $0x0  }
0x2b4: {  	[sflag:s7] =	ssyncadd.s32 $0xFFFFB000  }
0x2b5: {  	_ =	swait.ge [sflag:s7], $0x5000  }
0x2b6: {  	[sflag:s7] =	ssyncset.done $0x0  }
0x2b7: {  	[sflag:s7] =	ssyncadd.s32 $0xFFFFB000  }
0x2b8: {  	[tilespmem:s21], [sflag:$0x5] =	stream.linear.gather [hbm4b:s26+s2], $0xA0, $0x38;
	[tilespmem:$0x14200] =	vst v63  }
0x2b9: {  	_ =	swait.ge [sflag:s19], $0xA0  }
0x2ba: {  	[sflag:s19] =	ssyncset.done $0x0  }
0x2bb: {  	[sflag:s19] =	ssyncadd.s32 $0xFFFFFF60  }
0x2bc: {  	[tilespmem:s11], [sflag:$0x2] =	stream.indirect.gather [hbm4b:s3+s17], $0x80, s21, s17, $0xb8;
	[tilespmem:$0x14200] =	vst v63  }
0x2bd: {  	_ = 	snop  }
0x2be: {  	[tilespmem:s12], [sflag:$0x2] =	stream.indirect.gather [hbm4b:s4+s17], $0x80, s21, s17, $0xb8;
	[tilespmem:$0x14200] =	vst v63  }
0x2bf: {  	_ =	swait.ge [sflag:s22], $0x5000  }
0x2c0: {  	[sflag:s22] =	ssyncset.done $0x0  }
0x2c1: {  	[sflag:s22] =	ssyncadd.s32 $0xFFFFB000  }
0x2c2: {  	_ =	swait.ge [sflag:s22], $0x5000  }
0x2c3: {  	[sflag:s22] =	ssyncset.done $0x0  }
0x2c4: {  	[sflag:s22] =	ssyncadd.s32 $0xFFFFB000  }
0x2c5: {  	[hbm4b:s24+s2] =	stream.linear.scatter [tilespmem:s13], [sflag:$0x3], $0x5000, $0x38;
	[tilespmem:$0x14200] =	vst v63  }
0x2c6: {  	_ = 	snop  }
0x2c7: {  	[hbm4b:s25+s2] =	stream.linear.scatter [tilespmem:s14], [sflag:$0x3], $0x5000, $0x38;
	[tilespmem:$0x14200] =	vst v63  }
0x2c8: {  	_ =	swait.ge [sflag:s10], $0x5000  }
0x2c9: {  	[sflag:s10] =	ssyncset.done $0x0  }
0x2ca: {  	[sflag:s10] =	ssyncadd.s32 $0xFFFFB000  }
0x2cb: {  	_ =	swait.ge [sflag:s10], $0x5000  }
0x2cc: {  	[sflag:s10] =	ssyncset.done $0x0  }
0x2cd: {  	[sflag:s10] =	ssyncadd.s32 $0xFFFFB000  }
0x2ce: {  	[tilespmem:s2], [sflag:$0x5] =	stream.linear.gather [hbm4b:s23+s2], $0xA0, $0x38;
	[tilespmem:$0x14200] =	vst v63  }
0x2cf: {  	_ =	swait.ge [sflag:s19], $0xA0  }
0x2d0: {  	[sflag:s19] =	ssyncset.done $0x0  }
0x2d1: {  	[sflag:s19] =	ssyncadd.s32 $0xFFFFFF60  }
0x2d2: {  	[tilespmem:s13], [sflag:$0x1] =	stream.indirect.gather [hbm4b:s3+s17], $0x80, s2, s17, $0xb8;
	[tilespmem:$0x14200] =	vst v63  }
0x2d3: {  	_ = 	snop  }
0x2d4: {  	[tilespmem:s14], [sflag:$0x1] =	stream.indirect.gather [hbm4b:s4+s17], $0x80, s2, s17, $0xb8;
	[tilespmem:$0x14200] =	vst v63  }
0x2d5: {  	_ =	swait.ge [sflag:s16], $0x5000  }
0x2d6: {  	[sflag:s16] =	ssyncset.done $0x0  }
0x2d7: {  	[sflag:s16] =	ssyncadd.s32 $0xFFFFB000  }
0x2d8: {  	_ =	swait.ge [sflag:s16], $0x5000  }
0x2d9: {  	[sflag:s16] =	ssyncset.done $0x0  }
0x2da: {  	[sflag:s16] =	ssyncadd.s32 $0xFFFFB000  }
0x2db: {  	[hbm4b:s18+s2] =	stream.linear.scatter [tilespmem:s11], [sflag:$0x4], $0x5000, $0x38;
	[tilespmem:$0x14200] =	vst v63  }
0x2dc: {  	_ = 	snop  }
0x2dd: {  	[hbm4b:s20+s2] =	stream.linear.scatter [tilespmem:s12], [sflag:$0x4], $0x5000, $0x38;
	[tilespmem:$0x14200] =	vst v63  }
0x2de: {  	_ =	swait.ge [sflag:s7], $0x5000  }
0x2df: {  	[sflag:s7] =	ssyncset.done $0x0  }
0x2e0: {  	[sflag:s7] =	ssyncadd.s32 $0xFFFFB000  }
0x2e1: {  	_ =	swait.ge [sflag:s7], $0x5000  }
0x2e2: {  	[sflag:s7] =	ssyncset.done $0x0  }
0x2e3: {  	[sflag:s7] =	ssyncadd.s32 $0xFFFFB000  }
0x2e4: {  	[tilespmem:s21], [sflag:$0x5] =	stream.linear.gather [hbm4b:s15+s2], $0xA0, $0x38;
	[tilespmem:$0x14200] =	vst v63  }
0x2e5: {  	_ =	swait.ge [sflag:s19], $0xA0  }
0x2e6: {  	[sflag:s19] =	ssyncset.done $0x0  }
0x2e7: {  	[sflag:s19] =	ssyncadd.s32 $0xFFFFFF60  }
0x2e8: {  	[tilespmem:s11], [sflag:$0x2] =	stream.indirect.gather [hbm4b:s3+s17], $0x80, s21, s17, $0xb8;
	[tilespmem:$0x14200] =	vst v63  }
0x2e9: {  	_ = 	snop  }
0x2ea: {  	[tilespmem:s12], [sflag:$0x2] =	stream.indirect.gather [hbm4b:s4+s17], $0x80, s21, s17, $0xb8;
	[tilespmem:$0x14200] =	vst v63  }
0x2eb: {  	_ =	swait.ge [sflag:s22], $0x5000  }
0x2ec: {  	[sflag:s22] =	ssyncset.done $0x0  }
0x2ed: {  	[sflag:s22] =	ssyncadd.s32 $0xFFFFB000  }
0x2ee: {  	_ =	swait.ge [sflag:s22], $0x5000  }
0x2ef: {  	[sflag:s22] =	ssyncset.done $0x0  }
0x2f0: {  	[sflag:s22] =	ssyncadd.s32 $0xFFFFB000  }
0x2f1: {  	[hbm4b:s8+s2] =	stream.linear.scatter [tilespmem:s13], [sflag:$0x3], $0x5000, $0x38;
	[tilespmem:$0x14200] =	vst v63  }
0x2f2: {  	_ = 	snop  }
0x2f3: {  	[hbm4b:s9+s2] =	stream.linear.scatter [tilespmem:s14], [sflag:$0x3], $0x5000, $0x38;
	[tilespmem:$0x14200] =	vst v63  }
0x2f4: {  	_ =	swait.ge [sflag:s16], $0x5000  }
0x2f5: {  	[sflag:s16] =	ssyncset.done $0x0  }
0x2f6: {  	[sflag:s16] =	ssyncadd.s32 $0xFFFFB000  }
0x2f7: {  	_ =	swait.ge [sflag:s16], $0x5000  }
0x2f8: {  	[sflag:s16] =	ssyncset.done $0x0  }
0x2f9: {  	[sflag:s16] =	ssyncadd.s32 $0xFFFFB000  }
0x2fa: {  	[hbm4b:s5+s2] =	stream.linear.scatter [tilespmem:s11], [sflag:$0x4], $0x5000, $0x38;
	[tilespmem:$0x14200] =	vst v63  }
0x2fb: {  	_ = 	snop  }
0x2fc: {  	[hbm4b:s6+s2] =	stream.linear.scatter [tilespmem:s12], [sflag:$0x4], $0x5000, $0x38;
	[tilespmem:$0x14200] =	vst v63  }
0x2fd: {  	_ =	swait.ge [sflag:s10], $0x5000  }
0x2fe: {  	[sflag:s10] =	ssyncset.done $0x0  }
0x2ff: {  	[sflag:s10] =	ssyncadd.s32 $0xFFFFB000  }
0x300: {  	_ =	swait.ge [sflag:s10], $0x5000  }
0x301: {  	[sflag:s10] =	ssyncset.done $0x0  }
0x302: {  	p1 =	sne.s32 s0, $0x1;
	[sflag:s10] =	ssyncadd.s32 $0xFFFFB000  }
.Ltmp2:
0x303: {  	_ =	swait.ge [sflag:s7], $0x5000;
	(pc) =	sbr.rel @p1 .LBB2_2-.Ltmp2, $4  }
0x304: {  	[sflag:s7] =	ssyncset.done $0x0  }
0x305: {  	[sflag:s7] =	ssyncadd.s32 $0xFFFFB000  }
0x306: {  	_ =	swait.ge [sflag:s7], $0x5000  }
0x307: {  	s0 =	sadd.s32 $0xFFFFFFFF, s0;
	s1 =	rddreg [dreg:$0x3];
	[sflag:s7] =	ssyncset.done $0x0  }
.LBB2_3:
0x308: {  	[sflag:s7] =	ssyncadd.s32 @p0 $0xFFFFB000  }
0x309: {  	[tilespmem:s2], [sflag:$0x5] =	stream.linear.gather [hbm4b:s1+s2], $0xA0, $0x38;
	[tilespmem:$0x14200] =	vst v63  }
0x30a: {  	_ =	swait.ge [sflag:s19], $0xA0  }
0x30b: {  	[sflag:s19] =	ssyncset.done $0x0  }
0x30c: {  	[sflag:s19] =	ssyncadd.s32 $0xFFFFFF60  }
0x30d: {  	[tilespmem:s13], [sflag:$0x1] =	stream.indirect.gather [hbm4b:s3+s17], $0x80, s2, s17, $0xb8;
	[tilespmem:$0x14200] =	vst v63  }
0x30e: {  	_ = 	snop  }
0x30f: {  	[tilespmem:s14], [sflag:$0x1] =	stream.indirect.gather [hbm4b:s4+s17], $0x80, s2, s17, $0xb8;
	[tilespmem:$0x14200] =	vst v63  }
0x310: {  	s0 =	rddreg [dreg:$0x4]  }
0x311: {  	[tilespmem:s21], [sflag:$0x5] =	stream.linear.gather [hbm4b:s0+s2], $0xA0, $0x38;
	[tilespmem:$0x14200] =	vst v63  }
0x312: {  	_ =	swait.ge [sflag:s19], $0xA0  }
0x313: {  	[sflag:s19] =	ssyncset.done $0x0  }
0x314: {  	[sflag:s19] =	ssyncadd.s32 $0xFFFFFF60  }
0x315: {  	[tilespmem:s11], [sflag:$0x2] =	stream.indirect.gather [hbm4b:s3+s17], $0x80, s21, s17, $0xb8;
	[tilespmem:$0x14200] =	vst v63  }
0x316: {  	_ = 	snop  }
0x317: {  	[tilespmem:s12], [sflag:$0x2] =	stream.indirect.gather [hbm4b:s4+s17], $0x80, s21, s17, $0xb8;
	[tilespmem:$0x14200] =	vst v63  }
0x318: {  	_ =	swait.ge [sflag:s22], $0x5000  }
0x319: {  	[sflag:s22] =	ssyncset.done $0x0  }
0x31a: {  	[sflag:s22] =	ssyncadd.s32 $0xFFFFB000  }
0x31b: {  	_ =	swait.ge [sflag:s22], $0x5000  }
0x31c: {  	[sflag:s22] =	ssyncset.done $0x0  }
0x31d: {  	s0 =	rddreg [dreg:$0x5];
	[sflag:s22] =	ssyncadd.s32 $0xFFFFB000  }
0x31e: {  	[hbm4b:s0+s2] =	stream.linear.scatter [tilespmem:s13], [sflag:$0x3], $0x5000, $0x38;
	[tilespmem:$0x14200] =	vst v63  }
0x31f: {  	s1 =	rddreg [dreg:$0x6]  }
0x320: {  	[hbm4b:s1+s2] =	stream.linear.scatter [tilespmem:s14], [sflag:$0x3], $0x5000, $0x38;
	[tilespmem:$0x14200] =	vst v63  }
0x321: {  	_ =	swait.ge [sflag:s10], $0x5000  }
0x322: {  	[sflag:s10] =	ssyncset.done $0x0  }
0x323: {  	[sflag:s10] =	ssyncadd.s32 $0xFFFFB000  }
0x324: {  	_ =	swait.ge [sflag:s10], $0x5000  }
0x325: {  	[sflag:s10] =	ssyncset.done $0x0  }
0x326: {  	s1 =	rddreg [dreg:$0x7];
	[sflag:s10] =	ssyncadd.s32 $0xFFFFB000  }
0x327: {  	[tilespmem:s2], [sflag:$0x5] =	stream.linear.gather [hbm4b:s1+s2], $0xA0, $0x38;
	[tilespmem:$0x14200] =	vst v63  }
0x328: {  	_ =	swait.ge [sflag:s19], $0xA0  }
0x329: {  	[sflag:s19] =	ssyncset.done $0x0  }
0x32a: {  	[sflag:s19] =	ssyncadd.s32 $0xFFFFFF60  }
0x32b: {  	[tilespmem:s13], [sflag:$0x1] =	stream.indirect.gather [hbm4b:s3+s17], $0x80, s2, s17, $0xb8;
	[tilespmem:$0x14200] =	vst v63  }
0x32c: {  	_ = 	snop  }
0x32d: {  	[tilespmem:s14], [sflag:$0x1] =	stream.indirect.gather [hbm4b:s4+s17], $0x80, s2, s17, $0xb8;
	[tilespmem:$0x14200] =	vst v63  }
0x32e: {  	_ =	swait.ge [sflag:s16], $0x5000  }
0x32f: {  	[sflag:s16] =	ssyncset.done $0x0  }
0x330: {  	[sflag:s16] =	ssyncadd.s32 $0xFFFFB000  }
0x331: {  	_ =	swait.ge [sflag:s16], $0x5000  }
0x332: {  	[sflag:s16] =	ssyncset.done $0x0  }
0x333: {  	s0 =	rddreg [dreg:$0x8];
	[sflag:s16] =	ssyncadd.s32 $0xFFFFB000  }
0x334: {  	[hbm4b:s0+s2] =	stream.linear.scatter [tilespmem:s11], [sflag:$0x4], $0x5000, $0x38;
	[tilespmem:$0x14200] =	vst v63  }
0x335: {  	s1 =	rddreg [dreg:$0x9]  }
0x336: {  	[hbm4b:s1+s2] =	stream.linear.scatter [tilespmem:s12], [sflag:$0x4], $0x5000, $0x38;
	[tilespmem:$0x14200] =	vst v63  }
0x337: {  	_ =	swait.ge [sflag:s7], $0x5000  }
0x338: {  	[sflag:s7] =	ssyncset.done $0x0  }
0x339: {  	[sflag:s7] =	ssyncadd.s32 $0xFFFFB000  }
0x33a: {  	_ =	swait.ge [sflag:s7], $0x5000  }
0x33b: {  	[sflag:s7] =	ssyncset.done $0x0  }
0x33c: {  	s1 =	rddreg [dreg:$0xa];
	[sflag:s7] =	ssyncadd.s32 $0xFFFFB000  }
0x33d: {  	[tilespmem:s21], [sflag:$0x5] =	stream.linear.gather [hbm4b:s1+s2], $0xA0, $0x38;
	[tilespmem:$0x14200] =	vst v63  }
0x33e: {  	_ =	swait.ge [sflag:s19], $0xA0  }
0x33f: {  	[sflag:s19] =	ssyncset.done $0x0  }
0x340: {  	[sflag:s19] =	ssyncadd.s32 $0xFFFFFF60  }
0x341: {  	[tilespmem:s11], [sflag:$0x2] =	stream.indirect.gather [hbm4b:s3+s17], $0x80, s21, s17, $0xb8;
	[tilespmem:$0x14200] =	vst v63  }
0x342: {  	_ = 	snop  }
0x343: {  	[tilespmem:s12], [sflag:$0x2] =	stream.indirect.gather [hbm4b:s4+s17], $0x80, s21, s17, $0xb8;
	[tilespmem:$0x14200] =	vst v63  }
0x344: {  	_ =	swait.ge [sflag:s22], $0x5000  }
0x345: {  	[sflag:s22] =	ssyncset.done $0x0  }
0x346: {  	[sflag:s22] =	ssyncadd.s32 $0xFFFFB000  }
0x347: {  	_ =	swait.ge [sflag:s22], $0x5000  }
0x348: {  	[sflag:s22] =	ssyncset.done $0x0  }
0x349: {  	s0 =	rddreg [dreg:$0xb];
	[sflag:s22] =	ssyncadd.s32 $0xFFFFB000  }
0x34a: {  	[hbm4b:s0+s2] =	stream.linear.scatter [tilespmem:s13], [sflag:$0x3], $0x5000, $0x38;
	[tilespmem:$0x14200] =	vst v63  }
0x34b: {  	s1 =	rddreg [dreg:$0xc]  }
0x34c: {  	[hbm4b:s1+s2] =	stream.linear.scatter [tilespmem:s14], [sflag:$0x3], $0x5000, $0x38;
	[tilespmem:$0x14200] =	vst v63  }
0x34d: {  	_ =	swait.ge [sflag:s10], $0x5000  }
0x34e: {  	[sflag:s10] =	ssyncset.done $0x0  }
0x34f: {  	[sflag:s10] =	ssyncadd.s32 $0xFFFFB000  }
0x350: {  	_ =	swait.ge [sflag:s10], $0x5000  }
0x351: {  	[sflag:s10] =	ssyncset.done $0x0  }
0x352: {  	s1 =	rddreg [dreg:$0xd];
	[sflag:s10] =	ssyncadd.s32 $0xFFFFB000  }
0x353: {  	[tilespmem:s2], [sflag:$0x5] =	stream.linear.gather [hbm4b:s1+s2], $0xA0, $0x38;
	[tilespmem:$0x14200] =	vst v63  }
0x354: {  	_ =	swait.ge [sflag:s19], $0xA0  }
0x355: {  	[sflag:s19] =	ssyncset.done $0x0  }
0x356: {  	[sflag:s19] =	ssyncadd.s32 $0xFFFFFF60  }
0x357: {  	[tilespmem:s13], [sflag:$0x1] =	stream.indirect.gather [hbm4b:s3+s17], $0x80, s2, s17, $0xb8;
	[tilespmem:$0x14200] =	vst v63  }
0x358: {  	_ = 	snop  }
0x359: {  	[tilespmem:s14], [sflag:$0x1] =	stream.indirect.gather [hbm4b:s4+s17], $0x80, s2, s17, $0xb8;
	[tilespmem:$0x14200] =	vst v63  }
0x35a: {  	_ =	swait.ge [sflag:s16], $0x5000  }
0x35b: {  	[sflag:s16] =	ssyncset.done $0x0  }
0x35c: {  	[sflag:s16] =	ssyncadd.s32 $0xFFFFB000  }
0x35d: {  	_ =	swait.ge [sflag:s16], $0x5000  }
0x35e: {  	[sflag:s16] =	ssyncset.done $0x0  }
0x35f: {  	s0 =	rddreg [dreg:$0xe];
	[sflag:s16] =	ssyncadd.s32 $0xFFFFB000  }
0x360: {  	[hbm4b:s0+s2] =	stream.linear.scatter [tilespmem:s11], [sflag:$0x4], $0x5000, $0x38;
	[tilespmem:$0x14200] =	vst v63  }
0x361: {  	s1 =	rddreg [dreg:$0xf]  }
0x362: {  	[hbm4b:s1+s2] =	stream.linear.scatter [tilespmem:s12], [sflag:$0x4], $0x5000, $0x38;
	[tilespmem:$0x14200] =	vst v63  }
0x363: {  	_ =	swait.ge [sflag:s7], $0x5000  }
0x364: {  	[sflag:s7] =	ssyncset.done $0x0  }
0x365: {  	[sflag:s7] =	ssyncadd.s32 $0xFFFFB000  }
0x366: {  	_ =	swait.ge [sflag:s7], $0x5000  }
0x367: {  	[sflag:s7] =	ssyncset.done $0x0  }
0x368: {  	s1 =	rddreg [dreg:$0x10];
	[sflag:s7] =	ssyncadd.s32 $0xFFFFB000  }
0x369: {  	[tilespmem:s21], [sflag:$0x5] =	stream.linear.gather [hbm4b:s1+s2], $0xA0, $0x38;
	[tilespmem:$0x14200] =	vst v63  }
0x36a: {  	_ =	swait.ge [sflag:s19], $0xA0  }
0x36b: {  	[sflag:s19] =	ssyncset.done $0x0  }
0x36c: {  	[sflag:s19] =	ssyncadd.s32 $0xFFFFFF60  }
0x36d: {  	[tilespmem:s11], [sflag:$0x2] =	stream.indirect.gather [hbm4b:s3+s17], $0x80, s21, s17, $0xb8;
	[tilespmem:$0x14200] =	vst v63  }
0x36e: {  	_ = 	snop  }
0x36f: {  	[tilespmem:s12], [sflag:$0x2] =	stream.indirect.gather [hbm4b:s4+s17], $0x80, s21, s17, $0xb8;
	[tilespmem:$0x14200] =	vst v63  }
0x370: {  	_ =	swait.ge [sflag:s22], $0x5000  }
0x371: {  	[sflag:s22] =	ssyncset.done $0x0  }
0x372: {  	[sflag:s22] =	ssyncadd.s32 $0xFFFFB000  }
0x373: {  	_ =	swait.ge [sflag:s22], $0x5000  }
0x374: {  	[sflag:s22] =	ssyncset.done $0x0  }
0x375: {  	s0 =	rddreg [dreg:$0x11];
	[sflag:s22] =	ssyncadd.s32 $0xFFFFB000  }
0x376: {  	[hbm4b:s0+s2] =	stream.linear.scatter [tilespmem:s13], [sflag:$0x3], $0x5000, $0x38;
	[tilespmem:$0x14200] =	vst v63  }
0x377: {  	s1 =	rddreg [dreg:$0x12]  }
0x378: {  	[hbm4b:s1+s2] =	stream.linear.scatter [tilespmem:s14], [sflag:$0x3], $0x5000, $0x38;
	[tilespmem:$0x14200] =	vst v63  }
0x379: {  	_ =	swait.ge [sflag:s10], $0x5000  }
0x37a: {  	[sflag:s10] =	ssyncset.done $0x0  }
0x37b: {  	[sflag:s10] =	ssyncadd.s32 $0xFFFFB000  }
0x37c: {  	_ =	swait.ge [sflag:s10], $0x5000  }
0x37d: {  	[sflag:s10] =	ssyncset.done $0x0  }
0x37e: {  	s1 =	rddreg [dreg:$0x13];
	[sflag:s10] =	ssyncadd.s32 $0xFFFFB000  }
0x37f: {  	[tilespmem:s2], [sflag:$0x5] =	stream.linear.gather [hbm4b:s1+s2], $0xA0, $0x38;
	[tilespmem:$0x14200] =	vst v63  }
0x380: {  	_ =	swait.ge [sflag:s19], $0xA0  }
0x381: {  	[sflag:s19] =	ssyncset.done $0x0  }
0x382: {  	[sflag:s19] =	ssyncadd.s32 $0xFFFFFF60  }
0x383: {  	[tilespmem:s13], [sflag:$0x1] =	stream.indirect.gather [hbm4b:s3+s17], $0x80, s2, s17, $0xb8;
	[tilespmem:$0x14200] =	vst v63  }
0x384: {  	_ = 	snop  }
0x385: {  	[tilespmem:s14], [sflag:$0x1] =	stream.indirect.gather [hbm4b:s4+s17], $0x80, s2, s17, $0xb8;
	[tilespmem:$0x14200] =	vst v63  }
0x386: {  	_ =	swait.ge [sflag:s16], $0x5000  }
0x387: {  	[sflag:s16] =	ssyncset.done $0x0  }
0x388: {  	[sflag:s16] =	ssyncadd.s32 $0xFFFFB000  }
0x389: {  	_ =	swait.ge [sflag:s16], $0x5000  }
0x38a: {  	[sflag:s16] =	ssyncset.done $0x0  }
0x38b: {  	s0 =	rddreg [dreg:$0x14];
	[sflag:s16] =	ssyncadd.s32 $0xFFFFB000  }
0x38c: {  	[hbm4b:s0+s2] =	stream.linear.scatter [tilespmem:s11], [sflag:$0x4], $0x5000, $0x38;
	[tilespmem:$0x14200] =	vst v63  }
0x38d: {  	s1 =	rddreg [dreg:$0x15]  }
0x38e: {  	[hbm4b:s1+s2] =	stream.linear.scatter [tilespmem:s12], [sflag:$0x4], $0x5000, $0x38;
	[tilespmem:$0x14200] =	vst v63  }
0x38f: {  	_ =	swait.ge [sflag:s7], $0x5000  }
0x390: {  	[sflag:s7] =	ssyncset.done $0x0  }
0x391: {  	[sflag:s7] =	ssyncadd.s32 $0xFFFFB000  }
0x392: {  	_ =	swait.ge [sflag:s7], $0x5000  }
0x393: {  	[sflag:s7] =	ssyncset.done $0x0  }
0x394: {  	s1 =	rddreg [dreg:$0x16];
	[sflag:s7] =	ssyncadd.s32 $0xFFFFB000  }
0x395: {  	[tilespmem:s21], [sflag:$0x5] =	stream.linear.gather [hbm4b:s1+s2], $0xA0, $0x38;
	[tilespmem:$0x14200] =	vst v63  }
0x396: {  	_ =	swait.ge [sflag:s19], $0xA0  }
0x397: {  	[sflag:s19] =	ssyncset.done $0x0  }
0x398: {  	[sflag:s19] =	ssyncadd.s32 $0xFFFFFF60  }
0x399: {  	[tilespmem:s11], [sflag:$0x2] =	stream.indirect.gather [hbm4b:s3+s17], $0x80, s21, s17, $0xb8;
	[tilespmem:$0x14200] =	vst v63  }
0x39a: {  	_ = 	snop  }
0x39b: {  	[tilespmem:s12], [sflag:$0x2] =	stream.indirect.gather [hbm4b:s4+s17], $0x80, s21, s17, $0xb8;
	[tilespmem:$0x14200] =	vst v63  }
0x39c: {  	_ =	swait.ge [sflag:s22], $0x5000  }
0x39d: {  	[sflag:s22] =	ssyncset.done $0x0  }
0x39e: {  	[sflag:s22] =	ssyncadd.s32 $0xFFFFB000  }
0x39f: {  	_ =	swait.ge [sflag:s22], $0x5000  }
0x3a0: {  	[sflag:s22] =	ssyncset.done $0x0  }
0x3a1: {  	s0 =	rddreg [dreg:$0x17];
	[sflag:s22] =	ssyncadd.s32 $0xFFFFB000  }
0x3a2: {  	[hbm4b:s0+s2] =	stream.linear.scatter [tilespmem:s13], [sflag:$0x3], $0x5000, $0x38;
	[tilespmem:$0x14200] =	vst v63  }
0x3a3: {  	s1 =	rddreg [dreg:$0x18]  }
0x3a4: {  	[hbm4b:s1+s2] =	stream.linear.scatter [tilespmem:s14], [sflag:$0x3], $0x5000, $0x38;
	[tilespmem:$0x14200] =	vst v63  }
0x3a5: {  	_ =	swait.ge [sflag:s10], $0x5000  }
0x3a6: {  	[sflag:s10] =	ssyncset.done $0x0  }
0x3a7: {  	[sflag:s10] =	ssyncadd.s32 $0xFFFFB000  }
0x3a8: {  	_ =	swait.ge [sflag:s10], $0x5000  }
0x3a9: {  	[sflag:s10] =	ssyncset.done $0x0  }
0x3aa: {  	s1 =	rddreg [dreg:$0x19];
	[sflag:s10] =	ssyncadd.s32 $0xFFFFB000  }
0x3ab: {  	[tilespmem:s2], [sflag:$0x5] =	stream.linear.gather [hbm4b:s1+s2], $0xA0, $0x38;
	[tilespmem:$0x14200] =	vst v63  }
0x3ac: {  	_ =	swait.ge [sflag:s19], $0xA0  }
0x3ad: {  	[sflag:s19] =	ssyncset.done $0x0  }
0x3ae: {  	[sflag:s19] =	ssyncadd.s32 $0xFFFFFF60  }
0x3af: {  	[tilespmem:s13], [sflag:$0x1] =	stream.indirect.gather [hbm4b:s3+s17], $0x80, s2, s17, $0xb8;
	[tilespmem:$0x14200] =	vst v63  }
0x3b0: {  	_ = 	snop  }
0x3b1: {  	[tilespmem:s14], [sflag:$0x1] =	stream.indirect.gather [hbm4b:s4+s17], $0x80, s2, s17, $0xb8;
	[tilespmem:$0x14200] =	vst v63  }
0x3b2: {  	_ =	swait.ge [sflag:s16], $0x5000  }
0x3b3: {  	[sflag:s16] =	ssyncset.done $0x0  }
0x3b4: {  	[sflag:s16] =	ssyncadd.s32 $0xFFFFB000  }
0x3b5: {  	_ =	swait.ge [sflag:s16], $0x5000  }
0x3b6: {  	[sflag:s16] =	ssyncset.done $0x0  }
0x3b7: {  	s0 =	rddreg [dreg:$0x1a];
	[sflag:s16] =	ssyncadd.s32 $0xFFFFB000  }
0x3b8: {  	[hbm4b:s0+s2] =	stream.linear.scatter [tilespmem:s11], [sflag:$0x4], $0x5000, $0x38;
	[tilespmem:$0x14200] =	vst v63  }
0x3b9: {  	s1 =	rddreg [dreg:$0x1b]  }
0x3ba: {  	[hbm4b:s1+s2] =	stream.linear.scatter [tilespmem:s12], [sflag:$0x4], $0x5000, $0x38;
	[tilespmem:$0x14200] =	vst v63  }
0x3bb: {  	_ =	swait.ge [sflag:s7], $0x5000  }
0x3bc: {  	[sflag:s7] =	ssyncset.done $0x0  }
0x3bd: {  	[sflag:s7] =	ssyncadd.s32 $0xFFFFB000  }
0x3be: {  	_ =	swait.ge [sflag:s7], $0x5000  }
0x3bf: {  	[sflag:s7] =	ssyncset.done $0x0  }
0x3c0: {  	s1 =	rddreg [dreg:$0x1c];
	[sflag:s7] =	ssyncadd.s32 $0xFFFFB000  }
0x3c1: {  	[tilespmem:s21], [sflag:$0x5] =	stream.linear.gather [hbm4b:s1+s2], $0xA0, $0x38;
	[tilespmem:$0x14200] =	vst v63  }
0x3c2: {  	_ =	swait.ge [sflag:s19], $0xA0  }
0x3c3: {  	[sflag:s19] =	ssyncset.done $0x0  }
0x3c4: {  	[sflag:s19] =	ssyncadd.s32 $0xFFFFFF60  }
0x3c5: {  	[tilespmem:s11], [sflag:$0x2] =	stream.indirect.gather [hbm4b:s3+s17], $0x80, s21, s17, $0xb8;
	[tilespmem:$0x14200] =	vst v63  }
0x3c6: {  	_ = 	snop  }
0x3c7: {  	[tilespmem:s12], [sflag:$0x2] =	stream.indirect.gather [hbm4b:s4+s17], $0x80, s21, s17, $0xb8;
	[tilespmem:$0x14200] =	vst v63  }
0x3c8: {  	_ =	swait.ge [sflag:s22], $0x5000  }
0x3c9: {  	[sflag:s22] =	ssyncset.done $0x0  }
0x3ca: {  	[sflag:s22] =	ssyncadd.s32 $0xFFFFB000  }
0x3cb: {  	_ =	swait.ge [sflag:s22], $0x5000  }
0x3cc: {  	[sflag:s22] =	ssyncset.done $0x0  }
0x3cd: {  	s0 =	rddreg [dreg:$0x1d];
	[sflag:s22] =	ssyncadd.s32 $0xFFFFB000  }
0x3ce: {  	[hbm4b:s0+s2] =	stream.linear.scatter [tilespmem:s13], [sflag:$0x3], $0x5000, $0x38;
	[tilespmem:$0x14200] =	vst v63  }
0x3cf: {  	s1 =	rddreg [dreg:$0x1e]  }
0x3d0: {  	[hbm4b:s1+s2] =	stream.linear.scatter [tilespmem:s14], [sflag:$0x3], $0x5000, $0x38;
	[tilespmem:$0x14200] =	vst v63  }
0x3d1: {  	_ =	swait.ge [sflag:s10], $0x5000  }
0x3d2: {  	[sflag:s10] =	ssyncset.done $0x0  }
0x3d3: {  	[sflag:s10] =	ssyncadd.s32 $0xFFFFB000  }
0x3d4: {  	_ =	swait.ge [sflag:s10], $0x5000  }
0x3d5: {  	[sflag:s10] =	ssyncset.done $0x0  }
0x3d6: {  	s1 =	rddreg [dreg:$0x1f];
	[sflag:s10] =	ssyncadd.s32 $0xFFFFB000  }
0x3d7: {  	[tilespmem:s2], [sflag:$0x5] =	stream.linear.gather [hbm4b:s1+s2], $0xA0, $0x38;
	[tilespmem:$0x14200] =	vst v63  }
0x3d8: {  	_ =	swait.ge [sflag:s19], $0xA0  }
0x3d9: {  	[sflag:s19] =	ssyncset.done $0x0  }
0x3da: {  	[sflag:s19] =	ssyncadd.s32 $0xFFFFFF60  }
0x3db: {  	[tilespmem:s13], [sflag:$0x1] =	stream.indirect.gather [hbm4b:s3+s17], $0x80, s2, s17, $0xb8;
	[tilespmem:$0x14200] =	vst v63  }
0x3dc: {  	_ = 	snop  }
0x3dd: {  	[tilespmem:s14], [sflag:$0x1] =	stream.indirect.gather [hbm4b:s4+s17], $0x80, s2, s17, $0xb8;
	[tilespmem:$0x14200] =	vst v63  }
0x3de: {  	_ =	swait.ge [sflag:s16], $0x5000  }
0x3df: {  	[sflag:s16] =	ssyncset.done $0x0  }
0x3e0: {  	[sflag:s16] =	ssyncadd.s32 $0xFFFFB000  }
0x3e1: {  	_ =	swait.ge [sflag:s16], $0x5000  }
0x3e2: {  	s0 =	sld [smem:$0x7FA]  }
0x3e3: {  	[sflag:s16] =	ssyncset.done $0x0  }
0x3e4: {  	s1 =	sld [smem:$0x7FB];
	[sflag:s16] =	ssyncadd.s32 $0xFFFFB000  }
0x3e5: {  	[hbm4b:s0+s2] =	stream.linear.scatter [tilespmem:s11], [sflag:$0x4], $0x5000, $0x38;
	[tilespmem:$0x14200] =	vst v63  }
0x3e6: {  	_ = 	snop  }
0x3e7: {  	[hbm4b:s1+s2] =	stream.linear.scatter [tilespmem:s12], [sflag:$0x4], $0x5000, $0x38;
	[tilespmem:$0x14200] =	vst v63  }
0x3e8: {  	_ =	swait.ge [sflag:s7], $0x5000  }
0x3e9: {  	[sflag:s7] =	ssyncset.done $0x0  }
0x3ea: {  	[sflag:s7] =	ssyncadd.s32 $0xFFFFB000  }
0x3eb: {  	_ =	swait.ge [sflag:s7], $0x5000  }
0x3ec: {  	s1 =	sld [smem:$0x7FC]  }
0x3ed: {  	[sflag:s7] =	ssyncset.done $0x0  }
0x3ee: {  	[sflag:s7] =	ssyncadd.s32 $0xFFFFB000  }
0x3ef: {  	[tilespmem:s21], [sflag:$0x5] =	stream.linear.gather [hbm4b:s1+s2], $0xA0, $0x38;
	[tilespmem:$0x14200] =	vst v63  }
0x3f0: {  	_ =	swait.ge [sflag:s19], $0xA0  }
0x3f1: {  	[sflag:s19] =	ssyncset.done $0x0  }
0x3f2: {  	[sflag:s19] =	ssyncadd.s32 $0xFFFFFF60  }
0x3f3: {  	[tilespmem:s11], [sflag:$0x2] =	stream.indirect.gather [hbm4b:s3+s17], $0x80, s21, s17, $0xb8;
	[tilespmem:$0x14200] =	vst v63  }
0x3f4: {  	_ = 	snop  }
0x3f5: {  	[tilespmem:s12], [sflag:$0x2] =	stream.indirect.gather [hbm4b:s4+s17], $0x80, s21, s17, $0xb8;
	[tilespmem:$0x14200] =	vst v63  }
0x3f6: {  	_ =	swait.ge [sflag:s22], $0x5000  }
0x3f7: {  	[sflag:s22] =	ssyncset.done $0x0  }
0x3f8: {  	[sflag:s22] =	ssyncadd.s32 $0xFFFFB000  }
0x3f9: {  	_ =	swait.ge [sflag:s22], $0x5000  }
0x3fa: {  	s1 =	sld [smem:$0x7FD]  }
0x3fb: {  	[sflag:s22] =	ssyncset.done $0x0  }
0x3fc: {  	[sflag:s22] =	ssyncadd.s32 $0xFFFFB000  }
0x3fd: {  	[hbm4b:s1+s2] =	stream.linear.scatter [tilespmem:s13], [sflag:$0x3], $0x5000, $0x38;
	[tilespmem:$0x14200] =	vst v63  }
0x3fe: {  	_ = 	snop  }
0x3ff: {  	[hbm4b:s31+s2] =	stream.linear.scatter [tilespmem:s14], [sflag:$0x3], $0x5000, $0x38;
	[tilespmem:$0x14200] =	vst v63  }
0x400: {  	_ =	swait.ge [sflag:s10], $0x5000  }
0x401: {  	[sflag:s10] =	ssyncset.done $0x0  }
0x402: {  	[sflag:s10] =	ssyncadd.s32 $0xFFFFB000  }
0x403: {  	_ =	swait.ge [sflag:s10], $0x5000  }
0x404: {  	[sflag:s10] =	ssyncset.done $0x0  }
0x405: {  	[sflag:s10] =	ssyncadd.s32 $0xFFFFB000  }
0x406: {  	[tilespmem:s2], [sflag:$0x5] =	stream.linear.gather [hbm4b:s30+s2], $0xA0, $0x38;
	[tilespmem:$0x14200] =	vst v63  }
0x407: {  	_ =	swait.ge [sflag:s19], $0xA0  }
0x408: {  	[sflag:s19] =	ssyncset.done $0x0  }
0x409: {  	[sflag:s19] =	ssyncadd.s32 $0xFFFFFF60  }
0x40a: {  	[tilespmem:s13], [sflag:$0x1] =	stream.indirect.gather [hbm4b:s3+s17], $0x80, s2, s17, $0xb8;
	[tilespmem:$0x14200] =	vst v63  }
0x40b: {  	_ = 	snop  }
0x40c: {  	[tilespmem:s14], [sflag:$0x1] =	stream.indirect.gather [hbm4b:s4+s17], $0x80, s2, s17, $0xb8;
	[tilespmem:$0x14200] =	vst v63  }
0x40d: {  	_ =	swait.ge [sflag:s16], $0x5000  }
0x40e: {  	[sflag:s16] =	ssyncset.done $0x0  }
0x40f: {  	[sflag:s16] =	ssyncadd.s32 $0xFFFFB000  }
0x410: {  	_ =	swait.ge [sflag:s16], $0x5000  }
0x411: {  	[sflag:s16] =	ssyncset.done $0x0  }
0x412: {  	[sflag:s16] =	ssyncadd.s32 $0xFFFFB000  }
0x413: {  	[hbm4b:s28+s2] =	stream.linear.scatter [tilespmem:s11], [sflag:$0x4], $0x5000, $0x38;
	[tilespmem:$0x14200] =	vst v63  }
0x414: {  	_ = 	snop  }
0x415: {  	[hbm4b:s29+s2] =	stream.linear.scatter [tilespmem:s12], [sflag:$0x4], $0x5000, $0x38;
	[tilespmem:$0x14200] =	vst v63  }
0x416: {  	_ =	swait.ge [sflag:s7], $0x5000  }
0x417: {  	[sflag:s7] =	ssyncset.done $0x0  }
0x418: {  	[sflag:s7] =	ssyncadd.s32 $0xFFFFB000  }
0x419: {  	_ =	swait.ge [sflag:s7], $0x5000  }
0x41a: {  	[sflag:s7] =	ssyncset.done $0x0  }
0x41b: {  	[sflag:s7] =	ssyncadd.s32 $0xFFFFB000  }
0x41c: {  	[tilespmem:s21], [sflag:$0x5] =	stream.linear.gather [hbm4b:s26+s2], $0xA0, $0x38;
	[tilespmem:$0x14200] =	vst v63  }
0x41d: {  	_ =	swait.ge [sflag:s19], $0xA0  }
0x41e: {  	[sflag:s19] =	ssyncset.done $0x0  }
0x41f: {  	[sflag:s19] =	ssyncadd.s32 $0xFFFFFF60  }
0x420: {  	[tilespmem:s11], [sflag:$0x2] =	stream.indirect.gather [hbm4b:s3+s17], $0x80, s21, s17, $0xb8;
	[tilespmem:$0x14200] =	vst v63  }
0x421: {  	_ = 	snop  }
0x422: {  	[tilespmem:s12], [sflag:$0x2] =	stream.indirect.gather [hbm4b:s4+s17], $0x80, s21, s17, $0xb8;
	[tilespmem:$0x14200] =	vst v63  }
0x423: {  	_ =	swait.ge [sflag:s22], $0x5000  }
0x424: {  	[sflag:s22] =	ssyncset.done $0x0  }
0x425: {  	[sflag:s22] =	ssyncadd.s32 $0xFFFFB000  }
0x426: {  	_ =	swait.ge [sflag:s22], $0x5000  }
0x427: {  	[sflag:s22] =	ssyncset.done $0x0  }
0x428: {  	[sflag:s22] =	ssyncadd.s32 $0xFFFFB000  }
0x429: {  	[hbm4b:s24+s2] =	stream.linear.scatter [tilespmem:s13], [sflag:$0x3], $0x5000, $0x38;
	[tilespmem:$0x14200] =	vst v63  }
0x42a: {  	_ = 	snop  }
0x42b: {  	[hbm4b:s25+s2] =	stream.linear.scatter [tilespmem:s14], [sflag:$0x3], $0x5000, $0x38;
	[tilespmem:$0x14200] =	vst v63  }
0x42c: {  	_ =	swait.ge [sflag:s10], $0x5000  }
0x42d: {  	[sflag:s10] =	ssyncset.done $0x0  }
0x42e: {  	[sflag:s10] =	ssyncadd.s32 $0xFFFFB000  }
0x42f: {  	_ =	swait.ge [sflag:s10], $0x5000  }
0x430: {  	[sflag:s10] =	ssyncset.done $0x0  }
0x431: {  	[sflag:s10] =	ssyncadd.s32 $0xFFFFB000  }
0x432: {  	[tilespmem:s2], [sflag:$0x5] =	stream.linear.gather [hbm4b:s23+s2], $0xA0, $0x38;
	[tilespmem:$0x14200] =	vst v63  }
0x433: {  	_ =	swait.ge [sflag:s19], $0xA0  }
0x434: {  	[sflag:s19] =	ssyncset.done $0x0  }
0x435: {  	[sflag:s19] =	ssyncadd.s32 $0xFFFFFF60  }
0x436: {  	[tilespmem:s13], [sflag:$0x1] =	stream.indirect.gather [hbm4b:s3+s17], $0x80, s2, s17, $0xb8;
	[tilespmem:$0x14200] =	vst v63  }
0x437: {  	_ = 	snop  }
0x438: {  	[tilespmem:s14], [sflag:$0x1] =	stream.indirect.gather [hbm4b:s4+s17], $0x80, s2, s17, $0xb8;
	[tilespmem:$0x14200] =	vst v63  }
0x439: {  	_ =	swait.ge [sflag:s16], $0x5000  }
0x43a: {  	[sflag:s16] =	ssyncset.done $0x0  }
0x43b: {  	[sflag:s16] =	ssyncadd.s32 $0xFFFFB000  }
0x43c: {  	_ =	swait.ge [sflag:s16], $0x5000  }
0x43d: {  	[sflag:s16] =	ssyncset.done $0x0  }
0x43e: {  	[sflag:s16] =	ssyncadd.s32 $0xFFFFB000  }
0x43f: {  	[hbm4b:s18+s2] =	stream.linear.scatter [tilespmem:s11], [sflag:$0x4], $0x5000, $0x38;
	[tilespmem:$0x14200] =	vst v63  }
0x440: {  	_ = 	snop  }
0x441: {  	[hbm4b:s20+s2] =	stream.linear.scatter [tilespmem:s12], [sflag:$0x4], $0x5000, $0x38;
	[tilespmem:$0x14200] =	vst v63  }
0x442: {  	_ =	swait.ge [sflag:s7], $0x5000  }
0x443: {  	[sflag:s7] =	ssyncset.done $0x0  }
0x444: {  	[sflag:s7] =	ssyncadd.s32 $0xFFFFB000  }
0x445: {  	_ =	swait.ge [sflag:s7], $0x5000  }
0x446: {  	[sflag:s7] =	ssyncset.done $0x0  }
0x447: {  	[sflag:s7] =	ssyncadd.s32 $0xFFFFB000  }
0x448: {  	[tilespmem:s21], [sflag:$0x5] =	stream.linear.gather [hbm4b:s15+s2], $0xA0, $0x38;
	[tilespmem:$0x14200] =	vst v63  }
0x449: {  	_ =	swait.ge [sflag:s19], $0xA0  }
0x44a: {  	[sflag:s19] =	ssyncset.done $0x0  }
0x44b: {  	[sflag:s19] =	ssyncadd.s32 $0xFFFFFF60  }
0x44c: {  	[tilespmem:s11], [sflag:$0x2] =	stream.indirect.gather [hbm4b:s3+s17], $0x80, s21, s17, $0xb8;
	[tilespmem:$0x14200] =	vst v63  }
0x44d: {  	_ = 	snop  }
0x44e: {  	[tilespmem:s12], [sflag:$0x2] =	stream.indirect.gather [hbm4b:s4+s17], $0x80, s21, s17, $0xb8;
	[tilespmem:$0x14200] =	vst v63  }
0x44f: {  	_ =	swait.ge [sflag:s22], $0x5000  }
0x450: {  	[sflag:s22] =	ssyncset.done $0x0  }
0x451: {  	[sflag:s22] =	ssyncadd.s32 $0xFFFFB000  }
0x452: {  	_ =	swait.ge [sflag:s22], $0x5000  }
0x453: {  	[sflag:s22] =	ssyncset.done $0x0  }
0x454: {  	[sflag:s22] =	ssyncadd.s32 $0xFFFFB000  }
0x455: {  	[hbm4b:s8+s2] =	stream.linear.scatter [tilespmem:s13], [sflag:$0x3], $0x5000, $0x38;
	[tilespmem:$0x14200] =	vst v63  }
0x456: {  	_ = 	snop  }
0x457: {  	[hbm4b:s9+s2] =	stream.linear.scatter [tilespmem:s14], [sflag:$0x3], $0x5000, $0x38;
	[tilespmem:$0x14200] =	vst v63  }
0x458: {  	_ =	swait.ge [sflag:s16], $0x5000  }
0x459: {  	[sflag:s16] =	ssyncset.done $0x0  }
0x45a: {  	[sflag:s16] =	ssyncadd.s32 $0xFFFFB000  }
0x45b: {  	_ =	swait.ge [sflag:s16], $0x5000  }
0x45c: {  	[sflag:s16] =	ssyncset.done $0x0  }
0x45d: {  	[sflag:s16] =	ssyncadd.s32 $0xFFFFB000  }
0x45e: {  	[hbm4b:s5+s2] =	stream.linear.scatter [tilespmem:s11], [sflag:$0x4], $0x5000, $0x38;
	[tilespmem:$0x14200] =	vst v63  }
0x45f: {  	_ = 	snop  }
0x460: {  	[hbm4b:s6+s2] =	stream.linear.scatter [tilespmem:s12], [sflag:$0x4], $0x5000, $0x38;
	[tilespmem:$0x14200] =	vst v63  }
0x461: {  	_ =	swait.ge [sflag:s10], $0x5000  }
0x462: {  	[sflag:s10] =	ssyncset.done $0x0  }
0x463: {  	[sflag:s10] =	ssyncadd.s32 $0xFFFFB000  }
0x464: {  	_ =	swait.ge [sflag:s10], $0x5000  }
0x465: {  	[sflag:s10] =	ssyncset.done $0x0  }
0x466: {  	[sflag:s10] =	ssyncadd.s32 $0xFFFFB000  }
0x467: {  	_ =	swait.ge [sflag:s7], $0x5000  }
0x468: {  	[sflag:s7] =	ssyncset.done $0x0  }
0x469: {  	[sflag:s7] =	ssyncadd.s32 $0xFFFFB000  }
0x46a: {  	_ =	swait.ge [sflag:s7], $0x5000  }
0x46b: {  	[sflag:s7] =	ssyncset.done $0x0  }
0x46c: {  	[sflag:s7] =	ssyncadd.s32 $0xFFFFB000  }
0x46d: {  	_ =	sfence.sel $0x180000  }
0x46e: {  	[bflag:$0x0] =	sbarrier.arrive $0xFFFF  }
0x46f: {  	_ =	strace $0x90000047  }
0x470: {  	s31 =	stileid.u32;
	[bflag:$0x2] =	sbarrier.arrive $0xFFFF  }
0x471: {  	p0 =	sne.s32 s31, $0x0;
	s0 =	rddreg [dreg:$0x2]  }
0x472: {  	s0 =	sadd.s32 @!p0 $0x100000, s0  }
0x473: {  	[sflag:s0] =	ssyncadd.tile.s32 @!p0 $0x1;
	_ =	shalt  }
.Lfunc_end2:
_tile_overlayer_lowered:
.L_overlay_start_2:
0x474: {  	(tag) =	ssettag $0x2  }
0x475: {  	s0 =	rddreg [dreg:$0x0];
	s2 =	stileid.u32  }
0x476: {  	s1 =	rddreg [dreg:$0x1];
	p0 =	sne.s32 s2, $0x0  }
0x477: {  	s3 =	rddreg [dreg:$0x2];
	[bflag:$0x3] =	sbarrier.arrive $0xFFFF;
	s2 =	simm.s32 @!p0 $0x1C05  }
0x478: {  	[timem:s3], [sflag:s2] =	dma.local @!p0 [hbm:s0], s1  }
0x479: {  	s0 =	simm.s32 @!p0 $0x5  }
0x47a: {  	_ =	swait.ge @!p0 [sflag:s0], s1  }
0x47b: {  	s1 =	ssub.s32 @!p0 $0x0, s1;
	[sflag:s0] =	ssyncset.done @!p0 $0x0  }
0x47c: {  	[sflag:s0] =	ssyncadd.s32 @!p0 s1  }
0x47d: {  	[bflag:$0x3] =	sbarrier.arrive $0xFFFF  }
0x47e: {  	_ =	shalt  }

</sc_bundles>
